<compile_context>
chip_gen: v7x
topology: tpu7x:2x2x1
jax: 0.10.2.dev20260603
libtpu: 0.0.44.dev20260713+nightly
codegen_flags: <defaults>
</compile_context>

<pallas_src>
import jax
import jax.numpy as jnp
from jax import lax
from jax.experimental import pallas as pl
from jax.experimental.pallas import tpu as pltpu
from jax.experimental.pallas import tpu_sc as plsc

N_NODES = 10000
N_EDGES = 320000
DIM = 128
OUT_DIM = 256
NUM_LAYERS = 3

NCORES = 2
NSUB = 16
NTILES = NCORES * NSUB
CHUNK = 128
TPC = 80
NCHUNKS = NTILES * TPC
E_PAD = NCHUNKS * CHUNK
ACC_ROWS = N_NODES + 128
DEG_N = 16384
COPY_ROWS = 624
COPY_REM = N_NODES - COPY_ROWS * NSUB
ZROWS = 48

_f32 = jnp.float32

_MESH = plsc.VectorSubcoreMesh(core_axis_name="c", subcore_axis_name="s",
                               num_cores=NCORES, num_subcores=NSUB)


def _zero_vmem2(ref, rows, cols):
    zeros16 = jnp.zeros((16,), _f32)
    per_row = cols // 16

    def body(i, _):
        r = i // per_row
        col = (i % per_row) * 16
        ref[r, pl.ds(col, 16)] = zeros16
        return 0

    lax.fori_loop(0, rows * per_row, body, 0)


def _agg_body(h_hbm, src_hbm, dst_hbm, part_hbm, acc_sh,
              rows0, rows1, si0, si1, dstb, zbuf,
              g0, g1, i0, i1, s0, s1):
    c = lax.axis_index("c")
    s = lax.axis_index("s")
    w = c * NSUB + s
    base = w * TPC

    pltpu.sync_copy(dst_hbm.at[pl.ds(base, TPC)], dstb)

    _zero_vmem2(zbuf, ZROWS, DIM)
    row0 = s * COPY_ROWS
    for k in range(COPY_ROWS // ZROWS):
        pltpu.sync_copy(zbuf, acc_sh.at[pl.ds(row0 + k * ZROWS, ZROWS)])

    @pl.when(s == NSUB - 1)
    def _():
        for k in range((ACC_ROWS - NSUB * COPY_ROWS) // ZROWS):
            pltpu.sync_copy(
                zbuf, acc_sh.at[pl.ds(NSUB * COPY_ROWS + k * ZROWS, ZROWS)])

    plsc.subcore_barrier()

    def idx_load(k, sv, sem):
        pltpu.async_copy(src_hbm.at[base + k, 0], sv, sem)

    def idx_wait(sv, sem):
        pltpu.make_async_copy(src_hbm.at[0, 0], sv, sem).wait()

    def gather(sv, rows, sem):
        pltpu.async_copy(h_hbm.at[sv], rows, sem)

    def gather_wait(rows, sem):
        pltpu.make_async_copy(h_hbm.at[si0], rows, sem).wait()

    pltpu.sync_copy(src_hbm.at[base, 0], si0)
    idx_load(1, si1, i1)
    gather(si0, rows0, g0)

    def scatter_wait(rows, sem):
        pltpu.make_async_copy(rows, acc_sh.at[dstb.at[0, 0]], sem).wait()

    def stage(k, rows, si, g, i, sc, sin, rowsn, gn, i_n, scn):
        gather_wait(rows, g)

        @pl.when(k + 2 < TPC)
        def _():
            idx_load(k + 2, si, i)

        pltpu.async_copy(rows, acc_sh.at[dstb.at[k, 0]], sc, add=True)

        @pl.when(k + 1 < TPC)
        def _():
            idx_wait(sin, i_n)

            @pl.when(k > 0)
            def _():
                scatter_wait(rowsn, scn)

            gather(sin, rowsn, gn)

    def body(j, _):
        a = 2 * j
        stage(a, rows0, si0, g0, i0, s0, si1, rows1, g1, i1, s1)
        stage(a + 1, rows1, si1, g1, i1, s1, si0, rows0, g0, i0, s0)
        return 0

    lax.fori_loop(0, TPC // 2, body, 0)
    scatter_wait(rows0, s0)
    scatter_wait(rows1, s1)

    plsc.subcore_barrier()

    pltpu.sync_copy(acc_sh.at[pl.ds(row0, COPY_ROWS)],
                    part_hbm.at[c, pl.ds(row0, COPY_ROWS)])

    @pl.when(s == NSUB - 1)
    def _():
        pltpu.sync_copy(acc_sh.at[pl.ds(NSUB * COPY_ROWS, COPY_REM)],
                        part_hbm.at[c, pl.ds(NSUB * COPY_ROWS, COPY_REM)])


_agg = pl.kernel(
    _agg_body,
    out_type=jax.ShapeDtypeStruct((NCORES, N_NODES, DIM), _f32),
    mesh=_MESH,
    scratch_types=[
        pltpu.VMEM_SHARED((ACC_ROWS, DIM), _f32),
        pltpu.VMEM((CHUNK, DIM), _f32),
        pltpu.VMEM((CHUNK, DIM), _f32),
        pltpu.VMEM((CHUNK,), jnp.int32),
        pltpu.VMEM((CHUNK,), jnp.int32),
        pltpu.VMEM((TPC, 1, CHUNK), jnp.int32),
        pltpu.VMEM((ZROWS, DIM), _f32),
    ] + [pltpu.SemaphoreType.DMA] * 6,
)


def _deg_body(dst_hbm, deg_hbm, deg_sh, dstp, ones_v, stage_v, zbuf,
              d0, d1):
    c = lax.axis_index("c")
    s = lax.axis_index("s")
    w = c * NSUB + s
    per = DEG_N // NSUB

    ones16 = jnp.full((16,), 1.0, _f32)
    zeros16 = jnp.zeros((16,), _f32)
    for i in range(CHUNK // 16):
        ones_v[pl.ds(i * 16, 16)] = ones16
        zbuf[pl.ds(i * 16, 16)] = zeros16

    pltpu.sync_copy(dst_hbm.at[pl.ds(w * TPC, TPC)], dstp)
    for k in range(per // CHUNK):
        pltpu.sync_copy(zbuf, deg_sh.at[pl.ds(s * per + k * CHUNK, CHUNK)])

    plsc.subcore_barrier()

    def dscat(k, sem):
        pltpu.async_copy(ones_v, deg_sh.at[dstp.at[k, 0]], sem, add=True)

    def dwait(sem):
        pltpu.make_async_copy(ones_v, deg_sh.at[dstp.at[0, 0]], sem).wait()

    def body(j, _):
        @pl.when(j > 0)
        def _():
            dwait(d0)

        dscat(2 * j, d0)

        @pl.when(j > 0)
        def _():
            dwait(d1)

        dscat(2 * j + 1, d1)
        return 0

    lax.fori_loop(0, TPC // 2, body, 0)
    dwait(d0)
    dwait(d1)

    plsc.subcore_barrier()

    pltpu.sync_copy(deg_sh.at[pl.ds(s * per, per)], stage_v)
    pltpu.sync_copy(stage_v, deg_hbm.at[c, 0, pl.ds(s * per, per)])


_deg = pl.kernel(
    _deg_body,
    out_type=jax.ShapeDtypeStruct((NCORES, 1, DEG_N), _f32),
    mesh=_MESH,
    scratch_types=[
        pltpu.VMEM_SHARED((DEG_N,), _f32),
        pltpu.VMEM((TPC, 1, CHUNK), jnp.int32),
        pltpu.VMEM((CHUNK,), _f32),
        pltpu.VMEM((DEG_N // NSUB,), _f32),
        pltpu.VMEM((CHUNK,), _f32),
        pltpu.SemaphoreType.DMA,
        pltpu.SemaphoreType.DMA,
    ],
)


def _proj_body(x_ref, w_ref, b_ref, o_ref):
    o_ref[...] = (jnp.dot(x_ref[...], w_ref[...],
                          preferred_element_type=_f32) + b_ref[...])


_proj = pl.pallas_call(
    _proj_body,
    grid=(10,),
    in_specs=[
        pl.BlockSpec((N_NODES // 10, DIM), lambda i: (i, 0)),
        pl.BlockSpec((DIM, DIM), lambda i: (0, 0)),
        pl.BlockSpec((1, DIM), lambda i: (0, 0)),
    ],
    out_specs=pl.BlockSpec((N_NODES // 10, DIM), lambda i: (i, 0)),
    out_shape=jax.ShapeDtypeStruct((N_NODES, DIM), _f32),
)


def _invdeg_body(d_ref, o_ref):
    deg = jnp.sum(d_ref[...], axis=0)
    o_ref[...] = (1.0 / jnp.maximum(deg, 1.0))[:, None]


_invdeg = pl.pallas_call(
    _invdeg_body,
    grid=(1,),
    in_specs=[pl.BlockSpec((NCORES, DEG_N), lambda i: (0, 0))],
    out_specs=pl.BlockSpec((DEG_N, 1), lambda i: (0, 0)),
    out_shape=jax.ShapeDtypeStruct((DEG_N, 1), _f32),
)


def _update_body(h_ref, p_ref, inv_ref, w_ref, b_ref, o_ref):
    msg = (p_ref[0] + p_ref[1]) * inv_ref[...]
    o_ref[...] = jnp.maximum(
        h_ref[...] + jnp.dot(msg, w_ref[...], preferred_element_type=_f32)
        + b_ref[...], 0.0)


_update = pl.pallas_call(
    _update_body,
    grid=(10,),
    in_specs=[
        pl.BlockSpec((N_NODES // 10, DIM), lambda i: (i, 0)),
        pl.BlockSpec((NCORES, N_NODES // 10, DIM), lambda i: (0, i, 0)),
        pl.BlockSpec((N_NODES // 10, 1), lambda i: (i, 0)),
        pl.BlockSpec((DIM, DIM), lambda i: (0, 0)),
        pl.BlockSpec((1, DIM), lambda i: (0, 0)),
    ],
    out_specs=pl.BlockSpec((N_NODES // 10, DIM), lambda i: (i, 0)),
    out_shape=jax.ShapeDtypeStruct((N_NODES, DIM), _f32),
)


def _head_body(h_ref, w1_ref, b1_ref, w2_ref, b2_ref, o_ref):
    g = jnp.sum(h_ref[...], axis=0, keepdims=True) * (1.0 / N_NODES)
    hid = jnp.maximum(
        jnp.dot(g, w1_ref[...], preferred_element_type=_f32) + b1_ref[...],
        0.0)
    o_ref[...] = (jnp.dot(hid, w2_ref[...], preferred_element_type=_f32)
                  + b2_ref[...]).reshape(OUT_DIM)


_head = pl.pallas_call(
    _head_body,
    grid=(1,),
    in_specs=[
        pl.BlockSpec((N_NODES, DIM), lambda i: (0, 0)),
        pl.BlockSpec((DIM, DIM), lambda i: (0, 0)),
        pl.BlockSpec((1, DIM), lambda i: (0, 0)),
        pl.BlockSpec((DIM, OUT_DIM), lambda i: (0, 0)),
        pl.BlockSpec((1, OUT_DIM), lambda i: (0, 0)),
    ],
    out_specs=pl.BlockSpec((OUT_DIM,), lambda i: (0,)),
    out_shape=jax.ShapeDtypeStruct((OUT_DIM,), _f32),
)


def kernel(x, edge_index, W_proj, b_proj, W_layers, b_layers, W_p1, b_p1,
           W_p2, b_p2):
    ei = edge_index.astype(jnp.int32)
    lanes = jnp.mod(jnp.arange(E_PAD - N_EDGES, dtype=jnp.int32), 128)
    pad_src = lanes
    pad_dst = N_NODES + lanes
    src = jnp.concatenate([ei[0], pad_src]).reshape(NCHUNKS, 1, CHUNK)
    dst = jnp.concatenate([ei[1], pad_dst]).reshape(NCHUNKS, 1, CHUNK)

    deg2 = _deg(dst)
    invdeg = _invdeg(deg2.reshape(NCORES, DEG_N))
    h = _proj(x, W_proj, b_proj.reshape(1, DIM))

    for l in range(NUM_LAYERS):
        part = _agg(h, src, dst)
        h = _update(h, part, invdeg, W_layers[l],
                    b_layers[l].reshape(1, DIM))

    return _head(h, W_p1, b_p1.reshape(1, DIM), W_p2, b_p2.reshape(1, OUT_DIM))

# --- scband reference (transcript-rebuilt; emitter-appended) ---
"""Pipeline reference for scband-gnnscene-encoder-32220844655119 (READ-ONLY COPY).

The authoritative reference and input builder live on the scoring server;
editing this copy changes nothing except your own understanding.
"""

import jax, jax.numpy as jnp
import numpy as np

N_NODES = 10000
N_EDGES = 320000
NODE_DIM = 128
HIDDEN_DIM = 128
OUTPUT_DIM = 256
NUM_LAYERS = 3


def setup_inputs(seed: int = 0) -> dict:
    key = jax.random.key(seed)
    ks = jax.random.split(key, 12)
    x = jax.random.normal(ks[0], (N_NODES, NODE_DIM), dtype=jnp.float32)
    edge_index = jax.random.randint(ks[1], (2, N_EDGES), 0, N_NODES, dtype=jnp.int64)
    # node_proj: Linear(node_dim, hidden_dim)
    W_proj = jax.random.normal(ks[2], (NODE_DIM, HIDDEN_DIM), dtype=jnp.float32) * 0.05
    b_proj = jax.random.normal(ks[3], (HIDDEN_DIM,), dtype=jnp.float32) * 0.05
    # gnn_layers: num_layers x Linear(hidden_dim, hidden_dim), stacked
    W_layers = jax.random.normal(ks[4], (NUM_LAYERS, HIDDEN_DIM, HIDDEN_DIM), dtype=jnp.float32) * 0.05
    b_layers = jax.random.normal(ks[5], (NUM_LAYERS, HIDDEN_DIM), dtype=jnp.float32) * 0.05
    # pool: Linear(hidden, hidden) -> ReLU -> Linear(hidden, output)
    W_p1 = jax.random.normal(ks[6], (HIDDEN_DIM, HIDDEN_DIM), dtype=jnp.float32) * 0.05
    b_p1 = jax.random.normal(ks[7], (HIDDEN_DIM,), dtype=jnp.float32) * 0.05
    W_p2 = jax.random.normal(ks[8], (HIDDEN_DIM, OUTPUT_DIM), dtype=jnp.float32) * 0.05
    b_p2 = jax.random.normal(ks[9], (OUTPUT_DIM,), dtype=jnp.float32) * 0.05
    return {
        "x": x,
        "edge_index": edge_index,
        "W_proj": W_proj,
        "b_proj": b_proj,
        "W_layers": W_layers,
        "b_layers": b_layers,
        "W_p1": W_p1,
        "b_p1": b_p1,
        "W_p2": W_p2,
        "b_p2": b_p2,
    }


def reference(x, edge_index, W_proj, b_proj, W_layers, b_layers, W_p1, b_p1, W_p2, b_p2):
    src = edge_index[0]
    dst = edge_index[1]
    n = x.shape[0]
    # mean-neighbor aggregation: message[i] = mean over neighbors j of h[j]
    deg = jnp.zeros((n,), dtype=jnp.float32).at[dst].add(1.0)
    safe_deg = jnp.maximum(deg, 1.0)[:, None]
    h = x @ W_proj + b_proj
    for l in range(NUM_LAYERS):
        gathered = jnp.take(h, src, axis=0)
        msg_sum = jax.ops.segment_sum(gathered, dst, num_segments=n)
        messages = msg_sum / safe_deg  # nodes with no neighbors -> zero message
        h = h + messages @ W_layers[l] + b_layers[l]
        h = jax.nn.relu(h)
    graph_embedding = jnp.mean(h, axis=0)
    hidden = jax.nn.relu(graph_embedding @ W_p1 + b_p1)
    latent = hidden @ W_p2 + b_p2
    return latent

if __name__ == "__main__":
    import jax
    _d = setup_inputs()
    print(jax.jit(kernel)(*tuple(_d.values())))

</pallas_src>

<mosaic_0001>
#map = affine_map<(d0, d1) -> (0, 0)>
#map1 = affine_map<(d0, d1) -> (0, 0, 0)>
module attributes {stable_mosaic.version = 14 : i64} {
  func.func @_agg_body(%arg0: i32, %arg1: i32, %arg2: memref<10000x128xf32, #tpu.memory_space<hbm>>, %arg3: memref<2560x1x128xi32, #tpu.memory_space<hbm>>, %arg4: memref<2560x1x128xi32, #tpu.memory_space<hbm>>, %arg5: memref<2x10000x128xf32, #tpu.memory_space<hbm>>, %arg6: memref<10128x128xf32, #tpu.memory_space<vmem_shared>>, %arg7: memref<128x128xf32, #tpu.memory_space<vmem>>, %arg8: memref<128x128xf32, #tpu.memory_space<vmem>>, %arg9: memref<128xi32, #tpu.memory_space<vmem>>, %arg10: memref<128xi32, #tpu.memory_space<vmem>>, %arg11: memref<80x1x128xi32, #tpu.memory_space<vmem>>, %arg12: memref<48x128xf32, #tpu.memory_space<vmem>>, %arg13: memref<!tpu.dma_semaphore, #tpu.memory_space<semaphore_mem>>, %arg14: memref<!tpu.dma_semaphore, #tpu.memory_space<semaphore_mem>>, %arg15: memref<!tpu.dma_semaphore, #tpu.memory_space<semaphore_mem>>, %arg16: memref<!tpu.dma_semaphore, #tpu.memory_space<semaphore_mem>>, %arg17: memref<!tpu.dma_semaphore, #tpu.memory_space<semaphore_mem>>, %arg18: memref<!tpu.dma_semaphore, #tpu.memory_space<semaphore_mem>>) attributes {dimension_semantics = [#tpu.dimension_semantics<core_parallel>, #tpu.dimension_semantics<subcore_parallel>], iteration_bounds = array<i64: 2, 16>, scalar_prefetch = 0 : i64, scratch_operands = 13 : i64, tpu.core_type = #tpu.core_type<sc_vector_subcore>, window_params = [{transform_indices = #map}, {transform_indices = #map1}, {transform_indices = #map1}, {transform_indices = #map1}]} {
    %mul3A = arith.constant 16 : i32
    %mul3A_0 = arith.muli %arg0, %mul3A : i32
    %add3A = arith.addi %mul3A_0, %arg1 : i32
    %mul3A_1 = arith.constant 80 : i32
    %mul3A_2 = arith.muli %add3A, %mul3A_1 : i32
    "tpu.region"() ({
      %run_scoped3A_79 = tpu.sem_alloc : memref<!tpu.dma_semaphore, #tpu.memory_space<semaphore_mem>>
      %dma_start3A_80 = arith.constant 0 : i32
      %dma_start3A_81 = arith.constant 0 : i32
      %dma_start3A_82 = tpu.memref_slice %arg4[%mul3A_2, %dma_start3A_80, %dma_start3A_81] : memref<2560x1x128xi32, #tpu.memory_space<hbm>> -> memref<80x1x128xi32, #tpu.memory_space<hbm>>
      %dma_start3A_83 = arith.constant 0 : i32
      %dma_start3A_84 = arith.constant 0 : i32
      %dma_start3A_85 = tpu.memref_slice %arg4[%mul3A_2, %dma_start3A_83, %dma_start3A_84] : memref<2560x1x128xi32, #tpu.memory_space<hbm>> -> memref<80x1x128xi32, #tpu.memory_space<hbm>>
      tpu.enqueue_dma source(%dma_start3A_85 : memref<80x1x128xi32, #tpu.memory_space<hbm>>) target(%arg11 : memref<80x1x128xi32, #tpu.memory_space<vmem>>) target_semaphore(%run_scoped3A_79 : memref<!tpu.dma_semaphore, #tpu.memory_space<semaphore_mem>>)
      %dma_wait3A_86 = arith.constant 0 : i32
      %dma_wait3A_87 = arith.constant 0 : i32
      %dma_wait3A_88 = tpu.memref_slice %arg4[%mul3A_2, %dma_wait3A_86, %dma_wait3A_87] : memref<2560x1x128xi32, #tpu.memory_space<hbm>> -> memref<80x1x128xi32, #tpu.memory_space<hbm>>
      %dma_wait3A_89 = arith.constant 0 : i32
      %dma_wait3A_90 = arith.constant 0 : i32
      %dma_wait3A_91 = tpu.memref_slice %arg4[%mul3A_2, %dma_wait3A_89, %dma_wait3A_90] : memref<2560x1x128xi32, #tpu.memory_space<hbm>> -> memref<80x1x128xi32, #tpu.memory_space<hbm>>
      tpu.wait_dma2 semaphore(%run_scoped3A_79 : memref<!tpu.dma_semaphore, #tpu.memory_space<semaphore_mem>>) src(%dma_wait3A_91 : memref<80x1x128xi32, #tpu.memory_space<hbm>>) dst(%arg11 : memref<80x1x128xi32, #tpu.memory_space<vmem>>)
      tpu.yield
    }) : () -> ()
    %broadcast_in_dim3A = arith.constant 0.000000e+00 : f32
    %broadcast_in_dim3A_3 = vector.broadcast %broadcast_in_dim3A : f32 to vector<16xf32>
    %scan3A = arith.constant 0 : i32
    %scan3A_4 = arith.constant 0 : i32
    %scan3A_5 = arith.constant 384 : i32
    %scan3A_6 = arith.addi %scan3A_4, %scan3A_5 : i32
    %scan3A_7 = arith.constant 1 : i32
    %scan3A_8 = scf.for %scan3A_79 = %scan3A_4 to %scan3A_6 step %scan3A_7 iter_args(%scan3A_80 = %scan3A) -> (i32)  : i32 {
      %jit3A = arith.constant 8 : i32
      %div3A = arith.divsi %scan3A_79, %jit3A : i32
      %sign3A = arith.constant 0 : i32
      %sign3A_81 = arith.cmpi sgt, %scan3A_79, %sign3A : i32
      %sign3A_82 = arith.extui %sign3A_81 : i1 to i32
      %sign3A_83 = arith.constant 0 : i32
      %sign3A_84 = arith.cmpi slt, %scan3A_79, %sign3A_83 : i32
      %sign3A_85 = arith.extui %sign3A_84 : i1 to i32
      %sign3A_86 = arith.subi %sign3A_82, %sign3A_85 : i32
      %sign3A_87 = arith.constant 0 : i32
      %sign3A_88 = arith.cmpi sgt, %jit3A, %sign3A_87 : i32
      %sign3A_89 = arith.extui %sign3A_88 : i1 to i32
      %sign3A_90 = arith.constant 0 : i32
      %sign3A_91 = arith.cmpi slt, %jit3A, %sign3A_90 : i32
      %sign3A_92 = arith.extui %sign3A_91 : i1 to i32
      %sign3A_93 = arith.subi %sign3A_89, %sign3A_92 : i32
      %ne3A = arith.cmpi ne, %sign3A_86, %sign3A_93 : i32
      %rem3A = arith.remsi %scan3A_79, %jit3A : i32
      %ne3A_94 = arith.constant 0 : i32
      %ne3A_95 = arith.cmpi ne, %rem3A, %ne3A_94 : i32
      %and3A = arith.andi %ne3A, %ne3A_95 : i1
      %sub3A = arith.constant 1 : i32
      %sub3A_96 = arith.subi %div3A, %sub3A : i32
      %select_n3A = arith.select %and3A, %sub3A_96, %div3A : i32
      %jit3A_97 = arith.constant 8 : i32
      %eq3A_98 = arith.constant 0 : i32
      %eq3A_99 = arith.cmpi eq, %jit3A_97, %eq3A_98 : i32
      %jit3A_100 = arith.constant 1 : i32
      %select_n3A_101 = arith.select %eq3A_99, %jit3A_100, %jit3A_97 : i32
      %rem3A_102 = arith.remsi %scan3A_79, %select_n3A_101 : i32
      %ne3A_103 = arith.constant 0 : i32
      %ne3A_104 = arith.cmpi ne, %rem3A_102, %ne3A_103 : i32
      %lt3A = arith.constant 0 : i32
      %lt3A_105 = arith.cmpi slt, %rem3A_102, %lt3A : i32
      %lt3A_106 = arith.constant 0 : i32
      %lt3A_107 = arith.cmpi slt, %select_n3A_101, %lt3A_106 : i32
      %ne3A_108 = arith.xori %lt3A_105, %lt3A_107 : i1
      %and3A_109 = arith.andi %ne3A_108, %ne3A_104 : i1
      %add3A_110 = arith.addi %rem3A_102, %select_n3A_101 : i32
      %select_n3A_111 = arith.select %and3A_109, %add3A_110, %rem3A_102 : i32
      %mul3A_112 = arith.constant 16 : i32
      %mul3A_113 = arith.muli %select_n3A_111, %mul3A_112 : i32
      %swap3A = arith.index_cast %select_n3A : i32 to index
      %swap3A_114 = arith.index_cast %mul3A_113 : i32 to index
      %swap3A_115 = tpu.vector_load %arg12[%swap3A, %swap3A_114] {strides = array<i32>} : memref<48x128xf32, #tpu.memory_space<vmem>>, vector<1x16xf32>,
      %swap3A_116 = vector.shape_cast %swap3A_115 : vector<1x16xf32> to vector<16xf32>
      %swap3A_117 = vector.shape_cast %broadcast_in_dim3A_3 : vector<16xf32> to vector<1x16xf32>
      tpu.vector_store %arg12[%swap3A, %swap3A_114], %swap3A_117 {strides = array<i32>} : memref<48x128xf32, #tpu.memory_space<vmem>>, vector<1x16xf32>,
      %scan3A_118 = arith.constant 0 : i32
      scf.yield %scan3A_118 : i32
    }
    %scan3A_9 = arith.constant 384 : i32
    %mul3A_10 = arith.constant 624 : i32
    %mul3A_11 = arith.muli %arg1, %mul3A_10 : i32
    %add3A_12 = arith.constant 0 : i32
    %add3A_13 = arith.addi %mul3A_11, %add3A_12 : i32
    "tpu.region"() ({
      %run_scoped3A_79 = tpu.sem_alloc : memref<!tpu.dma_semaphore, #tpu.memory_space<semaphore_mem>>
      %dma_start3A_80 = arith.constant 0 : i32
      %dma_start3A_81 = tpu.memref_slice %arg6[%add3A_13, %dma_start3A_80] : memref<10128x128xf32, #tpu.memory_space<vmem_shared>> -> memref<48x128xf32, #tpu.memory_space<vmem_shared>>
      %dma_start3A_82 = arith.constant 0 : i32
      %dma_start3A_83 = tpu.memref_slice %arg6[%add3A_13, %dma_start3A_82] : memref<10128x128xf32, #tpu.memory_space<vmem_shared>> -> memref<48x128xf32, #tpu.memory_space<vmem_shared>>
      tpu.enqueue_dma source(%arg12 : memref<48x128xf32, #tpu.memory_space<vmem>>) target(%dma_start3A_83 : memref<48x128xf32, #tpu.memory_space<vmem_shared>>) target_semaphore(%run_scoped3A_79 : memref<!tpu.dma_semaphore, #tpu.memory_space<semaphore_mem>>)
      %dma_wait3A_84 = arith.constant 0 : i32
      %dma_wait3A_85 = tpu.memref_slice %arg6[%add3A_13, %dma_wait3A_84] : memref<10128x128xf32, #tpu.memory_space<vmem_shared>> -> memref<48x128xf32, #tpu.memory_space<vmem_shared>>
      %dma_wait3A_86 = arith.constant 0 : i32
      %dma_wait3A_87 = tpu.memref_slice %arg6[%add3A_13, %dma_wait3A_86] : memref<10128x128xf32, #tpu.memory_space<vmem_shared>> -> memref<48x128xf32, #tpu.memory_space<vmem_shared>>
      tpu.wait_dma2 semaphore(%run_scoped3A_79 : memref<!tpu.dma_semaphore, #tpu.memory_space<semaphore_mem>>) src(%arg12 : memref<48x128xf32, #tpu.memory_space<vmem>>) dst(%dma_wait3A_87 : memref<48x128xf32, #tpu.memory_space<vmem_shared>>)
      tpu.yield
    }) : () -> ()
    %add3A_14 = arith.constant 48 : i32
    %add3A_15 = arith.addi %mul3A_11, %add3A_14 : i32
    "tpu.region"() ({
      %run_scoped3A_79 = tpu.sem_alloc : memref<!tpu.dma_semaphore, #tpu.memory_space<semaphore_mem>>
      %dma_start3A_80 = arith.constant 0 : i32
      %dma_start3A_81 = tpu.memref_slice %arg6[%add3A_15, %dma_start3A_80] : memref<10128x128xf32, #tpu.memory_space<vmem_shared>> -> memref<48x128xf32, #tpu.memory_space<vmem_shared>>
      %dma_start3A_82 = arith.constant 0 : i32
      %dma_start3A_83 = tpu.memref_slice %arg6[%add3A_15, %dma_start3A_82] : memref<10128x128xf32, #tpu.memory_space<vmem_shared>> -> memref<48x128xf32, #tpu.memory_space<vmem_shared>>
      tpu.enqueue_dma source(%arg12 : memref<48x128xf32, #tpu.memory_space<vmem>>) target(%dma_start3A_83 : memref<48x128xf32, #tpu.memory_space<vmem_shared>>) target_semaphore(%run_scoped3A_79 : memref<!tpu.dma_semaphore, #tpu.memory_space<semaphore_mem>>)
      %dma_wait3A_84 = arith.constant 0 : i32
      %dma_wait3A_85 = tpu.memref_slice %arg6[%add3A_15, %dma_wait3A_84] : memref<10128x128xf32, #tpu.memory_space<vmem_shared>> -> memref<48x128xf32, #tpu.memory_space<vmem_shared>>
      %dma_wait3A_86 = arith.constant 0 : i32
      %dma_wait3A_87 = tpu.memref_slice %arg6[%add3A_15, %dma_wait3A_86] : memref<10128x128xf32, #tpu.memory_space<vmem_shared>> -> memref<48x128xf32, #tpu.memory_space<vmem_shared>>
      tpu.wait_dma2 semaphore(%run_scoped3A_79 : memref<!tpu.dma_semaphore, #tpu.memory_space<semaphore_mem>>) src(%arg12 : memref<48x128xf32, #tpu.memory_space<vmem>>) dst(%dma_wait3A_87 : memref<48x128xf32, #tpu.memory_space<vmem_shared>>)
      tpu.yield
    }) : () -> ()
    %add3A_16 = arith.constant 96 : i32
    %add3A_17 = arith.addi %mul3A_11, %add3A_16 : i32
    "tpu.region"() ({
      %run_scoped3A_79 = tpu.sem_alloc : memref<!tpu.dma_semaphore, #tpu.memory_space<semaphore_mem>>
      %dma_start3A_80 = arith.constant 0 : i32
      %dma_start3A_81 = tpu.memref_slice %arg6[%add3A_17, %dma_start3A_80] : memref<10128x128xf32, #tpu.memory_space<vmem_shared>> -> memref<48x128xf32, #tpu.memory_space<vmem_shared>>
      %dma_start3A_82 = arith.constant 0 : i32
      %dma_start3A_83 = tpu.memref_slice %arg6[%add3A_17, %dma_start3A_82] : memref<10128x128xf32, #tpu.memory_space<vmem_shared>> -> memref<48x128xf32, #tpu.memory_space<vmem_shared>>
      tpu.enqueue_dma source(%arg12 : memref<48x128xf32, #tpu.memory_space<vmem>>) target(%dma_start3A_83 : memref<48x128xf32, #tpu.memory_space<vmem_shared>>) target_semaphore(%run_scoped3A_79 : memref<!tpu.dma_semaphore, #tpu.memory_space<semaphore_mem>>)
      %dma_wait3A_84 = arith.constant 0 : i32
      %dma_wait3A_85 = tpu.memref_slice %arg6[%add3A_17, %dma_wait3A_84] : memref<10128x128xf32, #tpu.memory_space<vmem_shared>> -> memref<48x128xf32, #tpu.memory_space<vmem_shared>>
      %dma_wait3A_86 = arith.constant 0 : i32
      %dma_wait3A_87 = tpu.memref_slice %arg6[%add3A_17, %dma_wait3A_86] : memref<10128x128xf32, #tpu.memory_space<vmem_shared>> -> memref<48x128xf32, #tpu.memory_space<vmem_shared>>
      tpu.wait_dma2 semaphore(%run_scoped3A_79 : memref<!tpu.dma_semaphore, #tpu.memory_space<semaphore_mem>>) src(%arg12 : memref<48x128xf32, #tpu.memory_space<vmem>>) dst(%dma_wait3A_87 : memref<48x128xf32, #tpu.memory_space<vmem_shared>>)
      tpu.yield
    }) : () -> ()
    %add3A_18 = arith.constant 144 : i32
    %add3A_19 = arith.addi %mul3A_11, %add3A_18 : i32
    "tpu.region"() ({
      %run_scoped3A_79 = tpu.sem_alloc : memref<!tpu.dma_semaphore, #tpu.memory_space<semaphore_mem>>
      %dma_start3A_80 = arith.constant 0 : i32
      %dma_start3A_81 = tpu.memref_slice %arg6[%add3A_19, %dma_start3A_80] : memref<10128x128xf32, #tpu.memory_space<vmem_shared>> -> memref<48x128xf32, #tpu.memory_space<vmem_shared>>
      %dma_start3A_82 = arith.constant 0 : i32
      %dma_start3A_83 = tpu.memref_slice %arg6[%add3A_19, %dma_start3A_82] : memref<10128x128xf32, #tpu.memory_space<vmem_shared>> -> memref<48x128xf32, #tpu.memory_space<vmem_shared>>
      tpu.enqueue_dma source(%arg12 : memref<48x128xf32, #tpu.memory_space<vmem>>) target(%dma_start3A_83 : memref<48x128xf32, #tpu.memory_space<vmem_shared>>) target_semaphore(%run_scoped3A_79 : memref<!tpu.dma_semaphore, #tpu.memory_space<semaphore_mem>>)
      %dma_wait3A_84 = arith.constant 0 : i32
      %dma_wait3A_85 = tpu.memref_slice %arg6[%add3A_19, %dma_wait3A_84] : memref<10128x128xf32, #tpu.memory_space<vmem_shared>> -> memref<48x128xf32, #tpu.memory_space<vmem_shared>>
      %dma_wait3A_86 = arith.constant 0 : i32
      %dma_wait3A_87 = tpu.memref_slice %arg6[%add3A_19, %dma_wait3A_86] : memref<10128x128xf32, #tpu.memory_space<vmem_shared>> -> memref<48x128xf32, #tpu.memory_space<vmem_shared>>
      tpu.wait_dma2 semaphore(%run_scoped3A_79 : memref<!tpu.dma_semaphore, #tpu.memory_space<semaphore_mem>>) src(%arg12 : memref<48x128xf32, #tpu.memory_space<vmem>>) dst(%dma_wait3A_87 : memref<48x128xf32, #tpu.memory_space<vmem_shared>>)
      tpu.yield
    }) : () -> ()
    %add3A_20 = arith.constant 192 : i32
    %add3A_21 = arith.addi %mul3A_11, %add3A_20 : i32
    "tpu.region"() ({
      %run_scoped3A_79 = tpu.sem_alloc : memref<!tpu.dma_semaphore, #tpu.memory_space<semaphore_mem>>
      %dma_start3A_80 = arith.constant 0 : i32
      %dma_start3A_81 = tpu.memref_slice %arg6[%add3A_21, %dma_start3A_80] : memref<10128x128xf32, #tpu.memory_space<vmem_shared>> -> memref<48x128xf32, #tpu.memory_space<vmem_shared>>
      %dma_start3A_82 = arith.constant 0 : i32
      %dma_start3A_83 = tpu.memref_slice %arg6[%add3A_21, %dma_start3A_82] : memref<10128x128xf32, #tpu.memory_space<vmem_shared>> -> memref<48x128xf32, #tpu.memory_space<vmem_shared>>
      tpu.enqueue_dma source(%arg12 : memref<48x128xf32, #tpu.memory_space<vmem>>) target(%dma_start3A_83 : memref<48x128xf32, #tpu.memory_space<vmem_shared>>) target_semaphore(%run_scoped3A_79 : memref<!tpu.dma_semaphore, #tpu.memory_space<semaphore_mem>>)
      %dma_wait3A_84 = arith.constant 0 : i32
      %dma_wait3A_85 = tpu.memref_slice %arg6[%add3A_21, %dma_wait3A_84] : memref<10128x128xf32, #tpu.memory_space<vmem_shared>> -> memref<48x128xf32, #tpu.memory_space<vmem_shared>>
      %dma_wait3A_86 = arith.constant 0 : i32
      %dma_wait3A_87 = tpu.memref_slice %arg6[%add3A_21, %dma_wait3A_86] : memref<10128x128xf32, #tpu.memory_space<vmem_shared>> -> memref<48x128xf32, #tpu.memory_space<vmem_shared>>
      tpu.wait_dma2 semaphore(%run_scoped3A_79 : memref<!tpu.dma_semaphore, #tpu.memory_space<semaphore_mem>>) src(%arg12 : memref<48x128xf32, #tpu.memory_space<vmem>>) dst(%dma_wait3A_87 : memref<48x128xf32, #tpu.memory_space<vmem_shared>>)
      tpu.yield
    }) : () -> ()
    %add3A_22 = arith.constant 240 : i32
    %add3A_23 = arith.addi %mul3A_11, %add3A_22 : i32
    "tpu.region"() ({
      %run_scoped3A_79 = tpu.sem_alloc : memref<!tpu.dma_semaphore, #tpu.memory_space<semaphore_mem>>
      %dma_start3A_80 = arith.constant 0 : i32
      %dma_start3A_81 = tpu.memref_slice %arg6[%add3A_23, %dma_start3A_80] : memref<10128x128xf32, #tpu.memory_space<vmem_shared>> -> memref<48x128xf32, #tpu.memory_space<vmem_shared>>
      %dma_start3A_82 = arith.constant 0 : i32
      %dma_start3A_83 = tpu.memref_slice %arg6[%add3A_23, %dma_start3A_82] : memref<10128x128xf32, #tpu.memory_space<vmem_shared>> -> memref<48x128xf32, #tpu.memory_space<vmem_shared>>
      tpu.enqueue_dma source(%arg12 : memref<48x128xf32, #tpu.memory_space<vmem>>) target(%dma_start3A_83 : memref<48x128xf32, #tpu.memory_space<vmem_shared>>) target_semaphore(%run_scoped3A_79 : memref<!tpu.dma_semaphore, #tpu.memory_space<semaphore_mem>>)
      %dma_wait3A_84 = arith.constant 0 : i32
      %dma_wait3A_85 = tpu.memref_slice %arg6[%add3A_23, %dma_wait3A_84] : memref<10128x128xf32, #tpu.memory_space<vmem_shared>> -> memref<48x128xf32, #tpu.memory_space<vmem_shared>>
      %dma_wait3A_86 = arith.constant 0 : i32
      %dma_wait3A_87 = tpu.memref_slice %arg6[%add3A_23, %dma_wait3A_86] : memref<10128x128xf32, #tpu.memory_space<vmem_shared>> -> memref<48x128xf32, #tpu.memory_space<vmem_shared>>
      tpu.wait_dma2 semaphore(%run_scoped3A_79 : memref<!tpu.dma_semaphore, #tpu.memory_space<semaphore_mem>>) src(%arg12 : memref<48x128xf32, #tpu.memory_space<vmem>>) dst(%dma_wait3A_87 : memref<48x128xf32, #tpu.memory_space<vmem_shared>>)
      tpu.yield
    }) : () -> ()
    %add3A_24 = arith.constant 288 : i32
    %add3A_25 = arith.addi %mul3A_11, %add3A_24 : i32
    "tpu.region"() ({
      %run_scoped3A_79 = tpu.sem_alloc : memref<!tpu.dma_semaphore, #tpu.memory_space<semaphore_mem>>
      %dma_start3A_80 = arith.constant 0 : i32
      %dma_start3A_81 = tpu.memref_slice %arg6[%add3A_25, %dma_start3A_80] : memref<10128x128xf32, #tpu.memory_space<vmem_shared>> -> memref<48x128xf32, #tpu.memory_space<vmem_shared>>
      %dma_start3A_82 = arith.constant 0 : i32
      %dma_start3A_83 = tpu.memref_slice %arg6[%add3A_25, %dma_start3A_82] : memref<10128x128xf32, #tpu.memory_space<vmem_shared>> -> memref<48x128xf32, #tpu.memory_space<vmem_shared>>
      tpu.enqueue_dma source(%arg12 : memref<48x128xf32, #tpu.memory_space<vmem>>) target(%dma_start3A_83 : memref<48x128xf32, #tpu.memory_space<vmem_shared>>) target_semaphore(%run_scoped3A_79 : memref<!tpu.dma_semaphore, #tpu.memory_space<semaphore_mem>>)
      %dma_wait3A_84 = arith.constant 0 : i32
      %dma_wait3A_85 = tpu.memref_slice %arg6[%add3A_25, %dma_wait3A_84] : memref<10128x128xf32, #tpu.memory_space<vmem_shared>> -> memref<48x128xf32, #tpu.memory_space<vmem_shared>>
      %dma_wait3A_86 = arith.constant 0 : i32
      %dma_wait3A_87 = tpu.memref_slice %arg6[%add3A_25, %dma_wait3A_86] : memref<10128x128xf32, #tpu.memory_space<vmem_shared>> -> memref<48x128xf32, #tpu.memory_space<vmem_shared>>
      tpu.wait_dma2 semaphore(%run_scoped3A_79 : memref<!tpu.dma_semaphore, #tpu.memory_space<semaphore_mem>>) src(%arg12 : memref<48x128xf32, #tpu.memory_space<vmem>>) dst(%dma_wait3A_87 : memref<48x128xf32, #tpu.memory_space<vmem_shared>>)
      tpu.yield
    }) : () -> ()
    %add3A_26 = arith.constant 336 : i32
    %add3A_27 = arith.addi %mul3A_11, %add3A_26 : i32
    "tpu.region"() ({
      %run_scoped3A_79 = tpu.sem_alloc : memref<!tpu.dma_semaphore, #tpu.memory_space<semaphore_mem>>
      %dma_start3A_80 = arith.constant 0 : i32
      %dma_start3A_81 = tpu.memref_slice %arg6[%add3A_27, %dma_start3A_80] : memref<10128x128xf32, #tpu.memory_space<vmem_shared>> -> memref<48x128xf32, #tpu.memory_space<vmem_shared>>
      %dma_start3A_82 = arith.constant 0 : i32
      %dma_start3A_83 = tpu.memref_slice %arg6[%add3A_27, %dma_start3A_82] : memref<10128x128xf32, #tpu.memory_space<vmem_shared>> -> memref<48x128xf32, #tpu.memory_space<vmem_shared>>
      tpu.enqueue_dma source(%arg12 : memref<48x128xf32, #tpu.memory_space<vmem>>) target(%dma_start3A_83 : memref<48x128xf32, #tpu.memory_space<vmem_shared>>) target_semaphore(%run_scoped3A_79 : memref<!tpu.dma_semaphore, #tpu.memory_space<semaphore_mem>>)
      %dma_wait3A_84 = arith.constant 0 : i32
      %dma_wait3A_85 = tpu.memref_slice %arg6[%add3A_27, %dma_wait3A_84] : memref<10128x128xf32, #tpu.memory_space<vmem_shared>> -> memref<48x128xf32, #tpu.memory_space<vmem_shared>>
      %dma_wait3A_86 = arith.constant 0 : i32
      %dma_wait3A_87 = tpu.memref_slice %arg6[%add3A_27, %dma_wait3A_86] : memref<10128x128xf32, #tpu.memory_space<vmem_shared>> -> memref<48x128xf32, #tpu.memory_space<vmem_shared>>
      tpu.wait_dma2 semaphore(%run_scoped3A_79 : memref<!tpu.dma_semaphore, #tpu.memory_space<semaphore_mem>>) src(%arg12 : memref<48x128xf32, #tpu.memory_space<vmem>>) dst(%dma_wait3A_87 : memref<48x128xf32, #tpu.memory_space<vmem_shared>>)
      tpu.yield
    }) : () -> ()
    %add3A_28 = arith.constant 384 : i32
    %add3A_29 = arith.addi %mul3A_11, %add3A_28 : i32
    "tpu.region"() ({
      %run_scoped3A_79 = tpu.sem_alloc : memref<!tpu.dma_semaphore, #tpu.memory_space<semaphore_mem>>
      %dma_start3A_80 = arith.constant 0 : i32
      %dma_start3A_81 = tpu.memref_slice %arg6[%add3A_29, %dma_start3A_80] : memref<10128x128xf32, #tpu.memory_space<vmem_shared>> -> memref<48x128xf32, #tpu.memory_space<vmem_shared>>
      %dma_start3A_82 = arith.constant 0 : i32
      %dma_start3A_83 = tpu.memref_slice %arg6[%add3A_29, %dma_start3A_82] : memref<10128x128xf32, #tpu.memory_space<vmem_shared>> -> memref<48x128xf32, #tpu.memory_space<vmem_shared>>
      tpu.enqueue_dma source(%arg12 : memref<48x128xf32, #tpu.memory_space<vmem>>) target(%dma_start3A_83 : memref<48x128xf32, #tpu.memory_space<vmem_shared>>) target_semaphore(%run_scoped3A_79 : memref<!tpu.dma_semaphore, #tpu.memory_space<semaphore_mem>>)
      %dma_wait3A_84 = arith.constant 0 : i32
      %dma_wait3A_85 = tpu.memref_slice %arg6[%add3A_29, %dma_wait3A_84] : memref<10128x128xf32, #tpu.memory_space<vmem_shared>> -> memref<48x128xf32, #tpu.memory_space<vmem_shared>>
      %dma_wait3A_86 = arith.constant 0 : i32
      %dma_wait3A_87 = tpu.memref_slice %arg6[%add3A_29, %dma_wait3A_86] : memref<10128x128xf32, #tpu.memory_space<vmem_shared>> -> memref<48x128xf32, #tpu.memory_space<vmem_shared>>
      tpu.wait_dma2 semaphore(%run_scoped3A_79 : memref<!tpu.dma_semaphore, #tpu.memory_space<semaphore_mem>>) src(%arg12 : memref<48x128xf32, #tpu.memory_space<vmem>>) dst(%dma_wait3A_87 : memref<48x128xf32, #tpu.memory_space<vmem_shared>>)
      tpu.yield
    }) : () -> ()
    %add3A_30 = arith.constant 432 : i32
    %add3A_31 = arith.addi %mul3A_11, %add3A_30 : i32
    "tpu.region"() ({
      %run_scoped3A_79 = tpu.sem_alloc : memref<!tpu.dma_semaphore, #tpu.memory_space<semaphore_mem>>
      %dma_start3A_80 = arith.constant 0 : i32
      %dma_start3A_81 = tpu.memref_slice %arg6[%add3A_31, %dma_start3A_80] : memref<10128x128xf32, #tpu.memory_space<vmem_shared>> -> memref<48x128xf32, #tpu.memory_space<vmem_shared>>
      %dma_start3A_82 = arith.constant 0 : i32
      %dma_start3A_83 = tpu.memref_slice %arg6[%add3A_31, %dma_start3A_82] : memref<10128x128xf32, #tpu.memory_space<vmem_shared>> -> memref<48x128xf32, #tpu.memory_space<vmem_shared>>
      tpu.enqueue_dma source(%arg12 : memref<48x128xf32, #tpu.memory_space<vmem>>) target(%dma_start3A_83 : memref<48x128xf32, #tpu.memory_space<vmem_shared>>) target_semaphore(%run_scoped3A_79 : memref<!tpu.dma_semaphore, #tpu.memory_space<semaphore_mem>>)
      %dma_wait3A_84 = arith.constant 0 : i32
      %dma_wait3A_85 = tpu.memref_slice %arg6[%add3A_31, %dma_wait3A_84] : memref<10128x128xf32, #tpu.memory_space<vmem_shared>> -> memref<48x128xf32, #tpu.memory_space<vmem_shared>>
      %dma_wait3A_86 = arith.constant 0 : i32
      %dma_wait3A_87 = tpu.memref_slice %arg6[%add3A_31, %dma_wait3A_86] : memref<10128x128xf32, #tpu.memory_space<vmem_shared>> -> memref<48x128xf32, #tpu.memory_space<vmem_shared>>
      tpu.wait_dma2 semaphore(%run_scoped3A_79 : memref<!tpu.dma_semaphore, #tpu.memory_space<semaphore_mem>>) src(%arg12 : memref<48x128xf32, #tpu.memory_space<vmem>>) dst(%dma_wait3A_87 : memref<48x128xf32, #tpu.memory_space<vmem_shared>>)
      tpu.yield
    }) : () -> ()
    %add3A_32 = arith.constant 480 : i32
    %add3A_33 = arith.addi %mul3A_11, %add3A_32 : i32
    "tpu.region"() ({
      %run_scoped3A_79 = tpu.sem_alloc : memref<!tpu.dma_semaphore, #tpu.memory_space<semaphore_mem>>
      %dma_start3A_80 = arith.constant 0 : i32
      %dma_start3A_81 = tpu.memref_slice %arg6[%add3A_33, %dma_start3A_80] : memref<10128x128xf32, #tpu.memory_space<vmem_shared>> -> memref<48x128xf32, #tpu.memory_space<vmem_shared>>
      %dma_start3A_82 = arith.constant 0 : i32
      %dma_start3A_83 = tpu.memref_slice %arg6[%add3A_33, %dma_start3A_82] : memref<10128x128xf32, #tpu.memory_space<vmem_shared>> -> memref<48x128xf32, #tpu.memory_space<vmem_shared>>
      tpu.enqueue_dma source(%arg12 : memref<48x128xf32, #tpu.memory_space<vmem>>) target(%dma_start3A_83 : memref<48x128xf32, #tpu.memory_space<vmem_shared>>) target_semaphore(%run_scoped3A_79 : memref<!tpu.dma_semaphore, #tpu.memory_space<semaphore_mem>>)
      %dma_wait3A_84 = arith.constant 0 : i32
      %dma_wait3A_85 = tpu.memref_slice %arg6[%add3A_33, %dma_wait3A_84] : memref<10128x128xf32, #tpu.memory_space<vmem_shared>> -> memref<48x128xf32, #tpu.memory_space<vmem_shared>>
      %dma_wait3A_86 = arith.constant 0 : i32
      %dma_wait3A_87 = tpu.memref_slice %arg6[%add3A_33, %dma_wait3A_86] : memref<10128x128xf32, #tpu.memory_space<vmem_shared>> -> memref<48x128xf32, #tpu.memory_space<vmem_shared>>
      tpu.wait_dma2 semaphore(%run_scoped3A_79 : memref<!tpu.dma_semaphore, #tpu.memory_space<semaphore_mem>>) src(%arg12 : memref<48x128xf32, #tpu.memory_space<vmem>>) dst(%dma_wait3A_87 : memref<48x128xf32, #tpu.memory_space<vmem_shared>>)
      tpu.yield
    }) : () -> ()
    %add3A_34 = arith.constant 528 : i32
    %add3A_35 = arith.addi %mul3A_11, %add3A_34 : i32
    "tpu.region"() ({
      %run_scoped3A_79 = tpu.sem_alloc : memref<!tpu.dma_semaphore, #tpu.memory_space<semaphore_mem>>
      %dma_start3A_80 = arith.constant 0 : i32
      %dma_start3A_81 = tpu.memref_slice %arg6[%add3A_35, %dma_start3A_80] : memref<10128x128xf32, #tpu.memory_space<vmem_shared>> -> memref<48x128xf32, #tpu.memory_space<vmem_shared>>
      %dma_start3A_82 = arith.constant 0 : i32
      %dma_start3A_83 = tpu.memref_slice %arg6[%add3A_35, %dma_start3A_82] : memref<10128x128xf32, #tpu.memory_space<vmem_shared>> -> memref<48x128xf32, #tpu.memory_space<vmem_shared>>
      tpu.enqueue_dma source(%arg12 : memref<48x128xf32, #tpu.memory_space<vmem>>) target(%dma_start3A_83 : memref<48x128xf32, #tpu.memory_space<vmem_shared>>) target_semaphore(%run_scoped3A_79 : memref<!tpu.dma_semaphore, #tpu.memory_space<semaphore_mem>>)
      %dma_wait3A_84 = arith.constant 0 : i32
      %dma_wait3A_85 = tpu.memref_slice %arg6[%add3A_35, %dma_wait3A_84] : memref<10128x128xf32, #tpu.memory_space<vmem_shared>> -> memref<48x128xf32, #tpu.memory_space<vmem_shared>>
      %dma_wait3A_86 = arith.constant 0 : i32
      %dma_wait3A_87 = tpu.memref_slice %arg6[%add3A_35, %dma_wait3A_86] : memref<10128x128xf32, #tpu.memory_space<vmem_shared>> -> memref<48x128xf32, #tpu.memory_space<vmem_shared>>
      tpu.wait_dma2 semaphore(%run_scoped3A_79 : memref<!tpu.dma_semaphore, #tpu.memory_space<semaphore_mem>>) src(%arg12 : memref<48x128xf32, #tpu.memory_space<vmem>>) dst(%dma_wait3A_87 : memref<48x128xf32, #tpu.memory_space<vmem_shared>>)
      tpu.yield
    }) : () -> ()
    %add3A_36 = arith.constant 576 : i32
    %add3A_37 = arith.addi %mul3A_11, %add3A_36 : i32
    "tpu.region"() ({
      %run_scoped3A_79 = tpu.sem_alloc : memref<!tpu.dma_semaphore, #tpu.memory_space<semaphore_mem>>
      %dma_start3A_80 = arith.constant 0 : i32
      %dma_start3A_81 = tpu.memref_slice %arg6[%add3A_37, %dma_start3A_80] : memref<10128x128xf32, #tpu.memory_space<vmem_shared>> -> memref<48x128xf32, #tpu.memory_space<vmem_shared>>
      %dma_start3A_82 = arith.constant 0 : i32
      %dma_start3A_83 = tpu.memref_slice %arg6[%add3A_37, %dma_start3A_82] : memref<10128x128xf32, #tpu.memory_space<vmem_shared>> -> memref<48x128xf32, #tpu.memory_space<vmem_shared>>
      tpu.enqueue_dma source(%arg12 : memref<48x128xf32, #tpu.memory_space<vmem>>) target(%dma_start3A_83 : memref<48x128xf32, #tpu.memory_space<vmem_shared>>) target_semaphore(%run_scoped3A_79 : memref<!tpu.dma_semaphore, #tpu.memory_space<semaphore_mem>>)
      %dma_wait3A_84 = arith.constant 0 : i32
      %dma_wait3A_85 = tpu.memref_slice %arg6[%add3A_37, %dma_wait3A_84] : memref<10128x128xf32, #tpu.memory_space<vmem_shared>> -> memref<48x128xf32, #tpu.memory_space<vmem_shared>>
      %dma_wait3A_86 = arith.constant 0 : i32
      %dma_wait3A_87 = tpu.memref_slice %arg6[%add3A_37, %dma_wait3A_86] : memref<10128x128xf32, #tpu.memory_space<vmem_shared>> -> memref<48x128xf32, #tpu.memory_space<vmem_shared>>
      tpu.wait_dma2 semaphore(%run_scoped3A_79 : memref<!tpu.dma_semaphore, #tpu.memory_space<semaphore_mem>>) src(%arg12 : memref<48x128xf32, #tpu.memory_space<vmem>>) dst(%dma_wait3A_87 : memref<48x128xf32, #tpu.memory_space<vmem_shared>>)
      tpu.yield
    }) : () -> ()
    %eq3A = arith.constant 15 : i32
    %eq3A_38 = arith.cmpi eq, %arg1, %eq3A : i32
    %convert_element_type3A = arith.extui %eq3A_38 : i1 to i32
    %cond3A = arith.constant 0 : i32
    %cond3A_39 = arith.cmpi ne, %convert_element_type3A, %cond3A : i32
    scf.if %cond3A_39 {
      "tpu.region"() ({
        %run_scoped3A_79 = tpu.sem_alloc : memref<!tpu.dma_semaphore, #tpu.memory_space<semaphore_mem>>
        %dma_start3A_80 = arith.constant 9984 : i32
        %dma_start3A_81 = arith.constant 0 : i32
        %dma_start3A_82 = tpu.memref_slice %arg6[%dma_start3A_80, %dma_start3A_81] : memref<10128x128xf32, #tpu.memory_space<vmem_shared>> -> memref<48x128xf32, #tpu.memory_space<vmem_shared>>
        %dma_start3A_83 = arith.constant 9984 : i32
        %dma_start3A_84 = arith.constant 0 : i32
        %dma_start3A_85 = tpu.memref_slice %arg6[%dma_start3A_83, %dma_start3A_84] : memref<10128x128xf32, #tpu.memory_space<vmem_shared>> -> memref<48x128xf32, #tpu.memory_space<vmem_shared>>
        tpu.enqueue_dma source(%arg12 : memref<48x128xf32, #tpu.memory_space<vmem>>) target(%dma_start3A_85 : memref<48x128xf32, #tpu.memory_space<vmem_shared>>) target_semaphore(%run_scoped3A_79 : memref<!tpu.dma_semaphore, #tpu.memory_space<semaphore_mem>>)
        %dma_wait3A_86 = arith.constant 9984 : i32
        %dma_wait3A_87 = arith.constant 0 : i32
        %dma_wait3A_88 = tpu.memref_slice %arg6[%dma_wait3A_86, %dma_wait3A_87] : memref<10128x128xf32, #tpu.memory_space<vmem_shared>> -> memref<48x128xf32, #tpu.memory_space<vmem_shared>>
        %dma_wait3A_89 = arith.constant 9984 : i32
        %dma_wait3A_90 = arith.constant 0 : i32
        %dma_wait3A_91 = tpu.memref_slice %arg6[%dma_wait3A_89, %dma_wait3A_90] : memref<10128x128xf32, #tpu.memory_space<vmem_shared>> -> memref<48x128xf32, #tpu.memory_space<vmem_shared>>
        tpu.wait_dma2 semaphore(%run_scoped3A_79 : memref<!tpu.dma_semaphore, #tpu.memory_space<semaphore_mem>>) src(%arg12 : memref<48x128xf32, #tpu.memory_space<vmem>>) dst(%dma_wait3A_91 : memref<48x128xf32, #tpu.memory_space<vmem_shared>>)
        tpu.yield
      }) : () -> ()
      "tpu.region"() ({
        %run_scoped3A_79 = tpu.sem_alloc : memref<!tpu.dma_semaphore, #tpu.memory_space<semaphore_mem>>
        %dma_start3A_80 = arith.constant 10032 : i32
        %dma_start3A_81 = arith.constant 0 : i32
        %dma_start3A_82 = tpu.memref_slice %arg6[%dma_start3A_80, %dma_start3A_81] : memref<10128x128xf32, #tpu.memory_space<vmem_shared>> -> memref<48x128xf32, #tpu.memory_space<vmem_shared>>
        %dma_start3A_83 = arith.constant 10032 : i32
        %dma_start3A_84 = arith.constant 0 : i32
        %dma_start3A_85 = tpu.memref_slice %arg6[%dma_start3A_83, %dma_start3A_84] : memref<10128x128xf32, #tpu.memory_space<vmem_shared>> -> memref<48x128xf32, #tpu.memory_space<vmem_shared>>
        tpu.enqueue_dma source(%arg12 : memref<48x128xf32, #tpu.memory_space<vmem>>) target(%dma_start3A_85 : memref<48x128xf32, #tpu.memory_space<vmem_shared>>) target_semaphore(%run_scoped3A_79 : memref<!tpu.dma_semaphore, #tpu.memory_space<semaphore_mem>>)
        %dma_wait3A_86 = arith.constant 10032 : i32
        %dma_wait3A_87 = arith.constant 0 : i32
        %dma_wait3A_88 = tpu.memref_slice %arg6[%dma_wait3A_86, %dma_wait3A_87] : memref<10128x128xf32, #tpu.memory_space<vmem_shared>> -> memref<48x128xf32, #tpu.memory_space<vmem_shared>>
        %dma_wait3A_89 = arith.constant 10032 : i32
        %dma_wait3A_90 = arith.constant 0 : i32
        %dma_wait3A_91 = tpu.memref_slice %arg6[%dma_wait3A_89, %dma_wait3A_90] : memref<10128x128xf32, #tpu.memory_space<vmem_shared>> -> memref<48x128xf32, #tpu.memory_space<vmem_shared>>
        tpu.wait_dma2 semaphore(%run_scoped3A_79 : memref<!tpu.dma_semaphore, #tpu.memory_space<semaphore_mem>>) src(%arg12 : memref<48x128xf32, #tpu.memory_space<vmem>>) dst(%dma_wait3A_91 : memref<48x128xf32, #tpu.memory_space<vmem_shared>>)
        tpu.yield
      }) : () -> ()
      "tpu.region"() ({
        %run_scoped3A_79 = tpu.sem_alloc : memref<!tpu.dma_semaphore, #tpu.memory_space<semaphore_mem>>
        %dma_start3A_80 = arith.constant 10080 : i32
        %dma_start3A_81 = arith.constant 0 : i32
        %dma_start3A_82 = tpu.memref_slice %arg6[%dma_start3A_80, %dma_start3A_81] : memref<10128x128xf32, #tpu.memory_space<vmem_shared>> -> memref<48x128xf32, #tpu.memory_space<vmem_shared>>
        %dma_start3A_83 = arith.constant 10080 : i32
        %dma_start3A_84 = arith.constant 0 : i32
        %dma_start3A_85 = tpu.memref_slice %arg6[%dma_start3A_83, %dma_start3A_84] : memref<10128x128xf32, #tpu.memory_space<vmem_shared>> -> memref<48x128xf32, #tpu.memory_space<vmem_shared>>
        tpu.enqueue_dma source(%arg12 : memref<48x128xf32, #tpu.memory_space<vmem>>) target(%dma_start3A_85 : memref<48x128xf32, #tpu.memory_space<vmem_shared>>) target_semaphore(%run_scoped3A_79 : memref<!tpu.dma_semaphore, #tpu.memory_space<semaphore_mem>>)
        %dma_wait3A_86 = arith.constant 10080 : i32
        %dma_wait3A_87 = arith.constant 0 : i32
        %dma_wait3A_88 = tpu.memref_slice %arg6[%dma_wait3A_86, %dma_wait3A_87] : memref<10128x128xf32, #tpu.memory_space<vmem_shared>> -> memref<48x128xf32, #tpu.memory_space<vmem_shared>>
        %dma_wait3A_89 = arith.constant 10080 : i32
        %dma_wait3A_90 = arith.constant 0 : i32
        %dma_wait3A_91 = tpu.memref_slice %arg6[%dma_wait3A_89, %dma_wait3A_90] : memref<10128x128xf32, #tpu.memory_space<vmem_shared>> -> memref<48x128xf32, #tpu.memory_space<vmem_shared>>
        tpu.wait_dma2 semaphore(%run_scoped3A_79 : memref<!tpu.dma_semaphore, #tpu.memory_space<semaphore_mem>>) src(%arg12 : memref<48x128xf32, #tpu.memory_space<vmem>>) dst(%dma_wait3A_91 : memref<48x128xf32, #tpu.memory_space<vmem_shared>>)
        tpu.yield
      }) : () -> ()
    } else {
    }
    %barrier3A = arith.constant 0 : index
    tpu.barrier barrier_id(%barrier3A)
    %run_scoped3A = arith.constant 0 : i32
    "tpu.region"() ({
      %run_scoped3A_79 = tpu.sem_alloc : memref<!tpu.dma_semaphore, #tpu.memory_space<semaphore_mem>>
      %dma_start3A_80 = arith.constant 0 : i32
      %dma_start3A_81 = tpu.memref_slice %arg3[%mul3A_2, %run_scoped3A, %dma_start3A_80] : memref<2560x1x128xi32, #tpu.memory_space<hbm>> -> memref<1x1x128xi32, #tpu.memory_space<hbm>>
      %dma_start3A_82 = tpu.memref_squeeze %dma_start3A_81 : memref<1x1x128xi32, #tpu.memory_space<hbm>> -> memref<128xi32, #tpu.memory_space<hbm>>
      %dma_start3A_83 = arith.constant 0 : i32
      %dma_start3A_84 = tpu.memref_slice %arg3[%mul3A_2, %run_scoped3A, %dma_start3A_83] : memref<2560x1x128xi32, #tpu.memory_space<hbm>> -> memref<1x1x128xi32, #tpu.memory_space<hbm>>
      %dma_start3A_85 = tpu.memref_squeeze %dma_start3A_84 : memref<1x1x128xi32, #tpu.memory_space<hbm>> -> memref<128xi32, #tpu.memory_space<hbm>>
      tpu.enqueue_dma source(%dma_start3A_85 : memref<128xi32, #tpu.memory_space<hbm>>) target(%arg9 : memref<128xi32, #tpu.memory_space<vmem>>) target_semaphore(%run_scoped3A_79 : memref<!tpu.dma_semaphore, #tpu.memory_space<semaphore_mem>>)
      %dma_wait3A_86 = arith.constant 0 : i32
      %dma_wait3A_87 = tpu.memref_slice %arg3[%mul3A_2, %run_scoped3A, %dma_wait3A_86] : memref<2560x1x128xi32, #tpu.memory_space<hbm>> -> memref<1x1x128xi32, #tpu.memory_space<hbm>>
      %dma_wait3A_88 = tpu.memref_squeeze %dma_wait3A_87 : memref<1x1x128xi32, #tpu.memory_space<hbm>> -> memref<128xi32, #tpu.memory_space<hbm>>
      %dma_wait3A_89 = arith.constant 0 : i32
      %dma_wait3A_90 = tpu.memref_slice %arg3[%mul3A_2, %run_scoped3A, %dma_wait3A_89] : memref<2560x1x128xi32, #tpu.memory_space<hbm>> -> memref<1x1x128xi32, #tpu.memory_space<hbm>>
      %dma_wait3A_91 = tpu.memref_squeeze %dma_wait3A_90 : memref<1x1x128xi32, #tpu.memory_space<hbm>> -> memref<128xi32, #tpu.memory_space<hbm>>
      tpu.wait_dma2 semaphore(%run_scoped3A_79 : memref<!tpu.dma_semaphore, #tpu.memory_space<semaphore_mem>>) src(%dma_wait3A_91 : memref<128xi32, #tpu.memory_space<hbm>>) dst(%arg9 : memref<128xi32, #tpu.memory_space<vmem>>)
      tpu.yield
    }) : () -> ()
    %add3A_40 = arith.constant 1 : i32
    %add3A_41 = arith.addi %mul3A_2, %add3A_40 : i32
    %dma_start3A = arith.constant 0 : i32
    %dma_start3A_42 = arith.constant 0 : i32
    %dma_start3A_43 = tpu.memref_slice %arg3[%add3A_41, %dma_start3A, %dma_start3A_42] : memref<2560x1x128xi32, #tpu.memory_space<hbm>> -> memref<1x1x128xi32, #tpu.memory_space<hbm>>
    %dma_start3A_44 = tpu.memref_squeeze %dma_start3A_43 : memref<1x1x128xi32, #tpu.memory_space<hbm>> -> memref<128xi32, #tpu.memory_space<hbm>>
    %dma_start3A_45 = arith.constant 0 : i32
    %dma_start3A_46 = tpu.memref_slice %arg3[%add3A_41, %dma_start3A, %dma_start3A_45] : memref<2560x1x128xi32, #tpu.memory_space<hbm>> -> memref<1x1x128xi32, #tpu.memory_space<hbm>>
    %dma_start3A_47 = tpu.memref_squeeze %dma_start3A_46 : memref<1x1x128xi32, #tpu.memory_space<hbm>> -> memref<128xi32, #tpu.memory_space<hbm>>
    tpu.enqueue_dma source(%dma_start3A_47 : memref<128xi32, #tpu.memory_space<hbm>>) target(%arg10 : memref<128xi32, #tpu.memory_space<vmem>>) target_semaphore(%arg16 : memref<!tpu.dma_semaphore, #tpu.memory_space<semaphore_mem>>)
    %dma_start3A_48 = arith.constant 0 : i32
    %dma_start3A_49 = arith.constant 0 : i32
    %dma_start3A_50 = tpu.memref_slice %arg2[%dma_start3A_48, %dma_start3A_49] : memref<10000x128xf32, #tpu.memory_space<hbm>> -> memref<10000x128xf32, #tpu.memory_space<hbm>>
    tpu.enqueue_indirect_dma source(%dma_start3A_50 : memref<10000x128xf32, #tpu.memory_space<hbm>>) target(%arg7 : memref<128x128xf32, #tpu.memory_space<vmem>>) offsets(%arg9 : memref<128xi32, #tpu.memory_space<vmem>>) semaphore(%arg13 : memref<!tpu.dma_semaphore, #tpu.memory_space<semaphore_mem>>)
    %scan3A_51 = arith.constant 0 : i32
    %scan3A_52 = arith.constant 0 : i32
    %scan3A_53 = arith.constant 40 : i32
    %scan3A_54 = arith.addi %scan3A_52, %scan3A_53 : i32
    %scan3A_55 = arith.constant 1 : i32
    %scan3A_56 = scf.for %scan3A_79 = %scan3A_52 to %scan3A_54 step %scan3A_55 iter_args(%scan3A_80 = %scan3A_51) -> (i32)  : i32 {
      %mul3A_81 = arith.constant 2 : i32
      %mul3A_82 = arith.muli %mul3A_81, %scan3A_79 : i32
      %dma_wait3A_83 = arith.constant 0 : i32
      %dma_wait3A_84 = arith.constant 0 : i32
      %dma_wait3A_85 = tpu.memref_slice %arg2[%dma_wait3A_83, %dma_wait3A_84] : memref<10000x128xf32, #tpu.memory_space<hbm>> -> memref<10000x128xf32, #tpu.memory_space<hbm>>
      tpu.wait_indirect_dma semaphore(%arg13 : memref<!tpu.dma_semaphore, #tpu.memory_space<semaphore_mem>>) src(%dma_wait3A_85 : memref<10000x128xf32, #tpu.memory_space<hbm>>) dst(%arg7 : memref<128x128xf32, #tpu.memory_space<vmem>>)
      %add3A_86 = arith.constant 2 : i32
      %add3A_87 = arith.addi %mul3A_82, %add3A_86 : i32
      %lt3A = arith.constant 80 : i32
      %lt3A_88 = arith.cmpi slt, %add3A_87, %lt3A : i32
      %convert_element_type3A_89 = arith.extui %lt3A_88 : i1 to i32
      %cond3A_90 = arith.constant 0 : i32
      %cond3A_91 = arith.cmpi ne, %convert_element_type3A_89, %cond3A_90 : i32
      scf.if %cond3A_91 {
        %add3A_133 = arith.constant 2 : i32
        %add3A_134 = arith.addi %mul3A_82, %add3A_133 : i32
        %add3A_135 = arith.addi %mul3A_2, %add3A_134 : i32
        %dma_start3A_136 = arith.constant 0 : i32
        %dma_start3A_137 = arith.constant 0 : i32
        %dma_start3A_138 = tpu.memref_slice %arg3[%add3A_135, %dma_start3A_136, %dma_start3A_137] : memref<2560x1x128xi32, #tpu.memory_space<hbm>> -> memref<1x1x128xi32, #tpu.memory_space<hbm>>
        %dma_start3A_139 = tpu.memref_squeeze %dma_start3A_138 : memref<1x1x128xi32, #tpu.memory_space<hbm>> -> memref<128xi32, #tpu.memory_space<hbm>>
        %dma_start3A_140 = arith.constant 0 : i32
        %dma_start3A_141 = tpu.memref_slice %arg3[%add3A_135, %dma_start3A_136, %dma_start3A_140] : memref<2560x1x128xi32, #tpu.memory_space<hbm>> -> memref<1x1x128xi32, #tpu.memory_space<hbm>>
        %dma_start3A_142 = tpu.memref_squeeze %dma_start3A_141 : memref<1x1x128xi32, #tpu.memory_space<hbm>> -> memref<128xi32, #tpu.memory_space<hbm>>
        tpu.enqueue_dma source(%dma_start3A_142 : memref<128xi32, #tpu.memory_space<hbm>>) target(%arg9 : memref<128xi32, #tpu.memory_space<vmem>>) target_semaphore(%arg15 : memref<!tpu.dma_semaphore, #tpu.memory_space<semaphore_mem>>)
      } else {
      }
      %dma_start3A_92 = arith.constant 0 : i32
      %dma_start3A_93 = arith.constant 0 : i32
      %dma_start3A_94 = tpu.memref_slice %arg11[%mul3A_82, %dma_start3A_92, %dma_start3A_93] : memref<80x1x128xi32, #tpu.memory_space<vmem>> -> memref<1x1x128xi32, #tpu.memory_space<vmem>>
      %dma_start3A_95 = tpu.memref_squeeze %dma_start3A_94 : memref<1x1x128xi32, #tpu.memory_space<vmem>> -> memref<128xi32, #tpu.memory_space<vmem>>
      %dma_start3A_96 = arith.constant 0 : i32
      %dma_start3A_97 = arith.constant 0 : i32
      %dma_start3A_98 = tpu.memref_slice %arg6[%dma_start3A_96, %dma_start3A_97] : memref<10128x128xf32, #tpu.memory_space<vmem_shared>> -> memref<10128x128xf32, #tpu.memory_space<vmem_shared>>
      tpu.enqueue_indirect_dma source(%arg7 : memref<128x128xf32, #tpu.memory_space<vmem>>) target(%dma_start3A_98 : memref<10128x128xf32, #tpu.memory_space<vmem_shared>>) offsets(%dma_start3A_95 : memref<128xi32, #tpu.memory_space<vmem>>) semaphore(%arg17 : memref<!tpu.dma_semaphore, #tpu.memory_space<semaphore_mem>>) {add = true}
      %add3A_99 = arith.constant 1 : i32
      %add3A_100 = arith.addi %mul3A_82, %add3A_99 : i32
      %lt3A_101 = arith.constant 80 : i32
      %lt3A_102 = arith.cmpi slt, %add3A_100, %lt3A_101 : i32
      %convert_element_type3A_103 = arith.extui %lt3A_102 : i1 to i32
      %cond3A_104 = arith.constant 0 : i32
      %cond3A_105 = arith.cmpi ne, %convert_element_type3A_103, %cond3A_104 : i32
      scf.if %cond3A_105 {
        %dma_wait3A_133 = arith.constant 0 : i32
        %dma_wait3A_134 = arith.constant 0 : i32
        %dma_wait3A_135 = arith.constant 0 : i32
        %dma_wait3A_136 = tpu.memref_slice %arg3[%dma_wait3A_133, %dma_wait3A_134, %dma_wait3A_135] : memref<2560x1x128xi32, #tpu.memory_space<hbm>> -> memref<1x1x128xi32, #tpu.memory_space<hbm>>
        %dma_wait3A_137 = tpu.memref_squeeze %dma_wait3A_136 : memref<1x1x128xi32, #tpu.memory_space<hbm>> -> memref<128xi32, #tpu.memory_space<hbm>>
        %dma_wait3A_138 = arith.constant 0 : i32
        %dma_wait3A_139 = tpu.memref_slice %arg3[%dma_wait3A_133, %dma_wait3A_134, %dma_wait3A_138] : memref<2560x1x128xi32, #tpu.memory_space<hbm>> -> memref<1x1x128xi32, #tpu.memory_space<hbm>>
        %dma_wait3A_140 = tpu.memref_squeeze %dma_wait3A_139 : memref<1x1x128xi32, #tpu.memory_space<hbm>> -> memref<128xi32, #tpu.memory_space<hbm>>
        tpu.wait_dma2 semaphore(%arg16 : memref<!tpu.dma_semaphore, #tpu.memory_space<semaphore_mem>>) src(%dma_wait3A_140 : memref<128xi32, #tpu.memory_space<hbm>>) dst(%arg10 : memref<128xi32, #tpu.memory_space<vmem>>)
        %gt3A = arith.constant 0 : i32
        %gt3A_141 = arith.cmpi sgt, %mul3A_82, %gt3A : i32
        %convert_element_type3A_142 = arith.extui %gt3A_141 : i1 to i32
        %cond3A_143 = arith.constant 0 : i32
        %cond3A_144 = arith.cmpi ne, %convert_element_type3A_142, %cond3A_143 : i32
        scf.if %cond3A_144 {
          %dma_wait3A_148 = arith.constant 0 : i32
          %dma_wait3A_149 = arith.constant 0 : i32
          %dma_wait3A_150 = arith.constant 0 : i32
          %dma_wait3A_151 = tpu.memref_slice %arg11[%dma_wait3A_148, %dma_wait3A_149, %dma_wait3A_150] : memref<80x1x128xi32, #tpu.memory_space<vmem>> -> memref<1x1x128xi32, #tpu.memory_space<vmem>>
          %dma_wait3A_152 = tpu.memref_squeeze %dma_wait3A_151 : memref<1x1x128xi32, #tpu.memory_space<vmem>> -> memref<128xi32, #tpu.memory_space<vmem>>
          %dma_wait3A_153 = arith.constant 0 : i32
          %dma_wait3A_154 = arith.constant 0 : i32
          %dma_wait3A_155 = tpu.memref_slice %arg6[%dma_wait3A_153, %dma_wait3A_154] : memref<10128x128xf32, #tpu.memory_space<vmem_shared>> -> memref<10128x128xf32, #tpu.memory_space<vmem_shared>>
          tpu.wait_indirect_dma semaphore(%arg18 : memref<!tpu.dma_semaphore, #tpu.memory_space<semaphore_mem>>) src(%arg8 : memref<128x128xf32, #tpu.memory_space<vmem>>) dst(%dma_wait3A_155 : memref<10128x128xf32, #tpu.memory_space<vmem_shared>>)
        } else {
        }
        %dma_start3A_145 = arith.constant 0 : i32
        %dma_start3A_146 = arith.constant 0 : i32
        %dma_start3A_147 = tpu.memref_slice %arg2[%dma_start3A_145, %dma_start3A_146] : memref<10000x128xf32, #tpu.memory_space<hbm>> -> memref<10000x128xf32, #tpu.memory_space<hbm>>
        tpu.enqueue_indirect_dma source(%dma_start3A_147 : memref<10000x128xf32, #tpu.memory_space<hbm>>) target(%arg8 : memref<128x128xf32, #tpu.memory_space<vmem>>) offsets(%arg10 : memref<128xi32, #tpu.memory_space<vmem>>) semaphore(%arg14 : memref<!tpu.dma_semaphore, #tpu.memory_space<semaphore_mem>>)
      } else {
      }
      %add3A_106 = arith.constant 1 : i32
      %add3A_107 = arith.addi %mul3A_82, %add3A_106 : i32
      %dma_wait3A_108 = arith.constant 0 : i32
      %dma_wait3A_109 = arith.constant 0 : i32
      %dma_wait3A_110 = tpu.memref_slice %arg2[%dma_wait3A_108, %dma_wait3A_109] : memref<10000x128xf32, #tpu.memory_space<hbm>> -> memref<10000x128xf32, #tpu.memory_space<hbm>>
      tpu.wait_indirect_dma semaphore(%arg14 : memref<!tpu.dma_semaphore, #tpu.memory_space<semaphore_mem>>) src(%dma_wait3A_110 : memref<10000x128xf32, #tpu.memory_space<hbm>>) dst(%arg8 : memref<128x128xf32, #tpu.memory_space<vmem>>)
      %add3A_111 = arith.constant 2 : i32
      %add3A_112 = arith.addi %add3A_107, %add3A_111 : i32
      %lt3A_113 = arith.constant 80 : i32
      %lt3A_114 = arith.cmpi slt, %add3A_112, %lt3A_113 : i32
      %convert_element_type3A_115 = arith.extui %lt3A_114 : i1 to i32
      %cond3A_116 = arith.constant 0 : i32
      %cond3A_117 = arith.cmpi ne, %convert_element_type3A_115, %cond3A_116 : i32
      scf.if %cond3A_117 {
        %add3A_133 = arith.constant 2 : i32
        %add3A_134 = arith.addi %add3A_107, %add3A_133 : i32
        %add3A_135 = arith.addi %mul3A_2, %add3A_134 : i32
        %dma_start3A_136 = arith.constant 0 : i32
        %dma_start3A_137 = arith.constant 0 : i32
        %dma_start3A_138 = tpu.memref_slice %arg3[%add3A_135, %dma_start3A_136, %dma_start3A_137] : memref<2560x1x128xi32, #tpu.memory_space<hbm>> -> memref<1x1x128xi32, #tpu.memory_space<hbm>>
        %dma_start3A_139 = tpu.memref_squeeze %dma_start3A_138 : memref<1x1x128xi32, #tpu.memory_space<hbm>> -> memref<128xi32, #tpu.memory_space<hbm>>
        %dma_start3A_140 = arith.constant 0 : i32
        %dma_start3A_141 = tpu.memref_slice %arg3[%add3A_135, %dma_start3A_136, %dma_start3A_140] : memref<2560x1x128xi32, #tpu.memory_space<hbm>> -> memref<1x1x128xi32, #tpu.memory_space<hbm>>
        %dma_start3A_142 = tpu.memref_squeeze %dma_start3A_141 : memref<1x1x128xi32, #tpu.memory_space<hbm>> -> memref<128xi32, #tpu.memory_space<hbm>>
        tpu.enqueue_dma source(%dma_start3A_142 : memref<128xi32, #tpu.memory_space<hbm>>) target(%arg10 : memref<128xi32, #tpu.memory_space<vmem>>) target_semaphore(%arg16 : memref<!tpu.dma_semaphore, #tpu.memory_space<semaphore_mem>>)
      } else {
      }
      %dma_start3A_118 = arith.constant 0 : i32
      %dma_start3A_119 = arith.constant 0 : i32
      %dma_start3A_120 = tpu.memref_slice %arg11[%add3A_107, %dma_start3A_118, %dma_start3A_119] : memref<80x1x128xi32, #tpu.memory_space<vmem>> -> memref<1x1x128xi32, #tpu.memory_space<vmem>>
      %dma_start3A_121 = tpu.memref_squeeze %dma_start3A_120 : memref<1x1x128xi32, #tpu.memory_space<vmem>> -> memref<128xi32, #tpu.memory_space<vmem>>
      %dma_start3A_122 = arith.constant 0 : i32
      %dma_start3A_123 = arith.constant 0 : i32
      %dma_start3A_124 = tpu.memref_slice %arg6[%dma_start3A_122, %dma_start3A_123] : memref<10128x128xf32, #tpu.memory_space<vmem_shared>> -> memref<10128x128xf32, #tpu.memory_space<vmem_shared>>
      tpu.enqueue_indirect_dma source(%arg8 : memref<128x128xf32, #tpu.memory_space<vmem>>) target(%dma_start3A_124 : memref<10128x128xf32, #tpu.memory_space<vmem_shared>>) offsets(%dma_start3A_121 : memref<128xi32, #tpu.memory_space<vmem>>) semaphore(%arg18 : memref<!tpu.dma_semaphore, #tpu.memory_space<semaphore_mem>>) {add = true}
      %add3A_125 = arith.constant 1 : i32
      %add3A_126 = arith.addi %add3A_107, %add3A_125 : i32
      %lt3A_127 = arith.constant 80 : i32
      %lt3A_128 = arith.cmpi slt, %add3A_126, %lt3A_127 : i32
      %convert_element_type3A_129 = arith.extui %lt3A_128 : i1 to i32
      %cond3A_130 = arith.constant 0 : i32
      %cond3A_131 = arith.cmpi ne, %convert_element_type3A_129, %cond3A_130 : i32
      scf.if %cond3A_131 {
        %dma_wait3A_133 = arith.constant 0 : i32
        %dma_wait3A_134 = arith.constant 0 : i32
        %dma_wait3A_135 = arith.constant 0 : i32
        %dma_wait3A_136 = tpu.memref_slice %arg3[%dma_wait3A_133, %dma_wait3A_134, %dma_wait3A_135] : memref<2560x1x128xi32, #tpu.memory_space<hbm>> -> memref<1x1x128xi32, #tpu.memory_space<hbm>>
        %dma_wait3A_137 = tpu.memref_squeeze %dma_wait3A_136 : memref<1x1x128xi32, #tpu.memory_space<hbm>> -> memref<128xi32, #tpu.memory_space<hbm>>
        %dma_wait3A_138 = arith.constant 0 : i32
        %dma_wait3A_139 = tpu.memref_slice %arg3[%dma_wait3A_133, %dma_wait3A_134, %dma_wait3A_138] : memref<2560x1x128xi32, #tpu.memory_space<hbm>> -> memref<1x1x128xi32, #tpu.memory_space<hbm>>
        %dma_wait3A_140 = tpu.memref_squeeze %dma_wait3A_139 : memref<1x1x128xi32, #tpu.memory_space<hbm>> -> memref<128xi32, #tpu.memory_space<hbm>>
        tpu.wait_dma2 semaphore(%arg15 : memref<!tpu.dma_semaphore, #tpu.memory_space<semaphore_mem>>) src(%dma_wait3A_140 : memref<128xi32, #tpu.memory_space<hbm>>) dst(%arg9 : memref<128xi32, #tpu.memory_space<vmem>>)
        %gt3A = arith.constant 0 : i32
        %gt3A_141 = arith.cmpi sgt, %add3A_107, %gt3A : i32
        %convert_element_type3A_142 = arith.extui %gt3A_141 : i1 to i32
        %cond3A_143 = arith.constant 0 : i32
        %cond3A_144 = arith.cmpi ne, %convert_element_type3A_142, %cond3A_143 : i32
        scf.if %cond3A_144 {
          %dma_wait3A_148 = arith.constant 0 : i32
          %dma_wait3A_149 = arith.constant 0 : i32
          %dma_wait3A_150 = arith.constant 0 : i32
          %dma_wait3A_151 = tpu.memref_slice %arg11[%dma_wait3A_148, %dma_wait3A_149, %dma_wait3A_150] : memref<80x1x128xi32, #tpu.memory_space<vmem>> -> memref<1x1x128xi32, #tpu.memory_space<vmem>>
          %dma_wait3A_152 = tpu.memref_squeeze %dma_wait3A_151 : memref<1x1x128xi32, #tpu.memory_space<vmem>> -> memref<128xi32, #tpu.memory_space<vmem>>
          %dma_wait3A_153 = arith.constant 0 : i32
          %dma_wait3A_154 = arith.constant 0 : i32
          %dma_wait3A_155 = tpu.memref_slice %arg6[%dma_wait3A_153, %dma_wait3A_154] : memref<10128x128xf32, #tpu.memory_space<vmem_shared>> -> memref<10128x128xf32, #tpu.memory_space<vmem_shared>>
          tpu.wait_indirect_dma semaphore(%arg17 : memref<!tpu.dma_semaphore, #tpu.memory_space<semaphore_mem>>) src(%arg7 : memref<128x128xf32, #tpu.memory_space<vmem>>) dst(%dma_wait3A_155 : memref<10128x128xf32, #tpu.memory_space<vmem_shared>>)
        } else {
        }
        %dma_start3A_145 = arith.constant 0 : i32
        %dma_start3A_146 = arith.constant 0 : i32
        %dma_start3A_147 = tpu.memref_slice %arg2[%dma_start3A_145, %dma_start3A_146] : memref<10000x128xf32, #tpu.memory_space<hbm>> -> memref<10000x128xf32, #tpu.memory_space<hbm>>
        tpu.enqueue_indirect_dma source(%dma_start3A_147 : memref<10000x128xf32, #tpu.memory_space<hbm>>) target(%arg7 : memref<128x128xf32, #tpu.memory_space<vmem>>) offsets(%arg9 : memref<128xi32, #tpu.memory_space<vmem>>) semaphore(%arg13 : memref<!tpu.dma_semaphore, #tpu.memory_space<semaphore_mem>>)
      } else {
      }
      %scan3A_132 = arith.constant 0 : i32
      scf.yield %scan3A_132 : i32
    }
    %scan3A_57 = arith.constant 40 : i32
    %dma_wait3A = arith.constant 0 : i32
    %dma_wait3A_58 = arith.constant 0 : i32
    %dma_wait3A_59 = arith.constant 0 : i32
    %dma_wait3A_60 = tpu.memref_slice %arg11[%dma_wait3A, %dma_wait3A_58, %dma_wait3A_59] : memref<80x1x128xi32, #tpu.memory_space<vmem>> -> memref<1x1x128xi32, #tpu.memory_space<vmem>>
    %dma_wait3A_61 = tpu.memref_squeeze %dma_wait3A_60 : memref<1x1x128xi32, #tpu.memory_space<vmem>> -> memref<128xi32, #tpu.memory_space<vmem>>
    %dma_wait3A_62 = arith.constant 0 : i32
    %dma_wait3A_63 = arith.constant 0 : i32
    %dma_wait3A_64 = tpu.memref_slice %arg6[%dma_wait3A_62, %dma_wait3A_63] : memref<10128x128xf32, #tpu.memory_space<vmem_shared>> -> memref<10128x128xf32, #tpu.memory_space<vmem_shared>>
    tpu.wait_indirect_dma semaphore(%arg17 : memref<!tpu.dma_semaphore, #tpu.memory_space<semaphore_mem>>) src(%arg7 : memref<128x128xf32, #tpu.memory_space<vmem>>) dst(%dma_wait3A_64 : memref<10128x128xf32, #tpu.memory_space<vmem_shared>>)
    %dma_wait3A_65 = arith.constant 0 : i32
    %dma_wait3A_66 = arith.constant 0 : i32
    %dma_wait3A_67 = arith.constant 0 : i32
    %dma_wait3A_68 = tpu.memref_slice %arg11[%dma_wait3A_65, %dma_wait3A_66, %dma_wait3A_67] : memref<80x1x128xi32, #tpu.memory_space<vmem>> -> memref<1x1x128xi32, #tpu.memory_space<vmem>>
    %dma_wait3A_69 = tpu.memref_squeeze %dma_wait3A_68 : memref<1x1x128xi32, #tpu.memory_space<vmem>> -> memref<128xi32, #tpu.memory_space<vmem>>
    %dma_wait3A_70 = arith.constant 0 : i32
    %dma_wait3A_71 = arith.constant 0 : i32
    %dma_wait3A_72 = tpu.memref_slice %arg6[%dma_wait3A_70, %dma_wait3A_71] : memref<10128x128xf32, #tpu.memory_space<vmem_shared>> -> memref<10128x128xf32, #tpu.memory_space<vmem_shared>>
    tpu.wait_indirect_dma semaphore(%arg18 : memref<!tpu.dma_semaphore, #tpu.memory_space<semaphore_mem>>) src(%arg8 : memref<128x128xf32, #tpu.memory_space<vmem>>) dst(%dma_wait3A_72 : memref<10128x128xf32, #tpu.memory_space<vmem_shared>>)
    %barrier3A_73 = arith.constant 0 : index
    tpu.barrier barrier_id(%barrier3A_73)
    "tpu.region"() ({
      %run_scoped3A_79 = tpu.sem_alloc : memref<!tpu.dma_semaphore, #tpu.memory_space<semaphore_mem>>
      %dma_start3A_80 = arith.constant 0 : i32
      %dma_start3A_81 = tpu.memref_slice %arg5[%arg0, %mul3A_11, %dma_start3A_80] : memref<2x10000x128xf32, #tpu.memory_space<hbm>> -> memref<1x624x128xf32, #tpu.memory_space<hbm>>
      %dma_start3A_82 = tpu.memref_squeeze %dma_start3A_81 : memref<1x624x128xf32, #tpu.memory_space<hbm>> -> memref<624x128xf32, #tpu.memory_space<hbm>>
      %dma_start3A_83 = arith.constant 0 : i32
      %dma_start3A_84 = tpu.memref_slice %arg6[%mul3A_11, %dma_start3A_83] : memref<10128x128xf32, #tpu.memory_space<vmem_shared>> -> memref<624x128xf32, #tpu.memory_space<vmem_shared>>
      tpu.enqueue_dma source(%dma_start3A_84 : memref<624x128xf32, #tpu.memory_space<vmem_shared>>) target(%dma_start3A_82 : memref<624x128xf32, #tpu.memory_space<hbm>>) target_semaphore(%run_scoped3A_79 : memref<!tpu.dma_semaphore, #tpu.memory_space<semaphore_mem>>)
      %dma_wait3A_85 = arith.constant 0 : i32
      %dma_wait3A_86 = tpu.memref_slice %arg5[%arg0, %mul3A_11, %dma_wait3A_85] : memref<2x10000x128xf32, #tpu.memory_space<hbm>> -> memref<1x624x128xf32, #tpu.memory_space<hbm>>
      %dma_wait3A_87 = tpu.memref_squeeze %dma_wait3A_86 : memref<1x624x128xf32, #tpu.memory_space<hbm>> -> memref<624x128xf32, #tpu.memory_space<hbm>>
      %dma_wait3A_88 = arith.constant 0 : i32
      %dma_wait3A_89 = tpu.memref_slice %arg6[%mul3A_11, %dma_wait3A_88] : memref<10128x128xf32, #tpu.memory_space<vmem_shared>> -> memref<624x128xf32, #tpu.memory_space<vmem_shared>>
      tpu.wait_dma2 semaphore(%run_scoped3A_79 : memref<!tpu.dma_semaphore, #tpu.memory_space<semaphore_mem>>) src(%dma_wait3A_89 : memref<624x128xf32, #tpu.memory_space<vmem_shared>>) dst(%dma_wait3A_87 : memref<624x128xf32, #tpu.memory_space<hbm>>)
      tpu.yield
    }) : () -> ()
    %eq3A_74 = arith.constant 15 : i32
    %eq3A_75 = arith.cmpi eq, %arg1, %eq3A_74 : i32
    %convert_element_type3A_76 = arith.extui %eq3A_75 : i1 to i32
    %cond3A_77 = arith.constant 0 : i32
    %cond3A_78 = arith.cmpi ne, %convert_element_type3A_76, %cond3A_77 : i32
    scf.if %cond3A_78 {
      "tpu.region"() ({
        %run_scoped3A_79 = tpu.sem_alloc : memref<!tpu.dma_semaphore, #tpu.memory_space<semaphore_mem>>
        %dma_start3A_80 = arith.constant 9984 : i32
        %dma_start3A_81 = arith.constant 0 : i32
        %dma_start3A_82 = tpu.memref_slice %arg5[%arg0, %dma_start3A_80, %dma_start3A_81] : memref<2x10000x128xf32, #tpu.memory_space<hbm>> -> memref<1x16x128xf32, #tpu.memory_space<hbm>>
        %dma_start3A_83 = tpu.memref_squeeze %dma_start3A_82 : memref<1x16x128xf32, #tpu.memory_space<hbm>> -> memref<16x128xf32, #tpu.memory_space<hbm>>
        %dma_start3A_84 = arith.constant 9984 : i32
        %dma_start3A_85 = arith.constant 0 : i32
        %dma_start3A_86 = tpu.memref_slice %arg6[%dma_start3A_84, %dma_start3A_85] : memref<10128x128xf32, #tpu.memory_space<vmem_shared>> -> memref<16x128xf32, #tpu.memory_space<vmem_shared>>
        tpu.enqueue_dma source(%dma_start3A_86 : memref<16x128xf32, #tpu.memory_space<vmem_shared>>) target(%dma_start3A_83 : memref<16x128xf32, #tpu.memory_space<hbm>>) target_semaphore(%run_scoped3A_79 : memref<!tpu.dma_semaphore, #tpu.memory_space<semaphore_mem>>)
        %dma_wait3A_87 = arith.constant 9984 : i32
        %dma_wait3A_88 = arith.constant 0 : i32
        %dma_wait3A_89 = tpu.memref_slice %arg5[%arg0, %dma_wait3A_87, %dma_wait3A_88] : memref<2x10000x128xf32, #tpu.memory_space<hbm>> -> memref<1x16x128xf32, #tpu.memory_space<hbm>>
        %dma_wait3A_90 = tpu.memref_squeeze %dma_wait3A_89 : memref<1x16x128xf32, #tpu.memory_space<hbm>> -> memref<16x128xf32, #tpu.memory_space<hbm>>
        %dma_wait3A_91 = arith.constant 9984 : i32
        %dma_wait3A_92 = arith.constant 0 : i32
        %dma_wait3A_93 = tpu.memref_slice %arg6[%dma_wait3A_91, %dma_wait3A_92] : memref<10128x128xf32, #tpu.memory_space<vmem_shared>> -> memref<16x128xf32, #tpu.memory_space<vmem_shared>>
        tpu.wait_dma2 semaphore(%run_scoped3A_79 : memref<!tpu.dma_semaphore, #tpu.memory_space<semaphore_mem>>) src(%dma_wait3A_93 : memref<16x128xf32, #tpu.memory_space<vmem_shared>>) dst(%dma_wait3A_90 : memref<16x128xf32, #tpu.memory_space<hbm>>)
        tpu.yield
      }) : () -> ()
    } else {
    }
    return
  }
}

#map = affine_map<(d0, d1) -> (0, 0, 0)>
module attributes {stable_mosaic.version = 14 : i64} {
  func.func @_deg_body(%arg0: i32, %arg1: i32, %arg2: memref<2560x1x128xi32, #tpu.memory_space<hbm>>, %arg3: memref<2x1x16384xf32, #tpu.memory_space<hbm>>, %arg4: memref<16384xf32, #tpu.memory_space<vmem_shared>>, %arg5: memref<80x1x128xi32, #tpu.memory_space<vmem>>, %arg6: memref<128xf32, #tpu.memory_space<vmem>>, %arg7: memref<1024xf32, #tpu.memory_space<vmem>>, %arg8: memref<128xf32, #tpu.memory_space<vmem>>, %arg9: memref<!tpu.dma_semaphore, #tpu.memory_space<semaphore_mem>>, %arg10: memref<!tpu.dma_semaphore, #tpu.memory_space<semaphore_mem>>) attributes {dimension_semantics = [#tpu.dimension_semantics<core_parallel>, #tpu.dimension_semantics<subcore_parallel>], iteration_bounds = array<i64: 2, 16>, scalar_prefetch = 0 : i64, scratch_operands = 7 : i64, tpu.core_type = #tpu.core_type<sc_vector_subcore>, window_params = [{transform_indices = #map}, {transform_indices = #map}]} {
    %mul3A = arith.constant 16 : i32
    %mul3A_0 = arith.muli %arg0, %mul3A : i32
    %add3A = arith.addi %mul3A_0, %arg1 : i32
    %broadcast_in_dim3A = arith.constant 1.000000e+00 : f32
    %broadcast_in_dim3A_1 = vector.broadcast %broadcast_in_dim3A : f32 to vector<16xf32>
    %broadcast_in_dim3A_2 = arith.constant 0.000000e+00 : f32
    %broadcast_in_dim3A_3 = vector.broadcast %broadcast_in_dim3A_2 : f32 to vector<16xf32>
    %swap3A = arith.constant 0 : index
    %swap3A_4 = tpu.vector_load %arg6[%swap3A] {strides = array<i32>} : memref<128xf32, #tpu.memory_space<vmem>>, vector<16xf32>,
    %swap3A_5 = vector.shape_cast %swap3A_4 : vector<16xf32> to vector<16xf32>
    %swap3A_6 = vector.shape_cast %broadcast_in_dim3A_1 : vector<16xf32> to vector<16xf32>
    tpu.vector_store %arg6[%swap3A], %swap3A_6 {strides = array<i32>} : memref<128xf32, #tpu.memory_space<vmem>>, vector<16xf32>,
    %swap3A_7 = arith.constant 0 : index
    %swap3A_8 = tpu.vector_load %arg8[%swap3A_7] {strides = array<i32>} : memref<128xf32, #tpu.memory_space<vmem>>, vector<16xf32>,
    %swap3A_9 = vector.shape_cast %swap3A_8 : vector<16xf32> to vector<16xf32>
    %swap3A_10 = vector.shape_cast %broadcast_in_dim3A_3 : vector<16xf32> to vector<16xf32>
    tpu.vector_store %arg8[%swap3A_7], %swap3A_10 {strides = array<i32>} : memref<128xf32, #tpu.memory_space<vmem>>, vector<16xf32>,
    %swap3A_11 = arith.constant 16 : index
    %swap3A_12 = tpu.vector_load %arg6[%swap3A_11] {strides = array<i32>} : memref<128xf32, #tpu.memory_space<vmem>>, vector<16xf32>,
    %swap3A_13 = vector.shape_cast %swap3A_12 : vector<16xf32> to vector<16xf32>
    %swap3A_14 = vector.shape_cast %broadcast_in_dim3A_1 : vector<16xf32> to vector<16xf32>
    tpu.vector_store %arg6[%swap3A_11], %swap3A_14 {strides = array<i32>} : memref<128xf32, #tpu.memory_space<vmem>>, vector<16xf32>,
    %swap3A_15 = arith.constant 16 : index
    %swap3A_16 = tpu.vector_load %arg8[%swap3A_15] {strides = array<i32>} : memref<128xf32, #tpu.memory_space<vmem>>, vector<16xf32>,
    %swap3A_17 = vector.shape_cast %swap3A_16 : vector<16xf32> to vector<16xf32>
    %swap3A_18 = vector.shape_cast %broadcast_in_dim3A_3 : vector<16xf32> to vector<16xf32>
    tpu.vector_store %arg8[%swap3A_15], %swap3A_18 {strides = array<i32>} : memref<128xf32, #tpu.memory_space<vmem>>, vector<16xf32>,
    %swap3A_19 = arith.constant 32 : index
    %swap3A_20 = tpu.vector_load %arg6[%swap3A_19] {strides = array<i32>} : memref<128xf32, #tpu.memory_space<vmem>>, vector<16xf32>,
    %swap3A_21 = vector.shape_cast %swap3A_20 : vector<16xf32> to vector<16xf32>
    %swap3A_22 = vector.shape_cast %broadcast_in_dim3A_1 : vector<16xf32> to vector<16xf32>
    tpu.vector_store %arg6[%swap3A_19], %swap3A_22 {strides = array<i32>} : memref<128xf32, #tpu.memory_space<vmem>>, vector<16xf32>,
    %swap3A_23 = arith.constant 32 : index
    %swap3A_24 = tpu.vector_load %arg8[%swap3A_23] {strides = array<i32>} : memref<128xf32, #tpu.memory_space<vmem>>, vector<16xf32>,
    %swap3A_25 = vector.shape_cast %swap3A_24 : vector<16xf32> to vector<16xf32>
    %swap3A_26 = vector.shape_cast %broadcast_in_dim3A_3 : vector<16xf32> to vector<16xf32>
    tpu.vector_store %arg8[%swap3A_23], %swap3A_26 {strides = array<i32>} : memref<128xf32, #tpu.memory_space<vmem>>, vector<16xf32>,
    %swap3A_27 = arith.constant 48 : index
    %swap3A_28 = tpu.vector_load %arg6[%swap3A_27] {strides = array<i32>} : memref<128xf32, #tpu.memory_space<vmem>>, vector<16xf32>,
    %swap3A_29 = vector.shape_cast %swap3A_28 : vector<16xf32> to vector<16xf32>
    %swap3A_30 = vector.shape_cast %broadcast_in_dim3A_1 : vector<16xf32> to vector<16xf32>
    tpu.vector_store %arg6[%swap3A_27], %swap3A_30 {strides = array<i32>} : memref<128xf32, #tpu.memory_space<vmem>>, vector<16xf32>,
    %swap3A_31 = arith.constant 48 : index
    %swap3A_32 = tpu.vector_load %arg8[%swap3A_31] {strides = array<i32>} : memref<128xf32, #tpu.memory_space<vmem>>, vector<16xf32>,
    %swap3A_33 = vector.shape_cast %swap3A_32 : vector<16xf32> to vector<16xf32>
    %swap3A_34 = vector.shape_cast %broadcast_in_dim3A_3 : vector<16xf32> to vector<16xf32>
    tpu.vector_store %arg8[%swap3A_31], %swap3A_34 {strides = array<i32>} : memref<128xf32, #tpu.memory_space<vmem>>, vector<16xf32>,
    %swap3A_35 = arith.constant 64 : index
    %swap3A_36 = tpu.vector_load %arg6[%swap3A_35] {strides = array<i32>} : memref<128xf32, #tpu.memory_space<vmem>>, vector<16xf32>,
    %swap3A_37 = vector.shape_cast %swap3A_36 : vector<16xf32> to vector<16xf32>
    %swap3A_38 = vector.shape_cast %broadcast_in_dim3A_1 : vector<16xf32> to vector<16xf32>
    tpu.vector_store %arg6[%swap3A_35], %swap3A_38 {strides = array<i32>} : memref<128xf32, #tpu.memory_space<vmem>>, vector<16xf32>,
    %swap3A_39 = arith.constant 64 : index
    %swap3A_40 = tpu.vector_load %arg8[%swap3A_39] {strides = array<i32>} : memref<128xf32, #tpu.memory_space<vmem>>, vector<16xf32>,
    %swap3A_41 = vector.shape_cast %swap3A_40 : vector<16xf32> to vector<16xf32>
    %swap3A_42 = vector.shape_cast %broadcast_in_dim3A_3 : vector<16xf32> to vector<16xf32>
    tpu.vector_store %arg8[%swap3A_39], %swap3A_42 {strides = array<i32>} : memref<128xf32, #tpu.memory_space<vmem>>, vector<16xf32>,
    %swap3A_43 = arith.constant 80 : index
    %swap3A_44 = tpu.vector_load %arg6[%swap3A_43] {strides = array<i32>} : memref<128xf32, #tpu.memory_space<vmem>>, vector<16xf32>,
    %swap3A_45 = vector.shape_cast %swap3A_44 : vector<16xf32> to vector<16xf32>
    %swap3A_46 = vector.shape_cast %broadcast_in_dim3A_1 : vector<16xf32> to vector<16xf32>
    tpu.vector_store %arg6[%swap3A_43], %swap3A_46 {strides = array<i32>} : memref<128xf32, #tpu.memory_space<vmem>>, vector<16xf32>,
    %swap3A_47 = arith.constant 80 : index
    %swap3A_48 = tpu.vector_load %arg8[%swap3A_47] {strides = array<i32>} : memref<128xf32, #tpu.memory_space<vmem>>, vector<16xf32>,
    %swap3A_49 = vector.shape_cast %swap3A_48 : vector<16xf32> to vector<16xf32>
    %swap3A_50 = vector.shape_cast %broadcast_in_dim3A_3 : vector<16xf32> to vector<16xf32>
    tpu.vector_store %arg8[%swap3A_47], %swap3A_50 {strides = array<i32>} : memref<128xf32, #tpu.memory_space<vmem>>, vector<16xf32>,
    %swap3A_51 = arith.constant 96 : index
    %swap3A_52 = tpu.vector_load %arg6[%swap3A_51] {strides = array<i32>} : memref<128xf32, #tpu.memory_space<vmem>>, vector<16xf32>,
    %swap3A_53 = vector.shape_cast %swap3A_52 : vector<16xf32> to vector<16xf32>
    %swap3A_54 = vector.shape_cast %broadcast_in_dim3A_1 : vector<16xf32> to vector<16xf32>
    tpu.vector_store %arg6[%swap3A_51], %swap3A_54 {strides = array<i32>} : memref<128xf32, #tpu.memory_space<vmem>>, vector<16xf32>,
    %swap3A_55 = arith.constant 96 : index
    %swap3A_56 = tpu.vector_load %arg8[%swap3A_55] {strides = array<i32>} : memref<128xf32, #tpu.memory_space<vmem>>, vector<16xf32>,
    %swap3A_57 = vector.shape_cast %swap3A_56 : vector<16xf32> to vector<16xf32>
    %swap3A_58 = vector.shape_cast %broadcast_in_dim3A_3 : vector<16xf32> to vector<16xf32>
    tpu.vector_store %arg8[%swap3A_55], %swap3A_58 {strides = array<i32>} : memref<128xf32, #tpu.memory_space<vmem>>, vector<16xf32>,
    %swap3A_59 = arith.constant 112 : index
    %swap3A_60 = tpu.vector_load %arg6[%swap3A_59] {strides = array<i32>} : memref<128xf32, #tpu.memory_space<vmem>>, vector<16xf32>,
    %swap3A_61 = vector.shape_cast %swap3A_60 : vector<16xf32> to vector<16xf32>
    %swap3A_62 = vector.shape_cast %broadcast_in_dim3A_1 : vector<16xf32> to vector<16xf32>
    tpu.vector_store %arg6[%swap3A_59], %swap3A_62 {strides = array<i32>} : memref<128xf32, #tpu.memory_space<vmem>>, vector<16xf32>,
    %swap3A_63 = arith.constant 112 : index
    %swap3A_64 = tpu.vector_load %arg8[%swap3A_63] {strides = array<i32>} : memref<128xf32, #tpu.memory_space<vmem>>, vector<16xf32>,
    %swap3A_65 = vector.shape_cast %swap3A_64 : vector<16xf32> to vector<16xf32>
    %swap3A_66 = vector.shape_cast %broadcast_in_dim3A_3 : vector<16xf32> to vector<16xf32>
    tpu.vector_store %arg8[%swap3A_63], %swap3A_66 {strides = array<i32>} : memref<128xf32, #tpu.memory_space<vmem>>, vector<16xf32>,
    %mul3A_67 = arith.constant 80 : i32
    %mul3A_68 = arith.muli %add3A, %mul3A_67 : i32
    "tpu.region"() ({
      %run_scoped3A_125 = tpu.sem_alloc : memref<!tpu.dma_semaphore, #tpu.memory_space<semaphore_mem>>
      %dma_start3A = arith.constant 0 : i32
      %dma_start3A_126 = arith.constant 0 : i32
      %dma_start3A_127 = tpu.memref_slice %arg2[%mul3A_68, %dma_start3A, %dma_start3A_126] : memref<2560x1x128xi32, #tpu.memory_space<hbm>> -> memref<80x1x128xi32, #tpu.memory_space<hbm>>
      %dma_start3A_128 = arith.constant 0 : i32
      %dma_start3A_129 = arith.constant 0 : i32
      %dma_start3A_130 = tpu.memref_slice %arg2[%mul3A_68, %dma_start3A_128, %dma_start3A_129] : memref<2560x1x128xi32, #tpu.memory_space<hbm>> -> memref<80x1x128xi32, #tpu.memory_space<hbm>>
      tpu.enqueue_dma source(%dma_start3A_130 : memref<80x1x128xi32, #tpu.memory_space<hbm>>) target(%arg5 : memref<80x1x128xi32, #tpu.memory_space<vmem>>) target_semaphore(%run_scoped3A_125 : memref<!tpu.dma_semaphore, #tpu.memory_space<semaphore_mem>>)
      %dma_wait3A_131 = arith.constant 0 : i32
      %dma_wait3A_132 = arith.constant 0 : i32
      %dma_wait3A_133 = tpu.memref_slice %arg2[%mul3A_68, %dma_wait3A_131, %dma_wait3A_132] : memref<2560x1x128xi32, #tpu.memory_space<hbm>> -> memref<80x1x128xi32, #tpu.memory_space<hbm>>
      %dma_wait3A_134 = arith.constant 0 : i32
      %dma_wait3A_135 = arith.constant 0 : i32
      %dma_wait3A_136 = tpu.memref_slice %arg2[%mul3A_68, %dma_wait3A_134, %dma_wait3A_135] : memref<2560x1x128xi32, #tpu.memory_space<hbm>> -> memref<80x1x128xi32, #tpu.memory_space<hbm>>
      tpu.wait_dma2 semaphore(%run_scoped3A_125 : memref<!tpu.dma_semaphore, #tpu.memory_space<semaphore_mem>>) src(%dma_wait3A_136 : memref<80x1x128xi32, #tpu.memory_space<hbm>>) dst(%arg5 : memref<80x1x128xi32, #tpu.memory_space<vmem>>)
      tpu.yield
    }) : () -> ()
    %mul3A_69 = arith.constant 1024 : i32
    %mul3A_70 = arith.muli %arg1, %mul3A_69 : i32
    %add3A_71 = arith.constant 0 : i32
    %add3A_72 = arith.addi %mul3A_70, %add3A_71 : i32
    "tpu.region"() ({
      %run_scoped3A_125 = tpu.sem_alloc : memref<!tpu.dma_semaphore, #tpu.memory_space<semaphore_mem>>
      %dma_start3A = tpu.memref_slice %arg4[%add3A_72] : memref<16384xf32, #tpu.memory_space<vmem_shared>> -> memref<128xf32, #tpu.memory_space<vmem_shared>>
      %dma_start3A_126 = tpu.memref_slice %arg4[%add3A_72] : memref<16384xf32, #tpu.memory_space<vmem_shared>> -> memref<128xf32, #tpu.memory_space<vmem_shared>>
      tpu.enqueue_dma source(%arg8 : memref<128xf32, #tpu.memory_space<vmem>>) target(%dma_start3A_126 : memref<128xf32, #tpu.memory_space<vmem_shared>>) target_semaphore(%run_scoped3A_125 : memref<!tpu.dma_semaphore, #tpu.memory_space<semaphore_mem>>)
      %dma_wait3A_127 = tpu.memref_slice %arg4[%add3A_72] : memref<16384xf32, #tpu.memory_space<vmem_shared>> -> memref<128xf32, #tpu.memory_space<vmem_shared>>
      %dma_wait3A_128 = tpu.memref_slice %arg4[%add3A_72] : memref<16384xf32, #tpu.memory_space<vmem_shared>> -> memref<128xf32, #tpu.memory_space<vmem_shared>>
      tpu.wait_dma2 semaphore(%run_scoped3A_125 : memref<!tpu.dma_semaphore, #tpu.memory_space<semaphore_mem>>) src(%arg8 : memref<128xf32, #tpu.memory_space<vmem>>) dst(%dma_wait3A_128 : memref<128xf32, #tpu.memory_space<vmem_shared>>)
      tpu.yield
    }) : () -> ()
    %mul3A_73 = arith.constant 1024 : i32
    %mul3A_74 = arith.muli %arg1, %mul3A_73 : i32
    %add3A_75 = arith.constant 128 : i32
    %add3A_76 = arith.addi %mul3A_74, %add3A_75 : i32
    "tpu.region"() ({
      %run_scoped3A_125 = tpu.sem_alloc : memref<!tpu.dma_semaphore, #tpu.memory_space<semaphore_mem>>
      %dma_start3A = tpu.memref_slice %arg4[%add3A_76] : memref<16384xf32, #tpu.memory_space<vmem_shared>> -> memref<128xf32, #tpu.memory_space<vmem_shared>>
      %dma_start3A_126 = tpu.memref_slice %arg4[%add3A_76] : memref<16384xf32, #tpu.memory_space<vmem_shared>> -> memref<128xf32, #tpu.memory_space<vmem_shared>>
      tpu.enqueue_dma source(%arg8 : memref<128xf32, #tpu.memory_space<vmem>>) target(%dma_start3A_126 : memref<128xf32, #tpu.memory_space<vmem_shared>>) target_semaphore(%run_scoped3A_125 : memref<!tpu.dma_semaphore, #tpu.memory_space<semaphore_mem>>)
      %dma_wait3A_127 = tpu.memref_slice %arg4[%add3A_76] : memref<16384xf32, #tpu.memory_space<vmem_shared>> -> memref<128xf32, #tpu.memory_space<vmem_shared>>
      %dma_wait3A_128 = tpu.memref_slice %arg4[%add3A_76] : memref<16384xf32, #tpu.memory_space<vmem_shared>> -> memref<128xf32, #tpu.memory_space<vmem_shared>>
      tpu.wait_dma2 semaphore(%run_scoped3A_125 : memref<!tpu.dma_semaphore, #tpu.memory_space<semaphore_mem>>) src(%arg8 : memref<128xf32, #tpu.memory_space<vmem>>) dst(%dma_wait3A_128 : memref<128xf32, #tpu.memory_space<vmem_shared>>)
      tpu.yield
    }) : () -> ()
    %mul3A_77 = arith.constant 1024 : i32
    %mul3A_78 = arith.muli %arg1, %mul3A_77 : i32
    %add3A_79 = arith.constant 256 : i32
    %add3A_80 = arith.addi %mul3A_78, %add3A_79 : i32
    "tpu.region"() ({
      %run_scoped3A_125 = tpu.sem_alloc : memref<!tpu.dma_semaphore, #tpu.memory_space<semaphore_mem>>
      %dma_start3A = tpu.memref_slice %arg4[%add3A_80] : memref<16384xf32, #tpu.memory_space<vmem_shared>> -> memref<128xf32, #tpu.memory_space<vmem_shared>>
      %dma_start3A_126 = tpu.memref_slice %arg4[%add3A_80] : memref<16384xf32, #tpu.memory_space<vmem_shared>> -> memref<128xf32, #tpu.memory_space<vmem_shared>>
      tpu.enqueue_dma source(%arg8 : memref<128xf32, #tpu.memory_space<vmem>>) target(%dma_start3A_126 : memref<128xf32, #tpu.memory_space<vmem_shared>>) target_semaphore(%run_scoped3A_125 : memref<!tpu.dma_semaphore, #tpu.memory_space<semaphore_mem>>)
      %dma_wait3A_127 = tpu.memref_slice %arg4[%add3A_80] : memref<16384xf32, #tpu.memory_space<vmem_shared>> -> memref<128xf32, #tpu.memory_space<vmem_shared>>
      %dma_wait3A_128 = tpu.memref_slice %arg4[%add3A_80] : memref<16384xf32, #tpu.memory_space<vmem_shared>> -> memref<128xf32, #tpu.memory_space<vmem_shared>>
      tpu.wait_dma2 semaphore(%run_scoped3A_125 : memref<!tpu.dma_semaphore, #tpu.memory_space<semaphore_mem>>) src(%arg8 : memref<128xf32, #tpu.memory_space<vmem>>) dst(%dma_wait3A_128 : memref<128xf32, #tpu.memory_space<vmem_shared>>)
      tpu.yield
    }) : () -> ()
    %mul3A_81 = arith.constant 1024 : i32
    %mul3A_82 = arith.muli %arg1, %mul3A_81 : i32
    %add3A_83 = arith.constant 384 : i32
    %add3A_84 = arith.addi %mul3A_82, %add3A_83 : i32
    "tpu.region"() ({
      %run_scoped3A_125 = tpu.sem_alloc : memref<!tpu.dma_semaphore, #tpu.memory_space<semaphore_mem>>
      %dma_start3A = tpu.memref_slice %arg4[%add3A_84] : memref<16384xf32, #tpu.memory_space<vmem_shared>> -> memref<128xf32, #tpu.memory_space<vmem_shared>>
      %dma_start3A_126 = tpu.memref_slice %arg4[%add3A_84] : memref<16384xf32, #tpu.memory_space<vmem_shared>> -> memref<128xf32, #tpu.memory_space<vmem_shared>>
      tpu.enqueue_dma source(%arg8 : memref<128xf32, #tpu.memory_space<vmem>>) target(%dma_start3A_126 : memref<128xf32, #tpu.memory_space<vmem_shared>>) target_semaphore(%run_scoped3A_125 : memref<!tpu.dma_semaphore, #tpu.memory_space<semaphore_mem>>)
      %dma_wait3A_127 = tpu.memref_slice %arg4[%add3A_84] : memref<16384xf32, #tpu.memory_space<vmem_shared>> -> memref<128xf32, #tpu.memory_space<vmem_shared>>
      %dma_wait3A_128 = tpu.memref_slice %arg4[%add3A_84] : memref<16384xf32, #tpu.memory_space<vmem_shared>> -> memref<128xf32, #tpu.memory_space<vmem_shared>>
      tpu.wait_dma2 semaphore(%run_scoped3A_125 : memref<!tpu.dma_semaphore, #tpu.memory_space<semaphore_mem>>) src(%arg8 : memref<128xf32, #tpu.memory_space<vmem>>) dst(%dma_wait3A_128 : memref<128xf32, #tpu.memory_space<vmem_shared>>)
      tpu.yield
    }) : () -> ()
    %mul3A_85 = arith.constant 1024 : i32
    %mul3A_86 = arith.muli %arg1, %mul3A_85 : i32
    %add3A_87 = arith.constant 512 : i32
    %add3A_88 = arith.addi %mul3A_86, %add3A_87 : i32
    "tpu.region"() ({
      %run_scoped3A_125 = tpu.sem_alloc : memref<!tpu.dma_semaphore, #tpu.memory_space<semaphore_mem>>
      %dma_start3A = tpu.memref_slice %arg4[%add3A_88] : memref<16384xf32, #tpu.memory_space<vmem_shared>> -> memref<128xf32, #tpu.memory_space<vmem_shared>>
      %dma_start3A_126 = tpu.memref_slice %arg4[%add3A_88] : memref<16384xf32, #tpu.memory_space<vmem_shared>> -> memref<128xf32, #tpu.memory_space<vmem_shared>>
      tpu.enqueue_dma source(%arg8 : memref<128xf32, #tpu.memory_space<vmem>>) target(%dma_start3A_126 : memref<128xf32, #tpu.memory_space<vmem_shared>>) target_semaphore(%run_scoped3A_125 : memref<!tpu.dma_semaphore, #tpu.memory_space<semaphore_mem>>)
      %dma_wait3A_127 = tpu.memref_slice %arg4[%add3A_88] : memref<16384xf32, #tpu.memory_space<vmem_shared>> -> memref<128xf32, #tpu.memory_space<vmem_shared>>
      %dma_wait3A_128 = tpu.memref_slice %arg4[%add3A_88] : memref<16384xf32, #tpu.memory_space<vmem_shared>> -> memref<128xf32, #tpu.memory_space<vmem_shared>>
      tpu.wait_dma2 semaphore(%run_scoped3A_125 : memref<!tpu.dma_semaphore, #tpu.memory_space<semaphore_mem>>) src(%arg8 : memref<128xf32, #tpu.memory_space<vmem>>) dst(%dma_wait3A_128 : memref<128xf32, #tpu.memory_space<vmem_shared>>)
      tpu.yield
    }) : () -> ()
    %mul3A_89 = arith.constant 1024 : i32
    %mul3A_90 = arith.muli %arg1, %mul3A_89 : i32
    %add3A_91 = arith.constant 640 : i32
    %add3A_92 = arith.addi %mul3A_90, %add3A_91 : i32
    "tpu.region"() ({
      %run_scoped3A_125 = tpu.sem_alloc : memref<!tpu.dma_semaphore, #tpu.memory_space<semaphore_mem>>
      %dma_start3A = tpu.memref_slice %arg4[%add3A_92] : memref<16384xf32, #tpu.memory_space<vmem_shared>> -> memref<128xf32, #tpu.memory_space<vmem_shared>>
      %dma_start3A_126 = tpu.memref_slice %arg4[%add3A_92] : memref<16384xf32, #tpu.memory_space<vmem_shared>> -> memref<128xf32, #tpu.memory_space<vmem_shared>>
      tpu.enqueue_dma source(%arg8 : memref<128xf32, #tpu.memory_space<vmem>>) target(%dma_start3A_126 : memref<128xf32, #tpu.memory_space<vmem_shared>>) target_semaphore(%run_scoped3A_125 : memref<!tpu.dma_semaphore, #tpu.memory_space<semaphore_mem>>)
      %dma_wait3A_127 = tpu.memref_slice %arg4[%add3A_92] : memref<16384xf32, #tpu.memory_space<vmem_shared>> -> memref<128xf32, #tpu.memory_space<vmem_shared>>
      %dma_wait3A_128 = tpu.memref_slice %arg4[%add3A_92] : memref<16384xf32, #tpu.memory_space<vmem_shared>> -> memref<128xf32, #tpu.memory_space<vmem_shared>>
      tpu.wait_dma2 semaphore(%run_scoped3A_125 : memref<!tpu.dma_semaphore, #tpu.memory_space<semaphore_mem>>) src(%arg8 : memref<128xf32, #tpu.memory_space<vmem>>) dst(%dma_wait3A_128 : memref<128xf32, #tpu.memory_space<vmem_shared>>)
      tpu.yield
    }) : () -> ()
    %mul3A_93 = arith.constant 1024 : i32
    %mul3A_94 = arith.muli %arg1, %mul3A_93 : i32
    %add3A_95 = arith.constant 768 : i32
    %add3A_96 = arith.addi %mul3A_94, %add3A_95 : i32
    "tpu.region"() ({
      %run_scoped3A_125 = tpu.sem_alloc : memref<!tpu.dma_semaphore, #tpu.memory_space<semaphore_mem>>
      %dma_start3A = tpu.memref_slice %arg4[%add3A_96] : memref<16384xf32, #tpu.memory_space<vmem_shared>> -> memref<128xf32, #tpu.memory_space<vmem_shared>>
      %dma_start3A_126 = tpu.memref_slice %arg4[%add3A_96] : memref<16384xf32, #tpu.memory_space<vmem_shared>> -> memref<128xf32, #tpu.memory_space<vmem_shared>>
      tpu.enqueue_dma source(%arg8 : memref<128xf32, #tpu.memory_space<vmem>>) target(%dma_start3A_126 : memref<128xf32, #tpu.memory_space<vmem_shared>>) target_semaphore(%run_scoped3A_125 : memref<!tpu.dma_semaphore, #tpu.memory_space<semaphore_mem>>)
      %dma_wait3A_127 = tpu.memref_slice %arg4[%add3A_96] : memref<16384xf32, #tpu.memory_space<vmem_shared>> -> memref<128xf32, #tpu.memory_space<vmem_shared>>
      %dma_wait3A_128 = tpu.memref_slice %arg4[%add3A_96] : memref<16384xf32, #tpu.memory_space<vmem_shared>> -> memref<128xf32, #tpu.memory_space<vmem_shared>>
      tpu.wait_dma2 semaphore(%run_scoped3A_125 : memref<!tpu.dma_semaphore, #tpu.memory_space<semaphore_mem>>) src(%arg8 : memref<128xf32, #tpu.memory_space<vmem>>) dst(%dma_wait3A_128 : memref<128xf32, #tpu.memory_space<vmem_shared>>)
      tpu.yield
    }) : () -> ()
    %mul3A_97 = arith.constant 1024 : i32
    %mul3A_98 = arith.muli %arg1, %mul3A_97 : i32
    %add3A_99 = arith.constant 896 : i32
    %add3A_100 = arith.addi %mul3A_98, %add3A_99 : i32
    "tpu.region"() ({
      %run_scoped3A_125 = tpu.sem_alloc : memref<!tpu.dma_semaphore, #tpu.memory_space<semaphore_mem>>
      %dma_start3A = tpu.memref_slice %arg4[%add3A_100] : memref<16384xf32, #tpu.memory_space<vmem_shared>> -> memref<128xf32, #tpu.memory_space<vmem_shared>>
      %dma_start3A_126 = tpu.memref_slice %arg4[%add3A_100] : memref<16384xf32, #tpu.memory_space<vmem_shared>> -> memref<128xf32, #tpu.memory_space<vmem_shared>>
      tpu.enqueue_dma source(%arg8 : memref<128xf32, #tpu.memory_space<vmem>>) target(%dma_start3A_126 : memref<128xf32, #tpu.memory_space<vmem_shared>>) target_semaphore(%run_scoped3A_125 : memref<!tpu.dma_semaphore, #tpu.memory_space<semaphore_mem>>)
      %dma_wait3A_127 = tpu.memref_slice %arg4[%add3A_100] : memref<16384xf32, #tpu.memory_space<vmem_shared>> -> memref<128xf32, #tpu.memory_space<vmem_shared>>
      %dma_wait3A_128 = tpu.memref_slice %arg4[%add3A_100] : memref<16384xf32, #tpu.memory_space<vmem_shared>> -> memref<128xf32, #tpu.memory_space<vmem_shared>>
      tpu.wait_dma2 semaphore(%run_scoped3A_125 : memref<!tpu.dma_semaphore, #tpu.memory_space<semaphore_mem>>) src(%arg8 : memref<128xf32, #tpu.memory_space<vmem>>) dst(%dma_wait3A_128 : memref<128xf32, #tpu.memory_space<vmem_shared>>)
      tpu.yield
    }) : () -> ()
    %barrier3A = arith.constant 0 : index
    tpu.barrier barrier_id(%barrier3A)
    %scan3A = arith.constant 0 : i32
    %scan3A_101 = arith.constant 0 : i32
    %scan3A_102 = arith.constant 40 : i32
    %scan3A_103 = arith.addi %scan3A_101, %scan3A_102 : i32
    %scan3A_104 = arith.constant 1 : i32
    %scan3A_105 = scf.for %scan3A_125 = %scan3A_101 to %scan3A_103 step %scan3A_104 iter_args(%scan3A_126 = %scan3A) -> (i32)  : i32 {
      %gt3A = arith.constant 0 : i32
      %gt3A_127 = arith.cmpi sgt, %scan3A_125, %gt3A : i32
      %convert_element_type3A = arith.extui %gt3A_127 : i1 to i32
      %cond3A = arith.constant 0 : i32
      %cond3A_128 = arith.cmpi ne, %convert_element_type3A, %cond3A : i32
      scf.if %cond3A_128 {
        %dma_wait3A_152 = arith.constant 0 : i32
        %dma_wait3A_153 = arith.constant 0 : i32
        %dma_wait3A_154 = arith.constant 0 : i32
        %dma_wait3A_155 = tpu.memref_slice %arg5[%dma_wait3A_152, %dma_wait3A_153, %dma_wait3A_154] : memref<80x1x128xi32, #tpu.memory_space<vmem>> -> memref<1x1x128xi32, #tpu.memory_space<vmem>>
        %dma_wait3A_156 = tpu.memref_squeeze %dma_wait3A_155 : memref<1x1x128xi32, #tpu.memory_space<vmem>> -> memref<128xi32, #tpu.memory_space<vmem>>
        %dma_wait3A_157 = arith.constant 0 : i32
        %dma_wait3A_158 = tpu.memref_slice %arg4[%dma_wait3A_157] : memref<16384xf32, #tpu.memory_space<vmem_shared>> -> memref<16384xf32, #tpu.memory_space<vmem_shared>>
        tpu.wait_indirect_dma semaphore(%arg9 : memref<!tpu.dma_semaphore, #tpu.memory_space<semaphore_mem>>) src(%arg6 : memref<128xf32, #tpu.memory_space<vmem>>) dst(%dma_wait3A_158 : memref<16384xf32, #tpu.memory_space<vmem_shared>>)
      } else {
      }
      %mul3A_129 = arith.constant 2 : i32
      %mul3A_130 = arith.muli %mul3A_129, %scan3A_125 : i32
      %dma_start3A = arith.constant 0 : i32
      %dma_start3A_131 = arith.constant 0 : i32
      %dma_start3A_132 = tpu.memref_slice %arg5[%mul3A_130, %dma_start3A, %dma_start3A_131] : memref<80x1x128xi32, #tpu.memory_space<vmem>> -> memref<1x1x128xi32, #tpu.memory_space<vmem>>
      %dma_start3A_133 = tpu.memref_squeeze %dma_start3A_132 : memref<1x1x128xi32, #tpu.memory_space<vmem>> -> memref<128xi32, #tpu.memory_space<vmem>>
      %dma_start3A_134 = arith.constant 0 : i32
      %dma_start3A_135 = tpu.memref_slice %arg4[%dma_start3A_134] : memref<16384xf32, #tpu.memory_space<vmem_shared>> -> memref<16384xf32, #tpu.memory_space<vmem_shared>>
      tpu.enqueue_indirect_dma source(%arg6 : memref<128xf32, #tpu.memory_space<vmem>>) target(%dma_start3A_135 : memref<16384xf32, #tpu.memory_space<vmem_shared>>) offsets(%dma_start3A_133 : memref<128xi32, #tpu.memory_space<vmem>>) semaphore(%arg9 : memref<!tpu.dma_semaphore, #tpu.memory_space<semaphore_mem>>) {add = true}
      %gt3A_136 = arith.constant 0 : i32
      %gt3A_137 = arith.cmpi sgt, %scan3A_125, %gt3A_136 : i32
      %convert_element_type3A_138 = arith.extui %gt3A_137 : i1 to i32
      %cond3A_139 = arith.constant 0 : i32
      %cond3A_140 = arith.cmpi ne, %convert_element_type3A_138, %cond3A_139 : i32
      scf.if %cond3A_140 {
        %dma_wait3A_152 = arith.constant 0 : i32
        %dma_wait3A_153 = arith.constant 0 : i32
        %dma_wait3A_154 = arith.constant 0 : i32
        %dma_wait3A_155 = tpu.memref_slice %arg5[%dma_wait3A_152, %dma_wait3A_153, %dma_wait3A_154] : memref<80x1x128xi32, #tpu.memory_space<vmem>> -> memref<1x1x128xi32, #tpu.memory_space<vmem>>
        %dma_wait3A_156 = tpu.memref_squeeze %dma_wait3A_155 : memref<1x1x128xi32, #tpu.memory_space<vmem>> -> memref<128xi32, #tpu.memory_space<vmem>>
        %dma_wait3A_157 = arith.constant 0 : i32
        %dma_wait3A_158 = tpu.memref_slice %arg4[%dma_wait3A_157] : memref<16384xf32, #tpu.memory_space<vmem_shared>> -> memref<16384xf32, #tpu.memory_space<vmem_shared>>
        tpu.wait_indirect_dma semaphore(%arg10 : memref<!tpu.dma_semaphore, #tpu.memory_space<semaphore_mem>>) src(%arg6 : memref<128xf32, #tpu.memory_space<vmem>>) dst(%dma_wait3A_158 : memref<16384xf32, #tpu.memory_space<vmem_shared>>)
      } else {
      }
      %mul3A_141 = arith.constant 2 : i32
      %mul3A_142 = arith.muli %mul3A_141, %scan3A_125 : i32
      %add3A_143 = arith.constant 1 : i32
      %add3A_144 = arith.addi %mul3A_142, %add3A_143 : i32
      %dma_start3A_145 = arith.constant 0 : i32
      %dma_start3A_146 = arith.constant 0 : i32
      %dma_start3A_147 = tpu.memref_slice %arg5[%add3A_144, %dma_start3A_145, %dma_start3A_146] : memref<80x1x128xi32, #tpu.memory_space<vmem>> -> memref<1x1x128xi32, #tpu.memory_space<vmem>>
      %dma_start3A_148 = tpu.memref_squeeze %dma_start3A_147 : memref<1x1x128xi32, #tpu.memory_space<vmem>> -> memref<128xi32, #tpu.memory_space<vmem>>
      %dma_start3A_149 = arith.constant 0 : i32
      %dma_start3A_150 = tpu.memref_slice %arg4[%dma_start3A_149] : memref<16384xf32, #tpu.memory_space<vmem_shared>> -> memref<16384xf32, #tpu.memory_space<vmem_shared>>
      tpu.enqueue_indirect_dma source(%arg6 : memref<128xf32, #tpu.memory_space<vmem>>) target(%dma_start3A_150 : memref<16384xf32, #tpu.memory_space<vmem_shared>>) offsets(%dma_start3A_148 : memref<128xi32, #tpu.memory_space<vmem>>) semaphore(%arg10 : memref<!tpu.dma_semaphore, #tpu.memory_space<semaphore_mem>>) {add = true}
      %scan3A_151 = arith.constant 0 : i32
      scf.yield %scan3A_151 : i32
    }
    %scan3A_106 = arith.constant 40 : i32
    %dma_wait3A = arith.constant 0 : i32
    %dma_wait3A_107 = arith.constant 0 : i32
    %dma_wait3A_108 = arith.constant 0 : i32
    %dma_wait3A_109 = tpu.memref_slice %arg5[%dma_wait3A, %dma_wait3A_107, %dma_wait3A_108] : memref<80x1x128xi32, #tpu.memory_space<vmem>> -> memref<1x1x128xi32, #tpu.memory_space<vmem>>
    %dma_wait3A_110 = tpu.memref_squeeze %dma_wait3A_109 : memref<1x1x128xi32, #tpu.memory_space<vmem>> -> memref<128xi32, #tpu.memory_space<vmem>>
    %dma_wait3A_111 = arith.constant 0 : i32
    %dma_wait3A_112 = tpu.memref_slice %arg4[%dma_wait3A_111] : memref<16384xf32, #tpu.memory_space<vmem_shared>> -> memref<16384xf32, #tpu.memory_space<vmem_shared>>
    tpu.wait_indirect_dma semaphore(%arg9 : memref<!tpu.dma_semaphore, #tpu.memory_space<semaphore_mem>>) src(%arg6 : memref<128xf32, #tpu.memory_space<vmem>>) dst(%dma_wait3A_112 : memref<16384xf32, #tpu.memory_space<vmem_shared>>)
    %dma_wait3A_113 = arith.constant 0 : i32
    %dma_wait3A_114 = arith.constant 0 : i32
    %dma_wait3A_115 = arith.constant 0 : i32
    %dma_wait3A_116 = tpu.memref_slice %arg5[%dma_wait3A_113, %dma_wait3A_114, %dma_wait3A_115] : memref<80x1x128xi32, #tpu.memory_space<vmem>> -> memref<1x1x128xi32, #tpu.memory_space<vmem>>
    %dma_wait3A_117 = tpu.memref_squeeze %dma_wait3A_116 : memref<1x1x128xi32, #tpu.memory_space<vmem>> -> memref<128xi32, #tpu.memory_space<vmem>>
    %dma_wait3A_118 = arith.constant 0 : i32
    %dma_wait3A_119 = tpu.memref_slice %arg4[%dma_wait3A_118] : memref<16384xf32, #tpu.memory_space<vmem_shared>> -> memref<16384xf32, #tpu.memory_space<vmem_shared>>
    tpu.wait_indirect_dma semaphore(%arg10 : memref<!tpu.dma_semaphore, #tpu.memory_space<semaphore_mem>>) src(%arg6 : memref<128xf32, #tpu.memory_space<vmem>>) dst(%dma_wait3A_119 : memref<16384xf32, #tpu.memory_space<vmem_shared>>)
    %barrier3A_120 = arith.constant 0 : index
    tpu.barrier barrier_id(%barrier3A_120)
    %mul3A_121 = arith.constant 1024 : i32
    %mul3A_122 = arith.muli %arg1, %mul3A_121 : i32
    "tpu.region"() ({
      %run_scoped3A_125 = tpu.sem_alloc : memref<!tpu.dma_semaphore, #tpu.memory_space<semaphore_mem>>
      %dma_start3A = tpu.memref_slice %arg4[%mul3A_122] : memref<16384xf32, #tpu.memory_space<vmem_shared>> -> memref<1024xf32, #tpu.memory_space<vmem_shared>>
      %dma_start3A_126 = tpu.memref_slice %arg4[%mul3A_122] : memref<16384xf32, #tpu.memory_space<vmem_shared>> -> memref<1024xf32, #tpu.memory_space<vmem_shared>>
      tpu.enqueue_dma source(%dma_start3A_126 : memref<1024xf32, #tpu.memory_space<vmem_shared>>) target(%arg7 : memref<1024xf32, #tpu.memory_space<vmem>>) target_semaphore(%run_scoped3A_125 : memref<!tpu.dma_semaphore, #tpu.memory_space<semaphore_mem>>)
      %dma_wait3A_127 = tpu.memref_slice %arg4[%mul3A_122] : memref<16384xf32, #tpu.memory_space<vmem_shared>> -> memref<1024xf32, #tpu.memory_space<vmem_shared>>
      %dma_wait3A_128 = tpu.memref_slice %arg4[%mul3A_122] : memref<16384xf32, #tpu.memory_space<vmem_shared>> -> memref<1024xf32, #tpu.memory_space<vmem_shared>>
      tpu.wait_dma2 semaphore(%run_scoped3A_125 : memref<!tpu.dma_semaphore, #tpu.memory_space<semaphore_mem>>) src(%dma_wait3A_128 : memref<1024xf32, #tpu.memory_space<vmem_shared>>) dst(%arg7 : memref<1024xf32, #tpu.memory_space<vmem>>)
      tpu.yield
    }) : () -> ()
    %mul3A_123 = arith.constant 1024 : i32
    %mul3A_124 = arith.muli %arg1, %mul3A_123 : i32
    %run_scoped3A = arith.constant 0 : i32
    "tpu.region"() ({
      %run_scoped3A_125 = tpu.sem_alloc : memref<!tpu.dma_semaphore, #tpu.memory_space<semaphore_mem>>
      %dma_start3A = tpu.memref_slice %arg3[%arg0, %run_scoped3A, %mul3A_124] : memref<2x1x16384xf32, #tpu.memory_space<hbm>> -> memref<1x1x1024xf32, #tpu.memory_space<hbm>>
      %dma_start3A_126 = tpu.memref_squeeze %dma_start3A : memref<1x1x1024xf32, #tpu.memory_space<hbm>> -> memref<1024xf32, #tpu.memory_space<hbm>>
      %dma_start3A_127 = tpu.memref_slice %arg3[%arg0, %run_scoped3A, %mul3A_124] : memref<2x1x16384xf32, #tpu.memory_space<hbm>> -> memref<1x1x1024xf32, #tpu.memory_space<hbm>>
      %dma_start3A_128 = tpu.memref_squeeze %dma_start3A_127 : memref<1x1x1024xf32, #tpu.memory_space<hbm>> -> memref<1024xf32, #tpu.memory_space<hbm>>
      tpu.enqueue_dma source(%arg7 : memref<1024xf32, #tpu.memory_space<vmem>>) target(%dma_start3A_128 : memref<1024xf32, #tpu.memory_space<hbm>>) target_semaphore(%run_scoped3A_125 : memref<!tpu.dma_semaphore, #tpu.memory_space<semaphore_mem>>)
      %dma_wait3A_129 = tpu.memref_slice %arg3[%arg0, %run_scoped3A, %mul3A_124] : memref<2x1x16384xf32, #tpu.memory_space<hbm>> -> memref<1x1x1024xf32, #tpu.memory_space<hbm>>
      %dma_wait3A_130 = tpu.memref_squeeze %dma_wait3A_129 : memref<1x1x1024xf32, #tpu.memory_space<hbm>> -> memref<1024xf32, #tpu.memory_space<hbm>>
      %dma_wait3A_131 = tpu.memref_slice %arg3[%arg0, %run_scoped3A, %mul3A_124] : memref<2x1x16384xf32, #tpu.memory_space<hbm>> -> memref<1x1x1024xf32, #tpu.memory_space<hbm>>
      %dma_wait3A_132 = tpu.memref_squeeze %dma_wait3A_131 : memref<1x1x1024xf32, #tpu.memory_space<hbm>> -> memref<1024xf32, #tpu.memory_space<hbm>>
      tpu.wait_dma2 semaphore(%run_scoped3A_125 : memref<!tpu.dma_semaphore, #tpu.memory_space<semaphore_mem>>) src(%arg7 : memref<1024xf32, #tpu.memory_space<vmem>>) dst(%dma_wait3A_132 : memref<1024xf32, #tpu.memory_space<hbm>>)
      tpu.yield
    }) : () -> ()
    return
  }
}

#map = affine_map<(d0, d1) -> (0, 0)>
#map1 = affine_map<(d0, d1) -> (0, 0, 0)>
module attributes {stable_mosaic.version = 14 : i64} {
  func.func @_agg_body(%arg0: i32, %arg1: i32, %arg2: memref<10000x128xf32, #tpu.memory_space<hbm>>, %arg3: memref<2560x1x128xi32, #tpu.memory_space<hbm>>, %arg4: memref<2560x1x128xi32, #tpu.memory_space<hbm>>, %arg5: memref<2x10000x128xf32, #tpu.memory_space<hbm>>, %arg6: memref<10128x128xf32, #tpu.memory_space<vmem_shared>>, %arg7: memref<128x128xf32, #tpu.memory_space<vmem>>, %arg8: memref<128x128xf32, #tpu.memory_space<vmem>>, %arg9: memref<128xi32, #tpu.memory_space<vmem>>, %arg10: memref<128xi32, #tpu.memory_space<vmem>>, %arg11: memref<80x1x128xi32, #tpu.memory_space<vmem>>, %arg12: memref<48x128xf32, #tpu.memory_space<vmem>>, %arg13: memref<!tpu.dma_semaphore, #tpu.memory_space<semaphore_mem>>, %arg14: memref<!tpu.dma_semaphore, #tpu.memory_space<semaphore_mem>>, %arg15: memref<!tpu.dma_semaphore, #tpu.memory_space<semaphore_mem>>, %arg16: memref<!tpu.dma_semaphore, #tpu.memory_space<semaphore_mem>>, %arg17: memref<!tpu.dma_semaphore, #tpu.memory_space<semaphore_mem>>, %arg18: memref<!tpu.dma_semaphore, #tpu.memory_space<semaphore_mem>>) attributes {dimension_semantics = [#tpu.dimension_semantics<core_parallel>, #tpu.dimension_semantics<subcore_parallel>], iteration_bounds = array<i64: 2, 16>, scalar_prefetch = 0 : i64, scratch_operands = 13 : i64, tpu.core_type = #tpu.core_type<sc_vector_subcore>, window_params = [{transform_indices = #map}, {transform_indices = #map1}, {transform_indices = #map1}, {transform_indices = #map1}]} {
    %mul3A = arith.constant 16 : i32
    %mul3A_0 = arith.muli %arg0, %mul3A : i32
    %add3A = arith.addi %mul3A_0, %arg1 : i32
    %mul3A_1 = arith.constant 80 : i32
    %mul3A_2 = arith.muli %add3A, %mul3A_1 : i32
    "tpu.region"() ({
      %run_scoped3A_79 = tpu.sem_alloc : memref<!tpu.dma_semaphore, #tpu.memory_space<semaphore_mem>>
      %dma_start3A_80 = arith.constant 0 : i32
      %dma_start3A_81 = arith.constant 0 : i32
      %dma_start3A_82 = tpu.memref_slice %arg4[%mul3A_2, %dma_start3A_80, %dma_start3A_81] : memref<2560x1x128xi32, #tpu.memory_space<hbm>> -> memref<80x1x128xi32, #tpu.memory_space<hbm>>
      %dma_start3A_83 = arith.constant 0 : i32
      %dma_start3A_84 = arith.constant 0 : i32
      %dma_start3A_85 = tpu.memref_slice %arg4[%mul3A_2, %dma_start3A_83, %dma_start3A_84] : memref<2560x1x128xi32, #tpu.memory_space<hbm>> -> memref<80x1x128xi32, #tpu.memory_space<hbm>>
      tpu.enqueue_dma source(%dma_start3A_85 : memref<80x1x128xi32, #tpu.memory_space<hbm>>) target(%arg11 : memref<80x1x128xi32, #tpu.memory_space<vmem>>) target_semaphore(%run_scoped3A_79 : memref<!tpu.dma_semaphore, #tpu.memory_space<semaphore_mem>>)
      %dma_wait3A_86 = arith.constant 0 : i32
      %dma_wait3A_87 = arith.constant 0 : i32
      %dma_wait3A_88 = tpu.memref_slice %arg4[%mul3A_2, %dma_wait3A_86, %dma_wait3A_87] : memref<2560x1x128xi32, #tpu.memory_space<hbm>> -> memref<80x1x128xi32, #tpu.memory_space<hbm>>
      %dma_wait3A_89 = arith.constant 0 : i32
      %dma_wait3A_90 = arith.constant 0 : i32
      %dma_wait3A_91 = tpu.memref_slice %arg4[%mul3A_2, %dma_wait3A_89, %dma_wait3A_90] : memref<2560x1x128xi32, #tpu.memory_space<hbm>> -> memref<80x1x128xi32, #tpu.memory_space<hbm>>
      tpu.wait_dma2 semaphore(%run_scoped3A_79 : memref<!tpu.dma_semaphore, #tpu.memory_space<semaphore_mem>>) src(%dma_wait3A_91 : memref<80x1x128xi32, #tpu.memory_space<hbm>>) dst(%arg11 : memref<80x1x128xi32, #tpu.memory_space<vmem>>)
      tpu.yield
    }) : () -> ()
    %broadcast_in_dim3A = arith.constant 0.000000e+00 : f32
    %broadcast_in_dim3A_3 = vector.broadcast %broadcast_in_dim3A : f32 to vector<16xf32>
    %scan3A = arith.constant 0 : i32
    %scan3A_4 = arith.constant 0 : i32
    %scan3A_5 = arith.constant 384 : i32
    %scan3A_6 = arith.addi %scan3A_4, %scan3A_5 : i32
    %scan3A_7 = arith.constant 1 : i32
    %scan3A_8 = scf.for %scan3A_79 = %scan3A_4 to %scan3A_6 step %scan3A_7 iter_args(%scan3A_80 = %scan3A) -> (i32)  : i32 {
      %jit3A = arith.constant 8 : i32
      %div3A = arith.divsi %scan3A_79, %jit3A : i32
      %sign3A = arith.constant 0 : i32
      %sign3A_81 = arith.cmpi sgt, %scan3A_79, %sign3A : i32
      %sign3A_82 = arith.extui %sign3A_81 : i1 to i32
      %sign3A_83 = arith.constant 0 : i32
      %sign3A_84 = arith.cmpi slt, %scan3A_79, %sign3A_83 : i32
      %sign3A_85 = arith.extui %sign3A_84 : i1 to i32
      %sign3A_86 = arith.subi %sign3A_82, %sign3A_85 : i32
      %sign3A_87 = arith.constant 0 : i32
      %sign3A_88 = arith.cmpi sgt, %jit3A, %sign3A_87 : i32
      %sign3A_89 = arith.extui %sign3A_88 : i1 to i32
      %sign3A_90 = arith.constant 0 : i32
      %sign3A_91 = arith.cmpi slt, %jit3A, %sign3A_90 : i32
      %sign3A_92 = arith.extui %sign3A_91 : i1 to i32
      %sign3A_93 = arith.subi %sign3A_89, %sign3A_92 : i32
      %ne3A = arith.cmpi ne, %sign3A_86, %sign3A_93 : i32
      %rem3A = arith.remsi %scan3A_79, %jit3A : i32
      %ne3A_94 = arith.constant 0 : i32
      %ne3A_95 = arith.cmpi ne, %rem3A, %ne3A_94 : i32
      %and3A = arith.andi %ne3A, %ne3A_95 : i1
      %sub3A = arith.constant 1 : i32
      %sub3A_96 = arith.subi %div3A, %sub3A : i32
      %select_n3A = arith.select %and3A, %sub3A_96, %div3A : i32
      %jit3A_97 = arith.constant 8 : i32
      %eq3A_98 = arith.constant 0 : i32
      %eq3A_99 = arith.cmpi eq, %jit3A_97, %eq3A_98 : i32
      %jit3A_100 = arith.constant 1 : i32
      %select_n3A_101 = arith.select %eq3A_99, %jit3A_100, %jit3A_97 : i32
      %rem3A_102 = arith.remsi %scan3A_79, %select_n3A_101 : i32
      %ne3A_103 = arith.constant 0 : i32
      %ne3A_104 = arith.cmpi ne, %rem3A_102, %ne3A_103 : i32
      %lt3A = arith.constant 0 : i32
      %lt3A_105 = arith.cmpi slt, %rem3A_102, %lt3A : i32
      %lt3A_106 = arith.constant 0 : i32
      %lt3A_107 = arith.cmpi slt, %select_n3A_101, %lt3A_106 : i32
      %ne3A_108 = arith.xori %lt3A_105, %lt3A_107 : i1
      %and3A_109 = arith.andi %ne3A_108, %ne3A_104 : i1
      %add3A_110 = arith.addi %rem3A_102, %select_n3A_101 : i32
      %select_n3A_111 = arith.select %and3A_109, %add3A_110, %rem3A_102 : i32
      %mul3A_112 = arith.constant 16 : i32
      %mul3A_113 = arith.muli %select_n3A_111, %mul3A_112 : i32
      %swap3A = arith.index_cast %select_n3A : i32 to index
      %swap3A_114 = arith.index_cast %mul3A_113 : i32 to index
      %swap3A_115 = tpu.vector_load %arg12[%swap3A, %swap3A_114] {strides = array<i32>} : memref<48x128xf32, #tpu.memory_space<vmem>>, vector<1x16xf32>,
      %swap3A_116 = vector.shape_cast %swap3A_115 : vector<1x16xf32> to vector<16xf32>
      %swap3A_117 = vector.shape_cast %broadcast_in_dim3A_3 : vector<16xf32> to vector<1x16xf32>
      tpu.vector_store %arg12[%swap3A, %swap3A_114], %swap3A_117 {strides = array<i32>} : memref<48x128xf32, #tpu.memory_space<vmem>>, vector<1x16xf32>,
      %scan3A_118 = arith.constant 0 : i32
      scf.yield %scan3A_118 : i32
    }
    %scan3A_9 = arith.constant 384 : i32
    %mul3A_10 = arith.constant 624 : i32
    %mul3A_11 = arith.muli %arg1, %mul3A_10 : i32
    %add3A_12 = arith.constant 0 : i32
    %add3A_13 = arith.addi %mul3A_11, %add3A_12 : i32
    "tpu.region"() ({
      %run_scoped3A_79 = tpu.sem_alloc : memref<!tpu.dma_semaphore, #tpu.memory_space<semaphore_mem>>
      %dma_start3A_80 = arith.constant 0 : i32
      %dma_start3A_81 = tpu.memref_slice %arg6[%add3A_13, %dma_start3A_80] : memref<10128x128xf32, #tpu.memory_space<vmem_shared>> -> memref<48x128xf32, #tpu.memory_space<vmem_shared>>
      %dma_start3A_82 = arith.constant 0 : i32
      %dma_start3A_83 = tpu.memref_slice %arg6[%add3A_13, %dma_start3A_82] : memref<10128x128xf32, #tpu.memory_space<vmem_shared>> -> memref<48x128xf32, #tpu.memory_space<vmem_shared>>
      tpu.enqueue_dma source(%arg12 : memref<48x128xf32, #tpu.memory_space<vmem>>) target(%dma_start3A_83 : memref<48x128xf32, #tpu.memory_space<vmem_shared>>) target_semaphore(%run_scoped3A_79 : memref<!tpu.dma_semaphore, #tpu.memory_space<semaphore_mem>>)
      %dma_wait3A_84 = arith.constant 0 : i32
      %dma_wait3A_85 = tpu.memref_slice %arg6[%add3A_13, %dma_wait3A_84] : memref<10128x128xf32, #tpu.memory_space<vmem_shared>> -> memref<48x128xf32, #tpu.memory_space<vmem_shared>>
      %dma_wait3A_86 = arith.constant 0 : i32
      %dma_wait3A_87 = tpu.memref_slice %arg6[%add3A_13, %dma_wait3A_86] : memref<10128x128xf32, #tpu.memory_space<vmem_shared>> -> memref<48x128xf32, #tpu.memory_space<vmem_shared>>
      tpu.wait_dma2 semaphore(%run_scoped3A_79 : memref<!tpu.dma_semaphore, #tpu.memory_space<semaphore_mem>>) src(%arg12 : memref<48x128xf32, #tpu.memory_space<vmem>>) dst(%dma_wait3A_87 : memref<48x128xf32, #tpu.memory_space<vmem_shared>>)
      tpu.yield
    }) : () -> ()
    %add3A_14 = arith.constant 48 : i32
    %add3A_15 = arith.addi %mul3A_11, %add3A_14 : i32
    "tpu.region"() ({
      %run_scoped3A_79 = tpu.sem_alloc : memref<!tpu.dma_semaphore, #tpu.memory_space<semaphore_mem>>
      %dma_start3A_80 = arith.constant 0 : i32
      %dma_start3A_81 = tpu.memref_slice %arg6[%add3A_15, %dma_start3A_80] : memref<10128x128xf32, #tpu.memory_space<vmem_shared>> -> memref<48x128xf32, #tpu.memory_space<vmem_shared>>
      %dma_start3A_82 = arith.constant 0 : i32
      %dma_start3A_83 = tpu.memref_slice %arg6[%add3A_15, %dma_start3A_82] : memref<10128x128xf32, #tpu.memory_space<vmem_shared>> -> memref<48x128xf32, #tpu.memory_space<vmem_shared>>
      tpu.enqueue_dma source(%arg12 : memref<48x128xf32, #tpu.memory_space<vmem>>) target(%dma_start3A_83 : memref<48x128xf32, #tpu.memory_space<vmem_shared>>) target_semaphore(%run_scoped3A_79 : memref<!tpu.dma_semaphore, #tpu.memory_space<semaphore_mem>>)
      %dma_wait3A_84 = arith.constant 0 : i32
      %dma_wait3A_85 = tpu.memref_slice %arg6[%add3A_15, %dma_wait3A_84] : memref<10128x128xf32, #tpu.memory_space<vmem_shared>> -> memref<48x128xf32, #tpu.memory_space<vmem_shared>>
      %dma_wait3A_86 = arith.constant 0 : i32
      %dma_wait3A_87 = tpu.memref_slice %arg6[%add3A_15, %dma_wait3A_86] : memref<10128x128xf32, #tpu.memory_space<vmem_shared>> -> memref<48x128xf32, #tpu.memory_space<vmem_shared>>
      tpu.wait_dma2 semaphore(%run_scoped3A_79 : memref<!tpu.dma_semaphore, #tpu.memory_space<semaphore_mem>>) src(%arg12 : memref<48x128xf32, #tpu.memory_space<vmem>>) dst(%dma_wait3A_87 : memref<48x128xf32, #tpu.memory_space<vmem_shared>>)
      tpu.yield
    }) : () -> ()
    %add3A_16 = arith.constant 96 : i32
    %add3A_17 = arith.addi %mul3A_11, %add3A_16 : i32
    "tpu.region"() ({
      %run_scoped3A_79 = tpu.sem_alloc : memref<!tpu.dma_semaphore, #tpu.memory_space<semaphore_mem>>
      %dma_start3A_80 = arith.constant 0 : i32
      %dma_start3A_81 = tpu.memref_slice %arg6[%add3A_17, %dma_start3A_80] : memref<10128x128xf32, #tpu.memory_space<vmem_shared>> -> memref<48x128xf32, #tpu.memory_space<vmem_shared>>
      %dma_start3A_82 = arith.constant 0 : i32
      %dma_start3A_83 = tpu.memref_slice %arg6[%add3A_17, %dma_start3A_82] : memref<10128x128xf32, #tpu.memory_space<vmem_shared>> -> memref<48x128xf32, #tpu.memory_space<vmem_shared>>
      tpu.enqueue_dma source(%arg12 : memref<48x128xf32, #tpu.memory_space<vmem>>) target(%dma_start3A_83 : memref<48x128xf32, #tpu.memory_space<vmem_shared>>) target_semaphore(%run_scoped3A_79 : memref<!tpu.dma_semaphore, #tpu.memory_space<semaphore_mem>>)
      %dma_wait3A_84 = arith.constant 0 : i32
      %dma_wait3A_85 = tpu.memref_slice %arg6[%add3A_17, %dma_wait3A_84] : memref<10128x128xf32, #tpu.memory_space<vmem_shared>> -> memref<48x128xf32, #tpu.memory_space<vmem_shared>>
      %dma_wait3A_86 = arith.constant 0 : i32
      %dma_wait3A_87 = tpu.memref_slice %arg6[%add3A_17, %dma_wait3A_86] : memref<10128x128xf32, #tpu.memory_space<vmem_shared>> -> memref<48x128xf32, #tpu.memory_space<vmem_shared>>
      tpu.wait_dma2 semaphore(%run_scoped3A_79 : memref<!tpu.dma_semaphore, #tpu.memory_space<semaphore_mem>>) src(%arg12 : memref<48x128xf32, #tpu.memory_space<vmem>>) dst(%dma_wait3A_87 : memref<48x128xf32, #tpu.memory_space<vmem_shared>>)
      tpu.yield
    }) : () -> ()
    %add3A_18 = arith.constant 144 : i32
    %add3A_19 = arith.addi %mul3A_11, %add3A_18 : i32
    "tpu.region"() ({
      %run_scoped3A_79 = tpu.sem_alloc : memref<!tpu.dma_semaphore, #tpu.memory_space<semaphore_mem>>
      %dma_start3A_80 = arith.constant 0 : i32
      %dma_start3A_81 = tpu.memref_slice %arg6[%add3A_19, %dma_start3A_80] : memref<10128x128xf32, #tpu.memory_space<vmem_shared>> -> memref<48x128xf32, #tpu.memory_space<vmem_shared>>
      %dma_start3A_82 = arith.constant 0 : i32
      %dma_start3A_83 = tpu.memref_slice %arg6[%add3A_19, %dma_start3A_82] : memref<10128x128xf32, #tpu.memory_space<vmem_shared>> -> memref<48x128xf32, #tpu.memory_space<vmem_shared>>
      tpu.enqueue_dma source(%arg12 : memref<48x128xf32, #tpu.memory_space<vmem>>) target(%dma_start3A_83 : memref<48x128xf32, #tpu.memory_space<vmem_shared>>) target_semaphore(%run_scoped3A_79 : memref<!tpu.dma_semaphore, #tpu.memory_space<semaphore_mem>>)
      %dma_wait3A_84 = arith.constant 0 : i32
      %dma_wait3A_85 = tpu.memref_slice %arg6[%add3A_19, %dma_wait3A_84] : memref<10128x128xf32, #tpu.memory_space<vmem_shared>> -> memref<48x128xf32, #tpu.memory_space<vmem_shared>>
      %dma_wait3A_86 = arith.constant 0 : i32
      %dma_wait3A_87 = tpu.memref_slice %arg6[%add3A_19, %dma_wait3A_86] : memref<10128x128xf32, #tpu.memory_space<vmem_shared>> -> memref<48x128xf32, #tpu.memory_space<vmem_shared>>
      tpu.wait_dma2 semaphore(%run_scoped3A_79 : memref<!tpu.dma_semaphore, #tpu.memory_space<semaphore_mem>>) src(%arg12 : memref<48x128xf32, #tpu.memory_space<vmem>>) dst(%dma_wait3A_87 : memref<48x128xf32, #tpu.memory_space<vmem_shared>>)
      tpu.yield
    }) : () -> ()
    %add3A_20 = arith.constant 192 : i32
    %add3A_21 = arith.addi %mul3A_11, %add3A_20 : i32
    "tpu.region"() ({
      %run_scoped3A_79 = tpu.sem_alloc : memref<!tpu.dma_semaphore, #tpu.memory_space<semaphore_mem>>
      %dma_start3A_80 = arith.constant 0 : i32
      %dma_start3A_81 = tpu.memref_slice %arg6[%add3A_21, %dma_start3A_80] : memref<10128x128xf32, #tpu.memory_space<vmem_shared>> -> memref<48x128xf32, #tpu.memory_space<vmem_shared>>
      %dma_start3A_82 = arith.constant 0 : i32
      %dma_start3A_83 = tpu.memref_slice %arg6[%add3A_21, %dma_start3A_82] : memref<10128x128xf32, #tpu.memory_space<vmem_shared>> -> memref<48x128xf32, #tpu.memory_space<vmem_shared>>
      tpu.enqueue_dma source(%arg12 : memref<48x128xf32, #tpu.memory_space<vmem>>) target(%dma_start3A_83 : memref<48x128xf32, #tpu.memory_space<vmem_shared>>) target_semaphore(%run_scoped3A_79 : memref<!tpu.dma_semaphore, #tpu.memory_space<semaphore_mem>>)
      %dma_wait3A_84 = arith.constant 0 : i32
      %dma_wait3A_85 = tpu.memref_slice %arg6[%add3A_21, %dma_wait3A_84] : memref<10128x128xf32, #tpu.memory_space<vmem_shared>> -> memref<48x128xf32, #tpu.memory_space<vmem_shared>>
      %dma_wait3A_86 = arith.constant 0 : i32
      %dma_wait3A_87 = tpu.memref_slice %arg6[%add3A_21, %dma_wait3A_86] : memref<10128x128xf32, #tpu.memory_space<vmem_shared>> -> memref<48x128xf32, #tpu.memory_space<vmem_shared>>
      tpu.wait_dma2 semaphore(%run_scoped3A_79 : memref<!tpu.dma_semaphore, #tpu.memory_space<semaphore_mem>>) src(%arg12 : memref<48x128xf32, #tpu.memory_space<vmem>>) dst(%dma_wait3A_87 : memref<48x128xf32, #tpu.memory_space<vmem_shared>>)
      tpu.yield
    }) : () -> ()
    %add3A_22 = arith.constant 240 : i32
    %add3A_23 = arith.addi %mul3A_11, %add3A_22 : i32
    "tpu.region"() ({
      %run_scoped3A_79 = tpu.sem_alloc : memref<!tpu.dma_semaphore, #tpu.memory_space<semaphore_mem>>
      %dma_start3A_80 = arith.constant 0 : i32
      %dma_start3A_81 = tpu.memref_slice %arg6[%add3A_23, %dma_start3A_80] : memref<10128x128xf32, #tpu.memory_space<vmem_shared>> -> memref<48x128xf32, #tpu.memory_space<vmem_shared>>
      %dma_start3A_82 = arith.constant 0 : i32
      %dma_start3A_83 = tpu.memref_slice %arg6[%add3A_23, %dma_start3A_82] : memref<10128x128xf32, #tpu.memory_space<vmem_shared>> -> memref<48x128xf32, #tpu.memory_space<vmem_shared>>
      tpu.enqueue_dma source(%arg12 : memref<48x128xf32, #tpu.memory_space<vmem>>) target(%dma_start3A_83 : memref<48x128xf32, #tpu.memory_space<vmem_shared>>) target_semaphore(%run_scoped3A_79 : memref<!tpu.dma_semaphore, #tpu.memory_space<semaphore_mem>>)
      %dma_wait3A_84 = arith.constant 0 : i32
      %dma_wait3A_85 = tpu.memref_slice %arg6[%add3A_23, %dma_wait3A_84] : memref<10128x128xf32, #tpu.memory_space<vmem_shared>> -> memref<48x128xf32, #tpu.memory_space<vmem_shared>>
      %dma_wait3A_86 = arith.constant 0 : i32
      %dma_wait3A_87 = tpu.memref_slice %arg6[%add3A_23, %dma_wait3A_86] : memref<10128x128xf32, #tpu.memory_space<vmem_shared>> -> memref<48x128xf32, #tpu.memory_space<vmem_shared>>
      tpu.wait_dma2 semaphore(%run_scoped3A_79 : memref<!tpu.dma_semaphore, #tpu.memory_space<semaphore_mem>>) src(%arg12 : memref<48x128xf32, #tpu.memory_space<vmem>>) dst(%dma_wait3A_87 : memref<48x128xf32, #tpu.memory_space<vmem_shared>>)
      tpu.yield
    }) : () -> ()
    %add3A_24 = arith.constant 288 : i32
    %add3A_25 = arith.addi %mul3A_11, %add3A_24 : i32
    "tpu.region"() ({
      %run_scoped3A_79 = tpu.sem_alloc : memref<!tpu.dma_semaphore, #tpu.memory_space<semaphore_mem>>
      %dma_start3A_80 = arith.constant 0 : i32
      %dma_start3A_81 = tpu.memref_slice %arg6[%add3A_25, %dma_start3A_80] : memref<10128x128xf32, #tpu.memory_space<vmem_shared>> -> memref<48x128xf32, #tpu.memory_space<vmem_shared>>
      %dma_start3A_82 = arith.constant 0 : i32
      %dma_start3A_83 = tpu.memref_slice %arg6[%add3A_25, %dma_start3A_82] : memref<10128x128xf32, #tpu.memory_space<vmem_shared>> -> memref<48x128xf32, #tpu.memory_space<vmem_shared>>
      tpu.enqueue_dma source(%arg12 : memref<48x128xf32, #tpu.memory_space<vmem>>) target(%dma_start3A_83 : memref<48x128xf32, #tpu.memory_space<vmem_shared>>) target_semaphore(%run_scoped3A_79 : memref<!tpu.dma_semaphore, #tpu.memory_space<semaphore_mem>>)
      %dma_wait3A_84 = arith.constant 0 : i32
      %dma_wait3A_85 = tpu.memref_slice %arg6[%add3A_25, %dma_wait3A_84] : memref<10128x128xf32, #tpu.memory_space<vmem_shared>> -> memref<48x128xf32, #tpu.memory_space<vmem_shared>>
      %dma_wait3A_86 = arith.constant 0 : i32
      %dma_wait3A_87 = tpu.memref_slice %arg6[%add3A_25, %dma_wait3A_86] : memref<10128x128xf32, #tpu.memory_space<vmem_shared>> -> memref<48x128xf32, #tpu.memory_space<vmem_shared>>
      tpu.wait_dma2 semaphore(%run_scoped3A_79 : memref<!tpu.dma_semaphore, #tpu.memory_space<semaphore_mem>>) src(%arg12 : memref<48x128xf32, #tpu.memory_space<vmem>>) dst(%dma_wait3A_87 : memref<48x128xf32, #tpu.memory_space<vmem_shared>>)
      tpu.yield
    }) : () -> ()
    %add3A_26 = arith.constant 336 : i32
    %add3A_27 = arith.addi %mul3A_11, %add3A_26 : i32
    "tpu.region"() ({
      %run_scoped3A_79 = tpu.sem_alloc : memref<!tpu.dma_semaphore, #tpu.memory_space<semaphore_mem>>
      %dma_start3A_80 = arith.constant 0 : i32
      %dma_start3A_81 = tpu.memref_slice %arg6[%add3A_27, %dma_start3A_80] : memref<10128x128xf32, #tpu.memory_space<vmem_shared>> -> memref<48x128xf32, #tpu.memory_space<vmem_shared>>
      %dma_start3A_82 = arith.constant 0 : i32
      %dma_start3A_83 = tpu.memref_slice %arg6[%add3A_27, %dma_start3A_82] : memref<10128x128xf32, #tpu.memory_space<vmem_shared>> -> memref<48x128xf32, #tpu.memory_space<vmem_shared>>
      tpu.enqueue_dma source(%arg12 : memref<48x128xf32, #tpu.memory_space<vmem>>) target(%dma_start3A_83 : memref<48x128xf32, #tpu.memory_space<vmem_shared>>) target_semaphore(%run_scoped3A_79 : memref<!tpu.dma_semaphore, #tpu.memory_space<semaphore_mem>>)
      %dma_wait3A_84 = arith.constant 0 : i32
      %dma_wait3A_85 = tpu.memref_slice %arg6[%add3A_27, %dma_wait3A_84] : memref<10128x128xf32, #tpu.memory_space<vmem_shared>> -> memref<48x128xf32, #tpu.memory_space<vmem_shared>>
      %dma_wait3A_86 = arith.constant 0 : i32
      %dma_wait3A_87 = tpu.memref_slice %arg6[%add3A_27, %dma_wait3A_86] : memref<10128x128xf32, #tpu.memory_space<vmem_shared>> -> memref<48x128xf32, #tpu.memory_space<vmem_shared>>
      tpu.wait_dma2 semaphore(%run_scoped3A_79 : memref<!tpu.dma_semaphore, #tpu.memory_space<semaphore_mem>>) src(%arg12 : memref<48x128xf32, #tpu.memory_space<vmem>>) dst(%dma_wait3A_87 : memref<48x128xf32, #tpu.memory_space<vmem_shared>>)
      tpu.yield
    }) : () -> ()
    %add3A_28 = arith.constant 384 : i32
    %add3A_29 = arith.addi %mul3A_11, %add3A_28 : i32
    "tpu.region"() ({
      %run_scoped3A_79 = tpu.sem_alloc : memref<!tpu.dma_semaphore, #tpu.memory_space<semaphore_mem>>
      %dma_start3A_80 = arith.constant 0 : i32
      %dma_start3A_81 = tpu.memref_slice %arg6[%add3A_29, %dma_start3A_80] : memref<10128x128xf32, #tpu.memory_space<vmem_shared>> -> memref<48x128xf32, #tpu.memory_space<vmem_shared>>
      %dma_start3A_82 = arith.constant 0 : i32
      %dma_start3A_83 = tpu.memref_slice %arg6[%add3A_29, %dma_start3A_82] : memref<10128x128xf32, #tpu.memory_space<vmem_shared>> -> memref<48x128xf32, #tpu.memory_space<vmem_shared>>
      tpu.enqueue_dma source(%arg12 : memref<48x128xf32, #tpu.memory_space<vmem>>) target(%dma_start3A_83 : memref<48x128xf32, #tpu.memory_space<vmem_shared>>) target_semaphore(%run_scoped3A_79 : memref<!tpu.dma_semaphore, #tpu.memory_space<semaphore_mem>>)
      %dma_wait3A_84 = arith.constant 0 : i32
      %dma_wait3A_85 = tpu.memref_slice %arg6[%add3A_29, %dma_wait3A_84] : memref<10128x128xf32, #tpu.memory_space<vmem_shared>> -> memref<48x128xf32, #tpu.memory_space<vmem_shared>>
      %dma_wait3A_86 = arith.constant 0 : i32
      %dma_wait3A_87 = tpu.memref_slice %arg6[%add3A_29, %dma_wait3A_86] : memref<10128x128xf32, #tpu.memory_space<vmem_shared>> -> memref<48x128xf32, #tpu.memory_space<vmem_shared>>
      tpu.wait_dma2 semaphore(%run_scoped3A_79 : memref<!tpu.dma_semaphore, #tpu.memory_space<semaphore_mem>>) src(%arg12 : memref<48x128xf32, #tpu.memory_space<vmem>>) dst(%dma_wait3A_87 : memref<48x128xf32, #tpu.memory_space<vmem_shared>>)
      tpu.yield
    }) : () -> ()
    %add3A_30 = arith.constant 432 : i32
    %add3A_31 = arith.addi %mul3A_11, %add3A_30 : i32
    "tpu.region"() ({
      %run_scoped3A_79 = tpu.sem_alloc : memref<!tpu.dma_semaphore, #tpu.memory_space<semaphore_mem>>
      %dma_start3A_80 = arith.constant 0 : i32
      %dma_start3A_81 = tpu.memref_slice %arg6[%add3A_31, %dma_start3A_80] : memref<10128x128xf32, #tpu.memory_space<vmem_shared>> -> memref<48x128xf32, #tpu.memory_space<vmem_shared>>
      %dma_start3A_82 = arith.constant 0 : i32
      %dma_start3A_83 = tpu.memref_slice %arg6[%add3A_31, %dma_start3A_82] : memref<10128x128xf32, #tpu.memory_space<vmem_shared>> -> memref<48x128xf32, #tpu.memory_space<vmem_shared>>
      tpu.enqueue_dma source(%arg12 : memref<48x128xf32, #tpu.memory_space<vmem>>) target(%dma_start3A_83 : memref<48x128xf32, #tpu.memory_space<vmem_shared>>) target_semaphore(%run_scoped3A_79 : memref<!tpu.dma_semaphore, #tpu.memory_space<semaphore_mem>>)
      %dma_wait3A_84 = arith.constant 0 : i32
      %dma_wait3A_85 = tpu.memref_slice %arg6[%add3A_31, %dma_wait3A_84] : memref<10128x128xf32, #tpu.memory_space<vmem_shared>> -> memref<48x128xf32, #tpu.memory_space<vmem_shared>>
      %dma_wait3A_86 = arith.constant 0 : i32
      %dma_wait3A_87 = tpu.memref_slice %arg6[%add3A_31, %dma_wait3A_86] : memref<10128x128xf32, #tpu.memory_space<vmem_shared>> -> memref<48x128xf32, #tpu.memory_space<vmem_shared>>
      tpu.wait_dma2 semaphore(%run_scoped3A_79 : memref<!tpu.dma_semaphore, #tpu.memory_space<semaphore_mem>>) src(%arg12 : memref<48x128xf32, #tpu.memory_space<vmem>>) dst(%dma_wait3A_87 : memref<48x128xf32, #tpu.memory_space<vmem_shared>>)
      tpu.yield
    }) : () -> ()
    %add3A_32 = arith.constant 480 : i32
    %add3A_33 = arith.addi %mul3A_11, %add3A_32 : i32
    "tpu.region"() ({
      %run_scoped3A_79 = tpu.sem_alloc : memref<!tpu.dma_semaphore, #tpu.memory_space<semaphore_mem>>
      %dma_start3A_80 = arith.constant 0 : i32
      %dma_start3A_81 = tpu.memref_slice %arg6[%add3A_33, %dma_start3A_80] : memref<10128x128xf32, #tpu.memory_space<vmem_shared>> -> memref<48x128xf32, #tpu.memory_space<vmem_shared>>
      %dma_start3A_82 = arith.constant 0 : i32
      %dma_start3A_83 = tpu.memref_slice %arg6[%add3A_33, %dma_start3A_82] : memref<10128x128xf32, #tpu.memory_space<vmem_shared>> -> memref<48x128xf32, #tpu.memory_space<vmem_shared>>
      tpu.enqueue_dma source(%arg12 : memref<48x128xf32, #tpu.memory_space<vmem>>) target(%dma_start3A_83 : memref<48x128xf32, #tpu.memory_space<vmem_shared>>) target_semaphore(%run_scoped3A_79 : memref<!tpu.dma_semaphore, #tpu.memory_space<semaphore_mem>>)
      %dma_wait3A_84 = arith.constant 0 : i32
      %dma_wait3A_85 = tpu.memref_slice %arg6[%add3A_33, %dma_wait3A_84] : memref<10128x128xf32, #tpu.memory_space<vmem_shared>> -> memref<48x128xf32, #tpu.memory_space<vmem_shared>>
      %dma_wait3A_86 = arith.constant 0 : i32
      %dma_wait3A_87 = tpu.memref_slice %arg6[%add3A_33, %dma_wait3A_86] : memref<10128x128xf32, #tpu.memory_space<vmem_shared>> -> memref<48x128xf32, #tpu.memory_space<vmem_shared>>
      tpu.wait_dma2 semaphore(%run_scoped3A_79 : memref<!tpu.dma_semaphore, #tpu.memory_space<semaphore_mem>>) src(%arg12 : memref<48x128xf32, #tpu.memory_space<vmem>>) dst(%dma_wait3A_87 : memref<48x128xf32, #tpu.memory_space<vmem_shared>>)
      tpu.yield
    }) : () -> ()
    %add3A_34 = arith.constant 528 : i32
    %add3A_35 = arith.addi %mul3A_11, %add3A_34 : i32
    "tpu.region"() ({
      %run_scoped3A_79 = tpu.sem_alloc : memref<!tpu.dma_semaphore, #tpu.memory_space<semaphore_mem>>
      %dma_start3A_80 = arith.constant 0 : i32
      %dma_start3A_81 = tpu.memref_slice %arg6[%add3A_35, %dma_start3A_80] : memref<10128x128xf32, #tpu.memory_space<vmem_shared>> -> memref<48x128xf32, #tpu.memory_space<vmem_shared>>
      %dma_start3A_82 = arith.constant 0 : i32
      %dma_start3A_83 = tpu.memref_slice %arg6[%add3A_35, %dma_start3A_82] : memref<10128x128xf32, #tpu.memory_space<vmem_shared>> -> memref<48x128xf32, #tpu.memory_space<vmem_shared>>
      tpu.enqueue_dma source(%arg12 : memref<48x128xf32, #tpu.memory_space<vmem>>) target(%dma_start3A_83 : memref<48x128xf32, #tpu.memory_space<vmem_shared>>) target_semaphore(%run_scoped3A_79 : memref<!tpu.dma_semaphore, #tpu.memory_space<semaphore_mem>>)
      %dma_wait3A_84 = arith.constant 0 : i32
      %dma_wait3A_85 = tpu.memref_slice %arg6[%add3A_35, %dma_wait3A_84] : memref<10128x128xf32, #tpu.memory_space<vmem_shared>> -> memref<48x128xf32, #tpu.memory_space<vmem_shared>>
      %dma_wait3A_86 = arith.constant 0 : i32
      %dma_wait3A_87 = tpu.memref_slice %arg6[%add3A_35, %dma_wait3A_86] : memref<10128x128xf32, #tpu.memory_space<vmem_shared>> -> memref<48x128xf32, #tpu.memory_space<vmem_shared>>
      tpu.wait_dma2 semaphore(%run_scoped3A_79 : memref<!tpu.dma_semaphore, #tpu.memory_space<semaphore_mem>>) src(%arg12 : memref<48x128xf32, #tpu.memory_space<vmem>>) dst(%dma_wait3A_87 : memref<48x128xf32, #tpu.memory_space<vmem_shared>>)
      tpu.yield
    }) : () -> ()
    %add3A_36 = arith.constant 576 : i32
    %add3A_37 = arith.addi %mul3A_11, %add3A_36 : i32
    "tpu.region"() ({
      %run_scoped3A_79 = tpu.sem_alloc : memref<!tpu.dma_semaphore, #tpu.memory_space<semaphore_mem>>
      %dma_start3A_80 = arith.constant 0 : i32
      %dma_start3A_81 = tpu.memref_slice %arg6[%add3A_37, %dma_start3A_80] : memref<10128x128xf32, #tpu.memory_space<vmem_shared>> -> memref<48x128xf32, #tpu.memory_space<vmem_shared>>
      %dma_start3A_82 = arith.constant 0 : i32
      %dma_start3A_83 = tpu.memref_slice %arg6[%add3A_37, %dma_start3A_82] : memref<10128x128xf32, #tpu.memory_space<vmem_shared>> -> memref<48x128xf32, #tpu.memory_space<vmem_shared>>
      tpu.enqueue_dma source(%arg12 : memref<48x128xf32, #tpu.memory_space<vmem>>) target(%dma_start3A_83 : memref<48x128xf32, #tpu.memory_space<vmem_shared>>) target_semaphore(%run_scoped3A_79 : memref<!tpu.dma_semaphore, #tpu.memory_space<semaphore_mem>>)
      %dma_wait3A_84 = arith.constant 0 : i32
      %dma_wait3A_85 = tpu.memref_slice %arg6[%add3A_37, %dma_wait3A_84] : memref<10128x128xf32, #tpu.memory_space<vmem_shared>> -> memref<48x128xf32, #tpu.memory_space<vmem_shared>>
      %dma_wait3A_86 = arith.constant 0 : i32
      %dma_wait3A_87 = tpu.memref_slice %arg6[%add3A_37, %dma_wait3A_86] : memref<10128x128xf32, #tpu.memory_space<vmem_shared>> -> memref<48x128xf32, #tpu.memory_space<vmem_shared>>
      tpu.wait_dma2 semaphore(%run_scoped3A_79 : memref<!tpu.dma_semaphore, #tpu.memory_space<semaphore_mem>>) src(%arg12 : memref<48x128xf32, #tpu.memory_space<vmem>>) dst(%dma_wait3A_87 : memref<48x128xf32, #tpu.memory_space<vmem_shared>>)
      tpu.yield
    }) : () -> ()
    %eq3A = arith.constant 15 : i32
    %eq3A_38 = arith.cmpi eq, %arg1, %eq3A : i32
    %convert_element_type3A = arith.extui %eq3A_38 : i1 to i32
    %cond3A = arith.constant 0 : i32
    %cond3A_39 = arith.cmpi ne, %convert_element_type3A, %cond3A : i32
    scf.if %cond3A_39 {
      "tpu.region"() ({
        %run_scoped3A_79 = tpu.sem_alloc : memref<!tpu.dma_semaphore, #tpu.memory_space<semaphore_mem>>
        %dma_start3A_80 = arith.constant 9984 : i32
        %dma_start3A_81 = arith.constant 0 : i32
        %dma_start3A_82 = tpu.memref_slice %arg6[%dma_start3A_80, %dma_start3A_81] : memref<10128x128xf32, #tpu.memory_space<vmem_shared>> -> memref<48x128xf32, #tpu.memory_space<vmem_shared>>
        %dma_start3A_83 = arith.constant 9984 : i32
        %dma_start3A_84 = arith.constant 0 : i32
        %dma_start3A_85 = tpu.memref_slice %arg6[%dma_start3A_83, %dma_start3A_84] : memref<10128x128xf32, #tpu.memory_space<vmem_shared>> -> memref<48x128xf32, #tpu.memory_space<vmem_shared>>
        tpu.enqueue_dma source(%arg12 : memref<48x128xf32, #tpu.memory_space<vmem>>) target(%dma_start3A_85 : memref<48x128xf32, #tpu.memory_space<vmem_shared>>) target_semaphore(%run_scoped3A_79 : memref<!tpu.dma_semaphore, #tpu.memory_space<semaphore_mem>>)
        %dma_wait3A_86 = arith.constant 9984 : i32
        %dma_wait3A_87 = arith.constant 0 : i32
        %dma_wait3A_88 = tpu.memref_slice %arg6[%dma_wait3A_86, %dma_wait3A_87] : memref<10128x128xf32, #tpu.memory_space<vmem_shared>> -> memref<48x128xf32, #tpu.memory_space<vmem_shared>>
        %dma_wait3A_89 = arith.constant 9984 : i32
        %dma_wait3A_90 = arith.constant 0 : i32
        %dma_wait3A_91 = tpu.memref_slice %arg6[%dma_wait3A_89, %dma_wait3A_90] : memref<10128x128xf32, #tpu.memory_space<vmem_shared>> -> memref<48x128xf32, #tpu.memory_space<vmem_shared>>
        tpu.wait_dma2 semaphore(%run_scoped3A_79 : memref<!tpu.dma_semaphore, #tpu.memory_space<semaphore_mem>>) src(%arg12 : memref<48x128xf32, #tpu.memory_space<vmem>>) dst(%dma_wait3A_91 : memref<48x128xf32, #tpu.memory_space<vmem_shared>>)
        tpu.yield
      }) : () -> ()
      "tpu.region"() ({
        %run_scoped3A_79 = tpu.sem_alloc : memref<!tpu.dma_semaphore, #tpu.memory_space<semaphore_mem>>
        %dma_start3A_80 = arith.constant 10032 : i32
        %dma_start3A_81 = arith.constant 0 : i32
        %dma_start3A_82 = tpu.memref_slice %arg6[%dma_start3A_80, %dma_start3A_81] : memref<10128x128xf32, #tpu.memory_space<vmem_shared>> -> memref<48x128xf32, #tpu.memory_space<vmem_shared>>
        %dma_start3A_83 = arith.constant 10032 : i32
        %dma_start3A_84 = arith.constant 0 : i32
        %dma_start3A_85 = tpu.memref_slice %arg6[%dma_start3A_83, %dma_start3A_84] : memref<10128x128xf32, #tpu.memory_space<vmem_shared>> -> memref<48x128xf32, #tpu.memory_space<vmem_shared>>
        tpu.enqueue_dma source(%arg12 : memref<48x128xf32, #tpu.memory_space<vmem>>) target(%dma_start3A_85 : memref<48x128xf32, #tpu.memory_space<vmem_shared>>) target_semaphore(%run_scoped3A_79 : memref<!tpu.dma_semaphore, #tpu.memory_space<semaphore_mem>>)
        %dma_wait3A_86 = arith.constant 10032 : i32
        %dma_wait3A_87 = arith.constant 0 : i32
        %dma_wait3A_88 = tpu.memref_slice %arg6[%dma_wait3A_86, %dma_wait3A_87] : memref<10128x128xf32, #tpu.memory_space<vmem_shared>> -> memref<48x128xf32, #tpu.memory_space<vmem_shared>>
        %dma_wait3A_89 = arith.constant 10032 : i32
        %dma_wait3A_90 = arith.constant 0 : i32
        %dma_wait3A_91 = tpu.memref_slice %arg6[%dma_wait3A_89, %dma_wait3A_90] : memref<10128x128xf32, #tpu.memory_space<vmem_shared>> -> memref<48x128xf32, #tpu.memory_space<vmem_shared>>
        tpu.wait_dma2 semaphore(%run_scoped3A_79 : memref<!tpu.dma_semaphore, #tpu.memory_space<semaphore_mem>>) src(%arg12 : memref<48x128xf32, #tpu.memory_space<vmem>>) dst(%dma_wait3A_91 : memref<48x128xf32, #tpu.memory_space<vmem_shared>>)
        tpu.yield
      }) : () -> ()
      "tpu.region"() ({
        %run_scoped3A_79 = tpu.sem_alloc : memref<!tpu.dma_semaphore, #tpu.memory_space<semaphore_mem>>
        %dma_start3A_80 = arith.constant 10080 : i32
        %dma_start3A_81 = arith.constant 0 : i32
        %dma_start3A_82 = tpu.memref_slice %arg6[%dma_start3A_80, %dma_start3A_81] : memref<10128x128xf32, #tpu.memory_space<vmem_shared>> -> memref<48x128xf32, #tpu.memory_space<vmem_shared>>
        %dma_start3A_83 = arith.constant 10080 : i32
        %dma_start3A_84 = arith.constant 0 : i32
        %dma_start3A_85 = tpu.memref_slice %arg6[%dma_start3A_83, %dma_start3A_84] : memref<10128x128xf32, #tpu.memory_space<vmem_shared>> -> memref<48x128xf32, #tpu.memory_space<vmem_shared>>
        tpu.enqueue_dma source(%arg12 : memref<48x128xf32, #tpu.memory_space<vmem>>) target(%dma_start3A_85 : memref<48x128xf32, #tpu.memory_space<vmem_shared>>) target_semaphore(%run_scoped3A_79 : memref<!tpu.dma_semaphore, #tpu.memory_space<semaphore_mem>>)
        %dma_wait3A_86 = arith.constant 10080 : i32
        %dma_wait3A_87 = arith.constant 0 : i32
        %dma_wait3A_88 = tpu.memref_slice %arg6[%dma_wait3A_86, %dma_wait3A_87] : memref<10128x128xf32, #tpu.memory_space<vmem_shared>> -> memref<48x128xf32, #tpu.memory_space<vmem_shared>>
        %dma_wait3A_89 = arith.constant 10080 : i32
        %dma_wait3A_90 = arith.constant 0 : i32
        %dma_wait3A_91 = tpu.memref_slice %arg6[%dma_wait3A_89, %dma_wait3A_90] : memref<10128x128xf32, #tpu.memory_space<vmem_shared>> -> memref<48x128xf32, #tpu.memory_space<vmem_shared>>
        tpu.wait_dma2 semaphore(%run_scoped3A_79 : memref<!tpu.dma_semaphore, #tpu.memory_space<semaphore_mem>>) src(%arg12 : memref<48x128xf32, #tpu.memory_space<vmem>>) dst(%dma_wait3A_91 : memref<48x128xf32, #tpu.memory_space<vmem_shared>>)
        tpu.yield
      }) : () -> ()
    } else {
    }
    %barrier3A = arith.constant 0 : index
    tpu.barrier barrier_id(%barrier3A)
    %run_scoped3A = arith.constant 0 : i32
    "tpu.region"() ({
      %run_scoped3A_79 = tpu.sem_alloc : memref<!tpu.dma_semaphore, #tpu.memory_space<semaphore_mem>>
      %dma_start3A_80 = arith.constant 0 : i32
      %dma_start3A_81 = tpu.memref_slice %arg3[%mul3A_2, %run_scoped3A, %dma_start3A_80] : memref<2560x1x128xi32, #tpu.memory_space<hbm>> -> memref<1x1x128xi32, #tpu.memory_space<hbm>>
      %dma_start3A_82 = tpu.memref_squeeze %dma_start3A_81 : memref<1x1x128xi32, #tpu.memory_space<hbm>> -> memref<128xi32, #tpu.memory_space<hbm>>
      %dma_start3A_83 = arith.constant 0 : i32
      %dma_start3A_84 = tpu.memref_slice %arg3[%mul3A_2, %run_scoped3A, %dma_start3A_83] : memref<2560x1x128xi32, #tpu.memory_space<hbm>> -> memref<1x1x128xi32, #tpu.memory_space<hbm>>
      %dma_start3A_85 = tpu.memref_squeeze %dma_start3A_84 : memref<1x1x128xi32, #tpu.memory_space<hbm>> -> memref<128xi32, #tpu.memory_space<hbm>>
      tpu.enqueue_dma source(%dma_start3A_85 : memref<128xi32, #tpu.memory_space<hbm>>) target(%arg9 : memref<128xi32, #tpu.memory_space<vmem>>) target_semaphore(%run_scoped3A_79 : memref<!tpu.dma_semaphore, #tpu.memory_space<semaphore_mem>>)
      %dma_wait3A_86 = arith.constant 0 : i32
      %dma_wait3A_87 = tpu.memref_slice %arg3[%mul3A_2, %run_scoped3A, %dma_wait3A_86] : memref<2560x1x128xi32, #tpu.memory_space<hbm>> -> memref<1x1x128xi32, #tpu.memory_space<hbm>>
      %dma_wait3A_88 = tpu.memref_squeeze %dma_wait3A_87 : memref<1x1x128xi32, #tpu.memory_space<hbm>> -> memref<128xi32, #tpu.memory_space<hbm>>
      %dma_wait3A_89 = arith.constant 0 : i32
      %dma_wait3A_90 = tpu.memref_slice %arg3[%mul3A_2, %run_scoped3A, %dma_wait3A_89] : memref<2560x1x128xi32, #tpu.memory_space<hbm>> -> memref<1x1x128xi32, #tpu.memory_space<hbm>>
      %dma_wait3A_91 = tpu.memref_squeeze %dma_wait3A_90 : memref<1x1x128xi32, #tpu.memory_space<hbm>> -> memref<128xi32, #tpu.memory_space<hbm>>
      tpu.wait_dma2 semaphore(%run_scoped3A_79 : memref<!tpu.dma_semaphore, #tpu.memory_space<semaphore_mem>>) src(%dma_wait3A_91 : memref<128xi32, #tpu.memory_space<hbm>>) dst(%arg9 : memref<128xi32, #tpu.memory_space<vmem>>)
      tpu.yield
    }) : () -> ()
    %add3A_40 = arith.constant 1 : i32
    %add3A_41 = arith.addi %mul3A_2, %add3A_40 : i32
    %dma_start3A = arith.constant 0 : i32
    %dma_start3A_42 = arith.constant 0 : i32
    %dma_start3A_43 = tpu.memref_slice %arg3[%add3A_41, %dma_start3A, %dma_start3A_42] : memref<2560x1x128xi32, #tpu.memory_space<hbm>> -> memref<1x1x128xi32, #tpu.memory_space<hbm>>
    %dma_start3A_44 = tpu.memref_squeeze %dma_start3A_43 : memref<1x1x128xi32, #tpu.memory_space<hbm>> -> memref<128xi32, #tpu.memory_space<hbm>>
    %dma_start3A_45 = arith.constant 0 : i32
    %dma_start3A_46 = tpu.memref_slice %arg3[%add3A_41, %dma_start3A, %dma_start3A_45] : memref<2560x1x128xi32, #tpu.memory_space<hbm>> -> memref<1x1x128xi32, #tpu.memory_space<hbm>>
    %dma_start3A_47 = tpu.memref_squeeze %dma_start3A_46 : memref<1x1x128xi32, #tpu.memory_space<hbm>> -> memref<128xi32, #tpu.memory_space<hbm>>
    tpu.enqueue_dma source(%dma_start3A_47 : memref<128xi32, #tpu.memory_space<hbm>>) target(%arg10 : memref<128xi32, #tpu.memory_space<vmem>>) target_semaphore(%arg16 : memref<!tpu.dma_semaphore, #tpu.memory_space<semaphore_mem>>)
    %dma_start3A_48 = arith.constant 0 : i32
    %dma_start3A_49 = arith.constant 0 : i32
    %dma_start3A_50 = tpu.memref_slice %arg2[%dma_start3A_48, %dma_start3A_49] : memref<10000x128xf32, #tpu.memory_space<hbm>> -> memref<10000x128xf32, #tpu.memory_space<hbm>>
    tpu.enqueue_indirect_dma source(%dma_start3A_50 : memref<10000x128xf32, #tpu.memory_space<hbm>>) target(%arg7 : memref<128x128xf32, #tpu.memory_space<vmem>>) offsets(%arg9 : memref<128xi32, #tpu.memory_space<vmem>>) semaphore(%arg13 : memref<!tpu.dma_semaphore, #tpu.memory_space<semaphore_mem>>)
    %scan3A_51 = arith.constant 0 : i32
    %scan3A_52 = arith.constant 0 : i32
    %scan3A_53 = arith.constant 40 : i32
    %scan3A_54 = arith.addi %scan3A_52, %scan3A_53 : i32
    %scan3A_55 = arith.constant 1 : i32
    %scan3A_56 = scf.for %scan3A_79 = %scan3A_52 to %scan3A_54 step %scan3A_55 iter_args(%scan3A_80 = %scan3A_51) -> (i32)  : i32 {
      %mul3A_81 = arith.constant 2 : i32
      %mul3A_82 = arith.muli %mul3A_81, %scan3A_79 : i32
      %dma_wait3A_83 = arith.constant 0 : i32
      %dma_wait3A_84 = arith.constant 0 : i32
      %dma_wait3A_85 = tpu.memref_slice %arg2[%dma_wait3A_83, %dma_wait3A_84] : memref<10000x128xf32, #tpu.memory_space<hbm>> -> memref<10000x128xf32, #tpu.memory_space<hbm>>
      tpu.wait_indirect_dma semaphore(%arg13 : memref<!tpu.dma_semaphore, #tpu.memory_space<semaphore_mem>>) src(%dma_wait3A_85 : memref<10000x128xf32, #tpu.memory_space<hbm>>) dst(%arg7 : memref<128x128xf32, #tpu.memory_space<vmem>>)
      %add3A_86 = arith.constant 2 : i32
      %add3A_87 = arith.addi %mul3A_82, %add3A_86 : i32
      %lt3A = arith.constant 80 : i32
      %lt3A_88 = arith.cmpi slt, %add3A_87, %lt3A : i32
      %convert_element_type3A_89 = arith.extui %lt3A_88 : i1 to i32
      %cond3A_90 = arith.constant 0 : i32
      %cond3A_91 = arith.cmpi ne, %convert_element_type3A_89, %cond3A_90 : i32
      scf.if %cond3A_91 {
        %add3A_133 = arith.constant 2 : i32
        %add3A_134 = arith.addi %mul3A_82, %add3A_133 : i32
        %add3A_135 = arith.addi %mul3A_2, %add3A_134 : i32
        %dma_start3A_136 = arith.constant 0 : i32
        %dma_start3A_137 = arith.constant 0 : i32
        %dma_start3A_138 = tpu.memref_slice %arg3[%add3A_135, %dma_start3A_136, %dma_start3A_137] : memref<2560x1x128xi32, #tpu.memory_space<hbm>> -> memref<1x1x128xi32, #tpu.memory_space<hbm>>
        %dma_start3A_139 = tpu.memref_squeeze %dma_start3A_138 : memref<1x1x128xi32, #tpu.memory_space<hbm>> -> memref<128xi32, #tpu.memory_space<hbm>>
        %dma_start3A_140 = arith.constant 0 : i32
        %dma_start3A_141 = tpu.memref_slice %arg3[%add3A_135, %dma_start3A_136, %dma_start3A_140] : memref<2560x1x128xi32, #tpu.memory_space<hbm>> -> memref<1x1x128xi32, #tpu.memory_space<hbm>>
        %dma_start3A_142 = tpu.memref_squeeze %dma_start3A_141 : memref<1x1x128xi32, #tpu.memory_space<hbm>> -> memref<128xi32, #tpu.memory_space<hbm>>
        tpu.enqueue_dma source(%dma_start3A_142 : memref<128xi32, #tpu.memory_space<hbm>>) target(%arg9 : memref<128xi32, #tpu.memory_space<vmem>>) target_semaphore(%arg15 : memref<!tpu.dma_semaphore, #tpu.memory_space<semaphore_mem>>)
      } else {
      }
      %dma_start3A_92 = arith.constant 0 : i32
      %dma_start3A_93 = arith.constant 0 : i32
      %dma_start3A_94 = tpu.memref_slice %arg11[%mul3A_82, %dma_start3A_92, %dma_start3A_93] : memref<80x1x128xi32, #tpu.memory_space<vmem>> -> memref<1x1x128xi32, #tpu.memory_space<vmem>>
      %dma_start3A_95 = tpu.memref_squeeze %dma_start3A_94 : memref<1x1x128xi32, #tpu.memory_space<vmem>> -> memref<128xi32, #tpu.memory_space<vmem>>
      %dma_start3A_96 = arith.constant 0 : i32
      %dma_start3A_97 = arith.constant 0 : i32
      %dma_start3A_98 = tpu.memref_slice %arg6[%dma_start3A_96, %dma_start3A_97] : memref<10128x128xf32, #tpu.memory_space<vmem_shared>> -> memref<10128x128xf32, #tpu.memory_space<vmem_shared>>
      tpu.enqueue_indirect_dma source(%arg7 : memref<128x128xf32, #tpu.memory_space<vmem>>) target(%dma_start3A_98 : memref<10128x128xf32, #tpu.memory_space<vmem_shared>>) offsets(%dma_start3A_95 : memref<128xi32, #tpu.memory_space<vmem>>) semaphore(%arg17 : memref<!tpu.dma_semaphore, #tpu.memory_space<semaphore_mem>>) {add = true}
      %add3A_99 = arith.constant 1 : i32
      %add3A_100 = arith.addi %mul3A_82, %add3A_99 : i32
      %lt3A_101 = arith.constant 80 : i32
      %lt3A_102 = arith.cmpi slt, %add3A_100, %lt3A_101 : i32
      %convert_element_type3A_103 = arith.extui %lt3A_102 : i1 to i32
      %cond3A_104 = arith.constant 0 : i32
      %cond3A_105 = arith.cmpi ne, %convert_element_type3A_103, %cond3A_104 : i32
      scf.if %cond3A_105 {
        %dma_wait3A_133 = arith.constant 0 : i32
        %dma_wait3A_134 = arith.constant 0 : i32
        %dma_wait3A_135 = arith.constant 0 : i32
        %dma_wait3A_136 = tpu.memref_slice %arg3[%dma_wait3A_133, %dma_wait3A_134, %dma_wait3A_135] : memref<2560x1x128xi32, #tpu.memory_space<hbm>> -> memref<1x1x128xi32, #tpu.memory_space<hbm>>
        %dma_wait3A_137 = tpu.memref_squeeze %dma_wait3A_136 : memref<1x1x128xi32, #tpu.memory_space<hbm>> -> memref<128xi32, #tpu.memory_space<hbm>>
        %dma_wait3A_138 = arith.constant 0 : i32
        %dma_wait3A_139 = tpu.memref_slice %arg3[%dma_wait3A_133, %dma_wait3A_134, %dma_wait3A_138] : memref<2560x1x128xi32, #tpu.memory_space<hbm>> -> memref<1x1x128xi32, #tpu.memory_space<hbm>>
        %dma_wait3A_140 = tpu.memref_squeeze %dma_wait3A_139 : memref<1x1x128xi32, #tpu.memory_space<hbm>> -> memref<128xi32, #tpu.memory_space<hbm>>
        tpu.wait_dma2 semaphore(%arg16 : memref<!tpu.dma_semaphore, #tpu.memory_space<semaphore_mem>>) src(%dma_wait3A_140 : memref<128xi32, #tpu.memory_space<hbm>>) dst(%arg10 : memref<128xi32, #tpu.memory_space<vmem>>)
        %gt3A = arith.constant 0 : i32
        %gt3A_141 = arith.cmpi sgt, %mul3A_82, %gt3A : i32
        %convert_element_type3A_142 = arith.extui %gt3A_141 : i1 to i32
        %cond3A_143 = arith.constant 0 : i32
        %cond3A_144 = arith.cmpi ne, %convert_element_type3A_142, %cond3A_143 : i32
        scf.if %cond3A_144 {
          %dma_wait3A_148 = arith.constant 0 : i32
          %dma_wait3A_149 = arith.constant 0 : i32
          %dma_wait3A_150 = arith.constant 0 : i32
          %dma_wait3A_151 = tpu.memref_slice %arg11[%dma_wait3A_148, %dma_wait3A_149, %dma_wait3A_150] : memref<80x1x128xi32, #tpu.memory_space<vmem>> -> memref<1x1x128xi32, #tpu.memory_space<vmem>>
          %dma_wait3A_152 = tpu.memref_squeeze %dma_wait3A_151 : memref<1x1x128xi32, #tpu.memory_space<vmem>> -> memref<128xi32, #tpu.memory_space<vmem>>
          %dma_wait3A_153 = arith.constant 0 : i32
          %dma_wait3A_154 = arith.constant 0 : i32
          %dma_wait3A_155 = tpu.memref_slice %arg6[%dma_wait3A_153, %dma_wait3A_154] : memref<10128x128xf32, #tpu.memory_space<vmem_shared>> -> memref<10128x128xf32, #tpu.memory_space<vmem_shared>>
          tpu.wait_indirect_dma semaphore(%arg18 : memref<!tpu.dma_semaphore, #tpu.memory_space<semaphore_mem>>) src(%arg8 : memref<128x128xf32, #tpu.memory_space<vmem>>) dst(%dma_wait3A_155 : memref<10128x128xf32, #tpu.memory_space<vmem_shared>>)
        } else {
        }
        %dma_start3A_145 = arith.constant 0 : i32
        %dma_start3A_146 = arith.constant 0 : i32
        %dma_start3A_147 = tpu.memref_slice %arg2[%dma_start3A_145, %dma_start3A_146] : memref<10000x128xf32, #tpu.memory_space<hbm>> -> memref<10000x128xf32, #tpu.memory_space<hbm>>
        tpu.enqueue_indirect_dma source(%dma_start3A_147 : memref<10000x128xf32, #tpu.memory_space<hbm>>) target(%arg8 : memref<128x128xf32, #tpu.memory_space<vmem>>) offsets(%arg10 : memref<128xi32, #tpu.memory_space<vmem>>) semaphore(%arg14 : memref<!tpu.dma_semaphore, #tpu.memory_space<semaphore_mem>>)
      } else {
      }
      %add3A_106 = arith.constant 1 : i32
      %add3A_107 = arith.addi %mul3A_82, %add3A_106 : i32
      %dma_wait3A_108 = arith.constant 0 : i32
      %dma_wait3A_109 = arith.constant 0 : i32
      %dma_wait3A_110 = tpu.memref_slice %arg2[%dma_wait3A_108, %dma_wait3A_109] : memref<10000x128xf32, #tpu.memory_space<hbm>> -> memref<10000x128xf32, #tpu.memory_space<hbm>>
      tpu.wait_indirect_dma semaphore(%arg14 : memref<!tpu.dma_semaphore, #tpu.memory_space<semaphore_mem>>) src(%dma_wait3A_110 : memref<10000x128xf32, #tpu.memory_space<hbm>>) dst(%arg8 : memref<128x128xf32, #tpu.memory_space<vmem>>)
      %add3A_111 = arith.constant 2 : i32
      %add3A_112 = arith.addi %add3A_107, %add3A_111 : i32
      %lt3A_113 = arith.constant 80 : i32
      %lt3A_114 = arith.cmpi slt, %add3A_112, %lt3A_113 : i32
      %convert_element_type3A_115 = arith.extui %lt3A_114 : i1 to i32
      %cond3A_116 = arith.constant 0 : i32
      %cond3A_117 = arith.cmpi ne, %convert_element_type3A_115, %cond3A_116 : i32
      scf.if %cond3A_117 {
        %add3A_133 = arith.constant 2 : i32
        %add3A_134 = arith.addi %add3A_107, %add3A_133 : i32
        %add3A_135 = arith.addi %mul3A_2, %add3A_134 : i32
        %dma_start3A_136 = arith.constant 0 : i32
        %dma_start3A_137 = arith.constant 0 : i32
        %dma_start3A_138 = tpu.memref_slice %arg3[%add3A_135, %dma_start3A_136, %dma_start3A_137] : memref<2560x1x128xi32, #tpu.memory_space<hbm>> -> memref<1x1x128xi32, #tpu.memory_space<hbm>>
        %dma_start3A_139 = tpu.memref_squeeze %dma_start3A_138 : memref<1x1x128xi32, #tpu.memory_space<hbm>> -> memref<128xi32, #tpu.memory_space<hbm>>
        %dma_start3A_140 = arith.constant 0 : i32
        %dma_start3A_141 = tpu.memref_slice %arg3[%add3A_135, %dma_start3A_136, %dma_start3A_140] : memref<2560x1x128xi32, #tpu.memory_space<hbm>> -> memref<1x1x128xi32, #tpu.memory_space<hbm>>
        %dma_start3A_142 = tpu.memref_squeeze %dma_start3A_141 : memref<1x1x128xi32, #tpu.memory_space<hbm>> -> memref<128xi32, #tpu.memory_space<hbm>>
        tpu.enqueue_dma source(%dma_start3A_142 : memref<128xi32, #tpu.memory_space<hbm>>) target(%arg10 : memref<128xi32, #tpu.memory_space<vmem>>) target_semaphore(%arg16 : memref<!tpu.dma_semaphore, #tpu.memory_space<semaphore_mem>>)
      } else {
      }
      %dma_start3A_118 = arith.constant 0 : i32
      %dma_start3A_119 = arith.constant 0 : i32
      %dma_start3A_120 = tpu.memref_slice %arg11[%add3A_107, %dma_start3A_118, %dma_start3A_119] : memref<80x1x128xi32, #tpu.memory_space<vmem>> -> memref<1x1x128xi32, #tpu.memory_space<vmem>>
      %dma_start3A_121 = tpu.memref_squeeze %dma_start3A_120 : memref<1x1x128xi32, #tpu.memory_space<vmem>> -> memref<128xi32, #tpu.memory_space<vmem>>
      %dma_start3A_122 = arith.constant 0 : i32
      %dma_start3A_123 = arith.constant 0 : i32
      %dma_start3A_124 = tpu.memref_slice %arg6[%dma_start3A_122, %dma_start3A_123] : memref<10128x128xf32, #tpu.memory_space<vmem_shared>> -> memref<10128x128xf32, #tpu.memory_space<vmem_shared>>
      tpu.enqueue_indirect_dma source(%arg8 : memref<128x128xf32, #tpu.memory_space<vmem>>) target(%dma_start3A_124 : memref<10128x128xf32, #tpu.memory_space<vmem_shared>>) offsets(%dma_start3A_121 : memref<128xi32, #tpu.memory_space<vmem>>) semaphore(%arg18 : memref<!tpu.dma_semaphore, #tpu.memory_space<semaphore_mem>>) {add = true}
      %add3A_125 = arith.constant 1 : i32
      %add3A_126 = arith.addi %add3A_107, %add3A_125 : i32
      %lt3A_127 = arith.constant 80 : i32
      %lt3A_128 = arith.cmpi slt, %add3A_126, %lt3A_127 : i32
      %convert_element_type3A_129 = arith.extui %lt3A_128 : i1 to i32
      %cond3A_130 = arith.constant 0 : i32
      %cond3A_131 = arith.cmpi ne, %convert_element_type3A_129, %cond3A_130 : i32
      scf.if %cond3A_131 {
        %dma_wait3A_133 = arith.constant 0 : i32
        %dma_wait3A_134 = arith.constant 0 : i32
        %dma_wait3A_135 = arith.constant 0 : i32
        %dma_wait3A_136 = tpu.memref_slice %arg3[%dma_wait3A_133, %dma_wait3A_134, %dma_wait3A_135] : memref<2560x1x128xi32, #tpu.memory_space<hbm>> -> memref<1x1x128xi32, #tpu.memory_space<hbm>>
        %dma_wait3A_137 = tpu.memref_squeeze %dma_wait3A_136 : memref<1x1x128xi32, #tpu.memory_space<hbm>> -> memref<128xi32, #tpu.memory_space<hbm>>
        %dma_wait3A_138 = arith.constant 0 : i32
        %dma_wait3A_139 = tpu.memref_slice %arg3[%dma_wait3A_133, %dma_wait3A_134, %dma_wait3A_138] : memref<2560x1x128xi32, #tpu.memory_space<hbm>> -> memref<1x1x128xi32, #tpu.memory_space<hbm>>
        %dma_wait3A_140 = tpu.memref_squeeze %dma_wait3A_139 : memref<1x1x128xi32, #tpu.memory_space<hbm>> -> memref<128xi32, #tpu.memory_space<hbm>>
        tpu.wait_dma2 semaphore(%arg15 : memref<!tpu.dma_semaphore, #tpu.memory_space<semaphore_mem>>) src(%dma_wait3A_140 : memref<128xi32, #tpu.memory_space<hbm>>) dst(%arg9 : memref<128xi32, #tpu.memory_space<vmem>>)
        %gt3A = arith.constant 0 : i32
        %gt3A_141 = arith.cmpi sgt, %add3A_107, %gt3A : i32
        %convert_element_type3A_142 = arith.extui %gt3A_141 : i1 to i32
        %cond3A_143 = arith.constant 0 : i32
        %cond3A_144 = arith.cmpi ne, %convert_element_type3A_142, %cond3A_143 : i32
        scf.if %cond3A_144 {
          %dma_wait3A_148 = arith.constant 0 : i32
          %dma_wait3A_149 = arith.constant 0 : i32
          %dma_wait3A_150 = arith.constant 0 : i32
          %dma_wait3A_151 = tpu.memref_slice %arg11[%dma_wait3A_148, %dma_wait3A_149, %dma_wait3A_150] : memref<80x1x128xi32, #tpu.memory_space<vmem>> -> memref<1x1x128xi32, #tpu.memory_space<vmem>>
          %dma_wait3A_152 = tpu.memref_squeeze %dma_wait3A_151 : memref<1x1x128xi32, #tpu.memory_space<vmem>> -> memref<128xi32, #tpu.memory_space<vmem>>
          %dma_wait3A_153 = arith.constant 0 : i32
          %dma_wait3A_154 = arith.constant 0 : i32
          %dma_wait3A_155 = tpu.memref_slice %arg6[%dma_wait3A_153, %dma_wait3A_154] : memref<10128x128xf32, #tpu.memory_space<vmem_shared>> -> memref<10128x128xf32, #tpu.memory_space<vmem_shared>>
          tpu.wait_indirect_dma semaphore(%arg17 : memref<!tpu.dma_semaphore, #tpu.memory_space<semaphore_mem>>) src(%arg7 : memref<128x128xf32, #tpu.memory_space<vmem>>) dst(%dma_wait3A_155 : memref<10128x128xf32, #tpu.memory_space<vmem_shared>>)
        } else {
        }
        %dma_start3A_145 = arith.constant 0 : i32
        %dma_start3A_146 = arith.constant 0 : i32
        %dma_start3A_147 = tpu.memref_slice %arg2[%dma_start3A_145, %dma_start3A_146] : memref<10000x128xf32, #tpu.memory_space<hbm>> -> memref<10000x128xf32, #tpu.memory_space<hbm>>
        tpu.enqueue_indirect_dma source(%dma_start3A_147 : memref<10000x128xf32, #tpu.memory_space<hbm>>) target(%arg7 : memref<128x128xf32, #tpu.memory_space<vmem>>) offsets(%arg9 : memref<128xi32, #tpu.memory_space<vmem>>) semaphore(%arg13 : memref<!tpu.dma_semaphore, #tpu.memory_space<semaphore_mem>>)
      } else {
      }
      %scan3A_132 = arith.constant 0 : i32
      scf.yield %scan3A_132 : i32
    }
    %scan3A_57 = arith.constant 40 : i32
    %dma_wait3A = arith.constant 0 : i32
    %dma_wait3A_58 = arith.constant 0 : i32
    %dma_wait3A_59 = arith.constant 0 : i32
    %dma_wait3A_60 = tpu.memref_slice %arg11[%dma_wait3A, %dma_wait3A_58, %dma_wait3A_59] : memref<80x1x128xi32, #tpu.memory_space<vmem>> -> memref<1x1x128xi32, #tpu.memory_space<vmem>>
    %dma_wait3A_61 = tpu.memref_squeeze %dma_wait3A_60 : memref<1x1x128xi32, #tpu.memory_space<vmem>> -> memref<128xi32, #tpu.memory_space<vmem>>
    %dma_wait3A_62 = arith.constant 0 : i32
    %dma_wait3A_63 = arith.constant 0 : i32
    %dma_wait3A_64 = tpu.memref_slice %arg6[%dma_wait3A_62, %dma_wait3A_63] : memref<10128x128xf32, #tpu.memory_space<vmem_shared>> -> memref<10128x128xf32, #tpu.memory_space<vmem_shared>>
    tpu.wait_indirect_dma semaphore(%arg17 : memref<!tpu.dma_semaphore, #tpu.memory_space<semaphore_mem>>) src(%arg7 : memref<128x128xf32, #tpu.memory_space<vmem>>) dst(%dma_wait3A_64 : memref<10128x128xf32, #tpu.memory_space<vmem_shared>>)
    %dma_wait3A_65 = arith.constant 0 : i32
    %dma_wait3A_66 = arith.constant 0 : i32
    %dma_wait3A_67 = arith.constant 0 : i32
    %dma_wait3A_68 = tpu.memref_slice %arg11[%dma_wait3A_65, %dma_wait3A_66, %dma_wait3A_67] : memref<80x1x128xi32, #tpu.memory_space<vmem>> -> memref<1x1x128xi32, #tpu.memory_space<vmem>>
    %dma_wait3A_69 = tpu.memref_squeeze %dma_wait3A_68 : memref<1x1x128xi32, #tpu.memory_space<vmem>> -> memref<128xi32, #tpu.memory_space<vmem>>
    %dma_wait3A_70 = arith.constant 0 : i32
    %dma_wait3A_71 = arith.constant 0 : i32
    %dma_wait3A_72 = tpu.memref_slice %arg6[%dma_wait3A_70, %dma_wait3A_71] : memref<10128x128xf32, #tpu.memory_space<vmem_shared>> -> memref<10128x128xf32, #tpu.memory_space<vmem_shared>>
    tpu.wait_indirect_dma semaphore(%arg18 : memref<!tpu.dma_semaphore, #tpu.memory_space<semaphore_mem>>) src(%arg8 : memref<128x128xf32, #tpu.memory_space<vmem>>) dst(%dma_wait3A_72 : memref<10128x128xf32, #tpu.memory_space<vmem_shared>>)
    %barrier3A_73 = arith.constant 0 : index
    tpu.barrier barrier_id(%barrier3A_73)
    "tpu.region"() ({
      %run_scoped3A_79 = tpu.sem_alloc : memref<!tpu.dma_semaphore, #tpu.memory_space<semaphore_mem>>
      %dma_start3A_80 = arith.constant 0 : i32
      %dma_start3A_81 = tpu.memref_slice %arg5[%arg0, %mul3A_11, %dma_start3A_80] : memref<2x10000x128xf32, #tpu.memory_space<hbm>> -> memref<1x624x128xf32, #tpu.memory_space<hbm>>
      %dma_start3A_82 = tpu.memref_squeeze %dma_start3A_81 : memref<1x624x128xf32, #tpu.memory_space<hbm>> -> memref<624x128xf32, #tpu.memory_space<hbm>>
      %dma_start3A_83 = arith.constant 0 : i32
      %dma_start3A_84 = tpu.memref_slice %arg6[%mul3A_11, %dma_start3A_83] : memref<10128x128xf32, #tpu.memory_space<vmem_shared>> -> memref<624x128xf32, #tpu.memory_space<vmem_shared>>
      tpu.enqueue_dma source(%dma_start3A_84 : memref<624x128xf32, #tpu.memory_space<vmem_shared>>) target(%dma_start3A_82 : memref<624x128xf32, #tpu.memory_space<hbm>>) target_semaphore(%run_scoped3A_79 : memref<!tpu.dma_semaphore, #tpu.memory_space<semaphore_mem>>)
      %dma_wait3A_85 = arith.constant 0 : i32
      %dma_wait3A_86 = tpu.memref_slice %arg5[%arg0, %mul3A_11, %dma_wait3A_85] : memref<2x10000x128xf32, #tpu.memory_space<hbm>> -> memref<1x624x128xf32, #tpu.memory_space<hbm>>
      %dma_wait3A_87 = tpu.memref_squeeze %dma_wait3A_86 : memref<1x624x128xf32, #tpu.memory_space<hbm>> -> memref<624x128xf32, #tpu.memory_space<hbm>>
      %dma_wait3A_88 = arith.constant 0 : i32
      %dma_wait3A_89 = tpu.memref_slice %arg6[%mul3A_11, %dma_wait3A_88] : memref<10128x128xf32, #tpu.memory_space<vmem_shared>> -> memref<624x128xf32, #tpu.memory_space<vmem_shared>>
      tpu.wait_dma2 semaphore(%run_scoped3A_79 : memref<!tpu.dma_semaphore, #tpu.memory_space<semaphore_mem>>) src(%dma_wait3A_89 : memref<624x128xf32, #tpu.memory_space<vmem_shared>>) dst(%dma_wait3A_87 : memref<624x128xf32, #tpu.memory_space<hbm>>)
      tpu.yield
    }) : () -> ()
    %eq3A_74 = arith.constant 15 : i32
    %eq3A_75 = arith.cmpi eq, %arg1, %eq3A_74 : i32
    %convert_element_type3A_76 = arith.extui %eq3A_75 : i1 to i32
    %cond3A_77 = arith.constant 0 : i32
    %cond3A_78 = arith.cmpi ne, %convert_element_type3A_76, %cond3A_77 : i32
    scf.if %cond3A_78 {
      "tpu.region"() ({
        %run_scoped3A_79 = tpu.sem_alloc : memref<!tpu.dma_semaphore, #tpu.memory_space<semaphore_mem>>
        %dma_start3A_80 = arith.constant 9984 : i32
        %dma_start3A_81 = arith.constant 0 : i32
        %dma_start3A_82 = tpu.memref_slice %arg5[%arg0, %dma_start3A_80, %dma_start3A_81] : memref<2x10000x128xf32, #tpu.memory_space<hbm>> -> memref<1x16x128xf32, #tpu.memory_space<hbm>>
        %dma_start3A_83 = tpu.memref_squeeze %dma_start3A_82 : memref<1x16x128xf32, #tpu.memory_space<hbm>> -> memref<16x128xf32, #tpu.memory_space<hbm>>
        %dma_start3A_84 = arith.constant 9984 : i32
        %dma_start3A_85 = arith.constant 0 : i32
        %dma_start3A_86 = tpu.memref_slice %arg6[%dma_start3A_84, %dma_start3A_85] : memref<10128x128xf32, #tpu.memory_space<vmem_shared>> -> memref<16x128xf32, #tpu.memory_space<vmem_shared>>
        tpu.enqueue_dma source(%dma_start3A_86 : memref<16x128xf32, #tpu.memory_space<vmem_shared>>) target(%dma_start3A_83 : memref<16x128xf32, #tpu.memory_space<hbm>>) target_semaphore(%run_scoped3A_79 : memref<!tpu.dma_semaphore, #tpu.memory_space<semaphore_mem>>)
        %dma_wait3A_87 = arith.constant 9984 : i32
        %dma_wait3A_88 = arith.constant 0 : i32
        %dma_wait3A_89 = tpu.memref_slice %arg5[%arg0, %dma_wait3A_87, %dma_wait3A_88] : memref<2x10000x128xf32, #tpu.memory_space<hbm>> -> memref<1x16x128xf32, #tpu.memory_space<hbm>>
        %dma_wait3A_90 = tpu.memref_squeeze %dma_wait3A_89 : memref<1x16x128xf32, #tpu.memory_space<hbm>> -> memref<16x128xf32, #tpu.memory_space<hbm>>
        %dma_wait3A_91 = arith.constant 9984 : i32
        %dma_wait3A_92 = arith.constant 0 : i32
        %dma_wait3A_93 = tpu.memref_slice %arg6[%dma_wait3A_91, %dma_wait3A_92] : memref<10128x128xf32, #tpu.memory_space<vmem_shared>> -> memref<16x128xf32, #tpu.memory_space<vmem_shared>>
        tpu.wait_dma2 semaphore(%run_scoped3A_79 : memref<!tpu.dma_semaphore, #tpu.memory_space<semaphore_mem>>) src(%dma_wait3A_93 : memref<16x128xf32, #tpu.memory_space<vmem_shared>>) dst(%dma_wait3A_90 : memref<16x128xf32, #tpu.memory_space<hbm>>)
        tpu.yield
      }) : () -> ()
    } else {
    }
    return
  }
}

#map = affine_map<(d0, d1) -> (0, 0)>
#map1 = affine_map<(d0, d1) -> (0, 0, 0)>
module attributes {stable_mosaic.version = 14 : i64} {
  func.func @_agg_body(%arg0: i32, %arg1: i32, %arg2: memref<10000x128xf32, #tpu.memory_space<hbm>>, %arg3: memref<2560x1x128xi32, #tpu.memory_space<hbm>>, %arg4: memref<2560x1x128xi32, #tpu.memory_space<hbm>>, %arg5: memref<2x10000x128xf32, #tpu.memory_space<hbm>>, %arg6: memref<10128x128xf32, #tpu.memory_space<vmem_shared>>, %arg7: memref<128x128xf32, #tpu.memory_space<vmem>>, %arg8: memref<128x128xf32, #tpu.memory_space<vmem>>, %arg9: memref<128xi32, #tpu.memory_space<vmem>>, %arg10: memref<128xi32, #tpu.memory_space<vmem>>, %arg11: memref<80x1x128xi32, #tpu.memory_space<vmem>>, %arg12: memref<48x128xf32, #tpu.memory_space<vmem>>, %arg13: memref<!tpu.dma_semaphore, #tpu.memory_space<semaphore_mem>>, %arg14: memref<!tpu.dma_semaphore, #tpu.memory_space<semaphore_mem>>, %arg15: memref<!tpu.dma_semaphore, #tpu.memory_space<semaphore_mem>>, %arg16: memref<!tpu.dma_semaphore, #tpu.memory_space<semaphore_mem>>, %arg17: memref<!tpu.dma_semaphore, #tpu.memory_space<semaphore_mem>>, %arg18: memref<!tpu.dma_semaphore, #tpu.memory_space<semaphore_mem>>) attributes {dimension_semantics = [#tpu.dimension_semantics<core_parallel>, #tpu.dimension_semantics<subcore_parallel>], iteration_bounds = array<i64: 2, 16>, scalar_prefetch = 0 : i64, scratch_operands = 13 : i64, tpu.core_type = #tpu.core_type<sc_vector_subcore>, window_params = [{transform_indices = #map}, {transform_indices = #map1}, {transform_indices = #map1}, {transform_indices = #map1}]} {
    %mul3A = arith.constant 16 : i32
    %mul3A_0 = arith.muli %arg0, %mul3A : i32
    %add3A = arith.addi %mul3A_0, %arg1 : i32
    %mul3A_1 = arith.constant 80 : i32
    %mul3A_2 = arith.muli %add3A, %mul3A_1 : i32
    "tpu.region"() ({
      %run_scoped3A_79 = tpu.sem_alloc : memref<!tpu.dma_semaphore, #tpu.memory_space<semaphore_mem>>
      %dma_start3A_80 = arith.constant 0 : i32
      %dma_start3A_81 = arith.constant 0 : i32
      %dma_start3A_82 = tpu.memref_slice %arg4[%mul3A_2, %dma_start3A_80, %dma_start3A_81] : memref<2560x1x128xi32, #tpu.memory_space<hbm>> -> memref<80x1x128xi32, #tpu.memory_space<hbm>>
      %dma_start3A_83 = arith.constant 0 : i32
      %dma_start3A_84 = arith.constant 0 : i32
      %dma_start3A_85 = tpu.memref_slice %arg4[%mul3A_2, %dma_start3A_83, %dma_start3A_84] : memref<2560x1x128xi32, #tpu.memory_space<hbm>> -> memref<80x1x128xi32, #tpu.memory_space<hbm>>
      tpu.enqueue_dma source(%dma_start3A_85 : memref<80x1x128xi32, #tpu.memory_space<hbm>>) target(%arg11 : memref<80x1x128xi32, #tpu.memory_space<vmem>>) target_semaphore(%run_scoped3A_79 : memref<!tpu.dma_semaphore, #tpu.memory_space<semaphore_mem>>)
      %dma_wait3A_86 = arith.constant 0 : i32
      %dma_wait3A_87 = arith.constant 0 : i32
      %dma_wait3A_88 = tpu.memref_slice %arg4[%mul3A_2, %dma_wait3A_86, %dma_wait3A_87] : memref<2560x1x128xi32, #tpu.memory_space<hbm>> -> memref<80x1x128xi32, #tpu.memory_space<hbm>>
      %dma_wait3A_89 = arith.constant 0 : i32
      %dma_wait3A_90 = arith.constant 0 : i32
      %dma_wait3A_91 = tpu.memref_slice %arg4[%mul3A_2, %dma_wait3A_89, %dma_wait3A_90] : memref<2560x1x128xi32, #tpu.memory_space<hbm>> -> memref<80x1x128xi32, #tpu.memory_space<hbm>>
      tpu.wait_dma2 semaphore(%run_scoped3A_79 : memref<!tpu.dma_semaphore, #tpu.memory_space<semaphore_mem>>) src(%dma_wait3A_91 : memref<80x1x128xi32, #tpu.memory_space<hbm>>) dst(%arg11 : memref<80x1x128xi32, #tpu.memory_space<vmem>>)
      tpu.yield
    }) : () -> ()
    %broadcast_in_dim3A = arith.constant 0.000000e+00 : f32
    %broadcast_in_dim3A_3 = vector.broadcast %broadcast_in_dim3A : f32 to vector<16xf32>
    %scan3A = arith.constant 0 : i32
    %scan3A_4 = arith.constant 0 : i32
    %scan3A_5 = arith.constant 384 : i32
    %scan3A_6 = arith.addi %scan3A_4, %scan3A_5 : i32
    %scan3A_7 = arith.constant 1 : i32
    %scan3A_8 = scf.for %scan3A_79 = %scan3A_4 to %scan3A_6 step %scan3A_7 iter_args(%scan3A_80 = %scan3A) -> (i32)  : i32 {
      %jit3A = arith.constant 8 : i32
      %div3A = arith.divsi %scan3A_79, %jit3A : i32
      %sign3A = arith.constant 0 : i32
      %sign3A_81 = arith.cmpi sgt, %scan3A_79, %sign3A : i32
      %sign3A_82 = arith.extui %sign3A_81 : i1 to i32
      %sign3A_83 = arith.constant 0 : i32
      %sign3A_84 = arith.cmpi slt, %scan3A_79, %sign3A_83 : i32
      %sign3A_85 = arith.extui %sign3A_84 : i1 to i32
      %sign3A_86 = arith.subi %sign3A_82, %sign3A_85 : i32
      %sign3A_87 = arith.constant 0 : i32
      %sign3A_88 = arith.cmpi sgt, %jit3A, %sign3A_87 : i32
      %sign3A_89 = arith.extui %sign3A_88 : i1 to i32
      %sign3A_90 = arith.constant 0 : i32
      %sign3A_91 = arith.cmpi slt, %jit3A, %sign3A_90 : i32
      %sign3A_92 = arith.extui %sign3A_91 : i1 to i32
      %sign3A_93 = arith.subi %sign3A_89, %sign3A_92 : i32
      %ne3A = arith.cmpi ne, %sign3A_86, %sign3A_93 : i32
      %rem3A = arith.remsi %scan3A_79, %jit3A : i32
      %ne3A_94 = arith.constant 0 : i32
      %ne3A_95 = arith.cmpi ne, %rem3A, %ne3A_94 : i32
      %and3A = arith.andi %ne3A, %ne3A_95 : i1
      %sub3A = arith.constant 1 : i32
      %sub3A_96 = arith.subi %div3A, %sub3A : i32
      %select_n3A = arith.select %and3A, %sub3A_96, %div3A : i32
      %jit3A_97 = arith.constant 8 : i32
      %eq3A_98 = arith.constant 0 : i32
      %eq3A_99 = arith.cmpi eq, %jit3A_97, %eq3A_98 : i32
      %jit3A_100 = arith.constant 1 : i32
      %select_n3A_101 = arith.select %eq3A_99, %jit3A_100, %jit3A_97 : i32
      %rem3A_102 = arith.remsi %scan3A_79, %select_n3A_101 : i32
      %ne3A_103 = arith.constant 0 : i32
      %ne3A_104 = arith.cmpi ne, %rem3A_102, %ne3A_103 : i32
      %lt3A = arith.constant 0 : i32
      %lt3A_105 = arith.cmpi slt, %rem3A_102, %lt3A : i32
      %lt3A_106 = arith.constant 0 : i32
      %lt3A_107 = arith.cmpi slt, %select_n3A_101, %lt3A_106 : i32
      %ne3A_108 = arith.xori %lt3A_105, %lt3A_107 : i1
      %and3A_109 = arith.andi %ne3A_108, %ne3A_104 : i1
      %add3A_110 = arith.addi %rem3A_102, %select_n3A_101 : i32
      %select_n3A_111 = arith.select %and3A_109, %add3A_110, %rem3A_102 : i32
      %mul3A_112 = arith.constant 16 : i32
      %mul3A_113 = arith.muli %select_n3A_111, %mul3A_112 : i32
      %swap3A = arith.index_cast %select_n3A : i32 to index
      %swap3A_114 = arith.index_cast %mul3A_113 : i32 to index
      %swap3A_115 = tpu.vector_load %arg12[%swap3A, %swap3A_114] {strides = array<i32>} : memref<48x128xf32, #tpu.memory_space<vmem>>, vector<1x16xf32>,
      %swap3A_116 = vector.shape_cast %swap3A_115 : vector<1x16xf32> to vector<16xf32>
      %swap3A_117 = vector.shape_cast %broadcast_in_dim3A_3 : vector<16xf32> to vector<1x16xf32>
      tpu.vector_store %arg12[%swap3A, %swap3A_114], %swap3A_117 {strides = array<i32>} : memref<48x128xf32, #tpu.memory_space<vmem>>, vector<1x16xf32>,
      %scan3A_118 = arith.constant 0 : i32
      scf.yield %scan3A_118 : i32
    }
    %scan3A_9 = arith.constant 384 : i32
    %mul3A_10 = arith.constant 624 : i32
    %mul3A_11 = arith.muli %arg1, %mul3A_10 : i32
    %add3A_12 = arith.constant 0 : i32
    %add3A_13 = arith.addi %mul3A_11, %add3A_12 : i32
    "tpu.region"() ({
      %run_scoped3A_79 = tpu.sem_alloc : memref<!tpu.dma_semaphore, #tpu.memory_space<semaphore_mem>>
      %dma_start3A_80 = arith.constant 0 : i32
      %dma_start3A_81 = tpu.memref_slice %arg6[%add3A_13, %dma_start3A_80] : memref<10128x128xf32, #tpu.memory_space<vmem_shared>> -> memref<48x128xf32, #tpu.memory_space<vmem_shared>>
      %dma_start3A_82 = arith.constant 0 : i32
      %dma_start3A_83 = tpu.memref_slice %arg6[%add3A_13, %dma_start3A_82] : memref<10128x128xf32, #tpu.memory_space<vmem_shared>> -> memref<48x128xf32, #tpu.memory_space<vmem_shared>>
      tpu.enqueue_dma source(%arg12 : memref<48x128xf32, #tpu.memory_space<vmem>>) target(%dma_start3A_83 : memref<48x128xf32, #tpu.memory_space<vmem_shared>>) target_semaphore(%run_scoped3A_79 : memref<!tpu.dma_semaphore, #tpu.memory_space<semaphore_mem>>)
      %dma_wait3A_84 = arith.constant 0 : i32
      %dma_wait3A_85 = tpu.memref_slice %arg6[%add3A_13, %dma_wait3A_84] : memref<10128x128xf32, #tpu.memory_space<vmem_shared>> -> memref<48x128xf32, #tpu.memory_space<vmem_shared>>
      %dma_wait3A_86 = arith.constant 0 : i32
      %dma_wait3A_87 = tpu.memref_slice %arg6[%add3A_13, %dma_wait3A_86] : memref<10128x128xf32, #tpu.memory_space<vmem_shared>> -> memref<48x128xf32, #tpu.memory_space<vmem_shared>>
      tpu.wait_dma2 semaphore(%run_scoped3A_79 : memref<!tpu.dma_semaphore, #tpu.memory_space<semaphore_mem>>) src(%arg12 : memref<48x128xf32, #tpu.memory_space<vmem>>) dst(%dma_wait3A_87 : memref<48x128xf32, #tpu.memory_space<vmem_shared>>)
      tpu.yield
    }) : () -> ()
    %add3A_14 = arith.constant 48 : i32
    %add3A_15 = arith.addi %mul3A_11, %add3A_14 : i32
    "tpu.region"() ({
      %run_scoped3A_79 = tpu.sem_alloc : memref<!tpu.dma_semaphore, #tpu.memory_space<semaphore_mem>>
      %dma_start3A_80 = arith.constant 0 : i32
      %dma_start3A_81 = tpu.memref_slice %arg6[%add3A_15, %dma_start3A_80] : memref<10128x128xf32, #tpu.memory_space<vmem_shared>> -> memref<48x128xf32, #tpu.memory_space<vmem_shared>>
      %dma_start3A_82 = arith.constant 0 : i32
      %dma_start3A_83 = tpu.memref_slice %arg6[%add3A_15, %dma_start3A_82] : memref<10128x128xf32, #tpu.memory_space<vmem_shared>> -> memref<48x128xf32, #tpu.memory_space<vmem_shared>>
      tpu.enqueue_dma source(%arg12 : memref<48x128xf32, #tpu.memory_space<vmem>>) target(%dma_start3A_83 : memref<48x128xf32, #tpu.memory_space<vmem_shared>>) target_semaphore(%run_scoped3A_79 : memref<!tpu.dma_semaphore, #tpu.memory_space<semaphore_mem>>)
      %dma_wait3A_84 = arith.constant 0 : i32
      %dma_wait3A_85 = tpu.memref_slice %arg6[%add3A_15, %dma_wait3A_84] : memref<10128x128xf32, #tpu.memory_space<vmem_shared>> -> memref<48x128xf32, #tpu.memory_space<vmem_shared>>
      %dma_wait3A_86 = arith.constant 0 : i32
      %dma_wait3A_87 = tpu.memref_slice %arg6[%add3A_15, %dma_wait3A_86] : memref<10128x128xf32, #tpu.memory_space<vmem_shared>> -> memref<48x128xf32, #tpu.memory_space<vmem_shared>>
      tpu.wait_dma2 semaphore(%run_scoped3A_79 : memref<!tpu.dma_semaphore, #tpu.memory_space<semaphore_mem>>) src(%arg12 : memref<48x128xf32, #tpu.memory_space<vmem>>) dst(%dma_wait3A_87 : memref<48x128xf32, #tpu.memory_space<vmem_shared>>)
      tpu.yield
    }) : () -> ()
    %add3A_16 = arith.constant 96 : i32
    %add3A_17 = arith.addi %mul3A_11, %add3A_16 : i32
    "tpu.region"() ({
      %run_scoped3A_79 = tpu.sem_alloc : memref<!tpu.dma_semaphore, #tpu.memory_space<semaphore_mem>>
      %dma_start3A_80 = arith.constant 0 : i32
      %dma_start3A_81 = tpu.memref_slice %arg6[%add3A_17, %dma_start3A_80] : memref<10128x128xf32, #tpu.memory_space<vmem_shared>> -> memref<48x128xf32, #tpu.memory_space<vmem_shared>>
      %dma_start3A_82 = arith.constant 0 : i32
      %dma_start3A_83 = tpu.memref_slice %arg6[%add3A_17, %dma_start3A_82] : memref<10128x128xf32, #tpu.memory_space<vmem_shared>> -> memref<48x128xf32, #tpu.memory_space<vmem_shared>>
      tpu.enqueue_dma source(%arg12 : memref<48x128xf32, #tpu.memory_space<vmem>>) target(%dma_start3A_83 : memref<48x128xf32, #tpu.memory_space<vmem_shared>>) target_semaphore(%run_scoped3A_79 : memref<!tpu.dma_semaphore, #tpu.memory_space<semaphore_mem>>)
      %dma_wait3A_84 = arith.constant 0 : i32
      %dma_wait3A_85 = tpu.memref_slice %arg6[%add3A_17, %dma_wait3A_84] : memref<10128x128xf32, #tpu.memory_space<vmem_shared>> -> memref<48x128xf32, #tpu.memory_space<vmem_shared>>
      %dma_wait3A_86 = arith.constant 0 : i32
      %dma_wait3A_87 = tpu.memref_slice %arg6[%add3A_17, %dma_wait3A_86] : memref<10128x128xf32, #tpu.memory_space<vmem_shared>> -> memref<48x128xf32, #tpu.memory_space<vmem_shared>>
      tpu.wait_dma2 semaphore(%run_scoped3A_79 : memref<!tpu.dma_semaphore, #tpu.memory_space<semaphore_mem>>) src(%arg12 : memref<48x128xf32, #tpu.memory_space<vmem>>) dst(%dma_wait3A_87 : memref<48x128xf32, #tpu.memory_space<vmem_shared>>)
      tpu.yield
    }) : () -> ()
    %add3A_18 = arith.constant 144 : i32
    %add3A_19 = arith.addi %mul3A_11, %add3A_18 : i32
    "tpu.region"() ({
      %run_scoped3A_79 = tpu.sem_alloc : memref<!tpu.dma_semaphore, #tpu.memory_space<semaphore_mem>>
      %dma_start3A_80 = arith.constant 0 : i32
      %dma_start3A_81 = tpu.memref_slice %arg6[%add3A_19, %dma_start3A_80] : memref<10128x128xf32, #tpu.memory_space<vmem_shared>> -> memref<48x128xf32, #tpu.memory_space<vmem_shared>>
      %dma_start3A_82 = arith.constant 0 : i32
      %dma_start3A_83 = tpu.memref_slice %arg6[%add3A_19, %dma_start3A_82] : memref<10128x128xf32, #tpu.memory_space<vmem_shared>> -> memref<48x128xf32, #tpu.memory_space<vmem_shared>>
      tpu.enqueue_dma source(%arg12 : memref<48x128xf32, #tpu.memory_space<vmem>>) target(%dma_start3A_83 : memref<48x128xf32, #tpu.memory_space<vmem_shared>>) target_semaphore(%run_scoped3A_79 : memref<!tpu.dma_semaphore, #tpu.memory_space<semaphore_mem>>)
      %dma_wait3A_84 = arith.constant 0 : i32
      %dma_wait3A_85 = tpu.memref_slice %arg6[%add3A_19, %dma_wait3A_84] : memref<10128x128xf32, #tpu.memory_space<vmem_shared>> -> memref<48x128xf32, #tpu.memory_space<vmem_shared>>
      %dma_wait3A_86 = arith.constant 0 : i32
      %dma_wait3A_87 = tpu.memref_slice %arg6[%add3A_19, %dma_wait3A_86] : memref<10128x128xf32, #tpu.memory_space<vmem_shared>> -> memref<48x128xf32, #tpu.memory_space<vmem_shared>>
      tpu.wait_dma2 semaphore(%run_scoped3A_79 : memref<!tpu.dma_semaphore, #tpu.memory_space<semaphore_mem>>) src(%arg12 : memref<48x128xf32, #tpu.memory_space<vmem>>) dst(%dma_wait3A_87 : memref<48x128xf32, #tpu.memory_space<vmem_shared>>)
      tpu.yield
    }) : () -> ()
    %add3A_20 = arith.constant 192 : i32
    %add3A_21 = arith.addi %mul3A_11, %add3A_20 : i32
    "tpu.region"() ({
      %run_scoped3A_79 = tpu.sem_alloc : memref<!tpu.dma_semaphore, #tpu.memory_space<semaphore_mem>>
      %dma_start3A_80 = arith.constant 0 : i32
      %dma_start3A_81 = tpu.memref_slice %arg6[%add3A_21, %dma_start3A_80] : memref<10128x128xf32, #tpu.memory_space<vmem_shared>> -> memref<48x128xf32, #tpu.memory_space<vmem_shared>>
      %dma_start3A_82 = arith.constant 0 : i32
      %dma_start3A_83 = tpu.memref_slice %arg6[%add3A_21, %dma_start3A_82] : memref<10128x128xf32, #tpu.memory_space<vmem_shared>> -> memref<48x128xf32, #tpu.memory_space<vmem_shared>>
      tpu.enqueue_dma source(%arg12 : memref<48x128xf32, #tpu.memory_space<vmem>>) target(%dma_start3A_83 : memref<48x128xf32, #tpu.memory_space<vmem_shared>>) target_semaphore(%run_scoped3A_79 : memref<!tpu.dma_semaphore, #tpu.memory_space<semaphore_mem>>)
      %dma_wait3A_84 = arith.constant 0 : i32
      %dma_wait3A_85 = tpu.memref_slice %arg6[%add3A_21, %dma_wait3A_84] : memref<10128x128xf32, #tpu.memory_space<vmem_shared>> -> memref<48x128xf32, #tpu.memory_space<vmem_shared>>
      %dma_wait3A_86 = arith.constant 0 : i32
      %dma_wait3A_87 = tpu.memref_slice %arg6[%add3A_21, %dma_wait3A_86] : memref<10128x128xf32, #tpu.memory_space<vmem_shared>> -> memref<48x128xf32, #tpu.memory_space<vmem_shared>>
      tpu.wait_dma2 semaphore(%run_scoped3A_79 : memref<!tpu.dma_semaphore, #tpu.memory_space<semaphore_mem>>) src(%arg12 : memref<48x128xf32, #tpu.memory_space<vmem>>) dst(%dma_wait3A_87 : memref<48x128xf32, #tpu.memory_space<vmem_shared>>)
      tpu.yield
    }) : () -> ()
    %add3A_22 = arith.constant 240 : i32
    %add3A_23 = arith.addi %mul3A_11, %add3A_22 : i32
    "tpu.region"() ({
      %run_scoped3A_79 = tpu.sem_alloc : memref<!tpu.dma_semaphore, #tpu.memory_space<semaphore_mem>>
      %dma_start3A_80 = arith.constant 0 : i32
      %dma_start3A_81 = tpu.memref_slice %arg6[%add3A_23, %dma_start3A_80] : memref<10128x128xf32, #tpu.memory_space<vmem_shared>> -> memref<48x128xf32, #tpu.memory_space<vmem_shared>>
      %dma_start3A_82 = arith.constant 0 : i32
      %dma_start3A_83 = tpu.memref_slice %arg6[%add3A_23, %dma_start3A_82] : memref<10128x128xf32, #tpu.memory_space<vmem_shared>> -> memref<48x128xf32, #tpu.memory_space<vmem_shared>>
      tpu.enqueue_dma source(%arg12 : memref<48x128xf32, #tpu.memory_space<vmem>>) target(%dma_start3A_83 : memref<48x128xf32, #tpu.memory_space<vmem_shared>>) target_semaphore(%run_scoped3A_79 : memref<!tpu.dma_semaphore, #tpu.memory_space<semaphore_mem>>)
      %dma_wait3A_84 = arith.constant 0 : i32
      %dma_wait3A_85 = tpu.memref_slice %arg6[%add3A_23, %dma_wait3A_84] : memref<10128x128xf32, #tpu.memory_space<vmem_shared>> -> memref<48x128xf32, #tpu.memory_space<vmem_shared>>
      %dma_wait3A_86 = arith.constant 0 : i32
      %dma_wait3A_87 = tpu.memref_slice %arg6[%add3A_23, %dma_wait3A_86] : memref<10128x128xf32, #tpu.memory_space<vmem_shared>> -> memref<48x128xf32, #tpu.memory_space<vmem_shared>>
      tpu.wait_dma2 semaphore(%run_scoped3A_79 : memref<!tpu.dma_semaphore, #tpu.memory_space<semaphore_mem>>) src(%arg12 : memref<48x128xf32, #tpu.memory_space<vmem>>) dst(%dma_wait3A_87 : memref<48x128xf32, #tpu.memory_space<vmem_shared>>)
      tpu.yield
    }) : () -> ()
    %add3A_24 = arith.constant 288 : i32
    %add3A_25 = arith.addi %mul3A_11, %add3A_24 : i32
    "tpu.region"() ({
      %run_scoped3A_79 = tpu.sem_alloc : memref<!tpu.dma_semaphore, #tpu.memory_space<semaphore_mem>>
      %dma_start3A_80 = arith.constant 0 : i32
      %dma_start3A_81 = tpu.memref_slice %arg6[%add3A_25, %dma_start3A_80] : memref<10128x128xf32, #tpu.memory_space<vmem_shared>> -> memref<48x128xf32, #tpu.memory_space<vmem_shared>>
      %dma_start3A_82 = arith.constant 0 : i32
      %dma_start3A_83 = tpu.memref_slice %arg6[%add3A_25, %dma_start3A_82] : memref<10128x128xf32, #tpu.memory_space<vmem_shared>> -> memref<48x128xf32, #tpu.memory_space<vmem_shared>>
      tpu.enqueue_dma source(%arg12 : memref<48x128xf32, #tpu.memory_space<vmem>>) target(%dma_start3A_83 : memref<48x128xf32, #tpu.memory_space<vmem_shared>>) target_semaphore(%run_scoped3A_79 : memref<!tpu.dma_semaphore, #tpu.memory_space<semaphore_mem>>)
      %dma_wait3A_84 = arith.constant 0 : i32
      %dma_wait3A_85 = tpu.memref_slice %arg6[%add3A_25, %dma_wait3A_84] : memref<10128x128xf32, #tpu.memory_space<vmem_shared>> -> memref<48x128xf32, #tpu.memory_space<vmem_shared>>
      %dma_wait3A_86 = arith.constant 0 : i32
      %dma_wait3A_87 = tpu.memref_slice %arg6[%add3A_25, %dma_wait3A_86] : memref<10128x128xf32, #tpu.memory_space<vmem_shared>> -> memref<48x128xf32, #tpu.memory_space<vmem_shared>>
      tpu.wait_dma2 semaphore(%run_scoped3A_79 : memref<!tpu.dma_semaphore, #tpu.memory_space<semaphore_mem>>) src(%arg12 : memref<48x128xf32, #tpu.memory_space<vmem>>) dst(%dma_wait3A_87 : memref<48x128xf32, #tpu.memory_space<vmem_shared>>)
      tpu.yield
    }) : () -> ()
    %add3A_26 = arith.constant 336 : i32
    %add3A_27 = arith.addi %mul3A_11, %add3A_26 : i32
    "tpu.region"() ({
      %run_scoped3A_79 = tpu.sem_alloc : memref<!tpu.dma_semaphore, #tpu.memory_space<semaphore_mem>>
      %dma_start3A_80 = arith.constant 0 : i32
      %dma_start3A_81 = tpu.memref_slice %arg6[%add3A_27, %dma_start3A_80] : memref<10128x128xf32, #tpu.memory_space<vmem_shared>> -> memref<48x128xf32, #tpu.memory_space<vmem_shared>>
      %dma_start3A_82 = arith.constant 0 : i32
      %dma_start3A_83 = tpu.memref_slice %arg6[%add3A_27, %dma_start3A_82] : memref<10128x128xf32, #tpu.memory_space<vmem_shared>> -> memref<48x128xf32, #tpu.memory_space<vmem_shared>>
      tpu.enqueue_dma source(%arg12 : memref<48x128xf32, #tpu.memory_space<vmem>>) target(%dma_start3A_83 : memref<48x128xf32, #tpu.memory_space<vmem_shared>>) target_semaphore(%run_scoped3A_79 : memref<!tpu.dma_semaphore, #tpu.memory_space<semaphore_mem>>)
      %dma_wait3A_84 = arith.constant 0 : i32
      %dma_wait3A_85 = tpu.memref_slice %arg6[%add3A_27, %dma_wait3A_84] : memref<10128x128xf32, #tpu.memory_space<vmem_shared>> -> memref<48x128xf32, #tpu.memory_space<vmem_shared>>
      %dma_wait3A_86 = arith.constant 0 : i32
      %dma_wait3A_87 = tpu.memref_slice %arg6[%add3A_27, %dma_wait3A_86] : memref<10128x128xf32, #tpu.memory_space<vmem_shared>> -> memref<48x128xf32, #tpu.memory_space<vmem_shared>>
      tpu.wait_dma2 semaphore(%run_scoped3A_79 : memref<!tpu.dma_semaphore, #tpu.memory_space<semaphore_mem>>) src(%arg12 : memref<48x128xf32, #tpu.memory_space<vmem>>) dst(%dma_wait3A_87 : memref<48x128xf32, #tpu.memory_space<vmem_shared>>)
      tpu.yield
    }) : () -> ()
    %add3A_28 = arith.constant 384 : i32
    %add3A_29 = arith.addi %mul3A_11, %add3A_28 : i32
    "tpu.region"() ({
      %run_scoped3A_79 = tpu.sem_alloc : memref<!tpu.dma_semaphore, #tpu.memory_space<semaphore_mem>>
      %dma_start3A_80 = arith.constant 0 : i32
      %dma_start3A_81 = tpu.memref_slice %arg6[%add3A_29, %dma_start3A_80] : memref<10128x128xf32, #tpu.memory_space<vmem_shared>> -> memref<48x128xf32, #tpu.memory_space<vmem_shared>>
      %dma_start3A_82 = arith.constant 0 : i32
      %dma_start3A_83 = tpu.memref_slice %arg6[%add3A_29, %dma_start3A_82] : memref<10128x128xf32, #tpu.memory_space<vmem_shared>> -> memref<48x128xf32, #tpu.memory_space<vmem_shared>>
      tpu.enqueue_dma source(%arg12 : memref<48x128xf32, #tpu.memory_space<vmem>>) target(%dma_start3A_83 : memref<48x128xf32, #tpu.memory_space<vmem_shared>>) target_semaphore(%run_scoped3A_79 : memref<!tpu.dma_semaphore, #tpu.memory_space<semaphore_mem>>)
      %dma_wait3A_84 = arith.constant 0 : i32
      %dma_wait3A_85 = tpu.memref_slice %arg6[%add3A_29, %dma_wait3A_84] : memref<10128x128xf32, #tpu.memory_space<vmem_shared>> -> memref<48x128xf32, #tpu.memory_space<vmem_shared>>
      %dma_wait3A_86 = arith.constant 0 : i32
      %dma_wait3A_87 = tpu.memref_slice %arg6[%add3A_29, %dma_wait3A_86] : memref<10128x128xf32, #tpu.memory_space<vmem_shared>> -> memref<48x128xf32, #tpu.memory_space<vmem_shared>>
      tpu.wait_dma2 semaphore(%run_scoped3A_79 : memref<!tpu.dma_semaphore, #tpu.memory_space<semaphore_mem>>) src(%arg12 : memref<48x128xf32, #tpu.memory_space<vmem>>) dst(%dma_wait3A_87 : memref<48x128xf32, #tpu.memory_space<vmem_shared>>)
      tpu.yield
    }) : () -> ()
    %add3A_30 = arith.constant 432 : i32
    %add3A_31 = arith.addi %mul3A_11, %add3A_30 : i32
    "tpu.region"() ({
      %run_scoped3A_79 = tpu.sem_alloc : memref<!tpu.dma_semaphore, #tpu.memory_space<semaphore_mem>>
      %dma_start3A_80 = arith.constant 0 : i32
      %dma_start3A_81 = tpu.memref_slice %arg6[%add3A_31, %dma_start3A_80] : memref<10128x128xf32, #tpu.memory_space<vmem_shared>> -> memref<48x128xf32, #tpu.memory_space<vmem_shared>>
      %dma_start3A_82 = arith.constant 0 : i32
      %dma_start3A_83 = tpu.memref_slice %arg6[%add3A_31, %dma_start3A_82] : memref<10128x128xf32, #tpu.memory_space<vmem_shared>> -> memref<48x128xf32, #tpu.memory_space<vmem_shared>>
      tpu.enqueue_dma source(%arg12 : memref<48x128xf32, #tpu.memory_space<vmem>>) target(%dma_start3A_83 : memref<48x128xf32, #tpu.memory_space<vmem_shared>>) target_semaphore(%run_scoped3A_79 : memref<!tpu.dma_semaphore, #tpu.memory_space<semaphore_mem>>)
      %dma_wait3A_84 = arith.constant 0 : i32
      %dma_wait3A_85 = tpu.memref_slice %arg6[%add3A_31, %dma_wait3A_84] : memref<10128x128xf32, #tpu.memory_space<vmem_shared>> -> memref<48x128xf32, #tpu.memory_space<vmem_shared>>
      %dma_wait3A_86 = arith.constant 0 : i32
      %dma_wait3A_87 = tpu.memref_slice %arg6[%add3A_31, %dma_wait3A_86] : memref<10128x128xf32, #tpu.memory_space<vmem_shared>> -> memref<48x128xf32, #tpu.memory_space<vmem_shared>>
      tpu.wait_dma2 semaphore(%run_scoped3A_79 : memref<!tpu.dma_semaphore, #tpu.memory_space<semaphore_mem>>) src(%arg12 : memref<48x128xf32, #tpu.memory_space<vmem>>) dst(%dma_wait3A_87 : memref<48x128xf32, #tpu.memory_space<vmem_shared>>)
      tpu.yield
    }) : () -> ()
    %add3A_32 = arith.constant 480 : i32
    %add3A_33 = arith.addi %mul3A_11, %add3A_32 : i32
    "tpu.region"() ({
      %run_scoped3A_79 = tpu.sem_alloc : memref<!tpu.dma_semaphore, #tpu.memory_space<semaphore_mem>>
      %dma_start3A_80 = arith.constant 0 : i32
      %dma_start3A_81 = tpu.memref_slice %arg6[%add3A_33, %dma_start3A_80] : memref<10128x128xf32, #tpu.memory_space<vmem_shared>> -> memref<48x128xf32, #tpu.memory_space<vmem_shared>>
      %dma_start3A_82 = arith.constant 0 : i32
      %dma_start3A_83 = tpu.memref_slice %arg6[%add3A_33, %dma_start3A_82] : memref<10128x128xf32, #tpu.memory_space<vmem_shared>> -> memref<48x128xf32, #tpu.memory_space<vmem_shared>>
      tpu.enqueue_dma source(%arg12 : memref<48x128xf32, #tpu.memory_space<vmem>>) target(%dma_start3A_83 : memref<48x128xf32, #tpu.memory_space<vmem_shared>>) target_semaphore(%run_scoped3A_79 : memref<!tpu.dma_semaphore, #tpu.memory_space<semaphore_mem>>)
      %dma_wait3A_84 = arith.constant 0 : i32
      %dma_wait3A_85 = tpu.memref_slice %arg6[%add3A_33, %dma_wait3A_84] : memref<10128x128xf32, #tpu.memory_space<vmem_shared>> -> memref<48x128xf32, #tpu.memory_space<vmem_shared>>
      %dma_wait3A_86 = arith.constant 0 : i32
      %dma_wait3A_87 = tpu.memref_slice %arg6[%add3A_33, %dma_wait3A_86] : memref<10128x128xf32, #tpu.memory_space<vmem_shared>> -> memref<48x128xf32, #tpu.memory_space<vmem_shared>>
      tpu.wait_dma2 semaphore(%run_scoped3A_79 : memref<!tpu.dma_semaphore, #tpu.memory_space<semaphore_mem>>) src(%arg12 : memref<48x128xf32, #tpu.memory_space<vmem>>) dst(%dma_wait3A_87 : memref<48x128xf32, #tpu.memory_space<vmem_shared>>)
      tpu.yield
    }) : () -> ()
    %add3A_34 = arith.constant 528 : i32
    %add3A_35 = arith.addi %mul3A_11, %add3A_34 : i32
    "tpu.region"() ({
      %run_scoped3A_79 = tpu.sem_alloc : memref<!tpu.dma_semaphore, #tpu.memory_space<semaphore_mem>>
      %dma_start3A_80 = arith.constant 0 : i32
      %dma_start3A_81 = tpu.memref_slice %arg6[%add3A_35, %dma_start3A_80] : memref<10128x128xf32, #tpu.memory_space<vmem_shared>> -> memref<48x128xf32, #tpu.memory_space<vmem_shared>>
      %dma_start3A_82 = arith.constant 0 : i32
      %dma_start3A_83 = tpu.memref_slice %arg6[%add3A_35, %dma_start3A_82] : memref<10128x128xf32, #tpu.memory_space<vmem_shared>> -> memref<48x128xf32, #tpu.memory_space<vmem_shared>>
      tpu.enqueue_dma source(%arg12 : memref<48x128xf32, #tpu.memory_space<vmem>>) target(%dma_start3A_83 : memref<48x128xf32, #tpu.memory_space<vmem_shared>>) target_semaphore(%run_scoped3A_79 : memref<!tpu.dma_semaphore, #tpu.memory_space<semaphore_mem>>)
      %dma_wait3A_84 = arith.constant 0 : i32
      %dma_wait3A_85 = tpu.memref_slice %arg6[%add3A_35, %dma_wait3A_84] : memref<10128x128xf32, #tpu.memory_space<vmem_shared>> -> memref<48x128xf32, #tpu.memory_space<vmem_shared>>
      %dma_wait3A_86 = arith.constant 0 : i32
      %dma_wait3A_87 = tpu.memref_slice %arg6[%add3A_35, %dma_wait3A_86] : memref<10128x128xf32, #tpu.memory_space<vmem_shared>> -> memref<48x128xf32, #tpu.memory_space<vmem_shared>>
      tpu.wait_dma2 semaphore(%run_scoped3A_79 : memref<!tpu.dma_semaphore, #tpu.memory_space<semaphore_mem>>) src(%arg12 : memref<48x128xf32, #tpu.memory_space<vmem>>) dst(%dma_wait3A_87 : memref<48x128xf32, #tpu.memory_space<vmem_shared>>)
      tpu.yield
    }) : () -> ()
    %add3A_36 = arith.constant 576 : i32
    %add3A_37 = arith.addi %mul3A_11, %add3A_36 : i32
    "tpu.region"() ({
      %run_scoped3A_79 = tpu.sem_alloc : memref<!tpu.dma_semaphore, #tpu.memory_space<semaphore_mem>>
      %dma_start3A_80 = arith.constant 0 : i32
      %dma_start3A_81 = tpu.memref_slice %arg6[%add3A_37, %dma_start3A_80] : memref<10128x128xf32, #tpu.memory_space<vmem_shared>> -> memref<48x128xf32, #tpu.memory_space<vmem_shared>>
      %dma_start3A_82 = arith.constant 0 : i32
      %dma_start3A_83 = tpu.memref_slice %arg6[%add3A_37, %dma_start3A_82] : memref<10128x128xf32, #tpu.memory_space<vmem_shared>> -> memref<48x128xf32, #tpu.memory_space<vmem_shared>>
      tpu.enqueue_dma source(%arg12 : memref<48x128xf32, #tpu.memory_space<vmem>>) target(%dma_start3A_83 : memref<48x128xf32, #tpu.memory_space<vmem_shared>>) target_semaphore(%run_scoped3A_79 : memref<!tpu.dma_semaphore, #tpu.memory_space<semaphore_mem>>)
      %dma_wait3A_84 = arith.constant 0 : i32
      %dma_wait3A_85 = tpu.memref_slice %arg6[%add3A_37, %dma_wait3A_84] : memref<10128x128xf32, #tpu.memory_space<vmem_shared>> -> memref<48x128xf32, #tpu.memory_space<vmem_shared>>
      %dma_wait3A_86 = arith.constant 0 : i32
      %dma_wait3A_87 = tpu.memref_slice %arg6[%add3A_37, %dma_wait3A_86] : memref<10128x128xf32, #tpu.memory_space<vmem_shared>> -> memref<48x128xf32, #tpu.memory_space<vmem_shared>>
      tpu.wait_dma2 semaphore(%run_scoped3A_79 : memref<!tpu.dma_semaphore, #tpu.memory_space<semaphore_mem>>) src(%arg12 : memref<48x128xf32, #tpu.memory_space<vmem>>) dst(%dma_wait3A_87 : memref<48x128xf32, #tpu.memory_space<vmem_shared>>)
      tpu.yield
    }) : () -> ()
    %eq3A = arith.constant 15 : i32
    %eq3A_38 = arith.cmpi eq, %arg1, %eq3A : i32
    %convert_element_type3A = arith.extui %eq3A_38 : i1 to i32
    %cond3A = arith.constant 0 : i32
    %cond3A_39 = arith.cmpi ne, %convert_element_type3A, %cond3A : i32
    scf.if %cond3A_39 {
      "tpu.region"() ({
        %run_scoped3A_79 = tpu.sem_alloc : memref<!tpu.dma_semaphore, #tpu.memory_space<semaphore_mem>>
        %dma_start3A_80 = arith.constant 9984 : i32
        %dma_start3A_81 = arith.constant 0 : i32
        %dma_start3A_82 = tpu.memref_slice %arg6[%dma_start3A_80, %dma_start3A_81] : memref<10128x128xf32, #tpu.memory_space<vmem_shared>> -> memref<48x128xf32, #tpu.memory_space<vmem_shared>>
        %dma_start3A_83 = arith.constant 9984 : i32
        %dma_start3A_84 = arith.constant 0 : i32
        %dma_start3A_85 = tpu.memref_slice %arg6[%dma_start3A_83, %dma_start3A_84] : memref<10128x128xf32, #tpu.memory_space<vmem_shared>> -> memref<48x128xf32, #tpu.memory_space<vmem_shared>>
        tpu.enqueue_dma source(%arg12 : memref<48x128xf32, #tpu.memory_space<vmem>>) target(%dma_start3A_85 : memref<48x128xf32, #tpu.memory_space<vmem_shared>>) target_semaphore(%run_scoped3A_79 : memref<!tpu.dma_semaphore, #tpu.memory_space<semaphore_mem>>)
        %dma_wait3A_86 = arith.constant 9984 : i32
        %dma_wait3A_87 = arith.constant 0 : i32
        %dma_wait3A_88 = tpu.memref_slice %arg6[%dma_wait3A_86, %dma_wait3A_87] : memref<10128x128xf32, #tpu.memory_space<vmem_shared>> -> memref<48x128xf32, #tpu.memory_space<vmem_shared>>
        %dma_wait3A_89 = arith.constant 9984 : i32
        %dma_wait3A_90 = arith.constant 0 : i32
        %dma_wait3A_91 = tpu.memref_slice %arg6[%dma_wait3A_89, %dma_wait3A_90] : memref<10128x128xf32, #tpu.memory_space<vmem_shared>> -> memref<48x128xf32, #tpu.memory_space<vmem_shared>>
        tpu.wait_dma2 semaphore(%run_scoped3A_79 : memref<!tpu.dma_semaphore, #tpu.memory_space<semaphore_mem>>) src(%arg12 : memref<48x128xf32, #tpu.memory_space<vmem>>) dst(%dma_wait3A_91 : memref<48x128xf32, #tpu.memory_space<vmem_shared>>)
        tpu.yield
      }) : () -> ()
      "tpu.region"() ({
        %run_scoped3A_79 = tpu.sem_alloc : memref<!tpu.dma_semaphore, #tpu.memory_space<semaphore_mem>>
        %dma_start3A_80 = arith.constant 10032 : i32
        %dma_start3A_81 = arith.constant 0 : i32
        %dma_start3A_82 = tpu.memref_slice %arg6[%dma_start3A_80, %dma_start3A_81] : memref<10128x128xf32, #tpu.memory_space<vmem_shared>> -> memref<48x128xf32, #tpu.memory_space<vmem_shared>>
        %dma_start3A_83 = arith.constant 10032 : i32
        %dma_start3A_84 = arith.constant 0 : i32
        %dma_start3A_85 = tpu.memref_slice %arg6[%dma_start3A_83, %dma_start3A_84] : memref<10128x128xf32, #tpu.memory_space<vmem_shared>> -> memref<48x128xf32, #tpu.memory_space<vmem_shared>>
        tpu.enqueue_dma source(%arg12 : memref<48x128xf32, #tpu.memory_space<vmem>>) target(%dma_start3A_85 : memref<48x128xf32, #tpu.memory_space<vmem_shared>>) target_semaphore(%run_scoped3A_79 : memref<!tpu.dma_semaphore, #tpu.memory_space<semaphore_mem>>)
        %dma_wait3A_86 = arith.constant 10032 : i32
        %dma_wait3A_87 = arith.constant 0 : i32
        %dma_wait3A_88 = tpu.memref_slice %arg6[%dma_wait3A_86, %dma_wait3A_87] : memref<10128x128xf32, #tpu.memory_space<vmem_shared>> -> memref<48x128xf32, #tpu.memory_space<vmem_shared>>
        %dma_wait3A_89 = arith.constant 10032 : i32
        %dma_wait3A_90 = arith.constant 0 : i32
        %dma_wait3A_91 = tpu.memref_slice %arg6[%dma_wait3A_89, %dma_wait3A_90] : memref<10128x128xf32, #tpu.memory_space<vmem_shared>> -> memref<48x128xf32, #tpu.memory_space<vmem_shared>>
        tpu.wait_dma2 semaphore(%run_scoped3A_79 : memref<!tpu.dma_semaphore, #tpu.memory_space<semaphore_mem>>) src(%arg12 : memref<48x128xf32, #tpu.memory_space<vmem>>) dst(%dma_wait3A_91 : memref<48x128xf32, #tpu.memory_space<vmem_shared>>)
        tpu.yield
      }) : () -> ()
      "tpu.region"() ({
        %run_scoped3A_79 = tpu.sem_alloc : memref<!tpu.dma_semaphore, #tpu.memory_space<semaphore_mem>>
        %dma_start3A_80 = arith.constant 10080 : i32
        %dma_start3A_81 = arith.constant 0 : i32
        %dma_start3A_82 = tpu.memref_slice %arg6[%dma_start3A_80, %dma_start3A_81] : memref<10128x128xf32, #tpu.memory_space<vmem_shared>> -> memref<48x128xf32, #tpu.memory_space<vmem_shared>>
        %dma_start3A_83 = arith.constant 10080 : i32
        %dma_start3A_84 = arith.constant 0 : i32
        %dma_start3A_85 = tpu.memref_slice %arg6[%dma_start3A_83, %dma_start3A_84] : memref<10128x128xf32, #tpu.memory_space<vmem_shared>> -> memref<48x128xf32, #tpu.memory_space<vmem_shared>>
        tpu.enqueue_dma source(%arg12 : memref<48x128xf32, #tpu.memory_space<vmem>>) target(%dma_start3A_85 : memref<48x128xf32, #tpu.memory_space<vmem_shared>>) target_semaphore(%run_scoped3A_79 : memref<!tpu.dma_semaphore, #tpu.memory_space<semaphore_mem>>)
        %dma_wait3A_86 = arith.constant 10080 : i32
        %dma_wait3A_87 = arith.constant 0 : i32
        %dma_wait3A_88 = tpu.memref_slice %arg6[%dma_wait3A_86, %dma_wait3A_87] : memref<10128x128xf32, #tpu.memory_space<vmem_shared>> -> memref<48x128xf32, #tpu.memory_space<vmem_shared>>
        %dma_wait3A_89 = arith.constant 10080 : i32
        %dma_wait3A_90 = arith.constant 0 : i32
        %dma_wait3A_91 = tpu.memref_slice %arg6[%dma_wait3A_89, %dma_wait3A_90] : memref<10128x128xf32, #tpu.memory_space<vmem_shared>> -> memref<48x128xf32, #tpu.memory_space<vmem_shared>>
        tpu.wait_dma2 semaphore(%run_scoped3A_79 : memref<!tpu.dma_semaphore, #tpu.memory_space<semaphore_mem>>) src(%arg12 : memref<48x128xf32, #tpu.memory_space<vmem>>) dst(%dma_wait3A_91 : memref<48x128xf32, #tpu.memory_space<vmem_shared>>)
        tpu.yield
      }) : () -> ()
    } else {
    }
    %barrier3A = arith.constant 0 : index
    tpu.barrier barrier_id(%barrier3A)
    %run_scoped3A = arith.constant 0 : i32
    "tpu.region"() ({
      %run_scoped3A_79 = tpu.sem_alloc : memref<!tpu.dma_semaphore, #tpu.memory_space<semaphore_mem>>
      %dma_start3A_80 = arith.constant 0 : i32
      %dma_start3A_81 = tpu.memref_slice %arg3[%mul3A_2, %run_scoped3A, %dma_start3A_80] : memref<2560x1x128xi32, #tpu.memory_space<hbm>> -> memref<1x1x128xi32, #tpu.memory_space<hbm>>
      %dma_start3A_82 = tpu.memref_squeeze %dma_start3A_81 : memref<1x1x128xi32, #tpu.memory_space<hbm>> -> memref<128xi32, #tpu.memory_space<hbm>>
      %dma_start3A_83 = arith.constant 0 : i32
      %dma_start3A_84 = tpu.memref_slice %arg3[%mul3A_2, %run_scoped3A, %dma_start3A_83] : memref<2560x1x128xi32, #tpu.memory_space<hbm>> -> memref<1x1x128xi32, #tpu.memory_space<hbm>>
      %dma_start3A_85 = tpu.memref_squeeze %dma_start3A_84 : memref<1x1x128xi32, #tpu.memory_space<hbm>> -> memref<128xi32, #tpu.memory_space<hbm>>
      tpu.enqueue_dma source(%dma_start3A_85 : memref<128xi32, #tpu.memory_space<hbm>>) target(%arg9 : memref<128xi32, #tpu.memory_space<vmem>>) target_semaphore(%run_scoped3A_79 : memref<!tpu.dma_semaphore, #tpu.memory_space<semaphore_mem>>)
      %dma_wait3A_86 = arith.constant 0 : i32
      %dma_wait3A_87 = tpu.memref_slice %arg3[%mul3A_2, %run_scoped3A, %dma_wait3A_86] : memref<2560x1x128xi32, #tpu.memory_space<hbm>> -> memref<1x1x128xi32, #tpu.memory_space<hbm>>
      %dma_wait3A_88 = tpu.memref_squeeze %dma_wait3A_87 : memref<1x1x128xi32, #tpu.memory_space<hbm>> -> memref<128xi32, #tpu.memory_space<hbm>>
      %dma_wait3A_89 = arith.constant 0 : i32
      %dma_wait3A_90 = tpu.memref_slice %arg3[%mul3A_2, %run_scoped3A, %dma_wait3A_89] : memref<2560x1x128xi32, #tpu.memory_space<hbm>> -> memref<1x1x128xi32, #tpu.memory_space<hbm>>
      %dma_wait3A_91 = tpu.memref_squeeze %dma_wait3A_90 : memref<1x1x128xi32, #tpu.memory_space<hbm>> -> memref<128xi32, #tpu.memory_space<hbm>>
      tpu.wait_dma2 semaphore(%run_scoped3A_79 : memref<!tpu.dma_semaphore, #tpu.memory_space<semaphore_mem>>) src(%dma_wait3A_91 : memref<128xi32, #tpu.memory_space<hbm>>) dst(%arg9 : memref<128xi32, #tpu.memory_space<vmem>>)
      tpu.yield
    }) : () -> ()
    %add3A_40 = arith.constant 1 : i32
    %add3A_41 = arith.addi %mul3A_2, %add3A_40 : i32
    %dma_start3A = arith.constant 0 : i32
    %dma_start3A_42 = arith.constant 0 : i32
    %dma_start3A_43 = tpu.memref_slice %arg3[%add3A_41, %dma_start3A, %dma_start3A_42] : memref<2560x1x128xi32, #tpu.memory_space<hbm>> -> memref<1x1x128xi32, #tpu.memory_space<hbm>>
    %dma_start3A_44 = tpu.memref_squeeze %dma_start3A_43 : memref<1x1x128xi32, #tpu.memory_space<hbm>> -> memref<128xi32, #tpu.memory_space<hbm>>
    %dma_start3A_45 = arith.constant 0 : i32
    %dma_start3A_46 = tpu.memref_slice %arg3[%add3A_41, %dma_start3A, %dma_start3A_45] : memref<2560x1x128xi32, #tpu.memory_space<hbm>> -> memref<1x1x128xi32, #tpu.memory_space<hbm>>
    %dma_start3A_47 = tpu.memref_squeeze %dma_start3A_46 : memref<1x1x128xi32, #tpu.memory_space<hbm>> -> memref<128xi32, #tpu.memory_space<hbm>>
    tpu.enqueue_dma source(%dma_start3A_47 : memref<128xi32, #tpu.memory_space<hbm>>) target(%arg10 : memref<128xi32, #tpu.memory_space<vmem>>) target_semaphore(%arg16 : memref<!tpu.dma_semaphore, #tpu.memory_space<semaphore_mem>>)
    %dma_start3A_48 = arith.constant 0 : i32
    %dma_start3A_49 = arith.constant 0 : i32
    %dma_start3A_50 = tpu.memref_slice %arg2[%dma_start3A_48, %dma_start3A_49] : memref<10000x128xf32, #tpu.memory_space<hbm>> -> memref<10000x128xf32, #tpu.memory_space<hbm>>
    tpu.enqueue_indirect_dma source(%dma_start3A_50 : memref<10000x128xf32, #tpu.memory_space<hbm>>) target(%arg7 : memref<128x128xf32, #tpu.memory_space<vmem>>) offsets(%arg9 : memref<128xi32, #tpu.memory_space<vmem>>) semaphore(%arg13 : memref<!tpu.dma_semaphore, #tpu.memory_space<semaphore_mem>>)
    %scan3A_51 = arith.constant 0 : i32
    %scan3A_52 = arith.constant 0 : i32
    %scan3A_53 = arith.constant 40 : i32
    %scan3A_54 = arith.addi %scan3A_52, %scan3A_53 : i32
    %scan3A_55 = arith.constant 1 : i32
    %scan3A_56 = scf.for %scan3A_79 = %scan3A_52 to %scan3A_54 step %scan3A_55 iter_args(%scan3A_80 = %scan3A_51) -> (i32)  : i32 {
      %mul3A_81 = arith.constant 2 : i32
      %mul3A_82 = arith.muli %mul3A_81, %scan3A_79 : i32
      %dma_wait3A_83 = arith.constant 0 : i32
      %dma_wait3A_84 = arith.constant 0 : i32
      %dma_wait3A_85 = tpu.memref_slice %arg2[%dma_wait3A_83, %dma_wait3A_84] : memref<10000x128xf32, #tpu.memory_space<hbm>> -> memref<10000x128xf32, #tpu.memory_space<hbm>>
      tpu.wait_indirect_dma semaphore(%arg13 : memref<!tpu.dma_semaphore, #tpu.memory_space<semaphore_mem>>) src(%dma_wait3A_85 : memref<10000x128xf32, #tpu.memory_space<hbm>>) dst(%arg7 : memref<128x128xf32, #tpu.memory_space<vmem>>)
      %add3A_86 = arith.constant 2 : i32
      %add3A_87 = arith.addi %mul3A_82, %add3A_86 : i32
      %lt3A = arith.constant 80 : i32
      %lt3A_88 = arith.cmpi slt, %add3A_87, %lt3A : i32
      %convert_element_type3A_89 = arith.extui %lt3A_88 : i1 to i32
      %cond3A_90 = arith.constant 0 : i32
      %cond3A_91 = arith.cmpi ne, %convert_element_type3A_89, %cond3A_90 : i32
      scf.if %cond3A_91 {
        %add3A_133 = arith.constant 2 : i32
        %add3A_134 = arith.addi %mul3A_82, %add3A_133 : i32
        %add3A_135 = arith.addi %mul3A_2, %add3A_134 : i32
        %dma_start3A_136 = arith.constant 0 : i32
        %dma_start3A_137 = arith.constant 0 : i32
        %dma_start3A_138 = tpu.memref_slice %arg3[%add3A_135, %dma_start3A_136, %dma_start3A_137] : memref<2560x1x128xi32, #tpu.memory_space<hbm>> -> memref<1x1x128xi32, #tpu.memory_space<hbm>>
        %dma_start3A_139 = tpu.memref_squeeze %dma_start3A_138 : memref<1x1x128xi32, #tpu.memory_space<hbm>> -> memref<128xi32, #tpu.memory_space<hbm>>
        %dma_start3A_140 = arith.constant 0 : i32
        %dma_start3A_141 = tpu.memref_slice %arg3[%add3A_135, %dma_start3A_136, %dma_start3A_140] : memref<2560x1x128xi32, #tpu.memory_space<hbm>> -> memref<1x1x128xi32, #tpu.memory_space<hbm>>
        %dma_start3A_142 = tpu.memref_squeeze %dma_start3A_141 : memref<1x1x128xi32, #tpu.memory_space<hbm>> -> memref<128xi32, #tpu.memory_space<hbm>>
        tpu.enqueue_dma source(%dma_start3A_142 : memref<128xi32, #tpu.memory_space<hbm>>) target(%arg9 : memref<128xi32, #tpu.memory_space<vmem>>) target_semaphore(%arg15 : memref<!tpu.dma_semaphore, #tpu.memory_space<semaphore_mem>>)
      } else {
      }
      %dma_start3A_92 = arith.constant 0 : i32
      %dma_start3A_93 = arith.constant 0 : i32
      %dma_start3A_94 = tpu.memref_slice %arg11[%mul3A_82, %dma_start3A_92, %dma_start3A_93] : memref<80x1x128xi32, #tpu.memory_space<vmem>> -> memref<1x1x128xi32, #tpu.memory_space<vmem>>
      %dma_start3A_95 = tpu.memref_squeeze %dma_start3A_94 : memref<1x1x128xi32, #tpu.memory_space<vmem>> -> memref<128xi32, #tpu.memory_space<vmem>>
      %dma_start3A_96 = arith.constant 0 : i32
      %dma_start3A_97 = arith.constant 0 : i32
      %dma_start3A_98 = tpu.memref_slice %arg6[%dma_start3A_96, %dma_start3A_97] : memref<10128x128xf32, #tpu.memory_space<vmem_shared>> -> memref<10128x128xf32, #tpu.memory_space<vmem_shared>>
      tpu.enqueue_indirect_dma source(%arg7 : memref<128x128xf32, #tpu.memory_space<vmem>>) target(%dma_start3A_98 : memref<10128x128xf32, #tpu.memory_space<vmem_shared>>) offsets(%dma_start3A_95 : memref<128xi32, #tpu.memory_space<vmem>>) semaphore(%arg17 : memref<!tpu.dma_semaphore, #tpu.memory_space<semaphore_mem>>) {add = true}
      %add3A_99 = arith.constant 1 : i32
      %add3A_100 = arith.addi %mul3A_82, %add3A_99 : i32
      %lt3A_101 = arith.constant 80 : i32
      %lt3A_102 = arith.cmpi slt, %add3A_100, %lt3A_101 : i32
      %convert_element_type3A_103 = arith.extui %lt3A_102 : i1 to i32
      %cond3A_104 = arith.constant 0 : i32
      %cond3A_105 = arith.cmpi ne, %convert_element_type3A_103, %cond3A_104 : i32
      scf.if %cond3A_105 {
        %dma_wait3A_133 = arith.constant 0 : i32
        %dma_wait3A_134 = arith.constant 0 : i32
        %dma_wait3A_135 = arith.constant 0 : i32
        %dma_wait3A_136 = tpu.memref_slice %arg3[%dma_wait3A_133, %dma_wait3A_134, %dma_wait3A_135] : memref<2560x1x128xi32, #tpu.memory_space<hbm>> -> memref<1x1x128xi32, #tpu.memory_space<hbm>>
        %dma_wait3A_137 = tpu.memref_squeeze %dma_wait3A_136 : memref<1x1x128xi32, #tpu.memory_space<hbm>> -> memref<128xi32, #tpu.memory_space<hbm>>
        %dma_wait3A_138 = arith.constant 0 : i32
        %dma_wait3A_139 = tpu.memref_slice %arg3[%dma_wait3A_133, %dma_wait3A_134, %dma_wait3A_138] : memref<2560x1x128xi32, #tpu.memory_space<hbm>> -> memref<1x1x128xi32, #tpu.memory_space<hbm>>
        %dma_wait3A_140 = tpu.memref_squeeze %dma_wait3A_139 : memref<1x1x128xi32, #tpu.memory_space<hbm>> -> memref<128xi32, #tpu.memory_space<hbm>>
        tpu.wait_dma2 semaphore(%arg16 : memref<!tpu.dma_semaphore, #tpu.memory_space<semaphore_mem>>) src(%dma_wait3A_140 : memref<128xi32, #tpu.memory_space<hbm>>) dst(%arg10 : memref<128xi32, #tpu.memory_space<vmem>>)
        %gt3A = arith.constant 0 : i32
        %gt3A_141 = arith.cmpi sgt, %mul3A_82, %gt3A : i32
        %convert_element_type3A_142 = arith.extui %gt3A_141 : i1 to i32
        %cond3A_143 = arith.constant 0 : i32
        %cond3A_144 = arith.cmpi ne, %convert_element_type3A_142, %cond3A_143 : i32
        scf.if %cond3A_144 {
          %dma_wait3A_148 = arith.constant 0 : i32
          %dma_wait3A_149 = arith.constant 0 : i32
          %dma_wait3A_150 = arith.constant 0 : i32
          %dma_wait3A_151 = tpu.memref_slice %arg11[%dma_wait3A_148, %dma_wait3A_149, %dma_wait3A_150] : memref<80x1x128xi32, #tpu.memory_space<vmem>> -> memref<1x1x128xi32, #tpu.memory_space<vmem>>
          %dma_wait3A_152 = tpu.memref_squeeze %dma_wait3A_151 : memref<1x1x128xi32, #tpu.memory_space<vmem>> -> memref<128xi32, #tpu.memory_space<vmem>>
          %dma_wait3A_153 = arith.constant 0 : i32
          %dma_wait3A_154 = arith.constant 0 : i32
          %dma_wait3A_155 = tpu.memref_slice %arg6[%dma_wait3A_153, %dma_wait3A_154] : memref<10128x128xf32, #tpu.memory_space<vmem_shared>> -> memref<10128x128xf32, #tpu.memory_space<vmem_shared>>
          tpu.wait_indirect_dma semaphore(%arg18 : memref<!tpu.dma_semaphore, #tpu.memory_space<semaphore_mem>>) src(%arg8 : memref<128x128xf32, #tpu.memory_space<vmem>>) dst(%dma_wait3A_155 : memref<10128x128xf32, #tpu.memory_space<vmem_shared>>)
        } else {
        }
        %dma_start3A_145 = arith.constant 0 : i32
        %dma_start3A_146 = arith.constant 0 : i32
        %dma_start3A_147 = tpu.memref_slice %arg2[%dma_start3A_145, %dma_start3A_146] : memref<10000x128xf32, #tpu.memory_space<hbm>> -> memref<10000x128xf32, #tpu.memory_space<hbm>>
        tpu.enqueue_indirect_dma source(%dma_start3A_147 : memref<10000x128xf32, #tpu.memory_space<hbm>>) target(%arg8 : memref<128x128xf32, #tpu.memory_space<vmem>>) offsets(%arg10 : memref<128xi32, #tpu.memory_space<vmem>>) semaphore(%arg14 : memref<!tpu.dma_semaphore, #tpu.memory_space<semaphore_mem>>)
      } else {
      }
      %add3A_106 = arith.constant 1 : i32
      %add3A_107 = arith.addi %mul3A_82, %add3A_106 : i32
      %dma_wait3A_108 = arith.constant 0 : i32
      %dma_wait3A_109 = arith.constant 0 : i32
      %dma_wait3A_110 = tpu.memref_slice %arg2[%dma_wait3A_108, %dma_wait3A_109] : memref<10000x128xf32, #tpu.memory_space<hbm>> -> memref<10000x128xf32, #tpu.memory_space<hbm>>
      tpu.wait_indirect_dma semaphore(%arg14 : memref<!tpu.dma_semaphore, #tpu.memory_space<semaphore_mem>>) src(%dma_wait3A_110 : memref<10000x128xf32, #tpu.memory_space<hbm>>) dst(%arg8 : memref<128x128xf32, #tpu.memory_space<vmem>>)
      %add3A_111 = arith.constant 2 : i32
      %add3A_112 = arith.addi %add3A_107, %add3A_111 : i32
      %lt3A_113 = arith.constant 80 : i32
      %lt3A_114 = arith.cmpi slt, %add3A_112, %lt3A_113 : i32
      %convert_element_type3A_115 = arith.extui %lt3A_114 : i1 to i32
      %cond3A_116 = arith.constant 0 : i32
      %cond3A_117 = arith.cmpi ne, %convert_element_type3A_115, %cond3A_116 : i32
      scf.if %cond3A_117 {
        %add3A_133 = arith.constant 2 : i32
        %add3A_134 = arith.addi %add3A_107, %add3A_133 : i32
        %add3A_135 = arith.addi %mul3A_2, %add3A_134 : i32
        %dma_start3A_136 = arith.constant 0 : i32
        %dma_start3A_137 = arith.constant 0 : i32
        %dma_start3A_138 = tpu.memref_slice %arg3[%add3A_135, %dma_start3A_136, %dma_start3A_137] : memref<2560x1x128xi32, #tpu.memory_space<hbm>> -> memref<1x1x128xi32, #tpu.memory_space<hbm>>
        %dma_start3A_139 = tpu.memref_squeeze %dma_start3A_138 : memref<1x1x128xi32, #tpu.memory_space<hbm>> -> memref<128xi32, #tpu.memory_space<hbm>>
        %dma_start3A_140 = arith.constant 0 : i32
        %dma_start3A_141 = tpu.memref_slice %arg3[%add3A_135, %dma_start3A_136, %dma_start3A_140] : memref<2560x1x128xi32, #tpu.memory_space<hbm>> -> memref<1x1x128xi32, #tpu.memory_space<hbm>>
        %dma_start3A_142 = tpu.memref_squeeze %dma_start3A_141 : memref<1x1x128xi32, #tpu.memory_space<hbm>> -> memref<128xi32, #tpu.memory_space<hbm>>
        tpu.enqueue_dma source(%dma_start3A_142 : memref<128xi32, #tpu.memory_space<hbm>>) target(%arg10 : memref<128xi32, #tpu.memory_space<vmem>>) target_semaphore(%arg16 : memref<!tpu.dma_semaphore, #tpu.memory_space<semaphore_mem>>)
      } else {
      }
      %dma_start3A_118 = arith.constant 0 : i32
      %dma_start3A_119 = arith.constant 0 : i32
      %dma_start3A_120 = tpu.memref_slice %arg11[%add3A_107, %dma_start3A_118, %dma_start3A_119] : memref<80x1x128xi32, #tpu.memory_space<vmem>> -> memref<1x1x128xi32, #tpu.memory_space<vmem>>
      %dma_start3A_121 = tpu.memref_squeeze %dma_start3A_120 : memref<1x1x128xi32, #tpu.memory_space<vmem>> -> memref<128xi32, #tpu.memory_space<vmem>>
      %dma_start3A_122 = arith.constant 0 : i32
      %dma_start3A_123 = arith.constant 0 : i32
      %dma_start3A_124 = tpu.memref_slice %arg6[%dma_start3A_122, %dma_start3A_123] : memref<10128x128xf32, #tpu.memory_space<vmem_shared>> -> memref<10128x128xf32, #tpu.memory_space<vmem_shared>>
      tpu.enqueue_indirect_dma source(%arg8 : memref<128x128xf32, #tpu.memory_space<vmem>>) target(%dma_start3A_124 : memref<10128x128xf32, #tpu.memory_space<vmem_shared>>) offsets(%dma_start3A_121 : memref<128xi32, #tpu.memory_space<vmem>>) semaphore(%arg18 : memref<!tpu.dma_semaphore, #tpu.memory_space<semaphore_mem>>) {add = true}
      %add3A_125 = arith.constant 1 : i32
      %add3A_126 = arith.addi %add3A_107, %add3A_125 : i32
      %lt3A_127 = arith.constant 80 : i32
      %lt3A_128 = arith.cmpi slt, %add3A_126, %lt3A_127 : i32
      %convert_element_type3A_129 = arith.extui %lt3A_128 : i1 to i32
      %cond3A_130 = arith.constant 0 : i32
      %cond3A_131 = arith.cmpi ne, %convert_element_type3A_129, %cond3A_130 : i32
      scf.if %cond3A_131 {
        %dma_wait3A_133 = arith.constant 0 : i32
        %dma_wait3A_134 = arith.constant 0 : i32
        %dma_wait3A_135 = arith.constant 0 : i32
        %dma_wait3A_136 = tpu.memref_slice %arg3[%dma_wait3A_133, %dma_wait3A_134, %dma_wait3A_135] : memref<2560x1x128xi32, #tpu.memory_space<hbm>> -> memref<1x1x128xi32, #tpu.memory_space<hbm>>
        %dma_wait3A_137 = tpu.memref_squeeze %dma_wait3A_136 : memref<1x1x128xi32, #tpu.memory_space<hbm>> -> memref<128xi32, #tpu.memory_space<hbm>>
        %dma_wait3A_138 = arith.constant 0 : i32
        %dma_wait3A_139 = tpu.memref_slice %arg3[%dma_wait3A_133, %dma_wait3A_134, %dma_wait3A_138] : memref<2560x1x128xi32, #tpu.memory_space<hbm>> -> memref<1x1x128xi32, #tpu.memory_space<hbm>>
        %dma_wait3A_140 = tpu.memref_squeeze %dma_wait3A_139 : memref<1x1x128xi32, #tpu.memory_space<hbm>> -> memref<128xi32, #tpu.memory_space<hbm>>
        tpu.wait_dma2 semaphore(%arg15 : memref<!tpu.dma_semaphore, #tpu.memory_space<semaphore_mem>>) src(%dma_wait3A_140 : memref<128xi32, #tpu.memory_space<hbm>>) dst(%arg9 : memref<128xi32, #tpu.memory_space<vmem>>)
        %gt3A = arith.constant 0 : i32
        %gt3A_141 = arith.cmpi sgt, %add3A_107, %gt3A : i32
        %convert_element_type3A_142 = arith.extui %gt3A_141 : i1 to i32
        %cond3A_143 = arith.constant 0 : i32
        %cond3A_144 = arith.cmpi ne, %convert_element_type3A_142, %cond3A_143 : i32
        scf.if %cond3A_144 {
          %dma_wait3A_148 = arith.constant 0 : i32
          %dma_wait3A_149 = arith.constant 0 : i32
          %dma_wait3A_150 = arith.constant 0 : i32
          %dma_wait3A_151 = tpu.memref_slice %arg11[%dma_wait3A_148, %dma_wait3A_149, %dma_wait3A_150] : memref<80x1x128xi32, #tpu.memory_space<vmem>> -> memref<1x1x128xi32, #tpu.memory_space<vmem>>
          %dma_wait3A_152 = tpu.memref_squeeze %dma_wait3A_151 : memref<1x1x128xi32, #tpu.memory_space<vmem>> -> memref<128xi32, #tpu.memory_space<vmem>>
          %dma_wait3A_153 = arith.constant 0 : i32
          %dma_wait3A_154 = arith.constant 0 : i32
          %dma_wait3A_155 = tpu.memref_slice %arg6[%dma_wait3A_153, %dma_wait3A_154] : memref<10128x128xf32, #tpu.memory_space<vmem_shared>> -> memref<10128x128xf32, #tpu.memory_space<vmem_shared>>
          tpu.wait_indirect_dma semaphore(%arg17 : memref<!tpu.dma_semaphore, #tpu.memory_space<semaphore_mem>>) src(%arg7 : memref<128x128xf32, #tpu.memory_space<vmem>>) dst(%dma_wait3A_155 : memref<10128x128xf32, #tpu.memory_space<vmem_shared>>)
        } else {
        }
        %dma_start3A_145 = arith.constant 0 : i32
        %dma_start3A_146 = arith.constant 0 : i32
        %dma_start3A_147 = tpu.memref_slice %arg2[%dma_start3A_145, %dma_start3A_146] : memref<10000x128xf32, #tpu.memory_space<hbm>> -> memref<10000x128xf32, #tpu.memory_space<hbm>>
        tpu.enqueue_indirect_dma source(%dma_start3A_147 : memref<10000x128xf32, #tpu.memory_space<hbm>>) target(%arg7 : memref<128x128xf32, #tpu.memory_space<vmem>>) offsets(%arg9 : memref<128xi32, #tpu.memory_space<vmem>>) semaphore(%arg13 : memref<!tpu.dma_semaphore, #tpu.memory_space<semaphore_mem>>)
      } else {
      }
      %scan3A_132 = arith.constant 0 : i32
      scf.yield %scan3A_132 : i32
    }
    %scan3A_57 = arith.constant 40 : i32
    %dma_wait3A = arith.constant 0 : i32
    %dma_wait3A_58 = arith.constant 0 : i32
    %dma_wait3A_59 = arith.constant 0 : i32
    %dma_wait3A_60 = tpu.memref_slice %arg11[%dma_wait3A, %dma_wait3A_58, %dma_wait3A_59] : memref<80x1x128xi32, #tpu.memory_space<vmem>> -> memref<1x1x128xi32, #tpu.memory_space<vmem>>
    %dma_wait3A_61 = tpu.memref_squeeze %dma_wait3A_60 : memref<1x1x128xi32, #tpu.memory_space<vmem>> -> memref<128xi32, #tpu.memory_space<vmem>>
    %dma_wait3A_62 = arith.constant 0 : i32
    %dma_wait3A_63 = arith.constant 0 : i32
    %dma_wait3A_64 = tpu.memref_slice %arg6[%dma_wait3A_62, %dma_wait3A_63] : memref<10128x128xf32, #tpu.memory_space<vmem_shared>> -> memref<10128x128xf32, #tpu.memory_space<vmem_shared>>
    tpu.wait_indirect_dma semaphore(%arg17 : memref<!tpu.dma_semaphore, #tpu.memory_space<semaphore_mem>>) src(%arg7 : memref<128x128xf32, #tpu.memory_space<vmem>>) dst(%dma_wait3A_64 : memref<10128x128xf32, #tpu.memory_space<vmem_shared>>)
    %dma_wait3A_65 = arith.constant 0 : i32
    %dma_wait3A_66 = arith.constant 0 : i32
    %dma_wait3A_67 = arith.constant 0 : i32
    %dma_wait3A_68 = tpu.memref_slice %arg11[%dma_wait3A_65, %dma_wait3A_66, %dma_wait3A_67] : memref<80x1x128xi32, #tpu.memory_space<vmem>> -> memref<1x1x128xi32, #tpu.memory_space<vmem>>
    %dma_wait3A_69 = tpu.memref_squeeze %dma_wait3A_68 : memref<1x1x128xi32, #tpu.memory_space<vmem>> -> memref<128xi32, #tpu.memory_space<vmem>>
    %dma_wait3A_70 = arith.constant 0 : i32
    %dma_wait3A_71 = arith.constant 0 : i32
    %dma_wait3A_72 = tpu.memref_slice %arg6[%dma_wait3A_70, %dma_wait3A_71] : memref<10128x128xf32, #tpu.memory_space<vmem_shared>> -> memref<10128x128xf32, #tpu.memory_space<vmem_shared>>
    tpu.wait_indirect_dma semaphore(%arg18 : memref<!tpu.dma_semaphore, #tpu.memory_space<semaphore_mem>>) src(%arg8 : memref<128x128xf32, #tpu.memory_space<vmem>>) dst(%dma_wait3A_72 : memref<10128x128xf32, #tpu.memory_space<vmem_shared>>)
    %barrier3A_73 = arith.constant 0 : index
    tpu.barrier barrier_id(%barrier3A_73)
    "tpu.region"() ({
      %run_scoped3A_79 = tpu.sem_alloc : memref<!tpu.dma_semaphore, #tpu.memory_space<semaphore_mem>>
      %dma_start3A_80 = arith.constant 0 : i32
      %dma_start3A_81 = tpu.memref_slice %arg5[%arg0, %mul3A_11, %dma_start3A_80] : memref<2x10000x128xf32, #tpu.memory_space<hbm>> -> memref<1x624x128xf32, #tpu.memory_space<hbm>>
      %dma_start3A_82 = tpu.memref_squeeze %dma_start3A_81 : memref<1x624x128xf32, #tpu.memory_space<hbm>> -> memref<624x128xf32, #tpu.memory_space<hbm>>
      %dma_start3A_83 = arith.constant 0 : i32
      %dma_start3A_84 = tpu.memref_slice %arg6[%mul3A_11, %dma_start3A_83] : memref<10128x128xf32, #tpu.memory_space<vmem_shared>> -> memref<624x128xf32, #tpu.memory_space<vmem_shared>>
      tpu.enqueue_dma source(%dma_start3A_84 : memref<624x128xf32, #tpu.memory_space<vmem_shared>>) target(%dma_start3A_82 : memref<624x128xf32, #tpu.memory_space<hbm>>) target_semaphore(%run_scoped3A_79 : memref<!tpu.dma_semaphore, #tpu.memory_space<semaphore_mem>>)
      %dma_wait3A_85 = arith.constant 0 : i32
      %dma_wait3A_86 = tpu.memref_slice %arg5[%arg0, %mul3A_11, %dma_wait3A_85] : memref<2x10000x128xf32, #tpu.memory_space<hbm>> -> memref<1x624x128xf32, #tpu.memory_space<hbm>>
      %dma_wait3A_87 = tpu.memref_squeeze %dma_wait3A_86 : memref<1x624x128xf32, #tpu.memory_space<hbm>> -> memref<624x128xf32, #tpu.memory_space<hbm>>
      %dma_wait3A_88 = arith.constant 0 : i32
      %dma_wait3A_89 = tpu.memref_slice %arg6[%mul3A_11, %dma_wait3A_88] : memref<10128x128xf32, #tpu.memory_space<vmem_shared>> -> memref<624x128xf32, #tpu.memory_space<vmem_shared>>
      tpu.wait_dma2 semaphore(%run_scoped3A_79 : memref<!tpu.dma_semaphore, #tpu.memory_space<semaphore_mem>>) src(%dma_wait3A_89 : memref<624x128xf32, #tpu.memory_space<vmem_shared>>) dst(%dma_wait3A_87 : memref<624x128xf32, #tpu.memory_space<hbm>>)
      tpu.yield
    }) : () -> ()
    %eq3A_74 = arith.constant 15 : i32
    %eq3A_75 = arith.cmpi eq, %arg1, %eq3A_74 : i32
    %convert_element_type3A_76 = arith.extui %eq3A_75 : i1 to i32
    %cond3A_77 = arith.constant 0 : i32
    %cond3A_78 = arith.cmpi ne, %convert_element_type3A_76, %cond3A_77 : i32
    scf.if %cond3A_78 {
      "tpu.region"() ({
        %run_scoped3A_79 = tpu.sem_alloc : memref<!tpu.dma_semaphore, #tpu.memory_space<semaphore_mem>>
        %dma_start3A_80 = arith.constant 9984 : i32
        %dma_start3A_81 = arith.constant 0 : i32
        %dma_start3A_82 = tpu.memref_slice %arg5[%arg0, %dma_start3A_80, %dma_start3A_81] : memref<2x10000x128xf32, #tpu.memory_space<hbm>> -> memref<1x16x128xf32, #tpu.memory_space<hbm>>
        %dma_start3A_83 = tpu.memref_squeeze %dma_start3A_82 : memref<1x16x128xf32, #tpu.memory_space<hbm>> -> memref<16x128xf32, #tpu.memory_space<hbm>>
        %dma_start3A_84 = arith.constant 9984 : i32
        %dma_start3A_85 = arith.constant 0 : i32
        %dma_start3A_86 = tpu.memref_slice %arg6[%dma_start3A_84, %dma_start3A_85] : memref<10128x128xf32, #tpu.memory_space<vmem_shared>> -> memref<16x128xf32, #tpu.memory_space<vmem_shared>>
        tpu.enqueue_dma source(%dma_start3A_86 : memref<16x128xf32, #tpu.memory_space<vmem_shared>>) target(%dma_start3A_83 : memref<16x128xf32, #tpu.memory_space<hbm>>) target_semaphore(%run_scoped3A_79 : memref<!tpu.dma_semaphore, #tpu.memory_space<semaphore_mem>>)
        %dma_wait3A_87 = arith.constant 9984 : i32
        %dma_wait3A_88 = arith.constant 0 : i32
        %dma_wait3A_89 = tpu.memref_slice %arg5[%arg0, %dma_wait3A_87, %dma_wait3A_88] : memref<2x10000x128xf32, #tpu.memory_space<hbm>> -> memref<1x16x128xf32, #tpu.memory_space<hbm>>
        %dma_wait3A_90 = tpu.memref_squeeze %dma_wait3A_89 : memref<1x16x128xf32, #tpu.memory_space<hbm>> -> memref<16x128xf32, #tpu.memory_space<hbm>>
        %dma_wait3A_91 = arith.constant 9984 : i32
        %dma_wait3A_92 = arith.constant 0 : i32
        %dma_wait3A_93 = tpu.memref_slice %arg6[%dma_wait3A_91, %dma_wait3A_92] : memref<10128x128xf32, #tpu.memory_space<vmem_shared>> -> memref<16x128xf32, #tpu.memory_space<vmem_shared>>
        tpu.wait_dma2 semaphore(%run_scoped3A_79 : memref<!tpu.dma_semaphore, #tpu.memory_space<semaphore_mem>>) src(%dma_wait3A_93 : memref<16x128xf32, #tpu.memory_space<vmem_shared>>) dst(%dma_wait3A_90 : memref<16x128xf32, #tpu.memory_space<hbm>>)
        tpu.yield
      }) : () -> ()
    } else {
    }
    return
  }
}

module attributes {stable_mosaic.version = 14 : i64} {
  func.func @_proj_body(%arg0: i32, %arg1: memref<1000x128xf32, #tpu.memory_space<vmem>>, %arg2: memref<128x128xf32, #tpu.memory_space<vmem>>, %arg3: memref<1x128xf32, #tpu.memory_space<vmem>>, %arg4: memref<1000x128xf32, #tpu.memory_space<vmem>>) attributes {dimension_semantics = [#tpu.dimension_semantics<arbitrary>], iteration_bounds = array<i64: 10>, scalar_prefetch = 0 : i64, scratch_operands = 0 : i64, tpu.core_type = #tpu.core_type<tc>, window_params = [{transform_indices = @transform_0, window_bounds = array<i64: 1000, 128>}, {pipeline_mode = #tpu.pipeline_mode<synchronous>, transform_indices = @transform_1, window_bounds = array<i64: 128, 128>}, {pipeline_mode = #tpu.pipeline_mode<synchronous>, transform_indices = @transform_2, window_bounds = array<i64: 1, 128>}, {transform_indices = @transform_3, window_bounds = array<i64: 1000, 128>}]} {
    %get3A = arith.constant 0 : index
    %get3A_0 = arith.constant 0 : index
    %get3A_1 = vector.load %arg1[%get3A, %get3A_0] : memref<1000x128xf32, #tpu.memory_space<vmem>>, vector<1000x128xf32>
    %get3A_2 = arith.constant 0 : index
    %get3A_3 = arith.constant 0 : index
    %get3A_4 = vector.load %arg2[%get3A_2, %get3A_3] : memref<128x128xf32, #tpu.memory_space<vmem>>, vector<128x128xf32>
    %dot_general3A = arith.constant dense<0.000000e+00> : vector<1000x128xf32>
    %dot_general3A_5 = tpu.matmul %get3A_1, %get3A_4, %dot_general3A {dimension_numbers = #tpu.dot_dimension_numbers<[1], [0], [0], [1], [0, 0, 1, 1], [], []>, transpose_lhs_hint = false} : vector<1000x128xf32>, vector<128x128xf32>, vector<1000x128xf32> -> vector<1000x128xf32>
    %get3A_6 = arith.constant 0 : index
    %get3A_7 = arith.constant 0 : index
    %get3A_8 = vector.load %arg3[%get3A_6, %get3A_7] : memref<1x128xf32, #tpu.memory_space<vmem>>, vector<1x128xf32>
    %add3A = vector.broadcast %get3A_8 : vector<1x128xf32> to vector<1000x128xf32>
    %add3A_9 = arith.addf %dot_general3A_5, %add3A : vector<1000x128xf32>
    %swap3A = arith.constant 0 : index
    %swap3A_10 = arith.constant 0 : index
    %swap3A_11 = vector.load %arg4[%swap3A, %swap3A_10] : memref<1000x128xf32, #tpu.memory_space<vmem>>, vector<1000x128xf32>
    tpu.vector_store %arg4[%swap3A, %swap3A_10], %add3A_9 {strides = array<i32>} : memref<1000x128xf32, #tpu.memory_space<vmem>>, vector<1000x128xf32>,
    return
  }
  func.func @transform_0(%arg0: i32) -> (i32, i32) {
    %c0_i32 = arith.constant 0 : i32
    %c0_i32_0 = arith.constant 0 : i32
    return %arg0, %c0_i32 : i32, i32
  }
  func.func @transform_1(%arg0: i32) -> (i32, i32) {
    %c0_i32 = arith.constant 0 : i32
    %c0_i32_0 = arith.constant 0 : i32
    %c0_i32_1 = arith.constant 0 : i32
    return %c0_i32, %c0_i32_0 : i32, i32
  }
  func.func @transform_2(%arg0: i32) -> (i32, i32) {
    %c0_i32 = arith.constant 0 : i32
    %c0_i32_0 = arith.constant 0 : i32
    %c0_i32_1 = arith.constant 0 : i32
    return %c0_i32, %c0_i32_0 : i32, i32
  }
  func.func @transform_3(%arg0: i32) -> (i32, i32) {
    %c0_i32 = arith.constant 0 : i32
    %c0_i32_0 = arith.constant 0 : i32
    return %arg0, %c0_i32 : i32, i32
  }
}

module attributes {stable_mosaic.version = 14 : i64} {
  func.func @_invdeg_body(%arg0: i32, %arg1: memref<2x16384xf32, #tpu.memory_space<vmem>>, %arg2: memref<16384x1xf32, #tpu.memory_space<vmem>>) attributes {dimension_semantics = [#tpu.dimension_semantics<arbitrary>], iteration_bounds = array<i64: 1>, scalar_prefetch = 0 : i64, scratch_operands = 0 : i64, tpu.core_type = #tpu.core_type<tc>, window_params = [{pipeline_mode = #tpu.pipeline_mode<synchronous>, transform_indices = @transform_0, window_bounds = array<i64: 2, 16384>}, {pipeline_mode = #tpu.pipeline_mode<synchronous>, transform_indices = @transform_1, window_bounds = array<i64: 16384, 1>}]} {
    %get3A = arith.constant 0 : index
    %get3A_0 = arith.constant 0 : index
    %get3A_1 = vector.load %arg1[%get3A, %get3A_0] : memref<2x16384xf32, #tpu.memory_space<vmem>>, vector<2x16384xf32>
    %reduce_sum3A = arith.constant dense<0.000000e+00> : vector<16384xf32>
    %reduce_sum3A_2 = vector.multi_reduction <add>, %get3A_1, %reduce_sum3A [0] : vector<2x16384xf32> to vector<16384xf32>
    %max3A = arith.constant 1.000000e+00 : f32
    %max3A_3 = vector.broadcast %max3A : f32 to vector<16384xf32>
    %max3A_4 = arith.maximumf %reduce_sum3A_2, %max3A_3 : vector<16384xf32>
    %div3A = arith.constant 1.000000e+00 : f32
    %div3A_5 = vector.broadcast %div3A : f32 to vector<16384xf32>
    %div3A_6 = arith.divf %div3A_5, %max3A_4 : vector<16384xf32>
    %broadcast_in_dim3A = vector.shape_cast %div3A_6 : vector<16384xf32> to vector<16384x1xf32>
    %swap3A = arith.constant 0 : index
    %swap3A_7 = arith.constant 0 : index
    %swap3A_8 = vector.load %arg2[%swap3A, %swap3A_7] : memref<16384x1xf32, #tpu.memory_space<vmem>>, vector<16384x1xf32>
    tpu.vector_store %arg2[%swap3A, %swap3A_7], %broadcast_in_dim3A {strides = array<i32>} : memref<16384x1xf32, #tpu.memory_space<vmem>>, vector<16384x1xf32>,
    return
  }
  func.func @transform_0(%arg0: i32) -> (i32, i32) {
    %c0_i32 = arith.constant 0 : i32
    %c0_i32_0 = arith.constant 0 : i32
    %c0_i32_1 = arith.constant 0 : i32
    return %c0_i32, %c0_i32_0 : i32, i32
  }
  func.func @transform_1(%arg0: i32) -> (i32, i32) {
    %c0_i32 = arith.constant 0 : i32
    %c0_i32_0 = arith.constant 0 : i32
    %c0_i32_1 = arith.constant 0 : i32
    return %c0_i32, %c0_i32_0 : i32, i32
  }
}

module attributes {stable_mosaic.version = 14 : i64} {
  func.func @_update_body(%arg0: i32, %arg1: memref<1000x128xf32, #tpu.memory_space<vmem>>, %arg2: memref<2x1000x128xf32, #tpu.memory_space<vmem>>, %arg3: memref<1000x1xf32, #tpu.memory_space<vmem>>, %arg4: memref<128x128xf32, #tpu.memory_space<vmem>>, %arg5: memref<1x128xf32, #tpu.memory_space<vmem>>, %arg6: memref<1000x128xf32, #tpu.memory_space<vmem>>) attributes {dimension_semantics = [#tpu.dimension_semantics<arbitrary>], iteration_bounds = array<i64: 10>, scalar_prefetch = 0 : i64, scratch_operands = 0 : i64, tpu.core_type = #tpu.core_type<tc>, window_params = [{transform_indices = @transform_0, window_bounds = array<i64: 1000, 128>}, {transform_indices = @transform_1, window_bounds = array<i64: 2, 1000, 128>}, {transform_indices = @transform_2, window_bounds = array<i64: 1000, 1>}, {pipeline_mode = #tpu.pipeline_mode<synchronous>, transform_indices = @transform_3, window_bounds = array<i64: 128, 128>}, {pipeline_mode = #tpu.pipeline_mode<synchronous>, transform_indices = @transform_4, window_bounds = array<i64: 1, 128>}, {transform_indices = @transform_5, window_bounds = array<i64: 1000, 128>}]} {
    %get3A = arith.constant 0 : index
    %get3A_0 = arith.constant 0 : index
    %get3A_1 = arith.constant 0 : index
    %get3A_2 = vector.load %arg2[%get3A, %get3A_0, %get3A_1] : memref<2x1000x128xf32, #tpu.memory_space<vmem>>, vector<1x1000x128xf32>
    %get3A_3 = vector.shape_cast %get3A_2 : vector<1x1000x128xf32> to vector<1000x128xf32>
    %get3A_4 = arith.constant 1 : index
    %get3A_5 = arith.constant 0 : index
    %get3A_6 = arith.constant 0 : index
    %get3A_7 = vector.load %arg2[%get3A_4, %get3A_5, %get3A_6] : memref<2x1000x128xf32, #tpu.memory_space<vmem>>, vector<1x1000x128xf32>
    %get3A_8 = vector.shape_cast %get3A_7 : vector<1x1000x128xf32> to vector<1000x128xf32>
    %add3A = arith.addf %get3A_3, %get3A_8 : vector<1000x128xf32>
    %get3A_9 = arith.constant 0 : index
    %get3A_10 = arith.constant 0 : index
    %get3A_11 = vector.load %arg3[%get3A_9, %get3A_10] : memref<1000x1xf32, #tpu.memory_space<vmem>>, vector<1000x1xf32>
    %mul3A = vector.broadcast %get3A_11 : vector<1000x1xf32> to vector<1000x128xf32>
    %mul3A_12 = arith.mulf %add3A, %mul3A : vector<1000x128xf32>
    %get3A_13 = arith.constant 0 : index
    %get3A_14 = arith.constant 0 : index
    %get3A_15 = vector.load %arg1[%get3A_13, %get3A_14] : memref<1000x128xf32, #tpu.memory_space<vmem>>, vector<1000x128xf32>
    %get3A_16 = arith.constant 0 : index
    %get3A_17 = arith.constant 0 : index
    %get3A_18 = vector.load %arg4[%get3A_16, %get3A_17] : memref<128x128xf32, #tpu.memory_space<vmem>>, vector<128x128xf32>
    %dot_general3A = arith.constant dense<0.000000e+00> : vector<1000x128xf32>
    %dot_general3A_19 = tpu.matmul %mul3A_12, %get3A_18, %dot_general3A {dimension_numbers = #tpu.dot_dimension_numbers<[1], [0], [0], [1], [0, 0, 1, 1], [], []>, transpose_lhs_hint = false} : vector<1000x128xf32>, vector<128x128xf32>, vector<1000x128xf32> -> vector<1000x128xf32>
    %add3A_20 = arith.addf %get3A_15, %dot_general3A_19 : vector<1000x128xf32>
    %get3A_21 = arith.constant 0 : index
    %get3A_22 = arith.constant 0 : index
    %get3A_23 = vector.load %arg5[%get3A_21, %get3A_22] : memref<1x128xf32, #tpu.memory_space<vmem>>, vector<1x128xf32>
    %add3A_24 = vector.broadcast %get3A_23 : vector<1x128xf32> to vector<1000x128xf32>
    %add3A_25 = arith.addf %add3A_20, %add3A_24 : vector<1000x128xf32>
    %max3A = arith.constant 0.000000e+00 : f32
    %max3A_26 = vector.broadcast %max3A : f32 to vector<1000x128xf32>
    %max3A_27 = arith.maximumf %add3A_25, %max3A_26 : vector<1000x128xf32>
    %swap3A = arith.constant 0 : index
    %swap3A_28 = arith.constant 0 : index
    %swap3A_29 = vector.load %arg6[%swap3A, %swap3A_28] : memref<1000x128xf32, #tpu.memory_space<vmem>>, vector<1000x128xf32>
    tpu.vector_store %arg6[%swap3A, %swap3A_28], %max3A_27 {strides = array<i32>} : memref<1000x128xf32, #tpu.memory_space<vmem>>, vector<1000x128xf32>,
    return
  }
  func.func @transform_0(%arg0: i32) -> (i32, i32) {
    %c0_i32 = arith.constant 0 : i32
    %c0_i32_0 = arith.constant 0 : i32
    return %arg0, %c0_i32 : i32, i32
  }
  func.func @transform_1(%arg0: i32) -> (i32, i32, i32) {
    %c0_i32 = arith.constant 0 : i32
    %c0_i32_0 = arith.constant 0 : i32
    %c0_i32_1 = arith.constant 0 : i32
    return %c0_i32, %arg0, %c0_i32_0 : i32, i32, i32
  }
  func.func @transform_2(%arg0: i32) -> (i32, i32) {
    %c0_i32 = arith.constant 0 : i32
    %c0_i32_0 = arith.constant 0 : i32
    return %arg0, %c0_i32 : i32, i32
  }
  func.func @transform_3(%arg0: i32) -> (i32, i32) {
    %c0_i32 = arith.constant 0 : i32
    %c0_i32_0 = arith.constant 0 : i32
    %c0_i32_1 = arith.constant 0 : i32
    return %c0_i32, %c0_i32_0 : i32, i32
  }
  func.func @transform_4(%arg0: i32) -> (i32, i32) {
    %c0_i32 = arith.constant 0 : i32
    %c0_i32_0 = arith.constant 0 : i32
    %c0_i32_1 = arith.constant 0 : i32
    return %c0_i32, %c0_i32_0 : i32, i32
  }
  func.func @transform_5(%arg0: i32) -> (i32, i32) {
    %c0_i32 = arith.constant 0 : i32
    %c0_i32_0 = arith.constant 0 : i32
    return %arg0, %c0_i32 : i32, i32
  }
}

module attributes {stable_mosaic.version = 14 : i64} {
  func.func @_head_body(%arg0: i32, %arg1: memref<10000x128xf32, #tpu.memory_space<vmem>>, %arg2: memref<128x128xf32, #tpu.memory_space<vmem>>, %arg3: memref<1x128xf32, #tpu.memory_space<vmem>>, %arg4: memref<128x256xf32, #tpu.memory_space<vmem>>, %arg5: memref<1x256xf32, #tpu.memory_space<vmem>>, %arg6: memref<256xf32, #tpu.memory_space<vmem>>) attributes {dimension_semantics = [#tpu.dimension_semantics<arbitrary>], iteration_bounds = array<i64: 1>, scalar_prefetch = 0 : i64, scratch_operands = 0 : i64, tpu.core_type = #tpu.core_type<tc>, window_params = [{pipeline_mode = #tpu.pipeline_mode<synchronous>, transform_indices = @transform_0, window_bounds = array<i64: 10000, 128>}, {pipeline_mode = #tpu.pipeline_mode<synchronous>, transform_indices = @transform_1, window_bounds = array<i64: 128, 128>}, {pipeline_mode = #tpu.pipeline_mode<synchronous>, transform_indices = @transform_2, window_bounds = array<i64: 1, 128>}, {pipeline_mode = #tpu.pipeline_mode<synchronous>, transform_indices = @transform_3, window_bounds = array<i64: 128, 256>}, {pipeline_mode = #tpu.pipeline_mode<synchronous>, transform_indices = @transform_4, window_bounds = array<i64: 1, 256>}, {pipeline_mode = #tpu.pipeline_mode<synchronous>, transform_indices = @transform_5, window_bounds = array<i64: 256>}]} {
    %get3A = arith.constant 0 : index
    %get3A_0 = arith.constant 0 : index
    %get3A_1 = vector.load %arg1[%get3A, %get3A_0] : memref<10000x128xf32, #tpu.memory_space<vmem>>, vector<10000x128xf32>
    %reduce_sum3A = arith.constant dense<0.000000e+00> : vector<128xf32>
    %reduce_sum3A_2 = vector.multi_reduction <add>, %get3A_1, %reduce_sum3A [0] : vector<10000x128xf32> to vector<128xf32>
    %broadcast_in_dim3A = vector.shape_cast %reduce_sum3A_2 : vector<128xf32> to vector<1x128xf32>
    %mul3A = arith.constant 9.99999974E-5 : f32
    %mul3A_3 = vector.broadcast %mul3A : f32 to vector<1x128xf32>
    %mul3A_4 = arith.mulf %broadcast_in_dim3A, %mul3A_3 : vector<1x128xf32>
    %get3A_5 = arith.constant 0 : index
    %get3A_6 = arith.constant 0 : index
    %get3A_7 = vector.load %arg2[%get3A_5, %get3A_6] : memref<128x128xf32, #tpu.memory_space<vmem>>, vector<128x128xf32>
    %dot_general3A = arith.constant dense<0.000000e+00> : vector<1x128xf32>
    %dot_general3A_8 = tpu.matmul %mul3A_4, %get3A_7, %dot_general3A {dimension_numbers = #tpu.dot_dimension_numbers<[1], [0], [0], [1], [0, 0, 1, 1], [], []>, transpose_lhs_hint = false} : vector<1x128xf32>, vector<128x128xf32>, vector<1x128xf32> -> vector<1x128xf32>
    %get3A_9 = arith.constant 0 : index
    %get3A_10 = arith.constant 0 : index
    %get3A_11 = vector.load %arg3[%get3A_9, %get3A_10] : memref<1x128xf32, #tpu.memory_space<vmem>>, vector<1x128xf32>
    %add3A = arith.addf %dot_general3A_8, %get3A_11 : vector<1x128xf32>
    %max3A = arith.constant 0.000000e+00 : f32
    %max3A_12 = vector.broadcast %max3A : f32 to vector<1x128xf32>
    %max3A_13 = arith.maximumf %add3A, %max3A_12 : vector<1x128xf32>
    %get3A_14 = arith.constant 0 : index
    %get3A_15 = arith.constant 0 : index
    %get3A_16 = vector.load %arg4[%get3A_14, %get3A_15] : memref<128x256xf32, #tpu.memory_space<vmem>>, vector<128x256xf32>
    %dot_general3A_17 = arith.constant dense<0.000000e+00> : vector<1x256xf32>
    %dot_general3A_18 = tpu.matmul %max3A_13, %get3A_16, %dot_general3A_17 {dimension_numbers = #tpu.dot_dimension_numbers<[1], [0], [0], [1], [0, 0, 1, 1], [], []>, transpose_lhs_hint = false} : vector<1x128xf32>, vector<128x256xf32>, vector<1x256xf32> -> vector<1x256xf32>
    %get3A_19 = arith.constant 0 : index
    %get3A_20 = arith.constant 0 : index
    %get3A_21 = vector.load %arg5[%get3A_19, %get3A_20] : memref<1x256xf32, #tpu.memory_space<vmem>>, vector<1x256xf32>
    %add3A_22 = arith.addf %dot_general3A_18, %get3A_21 : vector<1x256xf32>
    %reshape3A = vector.shape_cast %add3A_22 : vector<1x256xf32> to vector<256xf32>
    %swap3A = arith.constant 0 : index
    %swap3A_23 = vector.load %arg6[%swap3A] : memref<256xf32, #tpu.memory_space<vmem>>, vector<256xf32>
    tpu.vector_store %arg6[%swap3A], %reshape3A {strides = array<i32>} : memref<256xf32, #tpu.memory_space<vmem>>, vector<256xf32>,
    return
  }
  func.func @transform_0(%arg0: i32) -> (i32, i32) {
    %c0_i32 = arith.constant 0 : i32
    %c0_i32_0 = arith.constant 0 : i32
    %c0_i32_1 = arith.constant 0 : i32
    return %c0_i32, %c0_i32_0 : i32, i32
  }
  func.func @transform_1(%arg0: i32) -> (i32, i32) {
    %c0_i32 = arith.constant 0 : i32
    %c0_i32_0 = arith.constant 0 : i32
    %c0_i32_1 = arith.constant 0 : i32
    return %c0_i32, %c0_i32_0 : i32, i32
  }
  func.func @transform_2(%arg0: i32) -> (i32, i32) {
    %c0_i32 = arith.constant 0 : i32
    %c0_i32_0 = arith.constant 0 : i32
    %c0_i32_1 = arith.constant 0 : i32
    return %c0_i32, %c0_i32_0 : i32, i32
  }
  func.func @transform_3(%arg0: i32) -> (i32, i32) {
    %c0_i32 = arith.constant 0 : i32
    %c0_i32_0 = arith.constant 0 : i32
    %c0_i32_1 = arith.constant 0 : i32
    return %c0_i32, %c0_i32_0 : i32, i32
  }
  func.func @transform_4(%arg0: i32) -> (i32, i32) {
    %c0_i32 = arith.constant 0 : i32
    %c0_i32_0 = arith.constant 0 : i32
    %c0_i32_1 = arith.constant 0 : i32
    return %c0_i32, %c0_i32_0 : i32, i32
  }
  func.func @transform_5(%arg0: i32) -> i32 {
    %c0_i32 = arith.constant 0 : i32
    %c0_i32_0 = arith.constant 0 : i32
    return %c0_i32 : i32
  }
}

</mosaic_0001>

<sc_bundles>
// kernel: kernel.12.cloned.1.call-start
scs
__scs_entry_jumppad:
0x0: {  	(pc) =	sbr.rel $0x88, $3  }
0x1: {  	(tag) =	ssettag $0x0;
	lr =	simm.s32 $0x1  }
0x2: {  	[smem:$0x3F97] =	sst lr;
	_ =	strace $0xD0000000  }
0x3: {  	_ = 	snop  }
0x4: {  	_ = 	snop  }
0x5: {  	_ = 	snop  }
0x6: {  	_ = 	snop  }
0x7: {  	_ = 	snop  }
__scs_overlays_trampoline_lowered:
0x8: {  	[smem:$0x3FA6] =	sst s0  }
0x9: {  	[smem:$0x3FA7] =	sst s1  }
0xa: {  	[smem:$0x3FA8] =	sst s2  }
0xb: {  	[smem:$0x3FA9] =	sst s3  }
0xc: {  	[smem:$0x3FAA] =	sst s4  }
0xd: {  	[smem:$0x3FAB] =	sst s5  }
0xe: {  	[smem:$0x3FAC] =	sst s6  }
0xf: {  	[smem:$0x3FAD] =	sst s7  }
0x10: {  	[smem:$0x3FAE] =	sst s8  }
0x11: {  	[smem:$0x3FAF] =	sst s9;
	s0 =	simm.s32 @!p0 $0x0  }
0x12: {  	s1 =	sld [smem:$0x3F95];
	s0 =	simm.s32 @p0 $0x1  }
0x13: {  	[smem:$0x3FB0] =	sst s0;
	s0 =	simm.s32 @!p1 $0x0  }
0x14: {  	s2 =	sld [smem:$0x3F94];
	s0 =	simm.s32 @p1 $0x1  }
0x15: {  	[smem:$0x3FB1] =	sst s0;
	s0 =	simm.s32 @!p2 $0x0  }
0x16: {  	s3 =	sld [smem:$0x3FDB];
	s0 =	simm.s32 @p2 $0x1  }
0x17: {  	s4 =	simm.s32 $0x1BF5;
	[smem:$0x3FB3] =	sst s0  }
0x18: {  	s0 =	sld [smem:$0x3F96];
	_ =	swait.ge [sflag:s4], $0x0  }
0x19: {  	s7 =	sld [smem:$0x3F97]  }
0x1a: {  	s8 =	sadd.s32 $0xFFFFE003, lr  }
0x1b: {  	s9 =	sadd.s32 $0xFFFFFEF7, lr;
	s5 =	simm.s32 $0xFFFFFFFF;
	p2 =	slt.u32 s8, $0xFFFFF086  }
0x1c: {  	p1 =	slt.u32 s9, $0xF7A;
	s5 =	simm.s32 @!p2 $0x0  }
0x1d: {  	s5 =	simm.s32 @p1 $0x1;
	p0 =	seq.s32 s7, s2  }
0x1e: {  	s7 =	smul.u32 @!p0 $0xF7A, s2;
	p2 =	seq.s32 @!p0 s5, $0x0  }
0x1f: {  	s9 =	smul.u32 $0xF7A, s1;
	s8 =	simm.s32 @!p0 $0x1BF5;
	p2 =	por !p2, p0  }
0x20: {  	[sflag:s8] =	ssyncset.s32 @!p0 $0xFFFFF086;
	s6 =	sadd.s32 @!p0 s3, s7;
	s7 =	simm.s32 @!p0 $0x108  }
0x21: {  	s3 =	sadd.s32 s3, s9;
	s6 =	sadd.s32 @!p0 $0x88, s6;
	s7 =	simm.s32 @p2 $0x1082  }
0x22: {  	[simem:s7], [sflag:s8] =	dma.local @!p0 [hbm:s6], $0xF7A  }
0x23: {  	s9 =	sor.u32 $0xD0000000, s2;
	s6 =	simm.s32 $0x108;
	_ =	swait.ge @!p0 [sflag:s8], $0x0  }
0x24: {  	s3 =	sadd.s32 $0x88, s3;
	s6 =	simm.s32 @!p1 $0x1082;
	[sflag:s4] =	ssyncset.s32 $0xFFFFF086  }
0x25: {  	[simem:s6], [sflag:s4] =	dma.local [hbm:s3], $0xF7A  }
0x26: {  	[smem:$0x3F97] =	sst s1;
	(tag) =	ssettag s2;
	_ =	strace s9  }
0x27: {  	s1 =	sld [smem:$0x3FA7]  }
0x28: {  	s2 =	sld [smem:$0x3FA8]  }
0x29: {  	s4 =	sld [smem:$0x3FAA]  }
0x2a: {  	p0 =	seq.s32 s5, $0x0;
	s5 =	sld [smem:$0x3FAB]  }
0x2b: {  	s6 =	sld [smem:$0x3FAC]  }
0x2c: {  	s7 =	sld [smem:$0x3FAD]  }
0x2d: {  	s3 =	simm.s32 $0x108;
	s8 =	sld [smem:$0x3FAE]  }
0x2e: {  	s3 =	simm.s32 @!p0 $0x1082;
	s9 =	sld [smem:$0x3FAF]  }
0x2f: {  	lr =	sadd.s32 s0, s3;
	s0 =	sld [smem:$0x3FA6]  }
0x30: {  	s3 =	sld [smem:$0x3FA9]  }
0x31: {  	[smem:$0x3FB2] =	sst s10  }
0x32: {  	s10 =	sld [smem:$0x3FB0];
	_ =	sdelay $0x3  }
0x33: {  	p0 =	seq.s32 s10, $0x1;
	s10 =	sld [smem:$0x3FB2];
	_ =	sdelay $0x3  }
0x34: {  	[smem:$0x3FB2] =	sst s10  }
0x35: {  	s10 =	sld [smem:$0x3FB1];
	_ =	sdelay $0x3  }
0x36: {  	p1 =	seq.s32 s10, $0x1;
	s10 =	sld [smem:$0x3FB2];
	_ =	sdelay $0x3  }
0x37: {  	[smem:$0x3FB2] =	sst s10  }
0x38: {  	s10 =	sld [smem:$0x3FB3]  }
0x39: {  	_ = 	snop;
	(pc) =	sbr.ind lr, $3  }
0x3a: {  	_ = 	snop  }
0x3b: {  	_ = 	snop  }
0x3c: {  	p2 =	seq.s32 s10, $0x1;
	s10 =	sld [smem:$0x3FB2]  }
0x3d: {  	_ =	shalt  }
0x3e: {  	_ =	shalt  }
0x3f: {  	_ =	shalt  }
0x40: {  	_ =	shalt  }
0x41: {  	_ =	shalt  }
0x42: {  	_ =	shalt  }
0x43: {  	_ =	shalt  }
0x44: {  	_ =	shalt  }
0x45: {  	_ =	shalt  }
0x46: {  	_ =	shalt  }
0x47: {  	_ =	shalt  }
0x48: {  	_ =	shalt  }
0x49: {  	_ =	shalt  }
0x4a: {  	_ =	shalt  }
0x4b: {  	_ =	shalt  }
0x4c: {  	_ =	shalt  }
0x4d: {  	_ =	shalt  }
0x4e: {  	_ =	shalt  }
0x4f: {  	_ =	shalt  }
0x50: {  	_ =	shalt  }
0x51: {  	_ =	shalt  }
0x52: {  	_ =	shalt  }
0x53: {  	_ =	shalt  }
0x54: {  	_ =	shalt  }
0x55: {  	_ =	shalt  }
0x56: {  	_ =	shalt  }
0x57: {  	_ =	shalt  }
0x58: {  	_ =	shalt  }
0x59: {  	_ =	shalt  }
0x5a: {  	_ =	shalt  }
0x5b: {  	_ =	shalt  }
0x5c: {  	_ =	shalt  }
0x5d: {  	_ =	shalt  }
0x5e: {  	_ =	shalt  }
0x5f: {  	_ =	shalt  }
0x60: {  	_ =	shalt  }
0x61: {  	_ =	shalt  }
0x62: {  	_ =	shalt  }
0x63: {  	_ =	shalt  }
0x64: {  	_ =	shalt  }
0x65: {  	_ =	shalt  }
0x66: {  	_ =	shalt  }
0x67: {  	_ =	shalt  }
0x68: {  	_ =	shalt  }
0x69: {  	_ =	shalt  }
0x6a: {  	_ =	shalt  }
0x6b: {  	_ =	shalt  }
0x6c: {  	_ =	shalt  }
0x6d: {  	_ =	shalt  }
0x6e: {  	_ =	shalt  }
0x6f: {  	_ =	shalt  }
0x70: {  	_ =	shalt  }
0x71: {  	_ =	shalt  }
0x72: {  	_ =	shalt  }
0x73: {  	_ =	shalt  }
0x74: {  	_ =	shalt  }
0x75: {  	_ =	shalt  }
0x76: {  	_ =	shalt  }
0x77: {  	_ =	shalt  }
0x78: {  	_ =	shalt  }
0x79: {  	_ =	shalt  }
0x7a: {  	_ =	shalt  }
0x7b: {  	_ =	shalt  }
0x7c: {  	_ =	shalt  }
0x7d: {  	_ =	shalt  }
0x7e: {  	_ =	shalt  }
0x7f: {  	_ =	shalt  }
0x80: {  	_ =	shalt  }
0x81: {  	_ =	shalt  }
0x82: {  	_ =	shalt  }
0x83: {  	_ =	shalt  }
0x84: {  	_ =	shalt  }
0x85: {  	_ =	shalt  }
0x86: {  	_ =	shalt  }
0x87: {  	_ =	shalt  }
.Lfunc_end0:
.L_simem_size_0:
called_computation_lowered:
.L_overlay_start_0:
0x88: {  	s2 =	sld [smem:$0x3FD9]  }
0x89: {  	s3 =	sld [smem:$0x3FFE];
	_ =	sdelay $0x1  }
0x8a: {  	s1 =	srdreg.scid  }
0x8b: {  	s0 =	sand.u32 $0x1, s1  }
0x8c: {  	s16 =	sshll.u32 s0, $0xA;
	s2 =	sadd.s32 s3, s2  }
0x8d: {  	s2 =	sadd.s32 s2, s16  }
0x8e: {  	[smem:$0x3FBE] =	sst s2  }
0x8f: {  	_ = 	snop  }
0x90: {  	(tm) =	ssettm $0x1  }
0x91: {  	s17 =	sld [smem:$0x3FFB];
	_ =	sdelay $0x3  }
0x92: {  	_ =	strace s17  }
0x93: {  	s2 =	sld [smem:$0x3FFC];
	_ =	sdelay $0x3  }
0x94: {  	_ =	strace s2  }
0x95: {  	s2 =	sld [smem:$0x3FFD];
	_ =	sdelay $0x3  }
0x96: {  	_ =	strace s2  }
0x97: {  	_ =	strace $0x8FFFFFFF  }
0x98: {  	s18 =	sld [smem:$0x3FDB];
	_ =	sdelay $0x1  }
0x99: {  	s19 =	simm.s32 $_scs_section_size  }
0x9a: {  	s4 =	simm.s32 $_size__tile_overlayer_lowered;
	s5 =	simm.s32 $_tile_overlayer_lowered  }
0x9b: {  	s22 =	simm.s32 $0x1BFF;
	s21 =	sshll.u32 s5, $0x1;
	s2 =	sadd.s32 s19, s18  }
0x9c: {  	s6 =	simm.s32 $0x0;
	s20 =	sshll.u32 s4, $0x1;
	s4 =	sadd.s32 s21, s2  }
0x9d: {  	[timem:s6], [sflag:s22] =	dma.local [hbm:s4], s20  }
0x9e: {  	_ =	swait.ge [sflag:s22], s20  }
0x9f: {  	s3 =	ssub.s32 $0x0, s20;
	[sflag:s22] =	ssyncset.done $0x0  }
0xa0: {  	[sflag:s22] =	ssyncadd.s32 s3;
	_ =	sdelay $0x1  }
0xa1: {  	s23 =	simm.s32 $0x1B8B  }
0xa2: {  	_ =	swait.ge [sflag:s23], $0x1  }
0xa3: {  	[sflag:s23] =	ssyncset.done $0x0  }
0xa4: {  	s25 =	simm.s32 $0x1B8E;
	s24 =	sld [smem:$0x3FFE];
	[sflag:s23] =	ssyncadd.s32 $0xFFFFFFFF  }
0xa5: {  	s26 =	simm.s32 $execute0_lowered;
	[smem:$0x3FD2] =	sst s25  }
0xa6: {  	s4 =	sshll.u32 s26, $0x1;
	_ =	strace $0x80000046;
	[dreg:$0x1] =	wrdreg $0xFFFFFFFF  }
0xa7: {  	s28 =	simm.s32 $_size_execute0_lowered;
	s2 =	sadd.s32 s2, s4;
	[dreg:$0x0] =	wrdreg $0x0  }
0xa8: {  	s4 =	sshll.u32 s28, $0x1;
	[dreg:$0x2] =	wrdreg s2  }
0xa9: {  	[dreg:$0x3] =	wrdreg s4  }
0xaa: {  	[dreg:$0x4] =	wrdreg $0xC0  }
0xab: {  	_ =	task [dreg:s6], $0x5FFFF  }
0xac: {  	[dreg:$0x1] =	wrdreg $0xFFFFFFFF  }
0xad: {  	[dreg:$0x0] =	wrdreg $0x60  }
0xae: {  	[dreg:$0x2] =	wrdreg s24  }
0xaf: {  	[dreg:$0x3] =	wrdreg $0x0  }
0xb0: {  	[dreg:$0x4] =	wrdreg $0x9  }
0xb1: {  	_ =	task.clear_ibuf [dreg:s6], $0x5FFFF;
	_ =	strace $0x90000046  }
0xb2: {  	s29 =	simm.s32 $0x9;
	_ =	strace $0x80000048  }
0xb3: {  	_ =	swait.ge [sflag:s29], $0x1  }
0xb4: {  	[sflag:s29] =	ssyncadd.s32 $0xFFFFFFFF  }
0xb5: {  	_ =	strace $0x90000048  }
0xb6: {  	_ =	sfence  }
0xb7: {  	s30 =	sld [smem:$0x0];
	_ =	sdelay $0x2  }
0xb8: {  	s31 =	sshll.u32 s1, $0xD;
	s1 =	sshrl.u32 s1, $0x2  }
0xb9: {  	s3 =	sand.u32 $0x4000, s31;
	s1 =	sadd.s32 s1, s30  }
0xba: {  	s0 =	sor.u32 s3, s0;
	s1 =	sshll.u32 s1, $0x11  }
0xbb: {  	s0 =	sor.u32 s1, s0  }
0xbc: {  	s0 =	sadd.s32 $0x8F2B, s0  }
0xbd: {  	[sflag:s0] =	ssyncadd.remote.s32 $0x1  }
0xbe: {  	_ =	sfence.sel $0xFFFF  }
0xbf: {  	[dreg:$0x0] =	wrdreg $0xFFFFFFFF;
	(pc) =	sbr.abs _section_cstart, $3  }
0xc0: {  	[dreg:$0x1] =	wrdreg $0xFFFFFFFF  }
0xc1: {  	_ =	task.clear_ibuf [dreg:s6], $0x2FFFF;
	_ =	strace $0x9FFFFFFF  }
0xc2: {  	(tm) =	ssettm $0x7FFFFFFF  }
0xc3: {  	_ =	shalt  }
tec
execute0_lowered:
.L_overlay_start_1:
0x0: {  	(tag) =	ssettag $0x1  }
0x1: {  	s4 =	rddreg [dreg:$0x0]  }
0x2: {  	s1 =	rddreg [dreg:$0x1];
	s2 =	srdreg.scid  }
0x3: {  	s0 =	rddreg [dreg:$0x2];
	s3 =	simm.s32 $0x0;
	s15 =	simm.s32 $0x400  }
0x4: {  	s16 =	simm.s32 $0x3;
	s17 =	simm.s32 $0x3080;
	s18 =	simm.s32 $0x80  }
0x5: {  	s19 =	simm.s32 $0x2C00;
	s20 =	simm.s32 $0x480;
	s21 =	simm.s32 $0x1  }
0x6: {  	s22 =	simm.s32 $0x2;
	s23 =	simm.s32 $0x2C80;
	s24 =	simm.s32 $0x0  }
0x7: {  	s5 =	sand.u32 $0x1, s2;
	s2 =	stileid.u32;
	[smem:$0x7FF] =	sst s3  }
0x8: {  	s6 =	sshll.u32 s5, $0x4;
	s7 =	sshll.u32 s2, $0xA;
	s8 =	sshll.u32 s5, $0xE  }
0x9: {  	s5 =	ssub.s32 $0x2, s5;
	s6 =	sor.u32 s2, s6;
	s8 =	sor.u32 s7, s8  }
0xa: {  	s31 =	sshrl.u32 s5, $0x1;
	s6 =	smul.u32 $0x500, s6;
	s8 =	sshrl.u32 s8, $0x3  }
0xb: {  	_ =	strace $0x80000047;
	s14 =	ssub.s32 s5, s31;
	s13 =	sadd.s32 s8, s4  }
0xc: {  	s14 =	smax.u32 s14, $0x1;
	s6 =	sadd.s32 s6, s4;
	s4 =	sadd.s32 s7, s1  }
0xd: {  	s13 =	sadd.s32 $0x17200, s13;
	s5 =	sadd.s32 $0xD200, s6;
	s6 =	sadd.s32 $0x80, s4  }
0xe: {  	s7 =	sadd.s32 $0x100, s4;
	s8 =	sadd.s32 $0x180, s4;
	s9 =	sadd.s32 $0x200, s4  }
0xf: {  	v0 =	vimm.f32 $1.000000000e+00;
	v1 =	vimm.f32 $0.0e+00;
	s10 =	sadd.s32 $0x280, s4;
	s11 =	sadd.s32 $0x300, s4;
	s12 =	sadd.s32 $0x380, s4  }
.LBB2_1:
0x10: {  	[tilespmem:$0x2C00] =	vst v0  }
0x11: {  	[tilespmem:$0x3080] =	vst v1  }
0x12: {  	[tilespmem:$0x2C10] =	vst v0  }
0x13: {  	[tilespmem:$0x3090] =	vst v1  }
0x14: {  	[tilespmem:$0x2C20] =	vst v0  }
0x15: {  	[tilespmem:$0x30A0] =	vst v1  }
0x16: {  	[tilespmem:$0x2C30] =	vst v0  }
0x17: {  	[tilespmem:$0x30B0] =	vst v1  }
0x18: {  	[tilespmem:$0x2C40] =	vst v0  }
0x19: {  	[tilespmem:$0x30C0] =	vst v1  }
0x1a: {  	[tilespmem:$0x2C50] =	vst v0  }
0x1b: {  	[tilespmem:$0x30D0] =	vst v1  }
0x1c: {  	[tilespmem:$0x2C60] =	vst v0  }
0x1d: {  	[tilespmem:$0x30E0] =	vst v1  }
0x1e: {  	[tilespmem:$0x2C70] =	vst v0  }
0x1f: {  	[tilespmem:$0x30F0] =	vst v1  }
0x20: {  	[tilespmem:s15], [sflag:$0x3] =	stream.linear.gather [hbm4b:s5+s3], $0x2800, $0x38;
	[tilespmem:$0x3100] =	vst v63  }
0x21: {  	_ =	swait.ge [sflag:s16], $0x2800  }
0x22: {  	[sflag:s16] =	ssyncset.done $0x0  }
0x23: {  	[sflag:s16] =	ssyncadd.s32 $0xFFFFD800  }
0x24: {  	[spmem:s4] =	stream.linear.scatter [tilespmem:s17], [sflag:$0x3], $0x80, $0x38;
	[tilespmem:$0x3100] =	vst v63  }
0x25: {  	_ =	swait.ge [sflag:s16], $0x80  }
0x26: {  	[sflag:s16] =	ssyncset.done $0x0  }
0x27: {  	[sflag:s16] =	ssyncadd.s32 $0xFFFFFF80  }
0x28: {  	[spmem:s6] =	stream.linear.scatter [tilespmem:s17], [sflag:$0x3], $0x80, $0x38;
	[tilespmem:$0x3100] =	vst v63  }
0x29: {  	_ =	swait.ge [sflag:s16], $0x80  }
0x2a: {  	[sflag:s16] =	ssyncset.done $0x0  }
0x2b: {  	[sflag:s16] =	ssyncadd.s32 $0xFFFFFF80  }
0x2c: {  	[spmem:s7] =	stream.linear.scatter [tilespmem:s17], [sflag:$0x3], $0x80, $0x38;
	[tilespmem:$0x3100] =	vst v63  }
0x2d: {  	_ =	swait.ge [sflag:s16], $0x80  }
0x2e: {  	[sflag:s16] =	ssyncset.done $0x0  }
0x2f: {  	[sflag:s16] =	ssyncadd.s32 $0xFFFFFF80  }
0x30: {  	[spmem:s8] =	stream.linear.scatter [tilespmem:s17], [sflag:$0x3], $0x80, $0x38;
	[tilespmem:$0x3100] =	vst v63  }
0x31: {  	_ =	swait.ge [sflag:s16], $0x80  }
0x32: {  	[sflag:s16] =	ssyncset.done $0x0  }
0x33: {  	[sflag:s16] =	ssyncadd.s32 $0xFFFFFF80  }
0x34: {  	[spmem:s9] =	stream.linear.scatter [tilespmem:s17], [sflag:$0x3], $0x80, $0x38;
	[tilespmem:$0x3100] =	vst v63  }
0x35: {  	_ =	swait.ge [sflag:s16], $0x80  }
0x36: {  	[sflag:s16] =	ssyncset.done $0x0  }
0x37: {  	[sflag:s16] =	ssyncadd.s32 $0xFFFFFF80  }
0x38: {  	[spmem:s10] =	stream.linear.scatter [tilespmem:s17], [sflag:$0x3], $0x80, $0x38;
	[tilespmem:$0x3100] =	vst v63  }
0x39: {  	_ =	swait.ge [sflag:s16], $0x80  }
0x3a: {  	[sflag:s16] =	ssyncset.done $0x0  }
0x3b: {  	[sflag:s16] =	ssyncadd.s32 $0xFFFFFF80  }
0x3c: {  	[spmem:s11] =	stream.linear.scatter [tilespmem:s17], [sflag:$0x3], $0x80, $0x38;
	[tilespmem:$0x3100] =	vst v63  }
0x3d: {  	_ =	swait.ge [sflag:s16], $0x80  }
0x3e: {  	[sflag:s16] =	ssyncset.done $0x0  }
0x3f: {  	[sflag:s16] =	ssyncadd.s32 $0xFFFFFF80  }
0x40: {  	[spmem:s12] =	stream.linear.scatter [tilespmem:s17], [sflag:$0x3], $0x80, $0x38;
	[tilespmem:$0x3100] =	vst v63  }
0x41: {  	_ =	swait.ge [sflag:s16], $0x80  }
0x42: {  	[sflag:s16] =	ssyncset.done $0x0  }
0x43: {  	[sflag:s16] =	ssyncadd.s32 $0xFFFFFF80  }
0x44: {  	[bflag:$0x0] =	sbarrier.arrive $0xFFFF  }
0x45: {  	[spmem:s1] =	stream.indirect.scatter.add.f32 [tilespmem:s19], [sflag:$0x1], $0x1, s15, s18, $0xb8;
	[tilespmem:$0x3100] =	vst v63  }
0x46: {  	_ = 	snop  }
0x47: {  	[spmem:s1] =	stream.indirect.scatter.add.f32 [tilespmem:s19], [sflag:$0x2], $0x1, s20, s18, $0xb8;
	[tilespmem:$0x3100] =	vst v63  }
0x48: {  	_ =	swait.ge [sflag:s21], $0x80  }
0x49: {  	[sflag:s21] =	ssyncset.done $0x0  }
0x4a: {  	s25 =	simm.s32 $0x500;
	[sflag:s21] =	ssyncadd.s32 $0xFFFFFF80  }
0x4b: {  	[spmem:s1] =	stream.indirect.scatter.add.f32 [tilespmem:s19], [sflag:$0x1], $0x1, s25, s18, $0xb8;
	[tilespmem:$0x3100] =	vst v63  }
0x4c: {  	_ =	swait.ge [sflag:s22], $0x80  }
0x4d: {  	[sflag:s22] =	ssyncset.done $0x0  }
0x4e: {  	s26 =	simm.s32 $0x580;
	s25 =	simm.s32 $0xFFFF6800;
	[sflag:s22] =	ssyncadd.s32 $0xFFFFFF80  }
.LBB2_2:
0x4f: {  	[spmem:s1] =	stream.indirect.scatter.add.f32 [tilespmem:s19], [sflag:$0x2], $0x1, s26, s18, $0xb8;
	[tilespmem:$0x3100] =	vst v63  }
0x50: {  	s26 =	smov.u32 s25  }
0x51: {  	p0 =	sne.s32 s25, $0xFFFFFC00;
	s25 =	sadd.s32 $0x400, s25;
	_ =	swait.ge [sflag:s21], $0x80  }
0x52: {  	s26 =	sshra.s32 s26, $0x2;
	[sflag:s21] =	ssyncset.done $0x0  }
.Ltmp0:
0x53: {  	s28 =	sadd.s32 $0x2C00, s26;
	[sflag:s21] =	ssyncadd.s32 $0xFFFFFF80;
	(pc) =	sbr.rel @p0 .LBB2_2-.Ltmp0, $4  }
0x54: {  	[spmem:s1] =	stream.indirect.scatter.add.f32 [tilespmem:s19], [sflag:$0x1], $0x1, s28, s18, $0xb8;
	[tilespmem:$0x3100] =	vst v63  }
0x55: {  	_ =	swait.ge [sflag:s22], $0x80  }
0x56: {  	[sflag:s22] =	ssyncset.done $0x0  }
0x57: {  	s26 =	sadd.s32 $0x2C80, s26;
	[sflag:s22] =	ssyncadd.s32 $0xFFFFFF80  }
0x58: {  	[spmem:s1] =	stream.indirect.scatter.add.f32 [tilespmem:s19], [sflag:$0x2], $0x1, s26, s18, $0xb8;
	[tilespmem:$0x3100] =	vst v63  }
0x59: {  	_ =	swait.ge [sflag:s21], $0x80  }
0x5a: {  	[sflag:s21] =	ssyncset.done $0x0  }
0x5b: {  	[sflag:s21] =	ssyncadd.s32 $0xFFFFFF80  }
0x5c: {  	_ =	swait.ge [sflag:s22], $0x80  }
0x5d: {  	[sflag:s22] =	ssyncset.done $0x0  }
0x5e: {  	[sflag:s22] =	ssyncadd.s32 $0xFFFFFF80  }
0x5f: {  	[bflag:$0x0] =	sbarrier.arrive $0xFFFF  }
0x60: {  	[tilespmem:s23], [sflag:$0x3] =	stream.linear.gather [spmem:s4], $0x400, $0x38;
	[tilespmem:$0x3100] =	vst v63  }
0x61: {  	s24 =	sadd.s32 $0x1, s24;
	_ =	swait.ge [sflag:s16], $0x400  }
0x62: {  	p0 =	sne.s32 s24, s14;
	[sflag:s16] =	ssyncset.done $0x0  }
.Ltmp1:
0x63: {  	[sflag:s16] =	ssyncadd.s32 $0xFFFFFC00;
	(pc) =	sbr.rel @p0 .LBB2_1-.Ltmp1, $4  }
0x64: {  	[hbm4b:s13+s3] =	stream.linear.scatter [tilespmem:s23], [sflag:$0x3], $0x400, $0x38;
	[tilespmem:$0x3100] =	vst v63  }
0x65: {  	_ =	swait.ge [sflag:s16], $0x400  }
0x66: {  	[sflag:s16] =	ssyncset.done $0x0  }
0x67: {  	[sflag:s16] =	ssyncadd.s32 $0xFFFFFC00  }
0x68: {  	_ =	sfence.sel $0x180000  }
0x69: {  	[bflag:$0x0] =	sbarrier.arrive $0xFFFF  }
0x6a: {  	p0 =	sne.s32 s2, $0x0;
	_ =	strace $0x90000047  }
0x6b: {  	s0 =	sadd.s32 @!p0 $0x100000, s0;
	[bflag:$0x2] =	sbarrier.arrive $0xFFFF  }
0x6c: {  	[sflag:s0] =	ssyncadd.tile.s32 @!p0 $0x1;
	_ =	shalt  }
.Lfunc_end2:
_tile_overlayer_lowered:
.L_overlay_start_2:
0x6d: {  	(tag) =	ssettag $0x2  }
0x6e: {  	s0 =	rddreg [dreg:$0x0];
	s2 =	stileid.u32  }
0x6f: {  	s1 =	rddreg [dreg:$0x1];
	p0 =	sne.s32 s2, $0x0  }
0x70: {  	s3 =	rddreg [dreg:$0x2];
	[bflag:$0x3] =	sbarrier.arrive $0xFFFF;
	s2 =	simm.s32 @!p0 $0x1C03  }
0x71: {  	[timem:s3], [sflag:s2] =	dma.local @!p0 [hbm:s0], s1  }
0x72: {  	s0 =	simm.s32 @!p0 $0x3  }
0x73: {  	_ =	swait.ge @!p0 [sflag:s0], s1  }
0x74: {  	s1 =	ssub.s32 @!p0 $0x0, s1;
	[sflag:s0] =	ssyncset.done @!p0 $0x0  }
0x75: {  	[sflag:s0] =	ssyncadd.s32 @!p0 s1  }
0x76: {  	[bflag:$0x3] =	sbarrier.arrive $0xFFFF  }
0x77: {  	_ =	shalt  }

// kernel: kernel.15.cloned.1.call-start
scs
__scs_entry_jumppad:
0x0: {  	(pc) =	sbr.rel $0x88, $3  }
0x1: {  	(tag) =	ssettag $0x0;
	lr =	simm.s32 $0x1  }
0x2: {  	[smem:$0x3F97] =	sst lr;
	_ =	strace $0xD0000000  }
0x3: {  	_ = 	snop  }
0x4: {  	_ = 	snop  }
0x5: {  	_ = 	snop  }
0x6: {  	_ = 	snop  }
0x7: {  	_ = 	snop  }
__scs_overlays_trampoline_lowered:
0x8: {  	[smem:$0x3FA6] =	sst s0  }
0x9: {  	[smem:$0x3FA7] =	sst s1  }
0xa: {  	[smem:$0x3FA8] =	sst s2  }
0xb: {  	[smem:$0x3FA9] =	sst s3  }
0xc: {  	[smem:$0x3FAA] =	sst s4  }
0xd: {  	[smem:$0x3FAB] =	sst s5  }
0xe: {  	[smem:$0x3FAC] =	sst s6  }
0xf: {  	[smem:$0x3FAD] =	sst s7  }
0x10: {  	[smem:$0x3FAE] =	sst s8  }
0x11: {  	[smem:$0x3FAF] =	sst s9;
	s0 =	simm.s32 @!p0 $0x0  }
0x12: {  	s1 =	sld [smem:$0x3F95];
	s0 =	simm.s32 @p0 $0x1  }
0x13: {  	[smem:$0x3FB0] =	sst s0;
	s0 =	simm.s32 @!p1 $0x0  }
0x14: {  	s2 =	sld [smem:$0x3F94];
	s0 =	simm.s32 @p1 $0x1  }
0x15: {  	[smem:$0x3FB1] =	sst s0;
	s0 =	simm.s32 @!p2 $0x0  }
0x16: {  	s3 =	sld [smem:$0x3FDB];
	s0 =	simm.s32 @p2 $0x1  }
0x17: {  	s4 =	simm.s32 $0x1BF5;
	[smem:$0x3FB3] =	sst s0  }
0x18: {  	s0 =	sld [smem:$0x3F96];
	_ =	swait.ge [sflag:s4], $0x0  }
0x19: {  	s7 =	sld [smem:$0x3F97]  }
0x1a: {  	s8 =	sadd.s32 $0xFFFFE003, lr  }
0x1b: {  	s9 =	sadd.s32 $0xFFFFFEF7, lr;
	s5 =	simm.s32 $0xFFFFFFFF;
	p2 =	slt.u32 s8, $0xFFFFF086  }
0x1c: {  	p1 =	slt.u32 s9, $0xF7A;
	s5 =	simm.s32 @!p2 $0x0  }
0x1d: {  	s5 =	simm.s32 @p1 $0x1;
	p0 =	seq.s32 s7, s2  }
0x1e: {  	s7 =	smul.u32 @!p0 $0xF7A, s2;
	p2 =	seq.s32 @!p0 s5, $0x0  }
0x1f: {  	s9 =	smul.u32 $0xF7A, s1;
	s8 =	simm.s32 @!p0 $0x1BF5;
	p2 =	por !p2, p0  }
0x20: {  	[sflag:s8] =	ssyncset.s32 @!p0 $0xFFFFF086;
	s6 =	sadd.s32 @!p0 s3, s7;
	s7 =	simm.s32 @!p0 $0x108  }
0x21: {  	s3 =	sadd.s32 s3, s9;
	s6 =	sadd.s32 @!p0 $0x88, s6;
	s7 =	simm.s32 @p2 $0x1082  }
0x22: {  	[simem:s7], [sflag:s8] =	dma.local @!p0 [hbm:s6], $0xF7A  }
0x23: {  	s9 =	sor.u32 $0xD0000000, s2;
	s6 =	simm.s32 $0x108;
	_ =	swait.ge @!p0 [sflag:s8], $0x0  }
0x24: {  	s3 =	sadd.s32 $0x88, s3;
	s6 =	simm.s32 @!p1 $0x1082;
	[sflag:s4] =	ssyncset.s32 $0xFFFFF086  }
0x25: {  	[simem:s6], [sflag:s4] =	dma.local [hbm:s3], $0xF7A  }
0x26: {  	[smem:$0x3F97] =	sst s1;
	(tag) =	ssettag s2;
	_ =	strace s9  }
0x27: {  	s1 =	sld [smem:$0x3FA7]  }
0x28: {  	s2 =	sld [smem:$0x3FA8]  }
0x29: {  	s4 =	sld [smem:$0x3FAA]  }
0x2a: {  	p0 =	seq.s32 s5, $0x0;
	s5 =	sld [smem:$0x3FAB]  }
0x2b: {  	s6 =	sld [smem:$0x3FAC]  }
0x2c: {  	s7 =	sld [smem:$0x3FAD]  }
0x2d: {  	s3 =	simm.s32 $0x108;
	s8 =	sld [smem:$0x3FAE]  }
0x2e: {  	s3 =	simm.s32 @!p0 $0x1082;
	s9 =	sld [smem:$0x3FAF]  }
0x2f: {  	lr =	sadd.s32 s0, s3;
	s0 =	sld [smem:$0x3FA6]  }
0x30: {  	s3 =	sld [smem:$0x3FA9]  }
0x31: {  	[smem:$0x3FB2] =	sst s10  }
0x32: {  	s10 =	sld [smem:$0x3FB0];
	_ =	sdelay $0x3  }
0x33: {  	p0 =	seq.s32 s10, $0x1;
	s10 =	sld [smem:$0x3FB2];
	_ =	sdelay $0x3  }
0x34: {  	[smem:$0x3FB2] =	sst s10  }
0x35: {  	s10 =	sld [smem:$0x3FB1];
	_ =	sdelay $0x3  }
0x36: {  	p1 =	seq.s32 s10, $0x1;
	s10 =	sld [smem:$0x3FB2];
	_ =	sdelay $0x3  }
0x37: {  	[smem:$0x3FB2] =	sst s10  }
0x38: {  	s10 =	sld [smem:$0x3FB3]  }
0x39: {  	_ = 	snop;
	(pc) =	sbr.ind lr, $3  }
0x3a: {  	_ = 	snop  }
0x3b: {  	_ = 	snop  }
0x3c: {  	p2 =	seq.s32 s10, $0x1;
	s10 =	sld [smem:$0x3FB2]  }
0x3d: {  	_ =	shalt  }
0x3e: {  	_ =	shalt  }
0x3f: {  	_ =	shalt  }
0x40: {  	_ =	shalt  }
0x41: {  	_ =	shalt  }
0x42: {  	_ =	shalt  }
0x43: {  	_ =	shalt  }
0x44: {  	_ =	shalt  }
0x45: {  	_ =	shalt  }
0x46: {  	_ =	shalt  }
0x47: {  	_ =	shalt  }
0x48: {  	_ =	shalt  }
0x49: {  	_ =	shalt  }
0x4a: {  	_ =	shalt  }
0x4b: {  	_ =	shalt  }
0x4c: {  	_ =	shalt  }
0x4d: {  	_ =	shalt  }
0x4e: {  	_ =	shalt  }
0x4f: {  	_ =	shalt  }
0x50: {  	_ =	shalt  }
0x51: {  	_ =	shalt  }
0x52: {  	_ =	shalt  }
0x53: {  	_ =	shalt  }
0x54: {  	_ =	shalt  }
0x55: {  	_ =	shalt  }
0x56: {  	_ =	shalt  }
0x57: {  	_ =	shalt  }
0x58: {  	_ =	shalt  }
0x59: {  	_ =	shalt  }
0x5a: {  	_ =	shalt  }
0x5b: {  	_ =	shalt  }
0x5c: {  	_ =	shalt  }
0x5d: {  	_ =	shalt  }
0x5e: {  	_ =	shalt  }
0x5f: {  	_ =	shalt  }
0x60: {  	_ =	shalt  }
0x61: {  	_ =	shalt  }
0x62: {  	_ =	shalt  }
0x63: {  	_ =	shalt  }
0x64: {  	_ =	shalt  }
0x65: {  	_ =	shalt  }
0x66: {  	_ =	shalt  }
0x67: {  	_ =	shalt  }
0x68: {  	_ =	shalt  }
0x69: {  	_ =	shalt  }
0x6a: {  	_ =	shalt  }
0x6b: {  	_ =	shalt  }
0x6c: {  	_ =	shalt  }
0x6d: {  	_ =	shalt  }
0x6e: {  	_ =	shalt  }
0x6f: {  	_ =	shalt  }
0x70: {  	_ =	shalt  }
0x71: {  	_ =	shalt  }
0x72: {  	_ =	shalt  }
0x73: {  	_ =	shalt  }
0x74: {  	_ =	shalt  }
0x75: {  	_ =	shalt  }
0x76: {  	_ =	shalt  }
0x77: {  	_ =	shalt  }
0x78: {  	_ =	shalt  }
0x79: {  	_ =	shalt  }
0x7a: {  	_ =	shalt  }
0x7b: {  	_ =	shalt  }
0x7c: {  	_ =	shalt  }
0x7d: {  	_ =	shalt  }
0x7e: {  	_ =	shalt  }
0x7f: {  	_ =	shalt  }
0x80: {  	_ =	shalt  }
0x81: {  	_ =	shalt  }
0x82: {  	_ =	shalt  }
0x83: {  	_ =	shalt  }
0x84: {  	_ =	shalt  }
0x85: {  	_ =	shalt  }
0x86: {  	_ =	shalt  }
0x87: {  	_ =	shalt  }
.Lfunc_end0:
.L_simem_size_0:
called_computation.1_lowered:
.L_overlay_start_0:
0x88: {  	s2 =	sld [smem:$0x3FD9]  }
0x89: {  	s3 =	sld [smem:$0x3FFE];
	_ =	sdelay $0x1  }
0x8a: {  	s1 =	srdreg.scid  }
0x8b: {  	s0 =	sand.u32 $0x1, s1  }
0x8c: {  	s17 =	sshll.u32 s0, $0xA;
	s2 =	sadd.s32 s3, s2  }
0x8d: {  	s2 =	sadd.s32 s2, s17  }
0x8e: {  	[smem:$0x3FBE] =	sst s2  }
0x8f: {  	_ = 	snop  }
0x90: {  	(tm) =	ssettm $0x1  }
0x91: {  	s18 =	sld [smem:$0x3FFB];
	_ =	sdelay $0x3  }
0x92: {  	_ =	strace s18  }
0x93: {  	s2 =	sld [smem:$0x3FFC];
	_ =	sdelay $0x3  }
0x94: {  	_ =	strace s2  }
0x95: {  	s2 =	sld [smem:$0x3FFD];
	_ =	sdelay $0x3  }
0x96: {  	_ =	strace s2  }
0x97: {  	_ =	strace $0x8FFFFFFF  }
0x98: {  	s19 =	sld [smem:$0x3FDB];
	_ =	sdelay $0x1  }
0x99: {  	s20 =	simm.s32 $_scs_section_size  }
0x9a: {  	s4 =	simm.s32 $_size__tile_overlayer_lowered;
	s5 =	simm.s32 $_tile_overlayer_lowered  }
0x9b: {  	s6 =	simm.s32 $0x1BFF;
	s21 =	sshll.u32 s5, $0x1;
	s3 =	sadd.s32 s20, s19  }
0x9c: {  	s22 =	simm.s32 $0x0;
	s4 =	sshll.u32 s4, $0x1;
	s5 =	sadd.s32 s21, s3  }
0x9d: {  	[timem:s22], [sflag:s6] =	dma.local [hbm:s5], s4  }
0x9e: {  	_ =	swait.ge [sflag:s6], s4  }
0x9f: {  	s4 =	ssub.s32 $0x0, s4;
	[sflag:s6] =	ssyncset.done $0x0  }
0xa0: {  	[sflag:s6] =	ssyncadd.s32 s4;
	_ =	sdelay $0x1  }
0xa1: {  	s23 =	simm.s32 $0x1B8B  }
0xa2: {  	_ =	swait.ge [sflag:s23], $0x1  }
0xa3: {  	[sflag:s23] =	ssyncset.done $0x0  }
0xa4: {  	[sflag:s23] =	ssyncadd.s32 $0xFFFFFFFF  }
0xa5: {  	s4 =	sld [smem:$0x0]  }
0xa6: {  	s5 =	sand.u32 $0xFFFFFFFE, s1  }
0xa7: {  	p0 =	sne.s32 s1, s5  }
0xa8: {  	s5 =	sshll.u32 @p0 s5, $0xE  }
0xa9: {  	s5 =	sadd.s32 @p0 $0x11B8D, s5;
	s6 =	sshll.u32 @p0 s4, $0x11  }
0xaa: {  	s5 =	sor.u32 @p0 s6, s5  }
0xab: {  	[sflag:s5] =	ssyncadd.remote.s32 @p0 $0x1;
	_ =	sdelay $0x1  }
0xac: {  	s5 =	simm.s32 @p0 $0x1B8D  }
0xad: {  	_ =	swait.eq @p0 [sflag:s5], $0x1  }
0xae: {  	[sflag:s5] =	ssyncadd.s32 @p0 $0xFFFFFFFF  }
0xaf: {  	s6 =	sshll.u32 @!p0 s1, $0xE  }
0xb0: {  	s6 =	sor.u32 @!p0 $0x4000, s6;
	s5 =	simm.s32 @!p0 $0x1B8D  }
0xb1: {  	s4 =	sshll.u32 @!p0 s4, $0x11;
	s6 =	sadd.s32 @!p0 $0x11B8D, s6;
	_ =	swait.eq @!p0 [sflag:s5], $0x1  }
0xb2: {  	s4 =	sor.u32 @!p0 s4, s6;
	[sflag:s5] =	ssyncadd.s32 @!p0 $0xFFFFFFFF  }
0xb3: {  	s25 =	simm.s32 $0x1B8E;
	s24 =	sld [smem:$0x3FFE];
	[sflag:s4] =	ssyncadd.remote.s32 @!p0 $0x1  }
0xb4: {  	s26 =	simm.s32 $execute0_lowered;
	[smem:$0x3FD2] =	sst s25  }
0xb5: {  	s5 =	sshll.u32 s26, $0x1;
	_ =	strace $0x80000049;
	[dreg:$0x1] =	wrdreg $0xFFFFFFFF  }
0xb6: {  	s28 =	simm.s32 $_size_execute0_lowered;
	s3 =	sadd.s32 s3, s5;
	[dreg:$0x0] =	wrdreg $0x0  }
0xb7: {  	s5 =	sshll.u32 s28, $0x1;
	[dreg:$0x2] =	wrdreg s3  }
0xb8: {  	[dreg:$0x3] =	wrdreg s5  }
0xb9: {  	[dreg:$0x4] =	wrdreg $0xC0  }
0xba: {  	_ =	task [dreg:s22], $0x5FFFF  }
0xbb: {  	[dreg:$0x1] =	wrdreg $0xFFFFFFFF  }
0xbc: {  	[dreg:$0x0] =	wrdreg $0x60  }
0xbd: {  	[dreg:$0x2] =	wrdreg s24  }
0xbe: {  	[dreg:$0x3] =	wrdreg $0x0  }
0xbf: {  	[dreg:$0x4] =	wrdreg $0xA  }
0xc0: {  	_ =	task.clear_ibuf [dreg:s22], $0x5FFFF;
	_ =	strace $0x90000049  }
0xc1: {  	s29 =	simm.s32 $0xA;
	_ =	strace $0x8000004B  }
0xc2: {  	_ =	swait.ge [sflag:s29], $0x1  }
0xc3: {  	[sflag:s29] =	ssyncadd.s32 $0xFFFFFFFF  }
0xc4: {  	_ =	strace $0x9000004B  }
0xc5: {  	_ =	sfence  }
0xc6: {  	s30 =	sld [smem:$0x0];
	_ =	sdelay $0x2  }
0xc7: {  	s31 =	sshll.u32 s1, $0xD;
	s1 =	sshrl.u32 s1, $0x2  }
0xc8: {  	s4 =	sand.u32 $0x4000, s31;
	s1 =	sadd.s32 s1, s30  }
0xc9: {  	s0 =	sor.u32 s4, s0;
	s1 =	sshll.u32 s1, $0x11  }
0xca: {  	s0 =	sor.u32 s1, s0  }
0xcb: {  	s0 =	sadd.s32 $0x8F2B, s0  }
0xcc: {  	[sflag:s0] =	ssyncadd.remote.s32 $0x1  }
0xcd: {  	_ =	sfence.sel $0xFFFF  }
0xce: {  	[dreg:$0x0] =	wrdreg $0xFFFFFFFF;
	(pc) =	sbr.abs _section_cstart, $3  }
0xcf: {  	[dreg:$0x1] =	wrdreg $0xFFFFFFFF  }
0xd0: {  	_ =	task.clear_ibuf [dreg:s22], $0x2FFFF;
	_ =	strace $0x9FFFFFFF  }
0xd1: {  	(tm) =	ssettm $0x7FFFFFFF  }
tec
execute0_lowered:
.L_overlay_start_1:
0x0: {  	(tag) =	ssettag $0x1  }
0x1: {  	s0 =	srdreg.scid  }
0x2: {  	s1 =	rddreg [dreg:$0x0];
	s12 =	stileid.u32  }
0x3: {  	s2 =	rddreg [dreg:$0x1];
	s5 =	smul.u32 $0x4E000, s12  }
0x4: {  	s0 =	sand.u32 $0x1, s0;
	s7 =	sadd.s32 $0x3200, s1;
	s18 =	smul.u32 $0x13800, s12  }
0x5: {  	s23 =	smul.u32 $0x50, s12;
	p0 =	sne.s32 s12, $0xF;
	s26 =	sadd.s32 $0x139800, s2  }
0x6: {  	s28 =	sadd.s32 $0x13B000, s2;
	s3 =	sshll.u32 s0, $0x4;
	s15 =	smul.u32 $0x138800, s0  }
0x7: {  	s9 =	ssub.s32 $0x2, s0;
	s0 =	smul.u32 $0x500, s0;
	s4 =	sor.u32 s12, s3  }
0x8: {  	s3 =	simm.s32 $0x0;
	s5 =	sshrl.u32 s5, $0x2;
	s10 =	sshrl.u32 s9, $0x1  }
0x9: {  	s12 =	simm.s32 $0x4;
	s6 =	smul.u32 $0x500, s4;
	[smem:$0x7FF] =	sst s3  }
0xa: {  	s4 =	sadd.s32 $0x18200, s1;
	s5 =	sadd.s32 s5, s2;
	s9 =	ssub.s32 s9, s10  }
0xb: {  	s10 =	sadd.s32 s18, s15;
	_ =	strace $0x8000004A;
	[dreg:$0x13] =	wrdreg s26  }
0xc: {  	s0 =	sadd.s32 s23, s0;
	s11 =	sadd.s32 $0x1800, s5;
	[dreg:$0x14] =	wrdreg s28  }
0xd: {  	s18 =	simm.s32 $0x0;
	s13 =	sadd.s32 $0x3000, s5;
	[dreg:$0x4] =	wrdreg s11  }
0xe: {  	s14 =	sadd.s32 $0x4800, s5;
	s16 =	sadd.s32 $0x6000, s5;
	[dreg:$0x5] =	wrdreg s13  }
0xf: {  	s17 =	sadd.s32 $0x7800, s5;
	s19 =	sadd.s32 $0xA800, s5;
	[dreg:$0x6] =	wrdreg s14  }
0x10: {  	s20 =	sadd.s32 $0xC000, s5;
	s21 =	sadd.s32 $0xD800, s5;
	[dreg:$0x7] =	wrdreg s16  }
0x11: {  	s22 =	sadd.s32 $0xF000, s5;
	s10 =	sshrl.u32 s10, $0x3;
	[dreg:$0x8] =	wrdreg s17  }
0x12: {  	s24 =	sadd.s32 $0x12000, s5;
	s0 =	sshll.u32 s0, $0x4;
	[dreg:$0xa] =	wrdreg s19  }
0x13: {  	s25 =	smax.u32 s9, $0x1;
	s9 =	simm.s32 $0x80;
	[dreg:$0xb] =	wrdreg s20  }
0x14: {  	s8 =	sadd.s32 s6, s1;
	s1 =	sadd.s32 $0x3F400, s1;
	[dreg:$0xc] =	wrdreg s21  }
0x15: {  	s11 =	sadd.s32 $0x9000, s5;
	[dreg:$0xd] =	wrdreg s22;
	s13 =	sadd.s32 $0x10800, s5  }
0x16: {  	[dreg:$0x10] =	wrdreg s24;
	s20 =	sadd.s32 $0x138000, s2;
	s21 =	sadd.s32 s7, s6  }
0x17: {  	[dreg:$0x12] =	wrdreg s25;
	s0 =	sadd.s32 s0, s7;
	s6 =	simm.s32 $0x1E580  }
0x18: {  	s7 =	simm.s32 $0x1BC80;
	s14 =	simm.s32 $0x2;
	s16 =	simm.s32 $0x5  }
0x19: {  	s17 =	simm.s32 $0x6;
	s8 =	sadd.s32 $0xD200, s8;
	[dreg:$0x9] =	wrdreg s11  }
0x1a: {  	[dreg:$0xe] =	wrdreg s13;
	s10 =	sadd.s32 s1, s10;
	s24 =	sadd.s32 $0x50, s0  }
0x1b: {  	s25 =	sadd.s32 $0x40, s0;
	s29 =	sadd.s32 $0x10, s21;
	s30 =	sadd.s32 $0x20, s21  }
.Ltmp0:
0x1c: {  	s31 =	sadd.s32 $0x30, s21;
	s0 =	simm.s32 $0x7;
	(pc) =	sbr.rel .LBB2_1-.Ltmp0, $4  }
0x1d: {  	s11 =	simm.s32 $0x1;
	[dreg:$0x3] =	wrdreg s8;
	s8 =	sshrl.u32 s15, $0x3  }
0x1e: {  	s13 =	simm.s32 $0x17C80;
	[dreg:$0xf] =	wrdreg s10;
	s1 =	sadd.s32 s1, s8  }
0x1f: {  	s10 =	simm.s32 $0x13C80;
	s15 =	simm.s32 $0x3;
	s1 =	sadd.s32 $0x27000, s1  }
0x20: {  	v0 =	vimm.f32 $0.0e+00;
	s8 =	simm.s32 $0x1BD00;
	[dreg:$0x11] =	wrdreg s1;
	s1 =	simm.s32 $0x1BD80  }
.LBB2_6:
0x21: {  	[spmem:s2] =	stream.indirect.scatter.add.f32 [tilespmem:s13], [sflag:$0x6], $0x80, s22, s9, $0xb8;
	[tilespmem:$0x1FD80] =	vst v63  }
0x22: {  	_ =	swait.ge [sflag:s16], $0x4000  }
0x23: {  	[sflag:s16] =	ssyncset.done $0x0  }
0x24: {  	[sflag:s16] =	ssyncadd.s32 $0xFFFFC000  }
0x25: {  	_ =	swait.ge [sflag:s17], $0x4000  }
0x26: {  	[sflag:s17] =	ssyncset.done $0x0  }
0x27: {  	s19 =	stileid.u32;
	[sflag:s17] =	ssyncadd.s32 $0xFFFFC000  }
0x28: {  	s19 =	sshll.u32 s19, $0x6;
	[bflag:$0x0] =	sbarrier.arrive $0xFFFF  }
0x29: {  	s26 =	sshrl.u32 s5, $0x3;
	s19 =	sor.u32 $0x1C07, s19;
	s23 =	rddreg [dreg:$0xf]  }
0x2a: {  	[hbm:s23], [sflag:s19] =	dma.local [spmem:s26], $0x2700  }
0x2b: {  	_ =	swait.ge [sflag:s0], $0x2700  }
0x2c: {  	[sflag:s0] =	ssyncset.done $0x0  }
0x2d: {  	s22 =	sshrl.u32 @!p0 s20, $0x3;
	s23 =	rddreg [dreg:$0x11];
	[sflag:s0] =	ssyncadd.s32 $0xFFFFD900  }
0x2e: {  	[hbm:s23], [sflag:s19] =	dma.local @!p0 [spmem:s22], $0x100  }
0x2f: {  	s19 =	simm.s32 @!p0 $0x7  }
0x30: {  	_ =	swait.ge @!p0 [sflag:s19], $0x100  }
0x31: {  	s18 =	sadd.s32 $0x1, s18;
	s28 =	rddreg [dreg:$0x12]  }
0x32: {  	p1 =	sne.s32 s18, s28  }
.Ltmp1:
0x33: {  	_ = 	snop;
	(pc) =	sbr.rel @!p1 .LBB2_7-.Ltmp1, $3  }
0x34: {  	_ =	sdelay $0x1  }
0x35: {  	[sflag:s19] =	ssyncset.done @!p0 $0x0  }
0x36: {  	[sflag:s19] =	ssyncadd.s32 @!p0 $0xFFFFFF00  }
.LBB2_1:
0x37: {  	s19 =	rddreg [dreg:$0x3]  }
0x38: {  	[tilespmem:s1], [sflag:$0x7] =	stream.linear.gather [hbm4b:s19+s3], $0x2800, $0x38;
	[tilespmem:$0x1FD80] =	vst v63  }
0x39: {  	s28 =	sand.u32 $0x7E00, s3;
	s22 =	sand.u32 $0x70, s3;
	_ =	swait.ge [sflag:s0], $0x2800  }
0x3a: {  	s23 =	sshrl.u32 s28, $0x2;
	s19 =	simm.s32 $0x40;
	[sflag:s0] =	ssyncset.done $0x0  }
0x3b: {  	s23 =	sor.u32 s22, s23;
	s22 =	simm.s32 $0x0;
	[sflag:s0] =	ssyncadd.s32 $0xFFFFD800  }
.LBB2_2:
0x3c: {  	p1 =	sne.s32 s19, $0x5FC0  }
0x3d: {  	[tilespmem:s23+$0x1E580] =	vst v0;
	s22 =	sadd.s32 $0x10, s22;
	s23 =	smov.u32 s19;
	s19 =	sadd.s32 $0x40, s19  }
.Ltmp2:
0x3e: {  	(pc) =	sbr.rel @p1 .LBB2_2-.Ltmp2, $4  }
0x3f: {  	_ = 	snop  }
0x40: {  	s23 =	sand.u32 $0x7E00, s23  }
0x41: {  	s26 =	sand.u32 $0x70, s22;
	s23 =	sshrl.u32 s23, $0x2  }
0x42: {  	s23 =	sor.u32 s26, s23  }
0x43: {  	[tilespmem:s23+$0x1E580] =	vst v0  }
0x44: {  	[spmem:s5] =	stream.linear.scatter [tilespmem:s6], [sflag:$0x7], $0x1800, $0x38;
	[tilespmem:$0x1FD80] =	vst v63  }
0x45: {  	_ =	swait.ge [sflag:s0], $0x1800  }
0x46: {  	[sflag:s0] =	ssyncset.done $0x0  }
0x47: {  	s19 =	rddreg [dreg:$0x4];
	[sflag:s0] =	ssyncadd.s32 $0xFFFFE800  }
0x48: {  	[spmem:s19] =	stream.linear.scatter [tilespmem:s6], [sflag:$0x7], $0x1800, $0x38;
	[tilespmem:$0x1FD80] =	vst v63  }
0x49: {  	_ =	swait.ge [sflag:s0], $0x1800  }
0x4a: {  	[sflag:s0] =	ssyncset.done $0x0  }
0x4b: {  	s22 =	rddreg [dreg:$0x5];
	[sflag:s0] =	ssyncadd.s32 $0xFFFFE800  }
0x4c: {  	[spmem:s22] =	stream.linear.scatter [tilespmem:s6], [sflag:$0x7], $0x1800, $0x38;
	[tilespmem:$0x1FD80] =	vst v63  }
0x4d: {  	_ =	swait.ge [sflag:s0], $0x1800  }
0x4e: {  	[sflag:s0] =	ssyncset.done $0x0  }
0x4f: {  	s23 =	rddreg [dreg:$0x6];
	[sflag:s0] =	ssyncadd.s32 $0xFFFFE800  }
0x50: {  	[spmem:s23] =	stream.linear.scatter [tilespmem:s6], [sflag:$0x7], $0x1800, $0x38;
	[tilespmem:$0x1FD80] =	vst v63  }
0x51: {  	_ =	swait.ge [sflag:s0], $0x1800  }
0x52: {  	[sflag:s0] =	ssyncset.done $0x0  }
0x53: {  	s26 =	rddreg [dreg:$0x7];
	[sflag:s0] =	ssyncadd.s32 $0xFFFFE800  }
0x54: {  	[spmem:s26] =	stream.linear.scatter [tilespmem:s6], [sflag:$0x7], $0x1800, $0x38;
	[tilespmem:$0x1FD80] =	vst v63  }
0x55: {  	_ =	swait.ge [sflag:s0], $0x1800  }
0x56: {  	[sflag:s0] =	ssyncset.done $0x0  }
0x57: {  	s28 =	rddreg [dreg:$0x8];
	[sflag:s0] =	ssyncadd.s32 $0xFFFFE800  }
0x58: {  	[spmem:s28] =	stream.linear.scatter [tilespmem:s6], [sflag:$0x7], $0x1800, $0x38;
	[tilespmem:$0x1FD80] =	vst v63  }
0x59: {  	_ =	swait.ge [sflag:s0], $0x1800  }
0x5a: {  	[sflag:s0] =	ssyncset.done $0x0  }
0x5b: {  	s22 =	rddreg [dreg:$0x9];
	[sflag:s0] =	ssyncadd.s32 $0xFFFFE800  }
0x5c: {  	[spmem:s22] =	stream.linear.scatter [tilespmem:s6], [sflag:$0x7], $0x1800, $0x38;
	[tilespmem:$0x1FD80] =	vst v63  }
0x5d: {  	_ =	swait.ge [sflag:s0], $0x1800  }
0x5e: {  	[sflag:s0] =	ssyncset.done $0x0  }
0x5f: {  	s23 =	rddreg [dreg:$0xa];
	[sflag:s0] =	ssyncadd.s32 $0xFFFFE800  }
0x60: {  	[spmem:s23] =	stream.linear.scatter [tilespmem:s6], [sflag:$0x7], $0x1800, $0x38;
	[tilespmem:$0x1FD80] =	vst v63  }
0x61: {  	_ =	swait.ge [sflag:s0], $0x1800  }
0x62: {  	[sflag:s0] =	ssyncset.done $0x0  }
0x63: {  	s26 =	rddreg [dreg:$0xb];
	[sflag:s0] =	ssyncadd.s32 $0xFFFFE800  }
0x64: {  	[spmem:s26] =	stream.linear.scatter [tilespmem:s6], [sflag:$0x7], $0x1800, $0x38;
	[tilespmem:$0x1FD80] =	vst v63  }
0x65: {  	_ =	swait.ge [sflag:s0], $0x1800  }
0x66: {  	[sflag:s0] =	ssyncset.done $0x0  }
0x67: {  	s28 =	rddreg [dreg:$0xc];
	[sflag:s0] =	ssyncadd.s32 $0xFFFFE800  }
0x68: {  	[spmem:s28] =	stream.linear.scatter [tilespmem:s6], [sflag:$0x7], $0x1800, $0x38;
	[tilespmem:$0x1FD80] =	vst v63  }
0x69: {  	_ =	swait.ge [sflag:s0], $0x1800  }
0x6a: {  	[sflag:s0] =	ssyncset.done $0x0  }
0x6b: {  	s22 =	rddreg [dreg:$0xd];
	[sflag:s0] =	ssyncadd.s32 $0xFFFFE800  }
0x6c: {  	[spmem:s22] =	stream.linear.scatter [tilespmem:s6], [sflag:$0x7], $0x1800, $0x38;
	[tilespmem:$0x1FD80] =	vst v63  }
0x6d: {  	_ =	swait.ge [sflag:s0], $0x1800  }
0x6e: {  	[sflag:s0] =	ssyncset.done $0x0  }
0x6f: {  	s23 =	rddreg [dreg:$0xe];
	[sflag:s0] =	ssyncadd.s32 $0xFFFFE800  }
0x70: {  	[spmem:s23] =	stream.linear.scatter [tilespmem:s6], [sflag:$0x7], $0x1800, $0x38;
	[tilespmem:$0x1FD80] =	vst v63  }
0x71: {  	_ =	swait.ge [sflag:s0], $0x1800  }
0x72: {  	[sflag:s0] =	ssyncset.done $0x0  }
0x73: {  	s26 =	rddreg [dreg:$0x10];
	[sflag:s0] =	ssyncadd.s32 $0xFFFFE800  }
0x74: {  	[spmem:s26] =	stream.linear.scatter [tilespmem:s6], [sflag:$0x7], $0x1800, $0x38;
	[tilespmem:$0x1FD80] =	vst v63  }
0x75: {  	_ =	swait.ge [sflag:s0], $0x1800  }
0x76: {  	[sflag:s0] =	ssyncset.done $0x0  }
0x77: {  	s19 =	simm.s32 @!p0 $0x1E580;
	s22 =	simm.s32 @!p0 $0x7;
	[sflag:s0] =	ssyncadd.s32 $0xFFFFE800  }
0x78: {  	[spmem:s20] =	stream.linear.scatter @!p0 [tilespmem:s19], [sflag:$0x7], $0x1800, $0x38;
	[tilespmem:$0x1FD80] =	vst v63  }
0x79: {  	_ =	swait.ge @!p0 [sflag:s22], $0x1800  }
0x7a: {  	[sflag:s22] =	ssyncset.done @!p0 $0x0  }
0x7b: {  	s23 =	rddreg [dreg:$0x13];
	[sflag:s22] =	ssyncadd.s32 @!p0 $0xFFFFE800  }
0x7c: {  	[spmem:s23] =	stream.linear.scatter @!p0 [tilespmem:s19], [sflag:$0x7], $0x1800, $0x38;
	[tilespmem:$0x1FD80] =	vst v63  }
0x7d: {  	_ =	swait.ge @!p0 [sflag:s22], $0x1800  }
0x7e: {  	[sflag:s22] =	ssyncset.done @!p0 $0x0  }
0x7f: {  	s23 =	rddreg [dreg:$0x14];
	[sflag:s22] =	ssyncadd.s32 @!p0 $0xFFFFE800  }
0x80: {  	[spmem:s23] =	stream.linear.scatter @!p0 [tilespmem:s19], [sflag:$0x7], $0x1800, $0x38;
	[tilespmem:$0x1FD80] =	vst v63  }
0x81: {  	_ =	swait.ge @!p0 [sflag:s22], $0x1800  }
0x82: {  	[sflag:s22] =	ssyncset.done @!p0 $0x0  }
0x83: {  	[sflag:s22] =	ssyncadd.s32 @!p0 $0xFFFFE800  }
0x84: {  	s19 =	simm.s32 $0x0;
	[bflag:$0x0] =	sbarrier.arrive $0xFFFF  }
0x85: {  	[tilespmem:s7], [sflag:$0x7] =	stream.linear.gather [hbm4b:s21+s19], $0x80, $0x38;
	[tilespmem:$0x1FD80] =	vst v63  }
0x86: {  	_ =	swait.ge [sflag:s0], $0x80  }
0x87: {  	[sflag:s0] =	ssyncset.done $0x0  }
0x88: {  	[sflag:s0] =	ssyncadd.s32 $0xFFFFFF80  }
0x89: {  	[tilespmem:s8], [sflag:$0x4] =	stream.linear.gather [hbm4b:s29+s19], $0x80, $0x38;
	[tilespmem:$0x1FD80] =	vst v63  }
0x8a: {  	_ = 	snop  }
0x8b: {  	[tilespmem:s10], [sflag:$0x1] =	stream.indirect.gather [hbm4b:s4+s9], $0x80, s7, s9, $0xb8;
	[tilespmem:$0x1FD80] =	vst v63  }
0x8c: {  	_ =	swait.ge [sflag:s11], $0x4000  }
0x8d: {  	[sflag:s11] =	ssyncset.done $0x0  }
0x8e: {  	[sflag:s11] =	ssyncadd.s32 $0xFFFFC000  }
0x8f: {  	[tilespmem:s7], [sflag:$0x3] =	stream.linear.gather [hbm4b:s30+s19], $0x80, $0x38;
	[tilespmem:$0x1FD80] =	vst v63  }
0x90: {  	_ = 	snop  }
0x91: {  	[spmem:s2] =	stream.indirect.scatter.add.f32 [tilespmem:s10], [sflag:$0x5], $0x80, s1, s9, $0xb8;
	[tilespmem:$0x1FD80] =	vst v63  }
0x92: {  	_ =	swait.ge [sflag:s12], $0x80  }
0x93: {  	[sflag:s12] =	ssyncset.done $0x0  }
0x94: {  	[sflag:s12] =	ssyncadd.s32 $0xFFFFFF80  }
0x95: {  	[tilespmem:s13], [sflag:$0x2] =	stream.indirect.gather [hbm4b:s4+s9], $0x80, s8, s9, $0xb8;
	[tilespmem:$0x1FD80] =	vst v63  }
0x96: {  	_ =	swait.ge [sflag:s14], $0x4000  }
0x97: {  	[sflag:s14] =	ssyncset.done $0x0  }
0x98: {  	[sflag:s14] =	ssyncadd.s32 $0xFFFFC000  }
0x99: {  	[tilespmem:s8], [sflag:$0x4] =	stream.linear.gather [hbm4b:s31+s19], $0x80, $0x38;
	[tilespmem:$0x1FD80] =	vst v63  }
0x9a: {  	s28 =	simm.s32 $0x1BE00  }
0x9b: {  	[spmem:s2] =	stream.indirect.scatter.add.f32 [tilespmem:s13], [sflag:$0x6], $0x80, s28, s9, $0xb8;
	[tilespmem:$0x1FD80] =	vst v63  }
0x9c: {  	_ =	swait.ge [sflag:s15], $0x80  }
0x9d: {  	[sflag:s15] =	ssyncset.done $0x0  }
0x9e: {  	[sflag:s15] =	ssyncadd.s32 $0xFFFFFF80  }
0x9f: {  	_ =	swait.ge [sflag:s16], $0x4000  }
0xa0: {  	[sflag:s16] =	ssyncset.done $0x0  }
0xa1: {  	s22 =	simm.s32 $0x1BF00;
	[sflag:s16] =	ssyncadd.s32 $0xFFFFC000  }
0xa2: {  	[tilespmem:s10], [sflag:$0x1] =	stream.indirect.gather [hbm4b:s4+s9], $0x80, s7, s9, $0xb8;
	[tilespmem:$0x1FD80] =	vst v63  }
.LBB2_4:
0xa3: {  	_ =	swait.ge [sflag:s11], $0x4000;
	p1 =	seq.s32 s19, $0x4C0  }
0xa4: {  	[sflag:s11] =	ssyncset.done $0x0;
	s23 =	sadd.s32 @!p1 s19, s25  }
0xa5: {  	s26 =	simm.s32 @!p1 $0x0;
	s28 =	simm.s32 @!p1 $0x1BC80;
	[sflag:s11] =	ssyncadd.s32 $0xFFFFC000  }
0xa6: {  	[tilespmem:s28], [sflag:$0x3] =	stream.linear.gather @!p1 [hbm4b:s23+s26], $0x80, $0x38;
	[tilespmem:$0x1FD80] =	vst v63  }
0xa7: {  	s28 =	sadd.s32 $0xFFFFFF80, s22  }
0xa8: {  	[spmem:s2] =	stream.indirect.scatter.add.f32 [tilespmem:s10], [sflag:$0x5], $0x80, s28, s9, $0xb8;
	[tilespmem:$0x1FD80] =	vst v63  }
0xa9: {  	_ =	swait.ge [sflag:s12], $0x80  }
0xaa: {  	[sflag:s12] =	ssyncset.done $0x0  }
0xab: {  	[sflag:s12] =	ssyncadd.s32 $0xFFFFFF80  }
0xac: {  	_ =	swait.ge [sflag:s17], $0x4000  }
0xad: {  	[sflag:s17] =	ssyncset.done $0x0  }
.Ltmp3:
0xae: {  	[sflag:s17] =	ssyncadd.s32 $0xFFFFC000;
	(pc) =	sbr.rel @p1 .LBB2_6-.Ltmp3, $4  }
0xaf: {  	[tilespmem:s13], [sflag:$0x2] =	stream.indirect.gather [hbm4b:s4+s9], $0x80, s8, s9, $0xb8;
	[tilespmem:$0x1FD80] =	vst v63  }
0xb0: {  	_ =	swait.ge [sflag:s14], $0x4000  }
0xb1: {  	[sflag:s14] =	ssyncset.done $0x0  }
0xb2: {  	[sflag:s14] =	ssyncadd.s32 $0xFFFFC000  }
0xb3: {  	s23 =	sadd.s32 s19, s24  }
0xb4: {  	[tilespmem:s8], [sflag:$0x4] =	stream.linear.gather [hbm4b:s23+s3], $0x80, $0x38;
	[tilespmem:$0x1FD80] =	vst v63  }
0xb5: {  	_ = 	snop  }
0xb6: {  	[spmem:s2] =	stream.indirect.scatter.add.f32 [tilespmem:s13], [sflag:$0x6], $0x80, s22, s9, $0xb8;
	[tilespmem:$0x1FD80] =	vst v63  }
0xb7: {  	_ =	swait.ge [sflag:s15], $0x80  }
0xb8: {  	[sflag:s15] =	ssyncset.done $0x0  }
.Ltmp4:
0xb9: {  	[sflag:s15] =	ssyncadd.s32 $0xFFFFFF80;
	(pc) =	sbr.rel .LBB2_4-.Ltmp4, $4  }
0xba: {  	_ =	swait.ge [sflag:s16], $0x4000  }
0xbb: {  	[sflag:s16] =	ssyncset.done $0x0  }
0xbc: {  	s19 =	sadd.s32 $0x20, s19;
	s22 =	sadd.s32 $0x100, s22;
	[sflag:s16] =	ssyncadd.s32 $0xFFFFC000  }
0xbd: {  	[tilespmem:s10], [sflag:$0x1] =	stream.indirect.gather [hbm4b:s4+s9], $0x80, s7, s9, $0xb8;
	[tilespmem:$0x1FD80] =	vst v63  }
.LBB2_7:
0xbe: {  	_ =	sfence.sel $0x180000  }
0xbf: {  	[bflag:$0x0] =	sbarrier.arrive $0xFFFF  }
0xc0: {  	_ =	strace $0x9000004A  }
0xc1: {  	s0 =	stileid.u32;
	[bflag:$0x2] =	sbarrier.arrive $0xFFFF  }
0xc2: {  	p0 =	sne.s32 s0, $0x0;
	s0 =	rddreg [dreg:$0x2]  }
0xc3: {  	s0 =	sadd.s32 @!p0 $0x100000, s0  }
0xc4: {  	[sflag:s0] =	ssyncadd.tile.s32 @!p0 $0x1;
	_ =	shalt  }
.Lfunc_end2:
_tile_overlayer_lowered:
.L_overlay_start_2:
0xc5: {  	(tag) =	ssettag $0x2  }
0xc6: {  	s0 =	rddreg [dreg:$0x0];
	s2 =	stileid.u32  }
0xc7: {  	s1 =	rddreg [dreg:$0x1];
	p0 =	sne.s32 s2, $0x0  }
0xc8: {  	s3 =	rddreg [dreg:$0x2];
	[bflag:$0x3] =	sbarrier.arrive $0xFFFF;
	s2 =	simm.s32 @!p0 $0x1C07  }
0xc9: {  	[timem:s3], [sflag:s2] =	dma.local @!p0 [hbm:s0], s1  }
0xca: {  	s0 =	simm.s32 @!p0 $0x7  }
0xcb: {  	_ =	swait.ge @!p0 [sflag:s0], s1  }
0xcc: {  	s1 =	ssub.s32 @!p0 $0x0, s1;
	[sflag:s0] =	ssyncset.done @!p0 $0x0  }
0xcd: {  	[sflag:s0] =	ssyncadd.s32 @!p0 s1  }
0xce: {  	[bflag:$0x3] =	sbarrier.arrive $0xFFFF  }
0xcf: {  	_ =	shalt  }

// kernel: kernel.18.cloned.1.call-start
scs
__scs_entry_jumppad:
0x0: {  	(pc) =	sbr.rel $0x88, $3  }
0x1: {  	(tag) =	ssettag $0x0;
	lr =	simm.s32 $0x1  }
0x2: {  	[smem:$0x3F97] =	sst lr;
	_ =	strace $0xD0000000  }
0x3: {  	_ = 	snop  }
0x4: {  	_ = 	snop  }
0x5: {  	_ = 	snop  }
0x6: {  	_ = 	snop  }
0x7: {  	_ = 	snop  }
__scs_overlays_trampoline_lowered:
0x8: {  	[smem:$0x3FA6] =	sst s0  }
0x9: {  	[smem:$0x3FA7] =	sst s1  }
0xa: {  	[smem:$0x3FA8] =	sst s2  }
0xb: {  	[smem:$0x3FA9] =	sst s3  }
0xc: {  	[smem:$0x3FAA] =	sst s4  }
0xd: {  	[smem:$0x3FAB] =	sst s5  }
0xe: {  	[smem:$0x3FAC] =	sst s6  }
0xf: {  	[smem:$0x3FAD] =	sst s7  }
0x10: {  	[smem:$0x3FAE] =	sst s8  }
0x11: {  	[smem:$0x3FAF] =	sst s9;
	s0 =	simm.s32 @!p0 $0x0  }
0x12: {  	s1 =	sld [smem:$0x3F95];
	s0 =	simm.s32 @p0 $0x1  }
0x13: {  	[smem:$0x3FB0] =	sst s0;
	s0 =	simm.s32 @!p1 $0x0  }
0x14: {  	s2 =	sld [smem:$0x3F94];
	s0 =	simm.s32 @p1 $0x1  }
0x15: {  	[smem:$0x3FB1] =	sst s0;
	s0 =	simm.s32 @!p2 $0x0  }
0x16: {  	s3 =	sld [smem:$0x3FDB];
	s0 =	simm.s32 @p2 $0x1  }
0x17: {  	s4 =	simm.s32 $0x1BF5;
	[smem:$0x3FB3] =	sst s0  }
0x18: {  	s0 =	sld [smem:$0x3F96];
	_ =	swait.ge [sflag:s4], $0x0  }
0x19: {  	s7 =	sld [smem:$0x3F97]  }
0x1a: {  	s8 =	sadd.s32 $0xFFFFE003, lr  }
0x1b: {  	s9 =	sadd.s32 $0xFFFFFEF7, lr;
	s5 =	simm.s32 $0xFFFFFFFF;
	p2 =	slt.u32 s8, $0xFFFFF086  }
0x1c: {  	p1 =	slt.u32 s9, $0xF7A;
	s5 =	simm.s32 @!p2 $0x0  }
0x1d: {  	s5 =	simm.s32 @p1 $0x1;
	p0 =	seq.s32 s7, s2  }
0x1e: {  	s7 =	smul.u32 @!p0 $0xF7A, s2;
	p2 =	seq.s32 @!p0 s5, $0x0  }
0x1f: {  	s9 =	smul.u32 $0xF7A, s1;
	s8 =	simm.s32 @!p0 $0x1BF5;
	p2 =	por !p2, p0  }
0x20: {  	[sflag:s8] =	ssyncset.s32 @!p0 $0xFFFFF086;
	s6 =	sadd.s32 @!p0 s3, s7;
	s7 =	simm.s32 @!p0 $0x108  }
0x21: {  	s3 =	sadd.s32 s3, s9;
	s6 =	sadd.s32 @!p0 $0x88, s6;
	s7 =	simm.s32 @p2 $0x1082  }
0x22: {  	[simem:s7], [sflag:s8] =	dma.local @!p0 [hbm:s6], $0xF7A  }
0x23: {  	s9 =	sor.u32 $0xD0000000, s2;
	s6 =	simm.s32 $0x108;
	_ =	swait.ge @!p0 [sflag:s8], $0x0  }
0x24: {  	s3 =	sadd.s32 $0x88, s3;
	s6 =	simm.s32 @!p1 $0x1082;
	[sflag:s4] =	ssyncset.s32 $0xFFFFF086  }
0x25: {  	[simem:s6], [sflag:s4] =	dma.local [hbm:s3], $0xF7A  }
0x26: {  	[smem:$0x3F97] =	sst s1;
	(tag) =	ssettag s2;
	_ =	strace s9  }
0x27: {  	s1 =	sld [smem:$0x3FA7]  }
0x28: {  	s2 =	sld [smem:$0x3FA8]  }
0x29: {  	s4 =	sld [smem:$0x3FAA]  }
0x2a: {  	p0 =	seq.s32 s5, $0x0;
	s5 =	sld [smem:$0x3FAB]  }
0x2b: {  	s6 =	sld [smem:$0x3FAC]  }
0x2c: {  	s7 =	sld [smem:$0x3FAD]  }
0x2d: {  	s3 =	simm.s32 $0x108;
	s8 =	sld [smem:$0x3FAE]  }
0x2e: {  	s3 =	simm.s32 @!p0 $0x1082;
	s9 =	sld [smem:$0x3FAF]  }
0x2f: {  	lr =	sadd.s32 s0, s3;
	s0 =	sld [smem:$0x3FA6]  }
0x30: {  	s3 =	sld [smem:$0x3FA9]  }
0x31: {  	[smem:$0x3FB2] =	sst s10  }
0x32: {  	s10 =	sld [smem:$0x3FB0];
	_ =	sdelay $0x3  }
0x33: {  	p0 =	seq.s32 s10, $0x1;
	s10 =	sld [smem:$0x3FB2];
	_ =	sdelay $0x3  }
0x34: {  	[smem:$0x3FB2] =	sst s10  }
0x35: {  	s10 =	sld [smem:$0x3FB1];
	_ =	sdelay $0x3  }
0x36: {  	p1 =	seq.s32 s10, $0x1;
	s10 =	sld [smem:$0x3FB2];
	_ =	sdelay $0x3  }
0x37: {  	[smem:$0x3FB2] =	sst s10  }
0x38: {  	s10 =	sld [smem:$0x3FB3]  }
0x39: {  	_ = 	snop;
	(pc) =	sbr.ind lr, $3  }
0x3a: {  	_ = 	snop  }
0x3b: {  	_ = 	snop  }
0x3c: {  	p2 =	seq.s32 s10, $0x1;
	s10 =	sld [smem:$0x3FB2]  }
0x3d: {  	_ =	shalt  }
0x3e: {  	_ =	shalt  }
0x3f: {  	_ =	shalt  }
0x40: {  	_ =	shalt  }
0x41: {  	_ =	shalt  }
0x42: {  	_ =	shalt  }
0x43: {  	_ =	shalt  }
0x44: {  	_ =	shalt  }
0x45: {  	_ =	shalt  }
0x46: {  	_ =	shalt  }
0x47: {  	_ =	shalt  }
0x48: {  	_ =	shalt  }
0x49: {  	_ =	shalt  }
0x4a: {  	_ =	shalt  }
0x4b: {  	_ =	shalt  }
0x4c: {  	_ =	shalt  }
0x4d: {  	_ =	shalt  }
0x4e: {  	_ =	shalt  }
0x4f: {  	_ =	shalt  }
0x50: {  	_ =	shalt  }
0x51: {  	_ =	shalt  }
0x52: {  	_ =	shalt  }
0x53: {  	_ =	shalt  }
0x54: {  	_ =	shalt  }
0x55: {  	_ =	shalt  }
0x56: {  	_ =	shalt  }
0x57: {  	_ =	shalt  }
0x58: {  	_ =	shalt  }
0x59: {  	_ =	shalt  }
0x5a: {  	_ =	shalt  }
0x5b: {  	_ =	shalt  }
0x5c: {  	_ =	shalt  }
0x5d: {  	_ =	shalt  }
0x5e: {  	_ =	shalt  }
0x5f: {  	_ =	shalt  }
0x60: {  	_ =	shalt  }
0x61: {  	_ =	shalt  }
0x62: {  	_ =	shalt  }
0x63: {  	_ =	shalt  }
0x64: {  	_ =	shalt  }
0x65: {  	_ =	shalt  }
0x66: {  	_ =	shalt  }
0x67: {  	_ =	shalt  }
0x68: {  	_ =	shalt  }
0x69: {  	_ =	shalt  }
0x6a: {  	_ =	shalt  }
0x6b: {  	_ =	shalt  }
0x6c: {  	_ =	shalt  }
0x6d: {  	_ =	shalt  }
0x6e: {  	_ =	shalt  }
0x6f: {  	_ =	shalt  }
0x70: {  	_ =	shalt  }
0x71: {  	_ =	shalt  }
0x72: {  	_ =	shalt  }
0x73: {  	_ =	shalt  }
0x74: {  	_ =	shalt  }
0x75: {  	_ =	shalt  }
0x76: {  	_ =	shalt  }
0x77: {  	_ =	shalt  }
0x78: {  	_ =	shalt  }
0x79: {  	_ =	shalt  }
0x7a: {  	_ =	shalt  }
0x7b: {  	_ =	shalt  }
0x7c: {  	_ =	shalt  }
0x7d: {  	_ =	shalt  }
0x7e: {  	_ =	shalt  }
0x7f: {  	_ =	shalt  }
0x80: {  	_ =	shalt  }
0x81: {  	_ =	shalt  }
0x82: {  	_ =	shalt  }
0x83: {  	_ =	shalt  }
0x84: {  	_ =	shalt  }
0x85: {  	_ =	shalt  }
0x86: {  	_ =	shalt  }
0x87: {  	_ =	shalt  }
.Lfunc_end0:
.L_simem_size_0:
called_computation.2_lowered:
.L_overlay_start_0:
0x88: {  	s2 =	sld [smem:$0x3FD9]  }
0x89: {  	s3 =	sld [smem:$0x3FFE];
	_ =	sdelay $0x1  }
0x8a: {  	s1 =	srdreg.scid  }
0x8b: {  	s0 =	sand.u32 $0x1, s1  }
0x8c: {  	s16 =	sshll.u32 s0, $0xA;
	s2 =	sadd.s32 s3, s2  }
0x8d: {  	s2 =	sadd.s32 s2, s16  }
0x8e: {  	[smem:$0x3FBE] =	sst s2  }
0x8f: {  	_ = 	snop  }
0x90: {  	(tm) =	ssettm $0x1  }
0x91: {  	s17 =	sld [smem:$0x3FFB];
	_ =	sdelay $0x3  }
0x92: {  	_ =	strace s17  }
0x93: {  	s2 =	sld [smem:$0x3FFC];
	_ =	sdelay $0x3  }
0x94: {  	_ =	strace s2  }
0x95: {  	s2 =	sld [smem:$0x3FFD];
	_ =	sdelay $0x3  }
0x96: {  	_ =	strace s2  }
0x97: {  	_ =	strace $0x8FFFFFFF  }
0x98: {  	s18 =	sld [smem:$0x3FDB];
	_ =	sdelay $0x1  }
0x99: {  	s19 =	simm.s32 $_scs_section_size  }
0x9a: {  	s4 =	simm.s32 $_size__tile_overlayer_lowered;
	s5 =	simm.s32 $_tile_overlayer_lowered  }
0x9b: {  	s22 =	simm.s32 $0x1BFF;
	s21 =	sshll.u32 s5, $0x1;
	s2 =	sadd.s32 s19, s18  }
0x9c: {  	s6 =	simm.s32 $0x0;
	s20 =	sshll.u32 s4, $0x1;
	s4 =	sadd.s32 s21, s2  }
0x9d: {  	[timem:s6], [sflag:s22] =	dma.local [hbm:s4], s20  }
0x9e: {  	_ =	swait.ge [sflag:s22], s20  }
0x9f: {  	s3 =	ssub.s32 $0x0, s20;
	[sflag:s22] =	ssyncset.done $0x0  }
0xa0: {  	[sflag:s22] =	ssyncadd.s32 s3;
	_ =	sdelay $0x1  }
0xa1: {  	s23 =	simm.s32 $0x1B8B  }
0xa2: {  	_ =	swait.ge [sflag:s23], $0x1  }
0xa3: {  	[sflag:s23] =	ssyncset.done $0x0  }
0xa4: {  	s25 =	simm.s32 $0x1B8E;
	s24 =	sld [smem:$0x3FFE];
	[sflag:s23] =	ssyncadd.s32 $0xFFFFFFFF  }
0xa5: {  	s26 =	simm.s32 $execute0_lowered;
	[smem:$0x3FD2] =	sst s25  }
0xa6: {  	s4 =	sshll.u32 s26, $0x1;
	_ =	strace $0x8000004C;
	[dreg:$0x1] =	wrdreg $0xFFFFFFFF  }
0xa7: {  	s28 =	simm.s32 $_size_execute0_lowered;
	s2 =	sadd.s32 s2, s4;
	[dreg:$0x0] =	wrdreg $0x0  }
0xa8: {  	s4 =	sshll.u32 s28, $0x1;
	[dreg:$0x2] =	wrdreg s2  }
0xa9: {  	[dreg:$0x3] =	wrdreg s4  }
0xaa: {  	[dreg:$0x4] =	wrdreg $0xC0  }
0xab: {  	_ =	task [dreg:s6], $0x5FFFF  }
0xac: {  	[dreg:$0x1] =	wrdreg $0xFFFFFFFF  }
0xad: {  	[dreg:$0x0] =	wrdreg $0x60  }
0xae: {  	[dreg:$0x2] =	wrdreg s24  }
0xaf: {  	[dreg:$0x3] =	wrdreg $0x0  }
0xb0: {  	[dreg:$0x4] =	wrdreg $0x9  }
0xb1: {  	_ =	task.clear_ibuf [dreg:s6], $0x5FFFF;
	_ =	strace $0x9000004C  }
0xb2: {  	s29 =	simm.s32 $0x9;
	_ =	strace $0x8000004E  }
0xb3: {  	_ =	swait.ge [sflag:s29], $0x1  }
0xb4: {  	[sflag:s29] =	ssyncadd.s32 $0xFFFFFFFF  }
0xb5: {  	_ =	strace $0x9000004E  }
0xb6: {  	_ =	sfence  }
0xb7: {  	s30 =	sld [smem:$0x0];
	_ =	sdelay $0x2  }
0xb8: {  	s31 =	sshll.u32 s1, $0xD;
	s1 =	sshrl.u32 s1, $0x2  }
0xb9: {  	s3 =	sand.u32 $0x4000, s31;
	s1 =	sadd.s32 s1, s30  }
0xba: {  	s0 =	sor.u32 s3, s0;
	s1 =	sshll.u32 s1, $0x11  }
0xbb: {  	s0 =	sor.u32 s1, s0  }
0xbc: {  	s0 =	sadd.s32 $0x8F2B, s0  }
0xbd: {  	[sflag:s0] =	ssyncadd.remote.s32 $0x1  }
0xbe: {  	_ =	sfence.sel $0xFFFF  }
0xbf: {  	[dreg:$0x0] =	wrdreg $0xFFFFFFFF;
	(pc) =	sbr.abs _section_cstart, $3  }
0xc0: {  	[dreg:$0x1] =	wrdreg $0xFFFFFFFF  }
0xc1: {  	_ =	task.clear_ibuf [dreg:s6], $0x2FFFF;
	_ =	strace $0x9FFFFFFF  }
0xc2: {  	(tm) =	ssettm $0x7FFFFFFF  }
0xc3: {  	_ =	shalt  }
tec
execute0_lowered:
.L_overlay_start_1:
0x0: {  	(tag) =	ssettag $0x1  }
0x1: {  	s0 =	srdreg.scid  }
0x2: {  	s1 =	rddreg [dreg:$0x0];
	s12 =	stileid.u32  }
0x3: {  	s2 =	rddreg [dreg:$0x1];
	s5 =	smul.u32 $0x4E000, s12  }
0x4: {  	s0 =	sand.u32 $0x1, s0;
	s7 =	sadd.s32 $0x3200, s1;
	s18 =	smul.u32 $0x13800, s12  }
0x5: {  	s23 =	smul.u32 $0x50, s12;
	p0 =	sne.s32 s12, $0xF;
	s26 =	sadd.s32 $0x139800, s2  }
0x6: {  	s28 =	sadd.s32 $0x13B000, s2;
	s3 =	sshll.u32 s0, $0x4;
	s15 =	smul.u32 $0x138800, s0  }
0x7: {  	s9 =	ssub.s32 $0x2, s0;
	s0 =	smul.u32 $0x500, s0;
	s4 =	sor.u32 s12, s3  }
0x8: {  	s3 =	simm.s32 $0x0;
	s5 =	sshrl.u32 s5, $0x2;
	s10 =	sshrl.u32 s9, $0x1  }
0x9: {  	s12 =	simm.s32 $0x4;
	s6 =	smul.u32 $0x500, s4;
	[smem:$0x7FF] =	sst s3  }
0xa: {  	s4 =	sadd.s32 $0x17200, s1;
	s5 =	sadd.s32 s5, s2;
	s9 =	ssub.s32 s9, s10  }
0xb: {  	s10 =	sadd.s32 s18, s15;
	_ =	strace $0x8000004D;
	[dreg:$0x13] =	wrdreg s26  }
0xc: {  	s0 =	sadd.s32 s23, s0;
	s11 =	sadd.s32 $0x1800, s5;
	[dreg:$0x14] =	wrdreg s28  }
0xd: {  	s18 =	simm.s32 $0x0;
	s13 =	sadd.s32 $0x3000, s5;
	[dreg:$0x4] =	wrdreg s11  }
0xe: {  	s14 =	sadd.s32 $0x4800, s5;
	s16 =	sadd.s32 $0x6000, s5;
	[dreg:$0x5] =	wrdreg s13  }
0xf: {  	s17 =	sadd.s32 $0x7800, s5;
	s19 =	sadd.s32 $0xA800, s5;
	[dreg:$0x6] =	wrdreg s14  }
0x10: {  	s20 =	sadd.s32 $0xC000, s5;
	s21 =	sadd.s32 $0xD800, s5;
	[dreg:$0x7] =	wrdreg s16  }
0x11: {  	s22 =	sadd.s32 $0xF000, s5;
	s10 =	sshrl.u32 s10, $0x3;
	[dreg:$0x8] =	wrdreg s17  }
0x12: {  	s24 =	sadd.s32 $0x12000, s5;
	s0 =	sshll.u32 s0, $0x4;
	[dreg:$0xa] =	wrdreg s19  }
0x13: {  	s25 =	smax.u32 s9, $0x1;
	s9 =	simm.s32 $0x80;
	[dreg:$0xb] =	wrdreg s20  }
0x14: {  	s8 =	sadd.s32 s6, s1;
	s1 =	sadd.s32 $0x3E400, s1;
	[dreg:$0xc] =	wrdreg s21  }
0x15: {  	s11 =	sadd.s32 $0x9000, s5;
	[dreg:$0xd] =	wrdreg s22;
	s13 =	sadd.s32 $0x10800, s5  }
0x16: {  	[dreg:$0x10] =	wrdreg s24;
	s20 =	sadd.s32 $0x138000, s2;
	s21 =	sadd.s32 s7, s6  }
0x17: {  	[dreg:$0x12] =	wrdreg s25;
	s0 =	sadd.s32 s0, s7;
	s6 =	simm.s32 $0x1E580  }
0x18: {  	s7 =	simm.s32 $0x1BC80;
	s14 =	simm.s32 $0x2;
	s16 =	simm.s32 $0x5  }
0x19: {  	s17 =	simm.s32 $0x6;
	s8 =	sadd.s32 $0xD200, s8;
	[dreg:$0x9] =	wrdreg s11  }
0x1a: {  	[dreg:$0xe] =	wrdreg s13;
	s10 =	sadd.s32 s1, s10;
	s24 =	sadd.s32 $0x50, s0  }
0x1b: {  	s25 =	sadd.s32 $0x40, s0;
	s29 =	sadd.s32 $0x10, s21;
	s30 =	sadd.s32 $0x20, s21  }
.Ltmp0:
0x1c: {  	s31 =	sadd.s32 $0x30, s21;
	s0 =	simm.s32 $0x7;
	(pc) =	sbr.rel .LBB2_1-.Ltmp0, $4  }
0x1d: {  	s11 =	simm.s32 $0x1;
	[dreg:$0x3] =	wrdreg s8;
	s8 =	sshrl.u32 s15, $0x3  }
0x1e: {  	s13 =	simm.s32 $0x17C80;
	[dreg:$0xf] =	wrdreg s10;
	s1 =	sadd.s32 s1, s8  }
0x1f: {  	s10 =	simm.s32 $0x13C80;
	s15 =	simm.s32 $0x3;
	s1 =	sadd.s32 $0x27000, s1  }
0x20: {  	v0 =	vimm.f32 $0.0e+00;
	s8 =	simm.s32 $0x1BD00;
	[dreg:$0x11] =	wrdreg s1;
	s1 =	simm.s32 $0x1BD80  }
.LBB2_6:
0x21: {  	[spmem:s2] =	stream.indirect.scatter.add.f32 [tilespmem:s13], [sflag:$0x6], $0x80, s22, s9, $0xb8;
	[tilespmem:$0x1FD80] =	vst v63  }
0x22: {  	_ =	swait.ge [sflag:s16], $0x4000  }
0x23: {  	[sflag:s16] =	ssyncset.done $0x0  }
0x24: {  	[sflag:s16] =	ssyncadd.s32 $0xFFFFC000  }
0x25: {  	_ =	swait.ge [sflag:s17], $0x4000  }
0x26: {  	[sflag:s17] =	ssyncset.done $0x0  }
0x27: {  	s19 =	stileid.u32;
	[sflag:s17] =	ssyncadd.s32 $0xFFFFC000  }
0x28: {  	s19 =	sshll.u32 s19, $0x6;
	[bflag:$0x0] =	sbarrier.arrive $0xFFFF  }
0x29: {  	s26 =	sshrl.u32 s5, $0x3;
	s19 =	sor.u32 $0x1C07, s19;
	s23 =	rddreg [dreg:$0xf]  }
0x2a: {  	[hbm:s23], [sflag:s19] =	dma.local [spmem:s26], $0x2700  }
0x2b: {  	_ =	swait.ge [sflag:s0], $0x2700  }
0x2c: {  	[sflag:s0] =	ssyncset.done $0x0  }
0x2d: {  	s22 =	sshrl.u32 @!p0 s20, $0x3;
	s23 =	rddreg [dreg:$0x11];
	[sflag:s0] =	ssyncadd.s32 $0xFFFFD900  }
0x2e: {  	[hbm:s23], [sflag:s19] =	dma.local @!p0 [spmem:s22], $0x100  }
0x2f: {  	s19 =	simm.s32 @!p0 $0x7  }
0x30: {  	_ =	swait.ge @!p0 [sflag:s19], $0x100  }
0x31: {  	s18 =	sadd.s32 $0x1, s18;
	s28 =	rddreg [dreg:$0x12]  }
0x32: {  	p1 =	sne.s32 s18, s28  }
.Ltmp1:
0x33: {  	_ = 	snop;
	(pc) =	sbr.rel @!p1 .LBB2_7-.Ltmp1, $3  }
0x34: {  	_ =	sdelay $0x1  }
0x35: {  	[sflag:s19] =	ssyncset.done @!p0 $0x0  }
0x36: {  	[sflag:s19] =	ssyncadd.s32 @!p0 $0xFFFFFF00  }
.LBB2_1:
0x37: {  	s19 =	rddreg [dreg:$0x3]  }
0x38: {  	[tilespmem:s1], [sflag:$0x7] =	stream.linear.gather [hbm4b:s19+s3], $0x2800, $0x38;
	[tilespmem:$0x1FD80] =	vst v63  }
0x39: {  	s28 =	sand.u32 $0x7E00, s3;
	s22 =	sand.u32 $0x70, s3;
	_ =	swait.ge [sflag:s0], $0x2800  }
0x3a: {  	s23 =	sshrl.u32 s28, $0x2;
	s19 =	simm.s32 $0x40;
	[sflag:s0] =	ssyncset.done $0x0  }
0x3b: {  	s23 =	sor.u32 s22, s23;
	s22 =	simm.s32 $0x0;
	[sflag:s0] =	ssyncadd.s32 $0xFFFFD800  }
.LBB2_2:
0x3c: {  	p1 =	sne.s32 s19, $0x5FC0  }
0x3d: {  	[tilespmem:s23+$0x1E580] =	vst v0;
	s22 =	sadd.s32 $0x10, s22;
	s23 =	smov.u32 s19;
	s19 =	sadd.s32 $0x40, s19  }
.Ltmp2:
0x3e: {  	(pc) =	sbr.rel @p1 .LBB2_2-.Ltmp2, $4  }
0x3f: {  	_ = 	snop  }
0x40: {  	s23 =	sand.u32 $0x7E00, s23  }
0x41: {  	s26 =	sand.u32 $0x70, s22;
	s23 =	sshrl.u32 s23, $0x2  }
0x42: {  	s23 =	sor.u32 s26, s23  }
0x43: {  	[tilespmem:s23+$0x1E580] =	vst v0  }
0x44: {  	[spmem:s5] =	stream.linear.scatter [tilespmem:s6], [sflag:$0x7], $0x1800, $0x38;
	[tilespmem:$0x1FD80] =	vst v63  }
0x45: {  	_ =	swait.ge [sflag:s0], $0x1800  }
0x46: {  	[sflag:s0] =	ssyncset.done $0x0  }
0x47: {  	s19 =	rddreg [dreg:$0x4];
	[sflag:s0] =	ssyncadd.s32 $0xFFFFE800  }
0x48: {  	[spmem:s19] =	stream.linear.scatter [tilespmem:s6], [sflag:$0x7], $0x1800, $0x38;
	[tilespmem:$0x1FD80] =	vst v63  }
0x49: {  	_ =	swait.ge [sflag:s0], $0x1800  }
0x4a: {  	[sflag:s0] =	ssyncset.done $0x0  }
0x4b: {  	s22 =	rddreg [dreg:$0x5];
	[sflag:s0] =	ssyncadd.s32 $0xFFFFE800  }
0x4c: {  	[spmem:s22] =	stream.linear.scatter [tilespmem:s6], [sflag:$0x7], $0x1800, $0x38;
	[tilespmem:$0x1FD80] =	vst v63  }
0x4d: {  	_ =	swait.ge [sflag:s0], $0x1800  }
0x4e: {  	[sflag:s0] =	ssyncset.done $0x0  }
0x4f: {  	s23 =	rddreg [dreg:$0x6];
	[sflag:s0] =	ssyncadd.s32 $0xFFFFE800  }
0x50: {  	[spmem:s23] =	stream.linear.scatter [tilespmem:s6], [sflag:$0x7], $0x1800, $0x38;
	[tilespmem:$0x1FD80] =	vst v63  }
0x51: {  	_ =	swait.ge [sflag:s0], $0x1800  }
0x52: {  	[sflag:s0] =	ssyncset.done $0x0  }
0x53: {  	s26 =	rddreg [dreg:$0x7];
	[sflag:s0] =	ssyncadd.s32 $0xFFFFE800  }
0x54: {  	[spmem:s26] =	stream.linear.scatter [tilespmem:s6], [sflag:$0x7], $0x1800, $0x38;
	[tilespmem:$0x1FD80] =	vst v63  }
0x55: {  	_ =	swait.ge [sflag:s0], $0x1800  }
0x56: {  	[sflag:s0] =	ssyncset.done $0x0  }
0x57: {  	s28 =	rddreg [dreg:$0x8];
	[sflag:s0] =	ssyncadd.s32 $0xFFFFE800  }
0x58: {  	[spmem:s28] =	stream.linear.scatter [tilespmem:s6], [sflag:$0x7], $0x1800, $0x38;
	[tilespmem:$0x1FD80] =	vst v63  }
0x59: {  	_ =	swait.ge [sflag:s0], $0x1800  }
0x5a: {  	[sflag:s0] =	ssyncset.done $0x0  }
0x5b: {  	s22 =	rddreg [dreg:$0x9];
	[sflag:s0] =	ssyncadd.s32 $0xFFFFE800  }
0x5c: {  	[spmem:s22] =	stream.linear.scatter [tilespmem:s6], [sflag:$0x7], $0x1800, $0x38;
	[tilespmem:$0x1FD80] =	vst v63  }
0x5d: {  	_ =	swait.ge [sflag:s0], $0x1800  }
0x5e: {  	[sflag:s0] =	ssyncset.done $0x0  }
0x5f: {  	s23 =	rddreg [dreg:$0xa];
	[sflag:s0] =	ssyncadd.s32 $0xFFFFE800  }
0x60: {  	[spmem:s23] =	stream.linear.scatter [tilespmem:s6], [sflag:$0x7], $0x1800, $0x38;
	[tilespmem:$0x1FD80] =	vst v63  }
0x61: {  	_ =	swait.ge [sflag:s0], $0x1800  }
0x62: {  	[sflag:s0] =	ssyncset.done $0x0  }
0x63: {  	s26 =	rddreg [dreg:$0xb];
	[sflag:s0] =	ssyncadd.s32 $0xFFFFE800  }
0x64: {  	[spmem:s26] =	stream.linear.scatter [tilespmem:s6], [sflag:$0x7], $0x1800, $0x38;
	[tilespmem:$0x1FD80] =	vst v63  }
0x65: {  	_ =	swait.ge [sflag:s0], $0x1800  }
0x66: {  	[sflag:s0] =	ssyncset.done $0x0  }
0x67: {  	s28 =	rddreg [dreg:$0xc];
	[sflag:s0] =	ssyncadd.s32 $0xFFFFE800  }
0x68: {  	[spmem:s28] =	stream.linear.scatter [tilespmem:s6], [sflag:$0x7], $0x1800, $0x38;
	[tilespmem:$0x1FD80] =	vst v63  }
0x69: {  	_ =	swait.ge [sflag:s0], $0x1800  }
0x6a: {  	[sflag:s0] =	ssyncset.done $0x0  }
0x6b: {  	s22 =	rddreg [dreg:$0xd];
	[sflag:s0] =	ssyncadd.s32 $0xFFFFE800  }
0x6c: {  	[spmem:s22] =	stream.linear.scatter [tilespmem:s6], [sflag:$0x7], $0x1800, $0x38;
	[tilespmem:$0x1FD80] =	vst v63  }
0x6d: {  	_ =	swait.ge [sflag:s0], $0x1800  }
0x6e: {  	[sflag:s0] =	ssyncset.done $0x0  }
0x6f: {  	s23 =	rddreg [dreg:$0xe];
	[sflag:s0] =	ssyncadd.s32 $0xFFFFE800  }
0x70: {  	[spmem:s23] =	stream.linear.scatter [tilespmem:s6], [sflag:$0x7], $0x1800, $0x38;
	[tilespmem:$0x1FD80] =	vst v63  }
0x71: {  	_ =	swait.ge [sflag:s0], $0x1800  }
0x72: {  	[sflag:s0] =	ssyncset.done $0x0  }
0x73: {  	s26 =	rddreg [dreg:$0x10];
	[sflag:s0] =	ssyncadd.s32 $0xFFFFE800  }
0x74: {  	[spmem:s26] =	stream.linear.scatter [tilespmem:s6], [sflag:$0x7], $0x1800, $0x38;
	[tilespmem:$0x1FD80] =	vst v63  }
0x75: {  	_ =	swait.ge [sflag:s0], $0x1800  }
0x76: {  	[sflag:s0] =	ssyncset.done $0x0  }
0x77: {  	s19 =	simm.s32 @!p0 $0x1E580;
	s22 =	simm.s32 @!p0 $0x7;
	[sflag:s0] =	ssyncadd.s32 $0xFFFFE800  }
0x78: {  	[spmem:s20] =	stream.linear.scatter @!p0 [tilespmem:s19], [sflag:$0x7], $0x1800, $0x38;
	[tilespmem:$0x1FD80] =	vst v63  }
0x79: {  	_ =	swait.ge @!p0 [sflag:s22], $0x1800  }
0x7a: {  	[sflag:s22] =	ssyncset.done @!p0 $0x0  }
0x7b: {  	s23 =	rddreg [dreg:$0x13];
	[sflag:s22] =	ssyncadd.s32 @!p0 $0xFFFFE800  }
0x7c: {  	[spmem:s23] =	stream.linear.scatter @!p0 [tilespmem:s19], [sflag:$0x7], $0x1800, $0x38;
	[tilespmem:$0x1FD80] =	vst v63  }
0x7d: {  	_ =	swait.ge @!p0 [sflag:s22], $0x1800  }
0x7e: {  	[sflag:s22] =	ssyncset.done @!p0 $0x0  }
0x7f: {  	s23 =	rddreg [dreg:$0x14];
	[sflag:s22] =	ssyncadd.s32 @!p0 $0xFFFFE800  }
0x80: {  	[spmem:s23] =	stream.linear.scatter @!p0 [tilespmem:s19], [sflag:$0x7], $0x1800, $0x38;
	[tilespmem:$0x1FD80] =	vst v63  }
0x81: {  	_ =	swait.ge @!p0 [sflag:s22], $0x1800  }
0x82: {  	[sflag:s22] =	ssyncset.done @!p0 $0x0  }
0x83: {  	[sflag:s22] =	ssyncadd.s32 @!p0 $0xFFFFE800  }
0x84: {  	s19 =	simm.s32 $0x0;
	[bflag:$0x0] =	sbarrier.arrive $0xFFFF  }
0x85: {  	[tilespmem:s7], [sflag:$0x7] =	stream.linear.gather [hbm4b:s21+s19], $0x80, $0x38;
	[tilespmem:$0x1FD80] =	vst v63  }
0x86: {  	_ =	swait.ge [sflag:s0], $0x80  }
0x87: {  	[sflag:s0] =	ssyncset.done $0x0  }
0x88: {  	[sflag:s0] =	ssyncadd.s32 $0xFFFFFF80  }
0x89: {  	[tilespmem:s8], [sflag:$0x4] =	stream.linear.gather [hbm4b:s29+s19], $0x80, $0x38;
	[tilespmem:$0x1FD80] =	vst v63  }
0x8a: {  	_ = 	snop  }
0x8b: {  	[tilespmem:s10], [sflag:$0x1] =	stream.indirect.gather [hbm4b:s4+s9], $0x80, s7, s9, $0xb8;
	[tilespmem:$0x1FD80] =	vst v63  }
0x8c: {  	_ =	swait.ge [sflag:s11], $0x4000  }
0x8d: {  	[sflag:s11] =	ssyncset.done $0x0  }
0x8e: {  	[sflag:s11] =	ssyncadd.s32 $0xFFFFC000  }
0x8f: {  	[tilespmem:s7], [sflag:$0x3] =	stream.linear.gather [hbm4b:s30+s19], $0x80, $0x38;
	[tilespmem:$0x1FD80] =	vst v63  }
0x90: {  	_ = 	snop  }
0x91: {  	[spmem:s2] =	stream.indirect.scatter.add.f32 [tilespmem:s10], [sflag:$0x5], $0x80, s1, s9, $0xb8;
	[tilespmem:$0x1FD80] =	vst v63  }
0x92: {  	_ =	swait.ge [sflag:s12], $0x80  }
0x93: {  	[sflag:s12] =	ssyncset.done $0x0  }
0x94: {  	[sflag:s12] =	ssyncadd.s32 $0xFFFFFF80  }
0x95: {  	[tilespmem:s13], [sflag:$0x2] =	stream.indirect.gather [hbm4b:s4+s9], $0x80, s8, s9, $0xb8;
	[tilespmem:$0x1FD80] =	vst v63  }
0x96: {  	_ =	swait.ge [sflag:s14], $0x4000  }
0x97: {  	[sflag:s14] =	ssyncset.done $0x0  }
0x98: {  	[sflag:s14] =	ssyncadd.s32 $0xFFFFC000  }
0x99: {  	[tilespmem:s8], [sflag:$0x4] =	stream.linear.gather [hbm4b:s31+s19], $0x80, $0x38;
	[tilespmem:$0x1FD80] =	vst v63  }
0x9a: {  	s28 =	simm.s32 $0x1BE00  }
0x9b: {  	[spmem:s2] =	stream.indirect.scatter.add.f32 [tilespmem:s13], [sflag:$0x6], $0x80, s28, s9, $0xb8;
	[tilespmem:$0x1FD80] =	vst v63  }
0x9c: {  	_ =	swait.ge [sflag:s15], $0x80  }
0x9d: {  	[sflag:s15] =	ssyncset.done $0x0  }
0x9e: {  	[sflag:s15] =	ssyncadd.s32 $0xFFFFFF80  }
0x9f: {  	_ =	swait.ge [sflag:s16], $0x4000  }
0xa0: {  	[sflag:s16] =	ssyncset.done $0x0  }
0xa1: {  	s22 =	simm.s32 $0x1BF00;
	[sflag:s16] =	ssyncadd.s32 $0xFFFFC000  }
0xa2: {  	[tilespmem:s10], [sflag:$0x1] =	stream.indirect.gather [hbm4b:s4+s9], $0x80, s7, s9, $0xb8;
	[tilespmem:$0x1FD80] =	vst v63  }
.LBB2_4:
0xa3: {  	_ =	swait.ge [sflag:s11], $0x4000;
	p1 =	seq.s32 s19, $0x4C0  }
0xa4: {  	[sflag:s11] =	ssyncset.done $0x0;
	s23 =	sadd.s32 @!p1 s19, s25  }
0xa5: {  	s26 =	simm.s32 @!p1 $0x0;
	s28 =	simm.s32 @!p1 $0x1BC80;
	[sflag:s11] =	ssyncadd.s32 $0xFFFFC000  }
0xa6: {  	[tilespmem:s28], [sflag:$0x3] =	stream.linear.gather @!p1 [hbm4b:s23+s26], $0x80, $0x38;
	[tilespmem:$0x1FD80] =	vst v63  }
0xa7: {  	s28 =	sadd.s32 $0xFFFFFF80, s22  }
0xa8: {  	[spmem:s2] =	stream.indirect.scatter.add.f32 [tilespmem:s10], [sflag:$0x5], $0x80, s28, s9, $0xb8;
	[tilespmem:$0x1FD80] =	vst v63  }
0xa9: {  	_ =	swait.ge [sflag:s12], $0x80  }
0xaa: {  	[sflag:s12] =	ssyncset.done $0x0  }
0xab: {  	[sflag:s12] =	ssyncadd.s32 $0xFFFFFF80  }
0xac: {  	_ =	swait.ge [sflag:s17], $0x4000  }
0xad: {  	[sflag:s17] =	ssyncset.done $0x0  }
.Ltmp3:
0xae: {  	[sflag:s17] =	ssyncadd.s32 $0xFFFFC000;
	(pc) =	sbr.rel @p1 .LBB2_6-.Ltmp3, $4  }
0xaf: {  	[tilespmem:s13], [sflag:$0x2] =	stream.indirect.gather [hbm4b:s4+s9], $0x80, s8, s9, $0xb8;
	[tilespmem:$0x1FD80] =	vst v63  }
0xb0: {  	_ =	swait.ge [sflag:s14], $0x4000  }
0xb1: {  	[sflag:s14] =	ssyncset.done $0x0  }
0xb2: {  	[sflag:s14] =	ssyncadd.s32 $0xFFFFC000  }
0xb3: {  	s23 =	sadd.s32 s19, s24  }
0xb4: {  	[tilespmem:s8], [sflag:$0x4] =	stream.linear.gather [hbm4b:s23+s3], $0x80, $0x38;
	[tilespmem:$0x1FD80] =	vst v63  }
0xb5: {  	_ = 	snop  }
0xb6: {  	[spmem:s2] =	stream.indirect.scatter.add.f32 [tilespmem:s13], [sflag:$0x6], $0x80, s22, s9, $0xb8;
	[tilespmem:$0x1FD80] =	vst v63  }
0xb7: {  	_ =	swait.ge [sflag:s15], $0x80  }
0xb8: {  	[sflag:s15] =	ssyncset.done $0x0  }
.Ltmp4:
0xb9: {  	[sflag:s15] =	ssyncadd.s32 $0xFFFFFF80;
	(pc) =	sbr.rel .LBB2_4-.Ltmp4, $4  }
0xba: {  	_ =	swait.ge [sflag:s16], $0x4000  }
0xbb: {  	[sflag:s16] =	ssyncset.done $0x0  }
0xbc: {  	s19 =	sadd.s32 $0x20, s19;
	s22 =	sadd.s32 $0x100, s22;
	[sflag:s16] =	ssyncadd.s32 $0xFFFFC000  }
0xbd: {  	[tilespmem:s10], [sflag:$0x1] =	stream.indirect.gather [hbm4b:s4+s9], $0x80, s7, s9, $0xb8;
	[tilespmem:$0x1FD80] =	vst v63  }
.LBB2_7:
0xbe: {  	_ =	sfence.sel $0x180000  }
0xbf: {  	[bflag:$0x0] =	sbarrier.arrive $0xFFFF  }
0xc0: {  	_ =	strace $0x9000004D  }
0xc1: {  	s0 =	stileid.u32;
	[bflag:$0x2] =	sbarrier.arrive $0xFFFF  }
0xc2: {  	p0 =	sne.s32 s0, $0x0;
	s0 =	rddreg [dreg:$0x2]  }
0xc3: {  	s0 =	sadd.s32 @!p0 $0x100000, s0  }
0xc4: {  	[sflag:s0] =	ssyncadd.tile.s32 @!p0 $0x1;
	_ =	shalt  }
.Lfunc_end2:
_tile_overlayer_lowered:
.L_overlay_start_2:
0xc5: {  	(tag) =	ssettag $0x2  }
0xc6: {  	s0 =	rddreg [dreg:$0x0];
	s2 =	stileid.u32  }
0xc7: {  	s1 =	rddreg [dreg:$0x1];
	p0 =	sne.s32 s2, $0x0  }
0xc8: {  	s3 =	rddreg [dreg:$0x2];
	[bflag:$0x3] =	sbarrier.arrive $0xFFFF;
	s2 =	simm.s32 @!p0 $0x1C07  }
0xc9: {  	[timem:s3], [sflag:s2] =	dma.local @!p0 [hbm:s0], s1  }
0xca: {  	s0 =	simm.s32 @!p0 $0x7  }
0xcb: {  	_ =	swait.ge @!p0 [sflag:s0], s1  }
0xcc: {  	s1 =	ssub.s32 @!p0 $0x0, s1;
	[sflag:s0] =	ssyncset.done @!p0 $0x0  }
0xcd: {  	[sflag:s0] =	ssyncadd.s32 @!p0 s1  }
0xce: {  	[bflag:$0x3] =	sbarrier.arrive $0xFFFF  }
0xcf: {  	_ =	shalt  }

// kernel: kernel.21.cloned.1.call-start
scs
__scs_entry_jumppad:
0x0: {  	(pc) =	sbr.rel $0x88, $3  }
0x1: {  	(tag) =	ssettag $0x0;
	lr =	simm.s32 $0x1  }
0x2: {  	[smem:$0x3F97] =	sst lr;
	_ =	strace $0xD0000000  }
0x3: {  	_ = 	snop  }
0x4: {  	_ = 	snop  }
0x5: {  	_ = 	snop  }
0x6: {  	_ = 	snop  }
0x7: {  	_ = 	snop  }
__scs_overlays_trampoline_lowered:
0x8: {  	[smem:$0x3FA6] =	sst s0  }
0x9: {  	[smem:$0x3FA7] =	sst s1  }
0xa: {  	[smem:$0x3FA8] =	sst s2  }
0xb: {  	[smem:$0x3FA9] =	sst s3  }
0xc: {  	[smem:$0x3FAA] =	sst s4  }
0xd: {  	[smem:$0x3FAB] =	sst s5  }
0xe: {  	[smem:$0x3FAC] =	sst s6  }
0xf: {  	[smem:$0x3FAD] =	sst s7  }
0x10: {  	[smem:$0x3FAE] =	sst s8  }
0x11: {  	[smem:$0x3FAF] =	sst s9;
	s0 =	simm.s32 @!p0 $0x0  }
0x12: {  	s1 =	sld [smem:$0x3F95];
	s0 =	simm.s32 @p0 $0x1  }
0x13: {  	[smem:$0x3FB0] =	sst s0;
	s0 =	simm.s32 @!p1 $0x0  }
0x14: {  	s2 =	sld [smem:$0x3F94];
	s0 =	simm.s32 @p1 $0x1  }
0x15: {  	[smem:$0x3FB1] =	sst s0;
	s0 =	simm.s32 @!p2 $0x0  }
0x16: {  	s3 =	sld [smem:$0x3FDB];
	s0 =	simm.s32 @p2 $0x1  }
0x17: {  	s4 =	simm.s32 $0x1BF5;
	[smem:$0x3FB3] =	sst s0  }
0x18: {  	s0 =	sld [smem:$0x3F96];
	_ =	swait.ge [sflag:s4], $0x0  }
0x19: {  	s7 =	sld [smem:$0x3F97]  }
0x1a: {  	s8 =	sadd.s32 $0xFFFFE003, lr  }
0x1b: {  	s9 =	sadd.s32 $0xFFFFFEF7, lr;
	s5 =	simm.s32 $0xFFFFFFFF;
	p2 =	slt.u32 s8, $0xFFFFF086  }
0x1c: {  	p1 =	slt.u32 s9, $0xF7A;
	s5 =	simm.s32 @!p2 $0x0  }
0x1d: {  	s5 =	simm.s32 @p1 $0x1;
	p0 =	seq.s32 s7, s2  }
0x1e: {  	s7 =	smul.u32 @!p0 $0xF7A, s2;
	p2 =	seq.s32 @!p0 s5, $0x0  }
0x1f: {  	s9 =	smul.u32 $0xF7A, s1;
	s8 =	simm.s32 @!p0 $0x1BF5;
	p2 =	por !p2, p0  }
0x20: {  	[sflag:s8] =	ssyncset.s32 @!p0 $0xFFFFF086;
	s6 =	sadd.s32 @!p0 s3, s7;
	s7 =	simm.s32 @!p0 $0x108  }
0x21: {  	s3 =	sadd.s32 s3, s9;
	s6 =	sadd.s32 @!p0 $0x88, s6;
	s7 =	simm.s32 @p2 $0x1082  }
0x22: {  	[simem:s7], [sflag:s8] =	dma.local @!p0 [hbm:s6], $0xF7A  }
0x23: {  	s9 =	sor.u32 $0xD0000000, s2;
	s6 =	simm.s32 $0x108;
	_ =	swait.ge @!p0 [sflag:s8], $0x0  }
0x24: {  	s3 =	sadd.s32 $0x88, s3;
	s6 =	simm.s32 @!p1 $0x1082;
	[sflag:s4] =	ssyncset.s32 $0xFFFFF086  }
0x25: {  	[simem:s6], [sflag:s4] =	dma.local [hbm:s3], $0xF7A  }
0x26: {  	[smem:$0x3F97] =	sst s1;
	(tag) =	ssettag s2;
	_ =	strace s9  }
0x27: {  	s1 =	sld [smem:$0x3FA7]  }
0x28: {  	s2 =	sld [smem:$0x3FA8]  }
0x29: {  	s4 =	sld [smem:$0x3FAA]  }
0x2a: {  	p0 =	seq.s32 s5, $0x0;
	s5 =	sld [smem:$0x3FAB]  }
0x2b: {  	s6 =	sld [smem:$0x3FAC]  }
0x2c: {  	s7 =	sld [smem:$0x3FAD]  }
0x2d: {  	s3 =	simm.s32 $0x108;
	s8 =	sld [smem:$0x3FAE]  }
0x2e: {  	s3 =	simm.s32 @!p0 $0x1082;
	s9 =	sld [smem:$0x3FAF]  }
0x2f: {  	lr =	sadd.s32 s0, s3;
	s0 =	sld [smem:$0x3FA6]  }
0x30: {  	s3 =	sld [smem:$0x3FA9]  }
0x31: {  	[smem:$0x3FB2] =	sst s10  }
0x32: {  	s10 =	sld [smem:$0x3FB0];
	_ =	sdelay $0x3  }
0x33: {  	p0 =	seq.s32 s10, $0x1;
	s10 =	sld [smem:$0x3FB2];
	_ =	sdelay $0x3  }
0x34: {  	[smem:$0x3FB2] =	sst s10  }
0x35: {  	s10 =	sld [smem:$0x3FB1];
	_ =	sdelay $0x3  }
0x36: {  	p1 =	seq.s32 s10, $0x1;
	s10 =	sld [smem:$0x3FB2];
	_ =	sdelay $0x3  }
0x37: {  	[smem:$0x3FB2] =	sst s10  }
0x38: {  	s10 =	sld [smem:$0x3FB3]  }
0x39: {  	_ = 	snop;
	(pc) =	sbr.ind lr, $3  }
0x3a: {  	_ = 	snop  }
0x3b: {  	_ = 	snop  }
0x3c: {  	p2 =	seq.s32 s10, $0x1;
	s10 =	sld [smem:$0x3FB2]  }
0x3d: {  	_ =	shalt  }
0x3e: {  	_ =	shalt  }
0x3f: {  	_ =	shalt  }
0x40: {  	_ =	shalt  }
0x41: {  	_ =	shalt  }
0x42: {  	_ =	shalt  }
0x43: {  	_ =	shalt  }
0x44: {  	_ =	shalt  }
0x45: {  	_ =	shalt  }
0x46: {  	_ =	shalt  }
0x47: {  	_ =	shalt  }
0x48: {  	_ =	shalt  }
0x49: {  	_ =	shalt  }
0x4a: {  	_ =	shalt  }
0x4b: {  	_ =	shalt  }
0x4c: {  	_ =	shalt  }
0x4d: {  	_ =	shalt  }
0x4e: {  	_ =	shalt  }
0x4f: {  	_ =	shalt  }
0x50: {  	_ =	shalt  }
0x51: {  	_ =	shalt  }
0x52: {  	_ =	shalt  }
0x53: {  	_ =	shalt  }
0x54: {  	_ =	shalt  }
0x55: {  	_ =	shalt  }
0x56: {  	_ =	shalt  }
0x57: {  	_ =	shalt  }
0x58: {  	_ =	shalt  }
0x59: {  	_ =	shalt  }
0x5a: {  	_ =	shalt  }
0x5b: {  	_ =	shalt  }
0x5c: {  	_ =	shalt  }
0x5d: {  	_ =	shalt  }
0x5e: {  	_ =	shalt  }
0x5f: {  	_ =	shalt  }
0x60: {  	_ =	shalt  }
0x61: {  	_ =	shalt  }
0x62: {  	_ =	shalt  }
0x63: {  	_ =	shalt  }
0x64: {  	_ =	shalt  }
0x65: {  	_ =	shalt  }
0x66: {  	_ =	shalt  }
0x67: {  	_ =	shalt  }
0x68: {  	_ =	shalt  }
0x69: {  	_ =	shalt  }
0x6a: {  	_ =	shalt  }
0x6b: {  	_ =	shalt  }
0x6c: {  	_ =	shalt  }
0x6d: {  	_ =	shalt  }
0x6e: {  	_ =	shalt  }
0x6f: {  	_ =	shalt  }
0x70: {  	_ =	shalt  }
0x71: {  	_ =	shalt  }
0x72: {  	_ =	shalt  }
0x73: {  	_ =	shalt  }
0x74: {  	_ =	shalt  }
0x75: {  	_ =	shalt  }
0x76: {  	_ =	shalt  }
0x77: {  	_ =	shalt  }
0x78: {  	_ =	shalt  }
0x79: {  	_ =	shalt  }
0x7a: {  	_ =	shalt  }
0x7b: {  	_ =	shalt  }
0x7c: {  	_ =	shalt  }
0x7d: {  	_ =	shalt  }
0x7e: {  	_ =	shalt  }
0x7f: {  	_ =	shalt  }
0x80: {  	_ =	shalt  }
0x81: {  	_ =	shalt  }
0x82: {  	_ =	shalt  }
0x83: {  	_ =	shalt  }
0x84: {  	_ =	shalt  }
0x85: {  	_ =	shalt  }
0x86: {  	_ =	shalt  }
0x87: {  	_ =	shalt  }
.Lfunc_end0:
.L_simem_size_0:
called_computation.3_lowered:
.L_overlay_start_0:
0x88: {  	s2 =	sld [smem:$0x3FD9]  }
0x89: {  	s3 =	sld [smem:$0x3FFE];
	_ =	sdelay $0x1  }
0x8a: {  	s1 =	srdreg.scid  }
0x8b: {  	s0 =	sand.u32 $0x1, s1  }
0x8c: {  	s16 =	sshll.u32 s0, $0xA;
	s2 =	sadd.s32 s3, s2  }
0x8d: {  	s2 =	sadd.s32 s2, s16  }
0x8e: {  	[smem:$0x3FBE] =	sst s2  }
0x8f: {  	_ = 	snop  }
0x90: {  	(tm) =	ssettm $0x1  }
0x91: {  	s17 =	sld [smem:$0x3FFB];
	_ =	sdelay $0x3  }
0x92: {  	_ =	strace s17  }
0x93: {  	s2 =	sld [smem:$0x3FFC];
	_ =	sdelay $0x3  }
0x94: {  	_ =	strace s2  }
0x95: {  	s2 =	sld [smem:$0x3FFD];
	_ =	sdelay $0x3  }
0x96: {  	_ =	strace s2  }
0x97: {  	_ =	strace $0x8FFFFFFF  }
0x98: {  	s18 =	sld [smem:$0x3FDB];
	_ =	sdelay $0x1  }
0x99: {  	s19 =	simm.s32 $_scs_section_size  }
0x9a: {  	s4 =	simm.s32 $_size__tile_overlayer_lowered;
	s5 =	simm.s32 $_tile_overlayer_lowered  }
0x9b: {  	s22 =	simm.s32 $0x1BFF;
	s21 =	sshll.u32 s5, $0x1;
	s2 =	sadd.s32 s19, s18  }
0x9c: {  	s6 =	simm.s32 $0x0;
	s20 =	sshll.u32 s4, $0x1;
	s4 =	sadd.s32 s21, s2  }
0x9d: {  	[timem:s6], [sflag:s22] =	dma.local [hbm:s4], s20  }
0x9e: {  	_ =	swait.ge [sflag:s22], s20  }
0x9f: {  	s3 =	ssub.s32 $0x0, s20;
	[sflag:s22] =	ssyncset.done $0x0  }
0xa0: {  	[sflag:s22] =	ssyncadd.s32 s3;
	_ =	sdelay $0x1  }
0xa1: {  	s23 =	simm.s32 $0x1B8B  }
0xa2: {  	_ =	swait.ge [sflag:s23], $0x1  }
0xa3: {  	[sflag:s23] =	ssyncset.done $0x0  }
0xa4: {  	s25 =	simm.s32 $0x1B8E;
	s24 =	sld [smem:$0x3FFE];
	[sflag:s23] =	ssyncadd.s32 $0xFFFFFFFF  }
0xa5: {  	s26 =	simm.s32 $execute0_lowered;
	[smem:$0x3FD2] =	sst s25  }
0xa6: {  	s4 =	sshll.u32 s26, $0x1;
	_ =	strace $0x8000004F;
	[dreg:$0x1] =	wrdreg $0xFFFFFFFF  }
0xa7: {  	s28 =	simm.s32 $_size_execute0_lowered;
	s2 =	sadd.s32 s2, s4;
	[dreg:$0x0] =	wrdreg $0x0  }
0xa8: {  	s4 =	sshll.u32 s28, $0x1;
	[dreg:$0x2] =	wrdreg s2  }
0xa9: {  	[dreg:$0x3] =	wrdreg s4  }
0xaa: {  	[dreg:$0x4] =	wrdreg $0xC0  }
0xab: {  	_ =	task [dreg:s6], $0x5FFFF  }
0xac: {  	[dreg:$0x1] =	wrdreg $0xFFFFFFFF  }
0xad: {  	[dreg:$0x0] =	wrdreg $0x60  }
0xae: {  	[dreg:$0x2] =	wrdreg s24  }
0xaf: {  	[dreg:$0x3] =	wrdreg $0x0  }
0xb0: {  	[dreg:$0x4] =	wrdreg $0x9  }
0xb1: {  	_ =	task.clear_ibuf [dreg:s6], $0x5FFFF;
	_ =	strace $0x9000004F  }
0xb2: {  	s29 =	simm.s32 $0x9;
	_ =	strace $0x80000051  }
0xb3: {  	_ =	swait.ge [sflag:s29], $0x1  }
0xb4: {  	[sflag:s29] =	ssyncadd.s32 $0xFFFFFFFF  }
0xb5: {  	_ =	strace $0x90000051  }
0xb6: {  	_ =	sfence  }
0xb7: {  	s30 =	sld [smem:$0x0];
	_ =	sdelay $0x2  }
0xb8: {  	s31 =	sshll.u32 s1, $0xD;
	s1 =	sshrl.u32 s1, $0x2  }
0xb9: {  	s3 =	sand.u32 $0x4000, s31;
	s1 =	sadd.s32 s1, s30  }
0xba: {  	s0 =	sor.u32 s3, s0;
	s1 =	sshll.u32 s1, $0x11  }
0xbb: {  	s0 =	sor.u32 s1, s0  }
0xbc: {  	s0 =	sadd.s32 $0x8F2B, s0  }
0xbd: {  	[sflag:s0] =	ssyncadd.remote.s32 $0x1  }
0xbe: {  	_ =	sfence.sel $0xFFFF  }
0xbf: {  	[dreg:$0x0] =	wrdreg $0xFFFFFFFF;
	(pc) =	sbr.abs _section_cstart, $3  }
0xc0: {  	[dreg:$0x1] =	wrdreg $0xFFFFFFFF  }
0xc1: {  	_ =	task.clear_ibuf [dreg:s6], $0x2FFFF;
	_ =	strace $0x9FFFFFFF  }
0xc2: {  	(tm) =	ssettm $0x7FFFFFFF  }
0xc3: {  	_ =	shalt  }
tec
execute0_lowered:
.L_overlay_start_1:
0x0: {  	(tag) =	ssettag $0x1  }
0x1: {  	s0 =	srdreg.scid  }
0x2: {  	s1 =	rddreg [dreg:$0x0];
	s12 =	stileid.u32  }
0x3: {  	s2 =	rddreg [dreg:$0x1];
	s5 =	smul.u32 $0x4E000, s12  }
0x4: {  	s0 =	sand.u32 $0x1, s0;
	s7 =	sadd.s32 $0x3200, s1;
	s18 =	smul.u32 $0x13800, s12  }
0x5: {  	s23 =	smul.u32 $0x50, s12;
	p0 =	sne.s32 s12, $0xF;
	s26 =	sadd.s32 $0x139800, s2  }
0x6: {  	s28 =	sadd.s32 $0x13B000, s2;
	s3 =	sshll.u32 s0, $0x4;
	s15 =	smul.u32 $0x138800, s0  }
0x7: {  	s9 =	ssub.s32 $0x2, s0;
	s0 =	smul.u32 $0x500, s0;
	s4 =	sor.u32 s12, s3  }
0x8: {  	s3 =	simm.s32 $0x0;
	s5 =	sshrl.u32 s5, $0x2;
	s10 =	sshrl.u32 s9, $0x1  }
0x9: {  	s12 =	simm.s32 $0x4;
	s6 =	smul.u32 $0x500, s4;
	[smem:$0x7FF] =	sst s3  }
0xa: {  	s4 =	sadd.s32 $0x17200, s1;
	s5 =	sadd.s32 s5, s2;
	s9 =	ssub.s32 s9, s10  }
0xb: {  	s10 =	sadd.s32 s18, s15;
	_ =	strace $0x80000050;
	[dreg:$0x13] =	wrdreg s26  }
0xc: {  	s0 =	sadd.s32 s23, s0;
	s11 =	sadd.s32 $0x1800, s5;
	[dreg:$0x14] =	wrdreg s28  }
0xd: {  	s18 =	simm.s32 $0x0;
	s13 =	sadd.s32 $0x3000, s5;
	[dreg:$0x4] =	wrdreg s11  }
0xe: {  	s14 =	sadd.s32 $0x4800, s5;
	s16 =	sadd.s32 $0x6000, s5;
	[dreg:$0x5] =	wrdreg s13  }
0xf: {  	s17 =	sadd.s32 $0x7800, s5;
	s19 =	sadd.s32 $0xA800, s5;
	[dreg:$0x6] =	wrdreg s14  }
0x10: {  	s20 =	sadd.s32 $0xC000, s5;
	s21 =	sadd.s32 $0xD800, s5;
	[dreg:$0x7] =	wrdreg s16  }
0x11: {  	s22 =	sadd.s32 $0xF000, s5;
	s10 =	sshrl.u32 s10, $0x3;
	[dreg:$0x8] =	wrdreg s17  }
0x12: {  	s24 =	sadd.s32 $0x12000, s5;
	s0 =	sshll.u32 s0, $0x4;
	[dreg:$0xa] =	wrdreg s19  }
0x13: {  	s25 =	smax.u32 s9, $0x1;
	s9 =	simm.s32 $0x80;
	[dreg:$0xb] =	wrdreg s20  }
0x14: {  	s8 =	sadd.s32 s6, s1;
	s1 =	sadd.s32 $0x3E400, s1;
	[dreg:$0xc] =	wrdreg s21  }
0x15: {  	s11 =	sadd.s32 $0x9000, s5;
	[dreg:$0xd] =	wrdreg s22;
	s13 =	sadd.s32 $0x10800, s5  }
0x16: {  	[dreg:$0x10] =	wrdreg s24;
	s20 =	sadd.s32 $0x138000, s2;
	s21 =	sadd.s32 s7, s6  }
0x17: {  	[dreg:$0x12] =	wrdreg s25;
	s0 =	sadd.s32 s0, s7;
	s6 =	simm.s32 $0x1E580  }
0x18: {  	s7 =	simm.s32 $0x1BC80;
	s14 =	simm.s32 $0x2;
	s16 =	simm.s32 $0x5  }
0x19: {  	s17 =	simm.s32 $0x6;
	s8 =	sadd.s32 $0xD200, s8;
	[dreg:$0x9] =	wrdreg s11  }
0x1a: {  	[dreg:$0xe] =	wrdreg s13;
	s10 =	sadd.s32 s1, s10;
	s24 =	sadd.s32 $0x50, s0  }
0x1b: {  	s25 =	sadd.s32 $0x40, s0;
	s29 =	sadd.s32 $0x10, s21;
	s30 =	sadd.s32 $0x20, s21  }
.Ltmp0:
0x1c: {  	s31 =	sadd.s32 $0x30, s21;
	s0 =	simm.s32 $0x7;
	(pc) =	sbr.rel .LBB2_1-.Ltmp0, $4  }
0x1d: {  	s11 =	simm.s32 $0x1;
	[dreg:$0x3] =	wrdreg s8;
	s8 =	sshrl.u32 s15, $0x3  }
0x1e: {  	s13 =	simm.s32 $0x17C80;
	[dreg:$0xf] =	wrdreg s10;
	s1 =	sadd.s32 s1, s8  }
0x1f: {  	s10 =	simm.s32 $0x13C80;
	s15 =	simm.s32 $0x3;
	s1 =	sadd.s32 $0x27000, s1  }
0x20: {  	v0 =	vimm.f32 $0.0e+00;
	s8 =	simm.s32 $0x1BD00;
	[dreg:$0x11] =	wrdreg s1;
	s1 =	simm.s32 $0x1BD80  }
.LBB2_6:
0x21: {  	[spmem:s2] =	stream.indirect.scatter.add.f32 [tilespmem:s13], [sflag:$0x6], $0x80, s22, s9, $0xb8;
	[tilespmem:$0x1FD80] =	vst v63  }
0x22: {  	_ =	swait.ge [sflag:s16], $0x4000  }
0x23: {  	[sflag:s16] =	ssyncset.done $0x0  }
0x24: {  	[sflag:s16] =	ssyncadd.s32 $0xFFFFC000  }
0x25: {  	_ =	swait.ge [sflag:s17], $0x4000  }
0x26: {  	[sflag:s17] =	ssyncset.done $0x0  }
0x27: {  	s19 =	stileid.u32;
	[sflag:s17] =	ssyncadd.s32 $0xFFFFC000  }
0x28: {  	s19 =	sshll.u32 s19, $0x6;
	[bflag:$0x0] =	sbarrier.arrive $0xFFFF  }
0x29: {  	s26 =	sshrl.u32 s5, $0x3;
	s19 =	sor.u32 $0x1C07, s19;
	s23 =	rddreg [dreg:$0xf]  }
0x2a: {  	[hbm:s23], [sflag:s19] =	dma.local [spmem:s26], $0x2700  }
0x2b: {  	_ =	swait.ge [sflag:s0], $0x2700  }
0x2c: {  	[sflag:s0] =	ssyncset.done $0x0  }
0x2d: {  	s22 =	sshrl.u32 @!p0 s20, $0x3;
	s23 =	rddreg [dreg:$0x11];
	[sflag:s0] =	ssyncadd.s32 $0xFFFFD900  }
0x2e: {  	[hbm:s23], [sflag:s19] =	dma.local @!p0 [spmem:s22], $0x100  }
0x2f: {  	s19 =	simm.s32 @!p0 $0x7  }
0x30: {  	_ =	swait.ge @!p0 [sflag:s19], $0x100  }
0x31: {  	s18 =	sadd.s32 $0x1, s18;
	s28 =	rddreg [dreg:$0x12]  }
0x32: {  	p1 =	sne.s32 s18, s28  }
.Ltmp1:
0x33: {  	_ = 	snop;
	(pc) =	sbr.rel @!p1 .LBB2_7-.Ltmp1, $3  }
0x34: {  	_ =	sdelay $0x1  }
0x35: {  	[sflag:s19] =	ssyncset.done @!p0 $0x0  }
0x36: {  	[sflag:s19] =	ssyncadd.s32 @!p0 $0xFFFFFF00  }
.LBB2_1:
0x37: {  	s19 =	rddreg [dreg:$0x3]  }
0x38: {  	[tilespmem:s1], [sflag:$0x7] =	stream.linear.gather [hbm4b:s19+s3], $0x2800, $0x38;
	[tilespmem:$0x1FD80] =	vst v63  }
0x39: {  	s28 =	sand.u32 $0x7E00, s3;
	s22 =	sand.u32 $0x70, s3;
	_ =	swait.ge [sflag:s0], $0x2800  }
0x3a: {  	s23 =	sshrl.u32 s28, $0x2;
	s19 =	simm.s32 $0x40;
	[sflag:s0] =	ssyncset.done $0x0  }
0x3b: {  	s23 =	sor.u32 s22, s23;
	s22 =	simm.s32 $0x0;
	[sflag:s0] =	ssyncadd.s32 $0xFFFFD800  }
.LBB2_2:
0x3c: {  	p1 =	sne.s32 s19, $0x5FC0  }
0x3d: {  	[tilespmem:s23+$0x1E580] =	vst v0;
	s22 =	sadd.s32 $0x10, s22;
	s23 =	smov.u32 s19;
	s19 =	sadd.s32 $0x40, s19  }
.Ltmp2:
0x3e: {  	(pc) =	sbr.rel @p1 .LBB2_2-.Ltmp2, $4  }
0x3f: {  	_ = 	snop  }
0x40: {  	s23 =	sand.u32 $0x7E00, s23  }
0x41: {  	s26 =	sand.u32 $0x70, s22;
	s23 =	sshrl.u32 s23, $0x2  }
0x42: {  	s23 =	sor.u32 s26, s23  }
0x43: {  	[tilespmem:s23+$0x1E580] =	vst v0  }
0x44: {  	[spmem:s5] =	stream.linear.scatter [tilespmem:s6], [sflag:$0x7], $0x1800, $0x38;
	[tilespmem:$0x1FD80] =	vst v63  }
0x45: {  	_ =	swait.ge [sflag:s0], $0x1800  }
0x46: {  	[sflag:s0] =	ssyncset.done $0x0  }
0x47: {  	s19 =	rddreg [dreg:$0x4];
	[sflag:s0] =	ssyncadd.s32 $0xFFFFE800  }
0x48: {  	[spmem:s19] =	stream.linear.scatter [tilespmem:s6], [sflag:$0x7], $0x1800, $0x38;
	[tilespmem:$0x1FD80] =	vst v63  }
0x49: {  	_ =	swait.ge [sflag:s0], $0x1800  }
0x4a: {  	[sflag:s0] =	ssyncset.done $0x0  }
0x4b: {  	s22 =	rddreg [dreg:$0x5];
	[sflag:s0] =	ssyncadd.s32 $0xFFFFE800  }
0x4c: {  	[spmem:s22] =	stream.linear.scatter [tilespmem:s6], [sflag:$0x7], $0x1800, $0x38;
	[tilespmem:$0x1FD80] =	vst v63  }
0x4d: {  	_ =	swait.ge [sflag:s0], $0x1800  }
0x4e: {  	[sflag:s0] =	ssyncset.done $0x0  }
0x4f: {  	s23 =	rddreg [dreg:$0x6];
	[sflag:s0] =	ssyncadd.s32 $0xFFFFE800  }
0x50: {  	[spmem:s23] =	stream.linear.scatter [tilespmem:s6], [sflag:$0x7], $0x1800, $0x38;
	[tilespmem:$0x1FD80] =	vst v63  }
0x51: {  	_ =	swait.ge [sflag:s0], $0x1800  }
0x52: {  	[sflag:s0] =	ssyncset.done $0x0  }
0x53: {  	s26 =	rddreg [dreg:$0x7];
	[sflag:s0] =	ssyncadd.s32 $0xFFFFE800  }
0x54: {  	[spmem:s26] =	stream.linear.scatter [tilespmem:s6], [sflag:$0x7], $0x1800, $0x38;
	[tilespmem:$0x1FD80] =	vst v63  }
0x55: {  	_ =	swait.ge [sflag:s0], $0x1800  }
0x56: {  	[sflag:s0] =	ssyncset.done $0x0  }
0x57: {  	s28 =	rddreg [dreg:$0x8];
	[sflag:s0] =	ssyncadd.s32 $0xFFFFE800  }
0x58: {  	[spmem:s28] =	stream.linear.scatter [tilespmem:s6], [sflag:$0x7], $0x1800, $0x38;
	[tilespmem:$0x1FD80] =	vst v63  }
0x59: {  	_ =	swait.ge [sflag:s0], $0x1800  }
0x5a: {  	[sflag:s0] =	ssyncset.done $0x0  }
0x5b: {  	s22 =	rddreg [dreg:$0x9];
	[sflag:s0] =	ssyncadd.s32 $0xFFFFE800  }
0x5c: {  	[spmem:s22] =	stream.linear.scatter [tilespmem:s6], [sflag:$0x7], $0x1800, $0x38;
	[tilespmem:$0x1FD80] =	vst v63  }
0x5d: {  	_ =	swait.ge [sflag:s0], $0x1800  }
0x5e: {  	[sflag:s0] =	ssyncset.done $0x0  }
0x5f: {  	s23 =	rddreg [dreg:$0xa];
	[sflag:s0] =	ssyncadd.s32 $0xFFFFE800  }
0x60: {  	[spmem:s23] =	stream.linear.scatter [tilespmem:s6], [sflag:$0x7], $0x1800, $0x38;
	[tilespmem:$0x1FD80] =	vst v63  }
0x61: {  	_ =	swait.ge [sflag:s0], $0x1800  }
0x62: {  	[sflag:s0] =	ssyncset.done $0x0  }
0x63: {  	s26 =	rddreg [dreg:$0xb];
	[sflag:s0] =	ssyncadd.s32 $0xFFFFE800  }
0x64: {  	[spmem:s26] =	stream.linear.scatter [tilespmem:s6], [sflag:$0x7], $0x1800, $0x38;
	[tilespmem:$0x1FD80] =	vst v63  }
0x65: {  	_ =	swait.ge [sflag:s0], $0x1800  }
0x66: {  	[sflag:s0] =	ssyncset.done $0x0  }
0x67: {  	s28 =	rddreg [dreg:$0xc];
	[sflag:s0] =	ssyncadd.s32 $0xFFFFE800  }
0x68: {  	[spmem:s28] =	stream.linear.scatter [tilespmem:s6], [sflag:$0x7], $0x1800, $0x38;
	[tilespmem:$0x1FD80] =	vst v63  }
0x69: {  	_ =	swait.ge [sflag:s0], $0x1800  }
0x6a: {  	[sflag:s0] =	ssyncset.done $0x0  }
0x6b: {  	s22 =	rddreg [dreg:$0xd];
	[sflag:s0] =	ssyncadd.s32 $0xFFFFE800  }
0x6c: {  	[spmem:s22] =	stream.linear.scatter [tilespmem:s6], [sflag:$0x7], $0x1800, $0x38;
	[tilespmem:$0x1FD80] =	vst v63  }
0x6d: {  	_ =	swait.ge [sflag:s0], $0x1800  }
0x6e: {  	[sflag:s0] =	ssyncset.done $0x0  }
0x6f: {  	s23 =	rddreg [dreg:$0xe];
	[sflag:s0] =	ssyncadd.s32 $0xFFFFE800  }
0x70: {  	[spmem:s23] =	stream.linear.scatter [tilespmem:s6], [sflag:$0x7], $0x1800, $0x38;
	[tilespmem:$0x1FD80] =	vst v63  }
0x71: {  	_ =	swait.ge [sflag:s0], $0x1800  }
0x72: {  	[sflag:s0] =	ssyncset.done $0x0  }
0x73: {  	s26 =	rddreg [dreg:$0x10];
	[sflag:s0] =	ssyncadd.s32 $0xFFFFE800  }
0x74: {  	[spmem:s26] =	stream.linear.scatter [tilespmem:s6], [sflag:$0x7], $0x1800, $0x38;
	[tilespmem:$0x1FD80] =	vst v63  }
0x75: {  	_ =	swait.ge [sflag:s0], $0x1800  }
0x76: {  	[sflag:s0] =	ssyncset.done $0x0  }
0x77: {  	s19 =	simm.s32 @!p0 $0x1E580;
	s22 =	simm.s32 @!p0 $0x7;
	[sflag:s0] =	ssyncadd.s32 $0xFFFFE800  }
0x78: {  	[spmem:s20] =	stream.linear.scatter @!p0 [tilespmem:s19], [sflag:$0x7], $0x1800, $0x38;
	[tilespmem:$0x1FD80] =	vst v63  }
0x79: {  	_ =	swait.ge @!p0 [sflag:s22], $0x1800  }
0x7a: {  	[sflag:s22] =	ssyncset.done @!p0 $0x0  }
0x7b: {  	s23 =	rddreg [dreg:$0x13];
	[sflag:s22] =	ssyncadd.s32 @!p0 $0xFFFFE800  }
0x7c: {  	[spmem:s23] =	stream.linear.scatter @!p0 [tilespmem:s19], [sflag:$0x7], $0x1800, $0x38;
	[tilespmem:$0x1FD80] =	vst v63  }
0x7d: {  	_ =	swait.ge @!p0 [sflag:s22], $0x1800  }
0x7e: {  	[sflag:s22] =	ssyncset.done @!p0 $0x0  }
0x7f: {  	s23 =	rddreg [dreg:$0x14];
	[sflag:s22] =	ssyncadd.s32 @!p0 $0xFFFFE800  }
0x80: {  	[spmem:s23] =	stream.linear.scatter @!p0 [tilespmem:s19], [sflag:$0x7], $0x1800, $0x38;
	[tilespmem:$0x1FD80] =	vst v63  }
0x81: {  	_ =	swait.ge @!p0 [sflag:s22], $0x1800  }
0x82: {  	[sflag:s22] =	ssyncset.done @!p0 $0x0  }
0x83: {  	[sflag:s22] =	ssyncadd.s32 @!p0 $0xFFFFE800  }
0x84: {  	s19 =	simm.s32 $0x0;
	[bflag:$0x0] =	sbarrier.arrive $0xFFFF  }
0x85: {  	[tilespmem:s7], [sflag:$0x7] =	stream.linear.gather [hbm4b:s21+s19], $0x80, $0x38;
	[tilespmem:$0x1FD80] =	vst v63  }
0x86: {  	_ =	swait.ge [sflag:s0], $0x80  }
0x87: {  	[sflag:s0] =	ssyncset.done $0x0  }
0x88: {  	[sflag:s0] =	ssyncadd.s32 $0xFFFFFF80  }
0x89: {  	[tilespmem:s8], [sflag:$0x4] =	stream.linear.gather [hbm4b:s29+s19], $0x80, $0x38;
	[tilespmem:$0x1FD80] =	vst v63  }
0x8a: {  	_ = 	snop  }
0x8b: {  	[tilespmem:s10], [sflag:$0x1] =	stream.indirect.gather [hbm4b:s4+s9], $0x80, s7, s9, $0xb8;
	[tilespmem:$0x1FD80] =	vst v63  }
0x8c: {  	_ =	swait.ge [sflag:s11], $0x4000  }
0x8d: {  	[sflag:s11] =	ssyncset.done $0x0  }
0x8e: {  	[sflag:s11] =	ssyncadd.s32 $0xFFFFC000  }
0x8f: {  	[tilespmem:s7], [sflag:$0x3] =	stream.linear.gather [hbm4b:s30+s19], $0x80, $0x38;
	[tilespmem:$0x1FD80] =	vst v63  }
0x90: {  	_ = 	snop  }
0x91: {  	[spmem:s2] =	stream.indirect.scatter.add.f32 [tilespmem:s10], [sflag:$0x5], $0x80, s1, s9, $0xb8;
	[tilespmem:$0x1FD80] =	vst v63  }
0x92: {  	_ =	swait.ge [sflag:s12], $0x80  }
0x93: {  	[sflag:s12] =	ssyncset.done $0x0  }
0x94: {  	[sflag:s12] =	ssyncadd.s32 $0xFFFFFF80  }
0x95: {  	[tilespmem:s13], [sflag:$0x2] =	stream.indirect.gather [hbm4b:s4+s9], $0x80, s8, s9, $0xb8;
	[tilespmem:$0x1FD80] =	vst v63  }
0x96: {  	_ =	swait.ge [sflag:s14], $0x4000  }
0x97: {  	[sflag:s14] =	ssyncset.done $0x0  }
0x98: {  	[sflag:s14] =	ssyncadd.s32 $0xFFFFC000  }
0x99: {  	[tilespmem:s8], [sflag:$0x4] =	stream.linear.gather [hbm4b:s31+s19], $0x80, $0x38;
	[tilespmem:$0x1FD80] =	vst v63  }
0x9a: {  	s28 =	simm.s32 $0x1BE00  }
0x9b: {  	[spmem:s2] =	stream.indirect.scatter.add.f32 [tilespmem:s13], [sflag:$0x6], $0x80, s28, s9, $0xb8;
	[tilespmem:$0x1FD80] =	vst v63  }
0x9c: {  	_ =	swait.ge [sflag:s15], $0x80  }
0x9d: {  	[sflag:s15] =	ssyncset.done $0x0  }
0x9e: {  	[sflag:s15] =	ssyncadd.s32 $0xFFFFFF80  }
0x9f: {  	_ =	swait.ge [sflag:s16], $0x4000  }
0xa0: {  	[sflag:s16] =	ssyncset.done $0x0  }
0xa1: {  	s22 =	simm.s32 $0x1BF00;
	[sflag:s16] =	ssyncadd.s32 $0xFFFFC000  }
0xa2: {  	[tilespmem:s10], [sflag:$0x1] =	stream.indirect.gather [hbm4b:s4+s9], $0x80, s7, s9, $0xb8;
	[tilespmem:$0x1FD80] =	vst v63  }
.LBB2_4:
0xa3: {  	_ =	swait.ge [sflag:s11], $0x4000;
	p1 =	seq.s32 s19, $0x4C0  }
0xa4: {  	[sflag:s11] =	ssyncset.done $0x0;
	s23 =	sadd.s32 @!p1 s19, s25  }
0xa5: {  	s26 =	simm.s32 @!p1 $0x0;
	s28 =	simm.s32 @!p1 $0x1BC80;
	[sflag:s11] =	ssyncadd.s32 $0xFFFFC000  }
0xa6: {  	[tilespmem:s28], [sflag:$0x3] =	stream.linear.gather @!p1 [hbm4b:s23+s26], $0x80, $0x38;
	[tilespmem:$0x1FD80] =	vst v63  }
0xa7: {  	s28 =	sadd.s32 $0xFFFFFF80, s22  }
0xa8: {  	[spmem:s2] =	stream.indirect.scatter.add.f32 [tilespmem:s10], [sflag:$0x5], $0x80, s28, s9, $0xb8;
	[tilespmem:$0x1FD80] =	vst v63  }
0xa9: {  	_ =	swait.ge [sflag:s12], $0x80  }
0xaa: {  	[sflag:s12] =	ssyncset.done $0x0  }
0xab: {  	[sflag:s12] =	ssyncadd.s32 $0xFFFFFF80  }
0xac: {  	_ =	swait.ge [sflag:s17], $0x4000  }
0xad: {  	[sflag:s17] =	ssyncset.done $0x0  }
.Ltmp3:
0xae: {  	[sflag:s17] =	ssyncadd.s32 $0xFFFFC000;
	(pc) =	sbr.rel @p1 .LBB2_6-.Ltmp3, $4  }
0xaf: {  	[tilespmem:s13], [sflag:$0x2] =	stream.indirect.gather [hbm4b:s4+s9], $0x80, s8, s9, $0xb8;
	[tilespmem:$0x1FD80] =	vst v63  }
0xb0: {  	_ =	swait.ge [sflag:s14], $0x4000  }
0xb1: {  	[sflag:s14] =	ssyncset.done $0x0  }
0xb2: {  	[sflag:s14] =	ssyncadd.s32 $0xFFFFC000  }
0xb3: {  	s23 =	sadd.s32 s19, s24  }
0xb4: {  	[tilespmem:s8], [sflag:$0x4] =	stream.linear.gather [hbm4b:s23+s3], $0x80, $0x38;
	[tilespmem:$0x1FD80] =	vst v63  }
0xb5: {  	_ = 	snop  }
0xb6: {  	[spmem:s2] =	stream.indirect.scatter.add.f32 [tilespmem:s13], [sflag:$0x6], $0x80, s22, s9, $0xb8;
	[tilespmem:$0x1FD80] =	vst v63  }
0xb7: {  	_ =	swait.ge [sflag:s15], $0x80  }
0xb8: {  	[sflag:s15] =	ssyncset.done $0x0  }
.Ltmp4:
0xb9: {  	[sflag:s15] =	ssyncadd.s32 $0xFFFFFF80;
	(pc) =	sbr.rel .LBB2_4-.Ltmp4, $4  }
0xba: {  	_ =	swait.ge [sflag:s16], $0x4000  }
0xbb: {  	[sflag:s16] =	ssyncset.done $0x0  }
0xbc: {  	s19 =	sadd.s32 $0x20, s19;
	s22 =	sadd.s32 $0x100, s22;
	[sflag:s16] =	ssyncadd.s32 $0xFFFFC000  }
0xbd: {  	[tilespmem:s10], [sflag:$0x1] =	stream.indirect.gather [hbm4b:s4+s9], $0x80, s7, s9, $0xb8;
	[tilespmem:$0x1FD80] =	vst v63  }
.LBB2_7:
0xbe: {  	_ =	sfence.sel $0x180000  }
0xbf: {  	[bflag:$0x0] =	sbarrier.arrive $0xFFFF  }
0xc0: {  	_ =	strace $0x90000050  }
0xc1: {  	s0 =	stileid.u32;
	[bflag:$0x2] =	sbarrier.arrive $0xFFFF  }
0xc2: {  	p0 =	sne.s32 s0, $0x0;
	s0 =	rddreg [dreg:$0x2]  }
0xc3: {  	s0 =	sadd.s32 @!p0 $0x100000, s0  }
0xc4: {  	[sflag:s0] =	ssyncadd.tile.s32 @!p0 $0x1;
	_ =	shalt  }
.Lfunc_end2:
_tile_overlayer_lowered:
.L_overlay_start_2:
0xc5: {  	(tag) =	ssettag $0x2  }
0xc6: {  	s0 =	rddreg [dreg:$0x0];
	s2 =	stileid.u32  }
0xc7: {  	s1 =	rddreg [dreg:$0x1];
	p0 =	sne.s32 s2, $0x0  }
0xc8: {  	s3 =	rddreg [dreg:$0x2];
	[bflag:$0x3] =	sbarrier.arrive $0xFFFF;
	s2 =	simm.s32 @!p0 $0x1C07  }
0xc9: {  	[timem:s3], [sflag:s2] =	dma.local @!p0 [hbm:s0], s1  }
0xca: {  	s0 =	simm.s32 @!p0 $0x7  }
0xcb: {  	_ =	swait.ge @!p0 [sflag:s0], s1  }
0xcc: {  	s1 =	ssub.s32 @!p0 $0x0, s1;
	[sflag:s0] =	ssyncset.done @!p0 $0x0  }
0xcd: {  	[sflag:s0] =	ssyncadd.s32 @!p0 s1  }
0xce: {  	[bflag:$0x3] =	sbarrier.arrive $0xFFFF  }
0xcf: {  	_ =	shalt  }

</sc_bundles>
